<compile_context>
chip_gen: v7x
topology: tpu7x:2x2x1
jax: 0.10.2.dev20260603
libtpu: 0.0.44.dev20260713+nightly
codegen_flags: <defaults>
</compile_context>

<pallas_src>
import functools

import jax
import jax.numpy as jnp
from jax import lax
from jax.experimental import pallas as pl
from jax.experimental.pallas import tpu as pltpu
from jax.experimental.pallas import tpu_sc as plsc

VOCAB = 100000
B = 4096
L = 200
DIM = 64
NROWS = B * L
IG = 128
NIG = NROWS // IG
NC, NS = 2, 16
NW = NC * NS
G = NIG // NW
CHUNK = 32
SLOTS = NROWS // CHUNK // NW
NBUF = 8
HALF = NBUF // 2


def _emb_body(x2, w3, out, idx_v, bufs, cbufs, gsem, osem):
    wid = lax.axis_index("s") * NC + lax.axis_index("c")
    gbase = wid * G
    rbase = wid * (SLOTS * CHUNK)

    pltpu.sync_copy(x2.at[pl.ds(gbase, G), :], idx_v)

    def g_start(b, gi):
        g = gi // (IG // CHUNK)
        off = (gi % (IG // CHUNK)) * CHUNK
        for k in range(CHUNK // 16):
            v = idx_v[g, pl.ds(off + k * 16, 16)]
            idx_v[g, pl.ds(off + k * 16, 16)] = jnp.where(
                v == 0, jnp.int32(VOCAB - 1), v - 1)
        pltpu.async_copy(
            w3.at[idx_v.at[g, pl.ds(off, CHUNK)]], bufs.at[b], gsem.at[b])

    def g_wait(b, gi):
        g = gi // (IG // CHUNK)
        off = (gi % (IG // CHUNK)) * CHUNK
        pltpu.make_async_copy(
            w3.at[idx_v.at[g, pl.ds(off, CHUNK)]], bufs.at[b],
            gsem.at[b]).wait()

    def compact(b):
        def crow(r, carry):
            for c in range(DIM // 16):
                cbufs[b, r, pl.ds(c * 16, 16)] = bufs[b, r, pl.ds(c * 16, 16)]
            return carry

        lax.fori_loop(0, CHUNK, crow, 0)

    def o_start(b, gi):
        pltpu.async_copy(
            cbufs.at[b], out.at[pl.ds(rbase + gi * CHUNK, CHUNK), :],
            osem.at[b])

    def o_wait(b, gi):
        pltpu.make_async_copy(
            cbufs.at[b], out.at[pl.ds(rbase + gi * CHUNK, CHUNK), :],
            osem.at[b]).wait()

    for b in range(HALF):
        g_start(b, b)
    for b in range(HALF):
        g_wait(b, b)
        compact(b)
        o_start(b, b)
        g_start(b + HALF, b + HALF)

    def steady(o, carry):
        g0 = HALF + o * NBUF
        for k in range(NBUF):
            gi = g0 + k
            b = (HALF + k) % NBUF
            bn = k % NBUF
            g_wait(b, gi)
            compact(b)
            o_start(b, gi)
            o_wait(bn, gi - HALF)
            g_start(bn, gi + HALF)
        return carry

    lax.fori_loop(0, (SLOTS - NBUF) // NBUF, steady, 0)

    for i in range(HALF):
        gi = SLOTS - HALF + i
        g_wait(HALF + i, gi)
        compact(HALF + i)
        o_start(HALF + i, gi)
    for b in range(NBUF):
        o_wait(b, SLOTS - NBUF + b)


_emb = functools.partial(
    pl.kernel,
    out_type=jax.ShapeDtypeStruct((NROWS, DIM), jnp.float32),
    mesh=plsc.VectorSubcoreMesh(core_axis_name="c", subcore_axis_name="s"),
    compiler_params=pltpu.CompilerParams(use_tc_tiling_on_sc=True),
    scratch_types=[
        pltpu.VMEM((G, IG), jnp.int32),
        pltpu.VMEM((NBUF, CHUNK, 2 * DIM), jnp.float32),
        pltpu.VMEM((NBUF, CHUNK, DIM), jnp.float32),
        pltpu.SemaphoreType.DMA((NBUF,)),
        pltpu.SemaphoreType.DMA((NBUF,)),
    ],
)(_emb_body)


def kernel(x, W):
    w2 = jnp.concatenate([W, jnp.zeros((1, DIM), jnp.float32)], axis=0)
    w3 = jnp.pad(w2, ((0, 0), (0, 2 * DIM - DIM)))
    out = _emb(x.reshape(NIG, IG), w3)
    return out.reshape(B, L, DIM)

# --- scband reference (transcript-rebuilt; emitter-appended) ---
"""Pipeline reference for scband-embn0-15693810499931 (READ-ONLY COPY).

The authoritative reference and input builder live on the scoring server;
editing this copy changes nothing except your own understanding.
"""

import jax, jax.numpy as jnp
import numpy as np

VOCAB = 100000
DIM = 64
B = 4096
L = 200

def setup_inputs(seed: int = 0) -> dict:
    key = jax.random.key(seed)
    k1, k2 = jax.random.split(key)
    x = jax.random.randint(k1, (B, L), 0, VOCAB, dtype=jnp.int32)
    # Trainable part of the embedding table: rows 1..VOCAB-1 of w_emb
    W = jax.random.normal(k2, (VOCAB - 1, DIM), dtype=jnp.float32) * 0.02
    return {"x": x, "W": W}

def reference(x, W):
    # Row 0 is a frozen zero vector (padding row), concatenated with the
    # trainable table, matching Embn0.call: gather(concat([W0, W], 0), x).
    W0 = jnp.zeros((1, DIM), dtype=jnp.float32)
    W_full = jnp.concatenate([W0, W], axis=0)
    return jnp.take(W_full, x, axis=0)

if __name__ == "__main__":
    import jax
    _d = setup_inputs()
    print(jax.jit(kernel)(*tuple(_d.values())))

</pallas_src>

<mosaic_0001>
#map = affine_map<(d0, d1) -> (0, 0)>
module attributes {stable_mosaic.version = 14 : i64} {
  func.func @_emb_body(%arg0: i32, %arg1: i32, %arg2: memref<6400x128xi32, #tpu.memory_space<hbm>>, %arg3: memref<100000x128xf32, #tpu.memory_space<hbm>>, %arg4: memref<819200x64xf32, #tpu.memory_space<hbm>>, %arg5: memref<200x128xi32, #tpu.memory_space<vmem>>, %arg6: memref<8x32x128xf32, #tpu.memory_space<vmem>>, %arg7: memref<8x32x64xf32, #tpu.memory_space<vmem>>, %arg8: memref<8x!tpu.dma_semaphore, #tpu.memory_space<semaphore_mem>>, %arg9: memref<8x!tpu.dma_semaphore, #tpu.memory_space<semaphore_mem>>) attributes {dimension_semantics = [#tpu.dimension_semantics<core_parallel>, #tpu.dimension_semantics<subcore_parallel>], iteration_bounds = array<i64: 2, 16>, scalar_prefetch = 0 : i64, scratch_operands = 5 : i64, tpu.core_type = #tpu.core_type<sc_vector_subcore>, window_params = [{transform_indices = #map}, {transform_indices = #map}, {transform_indices = #map}]} {
    %mul3A = arith.constant 2 : i32
    %mul3A_0 = arith.muli %arg1, %mul3A : i32
    %add3A = arith.addi %mul3A_0, %arg0 : i32
    %mul3A_1 = arith.constant 200 : i32
    %mul3A_2 = arith.muli %add3A, %mul3A_1 : i32
    %mul3A_3 = arith.constant 25600 : i32
    %mul3A_4 = arith.muli %add3A, %mul3A_3 : i32
    "tpu.region"() ({
      %run_scoped3A = tpu.sem_alloc : memref<!tpu.dma_semaphore, #tpu.memory_space<semaphore_mem>>
      %dma_start3A_897 = arith.constant 0 : i32
      %dma_start3A_898 = tpu.memref_slice %arg2[%mul3A_2, %dma_start3A_897] : memref<6400x128xi32, #tpu.memory_space<hbm>> -> memref<200x128xi32, #tpu.memory_space<hbm>>
      %dma_start3A_899 = arith.constant 0 : i32
      %dma_start3A_900 = tpu.memref_slice %arg2[%mul3A_2, %dma_start3A_899] : memref<6400x128xi32, #tpu.memory_space<hbm>> -> memref<200x128xi32, #tpu.memory_space<hbm>>
      tpu.enqueue_dma source(%dma_start3A_900 : memref<200x128xi32, #tpu.memory_space<hbm>>) target(%arg5 : memref<200x128xi32, #tpu.memory_space<vmem>>) target_semaphore(%run_scoped3A : memref<!tpu.dma_semaphore, #tpu.memory_space<semaphore_mem>>)
      %dma_wait3A_901 = arith.constant 0 : i32
      %dma_wait3A_902 = tpu.memref_slice %arg2[%mul3A_2, %dma_wait3A_901] : memref<6400x128xi32, #tpu.memory_space<hbm>> -> memref<200x128xi32, #tpu.memory_space<hbm>>
      %dma_wait3A_903 = arith.constant 0 : i32
      %dma_wait3A_904 = tpu.memref_slice %arg2[%mul3A_2, %dma_wait3A_903] : memref<6400x128xi32, #tpu.memory_space<hbm>> -> memref<200x128xi32, #tpu.memory_space<hbm>>
      tpu.wait_dma2 semaphore(%run_scoped3A : memref<!tpu.dma_semaphore, #tpu.memory_space<semaphore_mem>>) src(%dma_wait3A_904 : memref<200x128xi32, #tpu.memory_space<hbm>>) dst(%arg5 : memref<200x128xi32, #tpu.memory_space<vmem>>)
      tpu.yield
    }) : () -> ()
    %get3A = arith.constant 0 : i32
    %get3A_5 = arith.index_cast %get3A : i32 to index
    %get3A_6 = arith.constant 0 : index
    %get3A_7 = tpu.vector_load %arg5[%get3A_5, %get3A_6] {strides = array<i32>} : memref<200x128xi32, #tpu.memory_space<vmem>>, vector<1x16xi32>,
    %get3A_8 = vector.shape_cast %get3A_7 : vector<1x16xi32> to vector<16xi32>
    %eq3A = arith.constant 0 : i32
    %eq3A_9 = vector.broadcast %eq3A : i32 to vector<16xi32>
    %eq3A_10 = arith.cmpi eq, %get3A_8, %eq3A_9 : vector<16xi32>
    %sub3A = arith.constant 1 : i32
    %sub3A_11 = vector.broadcast %sub3A : i32 to vector<16xi32>
    %sub3A_12 = arith.subi %get3A_8, %sub3A_11 : vector<16xi32>
    %jit3A = arith.constant 99999 : i32
    %broadcast_in_dim3A = vector.broadcast %jit3A : i32 to vector<16xi32>
    %select_n3A = arith.select %eq3A_10, %broadcast_in_dim3A, %sub3A_12 : vector<16xi1>, vector<16xi32>
    %swap3A = arith.constant 0 : i32
    %swap3A_13 = arith.index_cast %swap3A : i32 to index
    %swap3A_14 = arith.constant 0 : index
    %swap3A_15 = tpu.vector_load %arg5[%swap3A_13, %swap3A_14] {strides = array<i32>} : memref<200x128xi32, #tpu.memory_space<vmem>>, vector<1x16xi32>,
    %swap3A_16 = vector.shape_cast %swap3A_15 : vector<1x16xi32> to vector<16xi32>
    %swap3A_17 = vector.shape_cast %select_n3A : vector<16xi32> to vector<1x16xi32>
    tpu.vector_store %arg5[%swap3A_13, %swap3A_14], %swap3A_17 {strides = array<i32>} : memref<200x128xi32, #tpu.memory_space<vmem>>, vector<1x16xi32>,
    %get3A_18 = arith.constant 0 : i32
    %get3A_19 = arith.index_cast %get3A_18 : i32 to index
    %get3A_20 = arith.constant 16 : index
    %get3A_21 = tpu.vector_load %arg5[%get3A_19, %get3A_20] {strides = array<i32>} : memref<200x128xi32, #tpu.memory_space<vmem>>, vector<1x16xi32>,
    %get3A_22 = vector.shape_cast %get3A_21 : vector<1x16xi32> to vector<16xi32>
    %eq3A_23 = arith.constant 0 : i32
    %eq3A_24 = vector.broadcast %eq3A_23 : i32 to vector<16xi32>
    %eq3A_25 = arith.cmpi eq, %get3A_22, %eq3A_24 : vector<16xi32>
    %sub3A_26 = arith.constant 1 : i32
    %sub3A_27 = vector.broadcast %sub3A_26 : i32 to vector<16xi32>
    %sub3A_28 = arith.subi %get3A_22, %sub3A_27 : vector<16xi32>
    %jit3A_29 = arith.constant 99999 : i32
    %broadcast_in_dim3A_30 = vector.broadcast %jit3A_29 : i32 to vector<16xi32>
    %select_n3A_31 = arith.select %eq3A_25, %broadcast_in_dim3A_30, %sub3A_28 : vector<16xi1>, vector<16xi32>
    %swap3A_32 = arith.constant 0 : i32
    %swap3A_33 = arith.index_cast %swap3A_32 : i32 to index
    %swap3A_34 = arith.constant 16 : index
    %swap3A_35 = tpu.vector_load %arg5[%swap3A_33, %swap3A_34] {strides = array<i32>} : memref<200x128xi32, #tpu.memory_space<vmem>>, vector<1x16xi32>,
    %swap3A_36 = vector.shape_cast %swap3A_35 : vector<1x16xi32> to vector<16xi32>
    %swap3A_37 = vector.shape_cast %select_n3A_31 : vector<16xi32> to vector<1x16xi32>
    tpu.vector_store %arg5[%swap3A_33, %swap3A_34], %swap3A_37 {strides = array<i32>} : memref<200x128xi32, #tpu.memory_space<vmem>>, vector<1x16xi32>,
    %dma_start3A = arith.constant 0 : i32
    %dma_start3A_38 = arith.constant 0 : i32
    %dma_start3A_39 = arith.constant 0 : i32
    %dma_start3A_40 = arith.constant 0 : i32
    %dma_start3A_41 = arith.constant 0 : i32
    %dma_start3A_42 = tpu.memref_slice %arg6[%dma_start3A_38, %dma_start3A_40, %dma_start3A_41] : memref<8x32x128xf32, #tpu.memory_space<vmem>> -> memref<1x32x128xf32, #tpu.memory_space<vmem>>
    %dma_start3A_43 = tpu.memref_squeeze %dma_start3A_42 : memref<1x32x128xf32, #tpu.memory_space<vmem>> -> memref<32x128xf32, #tpu.memory_space<vmem>>
    %dma_start3A_44 = arith.constant 0 : i32
    %dma_start3A_45 = tpu.memref_slice %arg5[%dma_start3A, %dma_start3A_44] : memref<200x128xi32, #tpu.memory_space<vmem>> -> memref<1x32xi32, #tpu.memory_space<vmem>>
    %dma_start3A_46 = tpu.memref_squeeze %dma_start3A_45 : memref<1x32xi32, #tpu.memory_space<vmem>> -> memref<32xi32, #tpu.memory_space<vmem>>
    %dma_start3A_47 = arith.constant 0 : i32
    %dma_start3A_48 = arith.constant 0 : i32
    %dma_start3A_49 = tpu.memref_slice %arg3[%dma_start3A_47, %dma_start3A_48] : memref<100000x128xf32, #tpu.memory_space<hbm>> -> memref<100000x128xf32, #tpu.memory_space<hbm>>
    %dma_start3A_50 = tpu.memref_slice %arg8[%dma_start3A_39] : memref<8x!tpu.dma_semaphore, #tpu.memory_space<semaphore_mem>> -> memref<1x!tpu.dma_semaphore, #tpu.memory_space<semaphore_mem>>
    %dma_start3A_51 = tpu.memref_squeeze %dma_start3A_50 : memref<1x!tpu.dma_semaphore, #tpu.memory_space<semaphore_mem>> -> memref<!tpu.dma_semaphore, #tpu.memory_space<semaphore_mem>>
    tpu.enqueue_indirect_dma source(%dma_start3A_49 : memref<100000x128xf32, #tpu.memory_space<hbm>>) target(%dma_start3A_43 : memref<32x128xf32, #tpu.memory_space<vmem>>) offsets(%dma_start3A_46 : memref<32xi32, #tpu.memory_space<vmem>>) semaphore(%dma_start3A_51 : memref<!tpu.dma_semaphore, #tpu.memory_space<semaphore_mem>>)
    %get3A_52 = arith.constant 0 : i32
    %get3A_53 = arith.index_cast %get3A_52 : i32 to index
    %get3A_54 = arith.constant 32 : index
    %get3A_55 = tpu.vector_load %arg5[%get3A_53, %get3A_54] {strides = array<i32>} : memref<200x128xi32, #tpu.memory_space<vmem>>, vector<1x16xi32>,
    %get3A_56 = vector.shape_cast %get3A_55 : vector<1x16xi32> to vector<16xi32>
    %eq3A_57 = arith.constant 0 : i32
    %eq3A_58 = vector.broadcast %eq3A_57 : i32 to vector<16xi32>
    %eq3A_59 = arith.cmpi eq, %get3A_56, %eq3A_58 : vector<16xi32>
    %sub3A_60 = arith.constant 1 : i32
    %sub3A_61 = vector.broadcast %sub3A_60 : i32 to vector<16xi32>
    %sub3A_62 = arith.subi %get3A_56, %sub3A_61 : vector<16xi32>
    %jit3A_63 = arith.constant 99999 : i32
    %broadcast_in_dim3A_64 = vector.broadcast %jit3A_63 : i32 to vector<16xi32>
    %select_n3A_65 = arith.select %eq3A_59, %broadcast_in_dim3A_64, %sub3A_62 : vector<16xi1>, vector<16xi32>
    %swap3A_66 = arith.constant 0 : i32
    %swap3A_67 = arith.index_cast %swap3A_66 : i32 to index
    %swap3A_68 = arith.constant 32 : index
    %swap3A_69 = tpu.vector_load %arg5[%swap3A_67, %swap3A_68] {strides = array<i32>} : memref<200x128xi32, #tpu.memory_space<vmem>>, vector<1x16xi32>,
    %swap3A_70 = vector.shape_cast %swap3A_69 : vector<1x16xi32> to vector<16xi32>
    %swap3A_71 = vector.shape_cast %select_n3A_65 : vector<16xi32> to vector<1x16xi32>
    tpu.vector_store %arg5[%swap3A_67, %swap3A_68], %swap3A_71 {strides = array<i32>} : memref<200x128xi32, #tpu.memory_space<vmem>>, vector<1x16xi32>,
    %get3A_72 = arith.constant 0 : i32
    %get3A_73 = arith.index_cast %get3A_72 : i32 to index
    %get3A_74 = arith.constant 48 : index
    %get3A_75 = tpu.vector_load %arg5[%get3A_73, %get3A_74] {strides = array<i32>} : memref<200x128xi32, #tpu.memory_space<vmem>>, vector<1x16xi32>,
    %get3A_76 = vector.shape_cast %get3A_75 : vector<1x16xi32> to vector<16xi32>
    %eq3A_77 = arith.constant 0 : i32
    %eq3A_78 = vector.broadcast %eq3A_77 : i32 to vector<16xi32>
    %eq3A_79 = arith.cmpi eq, %get3A_76, %eq3A_78 : vector<16xi32>
    %sub3A_80 = arith.constant 1 : i32
    %sub3A_81 = vector.broadcast %sub3A_80 : i32 to vector<16xi32>
    %sub3A_82 = arith.subi %get3A_76, %sub3A_81 : vector<16xi32>
    %jit3A_83 = arith.constant 99999 : i32
    %broadcast_in_dim3A_84 = vector.broadcast %jit3A_83 : i32 to vector<16xi32>
    %select_n3A_85 = arith.select %eq3A_79, %broadcast_in_dim3A_84, %sub3A_82 : vector<16xi1>, vector<16xi32>
    %swap3A_86 = arith.constant 0 : i32
    %swap3A_87 = arith.index_cast %swap3A_86 : i32 to index
    %swap3A_88 = arith.constant 48 : index
    %swap3A_89 = tpu.vector_load %arg5[%swap3A_87, %swap3A_88] {strides = array<i32>} : memref<200x128xi32, #tpu.memory_space<vmem>>, vector<1x16xi32>,
    %swap3A_90 = vector.shape_cast %swap3A_89 : vector<1x16xi32> to vector<16xi32>
    %swap3A_91 = vector.shape_cast %select_n3A_85 : vector<16xi32> to vector<1x16xi32>
    tpu.vector_store %arg5[%swap3A_87, %swap3A_88], %swap3A_91 {strides = array<i32>} : memref<200x128xi32, #tpu.memory_space<vmem>>, vector<1x16xi32>,
    %dma_start3A_92 = arith.constant 0 : i32
    %dma_start3A_93 = arith.constant 1 : i32
    %dma_start3A_94 = arith.constant 1 : i32
    %dma_start3A_95 = arith.constant 0 : i32
    %dma_start3A_96 = arith.constant 0 : i32
    %dma_start3A_97 = tpu.memref_slice %arg6[%dma_start3A_93, %dma_start3A_95, %dma_start3A_96] : memref<8x32x128xf32, #tpu.memory_space<vmem>> -> memref<1x32x128xf32, #tpu.memory_space<vmem>>
    %dma_start3A_98 = tpu.memref_squeeze %dma_start3A_97 : memref<1x32x128xf32, #tpu.memory_space<vmem>> -> memref<32x128xf32, #tpu.memory_space<vmem>>
    %dma_start3A_99 = arith.constant 32 : i32
    %dma_start3A_100 = tpu.memref_slice %arg5[%dma_start3A_92, %dma_start3A_99] : memref<200x128xi32, #tpu.memory_space<vmem>> -> memref<1x32xi32, #tpu.memory_space<vmem>>
    %dma_start3A_101 = tpu.memref_squeeze %dma_start3A_100 : memref<1x32xi32, #tpu.memory_space<vmem>> -> memref<32xi32, #tpu.memory_space<vmem>>
    %dma_start3A_102 = arith.constant 0 : i32
    %dma_start3A_103 = arith.constant 0 : i32
    %dma_start3A_104 = tpu.memref_slice %arg3[%dma_start3A_102, %dma_start3A_103] : memref<100000x128xf32, #tpu.memory_space<hbm>> -> memref<100000x128xf32, #tpu.memory_space<hbm>>
    %dma_start3A_105 = tpu.memref_slice %arg8[%dma_start3A_94] : memref<8x!tpu.dma_semaphore, #tpu.memory_space<semaphore_mem>> -> memref<1x!tpu.dma_semaphore, #tpu.memory_space<semaphore_mem>>
    %dma_start3A_106 = tpu.memref_squeeze %dma_start3A_105 : memref<1x!tpu.dma_semaphore, #tpu.memory_space<semaphore_mem>> -> memref<!tpu.dma_semaphore, #tpu.memory_space<semaphore_mem>>
    tpu.enqueue_indirect_dma source(%dma_start3A_104 : memref<100000x128xf32, #tpu.memory_space<hbm>>) target(%dma_start3A_98 : memref<32x128xf32, #tpu.memory_space<vmem>>) offsets(%dma_start3A_101 : memref<32xi32, #tpu.memory_space<vmem>>) semaphore(%dma_start3A_106 : memref<!tpu.dma_semaphore, #tpu.memory_space<semaphore_mem>>)
    %get3A_107 = arith.constant 0 : i32
    %get3A_108 = arith.index_cast %get3A_107 : i32 to index
    %get3A_109 = arith.constant 64 : index
    %get3A_110 = tpu.vector_load %arg5[%get3A_108, %get3A_109] {strides = array<i32>} : memref<200x128xi32, #tpu.memory_space<vmem>>, vector<1x16xi32>,
    %get3A_111 = vector.shape_cast %get3A_110 : vector<1x16xi32> to vector<16xi32>
    %eq3A_112 = arith.constant 0 : i32
    %eq3A_113 = vector.broadcast %eq3A_112 : i32 to vector<16xi32>
    %eq3A_114 = arith.cmpi eq, %get3A_111, %eq3A_113 : vector<16xi32>
    %sub3A_115 = arith.constant 1 : i32
    %sub3A_116 = vector.broadcast %sub3A_115 : i32 to vector<16xi32>
    %sub3A_117 = arith.subi %get3A_111, %sub3A_116 : vector<16xi32>
    %jit3A_118 = arith.constant 99999 : i32
    %broadcast_in_dim3A_119 = vector.broadcast %jit3A_118 : i32 to vector<16xi32>
    %select_n3A_120 = arith.select %eq3A_114, %broadcast_in_dim3A_119, %sub3A_117 : vector<16xi1>, vector<16xi32>
    %swap3A_121 = arith.constant 0 : i32
    %swap3A_122 = arith.index_cast %swap3A_121 : i32 to index
    %swap3A_123 = arith.constant 64 : index
    %swap3A_124 = tpu.vector_load %arg5[%swap3A_122, %swap3A_123] {strides = array<i32>} : memref<200x128xi32, #tpu.memory_space<vmem>>, vector<1x16xi32>,
    %swap3A_125 = vector.shape_cast %swap3A_124 : vector<1x16xi32> to vector<16xi32>
    %swap3A_126 = vector.shape_cast %select_n3A_120 : vector<16xi32> to vector<1x16xi32>
    tpu.vector_store %arg5[%swap3A_122, %swap3A_123], %swap3A_126 {strides = array<i32>} : memref<200x128xi32, #tpu.memory_space<vmem>>, vector<1x16xi32>,
    %get3A_127 = arith.constant 0 : i32
    %get3A_128 = arith.index_cast %get3A_127 : i32 to index
    %get3A_129 = arith.constant 80 : index
    %get3A_130 = tpu.vector_load %arg5[%get3A_128, %get3A_129] {strides = array<i32>} : memref<200x128xi32, #tpu.memory_space<vmem>>, vector<1x16xi32>,
    %get3A_131 = vector.shape_cast %get3A_130 : vector<1x16xi32> to vector<16xi32>
    %eq3A_132 = arith.constant 0 : i32
    %eq3A_133 = vector.broadcast %eq3A_132 : i32 to vector<16xi32>
    %eq3A_134 = arith.cmpi eq, %get3A_131, %eq3A_133 : vector<16xi32>
    %sub3A_135 = arith.constant 1 : i32
    %sub3A_136 = vector.broadcast %sub3A_135 : i32 to vector<16xi32>
    %sub3A_137 = arith.subi %get3A_131, %sub3A_136 : vector<16xi32>
    %jit3A_138 = arith.constant 99999 : i32
    %broadcast_in_dim3A_139 = vector.broadcast %jit3A_138 : i32 to vector<16xi32>
    %select_n3A_140 = arith.select %eq3A_134, %broadcast_in_dim3A_139, %sub3A_137 : vector<16xi1>, vector<16xi32>
    %swap3A_141 = arith.constant 0 : i32
    %swap3A_142 = arith.index_cast %swap3A_141 : i32 to index
    %swap3A_143 = arith.constant 80 : index
    %swap3A_144 = tpu.vector_load %arg5[%swap3A_142, %swap3A_143] {strides = array<i32>} : memref<200x128xi32, #tpu.memory_space<vmem>>, vector<1x16xi32>,
    %swap3A_145 = vector.shape_cast %swap3A_144 : vector<1x16xi32> to vector<16xi32>
    %swap3A_146 = vector.shape_cast %select_n3A_140 : vector<16xi32> to vector<1x16xi32>
    tpu.vector_store %arg5[%swap3A_142, %swap3A_143], %swap3A_146 {strides = array<i32>} : memref<200x128xi32, #tpu.memory_space<vmem>>, vector<1x16xi32>,
    %dma_start3A_147 = arith.constant 0 : i32
    %dma_start3A_148 = arith.constant 2 : i32
    %dma_start3A_149 = arith.constant 2 : i32
    %dma_start3A_150 = arith.constant 0 : i32
    %dma_start3A_151 = arith.constant 0 : i32
    %dma_start3A_152 = tpu.memref_slice %arg6[%dma_start3A_148, %dma_start3A_150, %dma_start3A_151] : memref<8x32x128xf32, #tpu.memory_space<vmem>> -> memref<1x32x128xf32, #tpu.memory_space<vmem>>
    %dma_start3A_153 = tpu.memref_squeeze %dma_start3A_152 : memref<1x32x128xf32, #tpu.memory_space<vmem>> -> memref<32x128xf32, #tpu.memory_space<vmem>>
    %dma_start3A_154 = arith.constant 64 : i32
    %dma_start3A_155 = tpu.memref_slice %arg5[%dma_start3A_147, %dma_start3A_154] : memref<200x128xi32, #tpu.memory_space<vmem>> -> memref<1x32xi32, #tpu.memory_space<vmem>>
    %dma_start3A_156 = tpu.memref_squeeze %dma_start3A_155 : memref<1x32xi32, #tpu.memory_space<vmem>> -> memref<32xi32, #tpu.memory_space<vmem>>
    %dma_start3A_157 = arith.constant 0 : i32
    %dma_start3A_158 = arith.constant 0 : i32
    %dma_start3A_159 = tpu.memref_slice %arg3[%dma_start3A_157, %dma_start3A_158] : memref<100000x128xf32, #tpu.memory_space<hbm>> -> memref<100000x128xf32, #tpu.memory_space<hbm>>
    %dma_start3A_160 = tpu.memref_slice %arg8[%dma_start3A_149] : memref<8x!tpu.dma_semaphore, #tpu.memory_space<semaphore_mem>> -> memref<1x!tpu.dma_semaphore, #tpu.memory_space<semaphore_mem>>
    %dma_start3A_161 = tpu.memref_squeeze %dma_start3A_160 : memref<1x!tpu.dma_semaphore, #tpu.memory_space<semaphore_mem>> -> memref<!tpu.dma_semaphore, #tpu.memory_space<semaphore_mem>>
    tpu.enqueue_indirect_dma source(%dma_start3A_159 : memref<100000x128xf32, #tpu.memory_space<hbm>>) target(%dma_start3A_153 : memref<32x128xf32, #tpu.memory_space<vmem>>) offsets(%dma_start3A_156 : memref<32xi32, #tpu.memory_space<vmem>>) semaphore(%dma_start3A_161 : memref<!tpu.dma_semaphore, #tpu.memory_space<semaphore_mem>>)
    %get3A_162 = arith.constant 0 : i32
    %get3A_163 = arith.index_cast %get3A_162 : i32 to index
    %get3A_164 = arith.constant 96 : index
    %get3A_165 = tpu.vector_load %arg5[%get3A_163, %get3A_164] {strides = array<i32>} : memref<200x128xi32, #tpu.memory_space<vmem>>, vector<1x16xi32>,
    %get3A_166 = vector.shape_cast %get3A_165 : vector<1x16xi32> to vector<16xi32>
    %eq3A_167 = arith.constant 0 : i32
    %eq3A_168 = vector.broadcast %eq3A_167 : i32 to vector<16xi32>
    %eq3A_169 = arith.cmpi eq, %get3A_166, %eq3A_168 : vector<16xi32>
    %sub3A_170 = arith.constant 1 : i32
    %sub3A_171 = vector.broadcast %sub3A_170 : i32 to vector<16xi32>
    %sub3A_172 = arith.subi %get3A_166, %sub3A_171 : vector<16xi32>
    %jit3A_173 = arith.constant 99999 : i32
    %broadcast_in_dim3A_174 = vector.broadcast %jit3A_173 : i32 to vector<16xi32>
    %select_n3A_175 = arith.select %eq3A_169, %broadcast_in_dim3A_174, %sub3A_172 : vector<16xi1>, vector<16xi32>
    %swap3A_176 = arith.constant 0 : i32
    %swap3A_177 = arith.index_cast %swap3A_176 : i32 to index
    %swap3A_178 = arith.constant 96 : index
    %swap3A_179 = tpu.vector_load %arg5[%swap3A_177, %swap3A_178] {strides = array<i32>} : memref<200x128xi32, #tpu.memory_space<vmem>>, vector<1x16xi32>,
    %swap3A_180 = vector.shape_cast %swap3A_179 : vector<1x16xi32> to vector<16xi32>
    %swap3A_181 = vector.shape_cast %select_n3A_175 : vector<16xi32> to vector<1x16xi32>
    tpu.vector_store %arg5[%swap3A_177, %swap3A_178], %swap3A_181 {strides = array<i32>} : memref<200x128xi32, #tpu.memory_space<vmem>>, vector<1x16xi32>,
    %get3A_182 = arith.constant 0 : i32
    %get3A_183 = arith.index_cast %get3A_182 : i32 to index
    %get3A_184 = arith.constant 112 : index
    %get3A_185 = tpu.vector_load %arg5[%get3A_183, %get3A_184] {strides = array<i32>} : memref<200x128xi32, #tpu.memory_space<vmem>>, vector<1x16xi32>,
    %get3A_186 = vector.shape_cast %get3A_185 : vector<1x16xi32> to vector<16xi32>
    %eq3A_187 = arith.constant 0 : i32
    %eq3A_188 = vector.broadcast %eq3A_187 : i32 to vector<16xi32>
    %eq3A_189 = arith.cmpi eq, %get3A_186, %eq3A_188 : vector<16xi32>
    %sub3A_190 = arith.constant 1 : i32
    %sub3A_191 = vector.broadcast %sub3A_190 : i32 to vector<16xi32>
    %sub3A_192 = arith.subi %get3A_186, %sub3A_191 : vector<16xi32>
    %jit3A_193 = arith.constant 99999 : i32
    %broadcast_in_dim3A_194 = vector.broadcast %jit3A_193 : i32 to vector<16xi32>
    %select_n3A_195 = arith.select %eq3A_189, %broadcast_in_dim3A_194, %sub3A_192 : vector<16xi1>, vector<16xi32>
    %swap3A_196 = arith.constant 0 : i32
    %swap3A_197 = arith.index_cast %swap3A_196 : i32 to index
    %swap3A_198 = arith.constant 112 : index
    %swap3A_199 = tpu.vector_load %arg5[%swap3A_197, %swap3A_198] {strides = array<i32>} : memref<200x128xi32, #tpu.memory_space<vmem>>, vector<1x16xi32>,
    %swap3A_200 = vector.shape_cast %swap3A_199 : vector<1x16xi32> to vector<16xi32>
    %swap3A_201 = vector.shape_cast %select_n3A_195 : vector<16xi32> to vector<1x16xi32>
    tpu.vector_store %arg5[%swap3A_197, %swap3A_198], %swap3A_201 {strides = array<i32>} : memref<200x128xi32, #tpu.memory_space<vmem>>, vector<1x16xi32>,
    %dma_start3A_202 = arith.constant 0 : i32
    %dma_start3A_203 = arith.constant 3 : i32
    %dma_start3A_204 = arith.constant 3 : i32
    %dma_start3A_205 = arith.constant 0 : i32
    %dma_start3A_206 = arith.constant 0 : i32
    %dma_start3A_207 = tpu.memref_slice %arg6[%dma_start3A_203, %dma_start3A_205, %dma_start3A_206] : memref<8x32x128xf32, #tpu.memory_space<vmem>> -> memref<1x32x128xf32, #tpu.memory_space<vmem>>
    %dma_start3A_208 = tpu.memref_squeeze %dma_start3A_207 : memref<1x32x128xf32, #tpu.memory_space<vmem>> -> memref<32x128xf32, #tpu.memory_space<vmem>>
    %dma_start3A_209 = arith.constant 96 : i32
    %dma_start3A_210 = tpu.memref_slice %arg5[%dma_start3A_202, %dma_start3A_209] : memref<200x128xi32, #tpu.memory_space<vmem>> -> memref<1x32xi32, #tpu.memory_space<vmem>>
    %dma_start3A_211 = tpu.memref_squeeze %dma_start3A_210 : memref<1x32xi32, #tpu.memory_space<vmem>> -> memref<32xi32, #tpu.memory_space<vmem>>
    %dma_start3A_212 = arith.constant 0 : i32
    %dma_start3A_213 = arith.constant 0 : i32
    %dma_start3A_214 = tpu.memref_slice %arg3[%dma_start3A_212, %dma_start3A_213] : memref<100000x128xf32, #tpu.memory_space<hbm>> -> memref<100000x128xf32, #tpu.memory_space<hbm>>
    %dma_start3A_215 = tpu.memref_slice %arg8[%dma_start3A_204] : memref<8x!tpu.dma_semaphore, #tpu.memory_space<semaphore_mem>> -> memref<1x!tpu.dma_semaphore, #tpu.memory_space<semaphore_mem>>
    %dma_start3A_216 = tpu.memref_squeeze %dma_start3A_215 : memref<1x!tpu.dma_semaphore, #tpu.memory_space<semaphore_mem>> -> memref<!tpu.dma_semaphore, #tpu.memory_space<semaphore_mem>>
    tpu.enqueue_indirect_dma source(%dma_start3A_214 : memref<100000x128xf32, #tpu.memory_space<hbm>>) target(%dma_start3A_208 : memref<32x128xf32, #tpu.memory_space<vmem>>) offsets(%dma_start3A_211 : memref<32xi32, #tpu.memory_space<vmem>>) semaphore(%dma_start3A_216 : memref<!tpu.dma_semaphore, #tpu.memory_space<semaphore_mem>>)
    %dma_wait3A = arith.constant 0 : i32
    %dma_wait3A_217 = arith.constant 0 : i32
    %dma_wait3A_218 = arith.constant 0 : i32
    %dma_wait3A_219 = arith.constant 0 : i32
    %dma_wait3A_220 = arith.constant 0 : i32
    %dma_wait3A_221 = tpu.memref_slice %arg6[%dma_wait3A_217, %dma_wait3A_219, %dma_wait3A_220] : memref<8x32x128xf32, #tpu.memory_space<vmem>> -> memref<1x32x128xf32, #tpu.memory_space<vmem>>
    %dma_wait3A_222 = tpu.memref_squeeze %dma_wait3A_221 : memref<1x32x128xf32, #tpu.memory_space<vmem>> -> memref<32x128xf32, #tpu.memory_space<vmem>>
    %dma_wait3A_223 = arith.constant 0 : i32
    %dma_wait3A_224 = tpu.memref_slice %arg5[%dma_wait3A, %dma_wait3A_223] : memref<200x128xi32, #tpu.memory_space<vmem>> -> memref<1x32xi32, #tpu.memory_space<vmem>>
    %dma_wait3A_225 = tpu.memref_squeeze %dma_wait3A_224 : memref<1x32xi32, #tpu.memory_space<vmem>> -> memref<32xi32, #tpu.memory_space<vmem>>
    %dma_wait3A_226 = arith.constant 0 : i32
    %dma_wait3A_227 = arith.constant 0 : i32
    %dma_wait3A_228 = tpu.memref_slice %arg3[%dma_wait3A_226, %dma_wait3A_227] : memref<100000x128xf32, #tpu.memory_space<hbm>> -> memref<100000x128xf32, #tpu.memory_space<hbm>>
    %dma_wait3A_229 = tpu.memref_slice %arg8[%dma_wait3A_218] : memref<8x!tpu.dma_semaphore, #tpu.memory_space<semaphore_mem>> -> memref<1x!tpu.dma_semaphore, #tpu.memory_space<semaphore_mem>>
    %dma_wait3A_230 = tpu.memref_squeeze %dma_wait3A_229 : memref<1x!tpu.dma_semaphore, #tpu.memory_space<semaphore_mem>> -> memref<!tpu.dma_semaphore, #tpu.memory_space<semaphore_mem>>
    tpu.wait_indirect_dma semaphore(%dma_wait3A_230 : memref<!tpu.dma_semaphore, #tpu.memory_space<semaphore_mem>>) src(%dma_wait3A_228 : memref<100000x128xf32, #tpu.memory_space<hbm>>) dst(%dma_wait3A_222 : memref<32x128xf32, #tpu.memory_space<vmem>>)
    %scan3A = arith.constant 0 : i32
    %scan3A_231 = arith.constant 0 : i32
    %scan3A_232 = arith.constant 32 : i32
    %scan3A_233 = arith.addi %scan3A_231, %scan3A_232 : i32
    %scan3A_234 = arith.constant 1 : i32
    scf.for %scan3A_897 = %scan3A_231 to %scan3A_233 step %scan3A_234  : i32 {
      %get3A_898 = arith.constant 0 : i32
      %get3A_899 = arith.index_cast %get3A_898 : i32 to index
      %get3A_900 = arith.index_cast %scan3A_897 : i32 to index
      %get3A_901 = arith.constant 0 : index
      %get3A_902 = tpu.vector_load %arg6[%get3A_899, %get3A_900, %get3A_901] {strides = array<i32>} : memref<8x32x128xf32, #tpu.memory_space<vmem>>, vector<1x1x16xf32>,
      %get3A_903 = vector.shape_cast %get3A_902 : vector<1x1x16xf32> to vector<16xf32>
      %swap3A_904 = arith.constant 0 : i32
      %swap3A_905 = arith.index_cast %swap3A_904 : i32 to index
      %swap3A_906 = arith.index_cast %scan3A_897 : i32 to index
      %swap3A_907 = arith.constant 0 : index
      %swap3A_908 = tpu.vector_load %arg7[%swap3A_905, %swap3A_906, %swap3A_907] {strides = array<i32>} : memref<8x32x64xf32, #tpu.memory_space<vmem>>, vector<1x1x16xf32>,
      %swap3A_909 = vector.shape_cast %swap3A_908 : vector<1x1x16xf32> to vector<16xf32>
      %swap3A_910 = vector.shape_cast %get3A_903 : vector<16xf32> to vector<1x1x16xf32>
      tpu.vector_store %arg7[%swap3A_905, %swap3A_906, %swap3A_907], %swap3A_910 {strides = array<i32>} : memref<8x32x64xf32, #tpu.memory_space<vmem>>, vector<1x1x16xf32>,
      %get3A_911 = arith.constant 0 : i32
      %get3A_912 = arith.index_cast %get3A_911 : i32 to index
      %get3A_913 = arith.index_cast %scan3A_897 : i32 to index
      %get3A_914 = arith.constant 16 : index
      %get3A_915 = tpu.vector_load %arg6[%get3A_912, %get3A_913, %get3A_914] {strides = array<i32>} : memref<8x32x128xf32, #tpu.memory_space<vmem>>, vector<1x1x16xf32>,
      %get3A_916 = vector.shape_cast %get3A_915 : vector<1x1x16xf32> to vector<16xf32>
      %swap3A_917 = arith.constant 0 : i32
      %swap3A_918 = arith.index_cast %swap3A_917 : i32 to index
      %swap3A_919 = arith.index_cast %scan3A_897 : i32 to index
      %swap3A_920 = arith.constant 16 : index
      %swap3A_921 = tpu.vector_load %arg7[%swap3A_918, %swap3A_919, %swap3A_920] {strides = array<i32>} : memref<8x32x64xf32, #tpu.memory_space<vmem>>, vector<1x1x16xf32>,
      %swap3A_922 = vector.shape_cast %swap3A_921 : vector<1x1x16xf32> to vector<16xf32>
      %swap3A_923 = vector.shape_cast %get3A_916 : vector<16xf32> to vector<1x1x16xf32>
      tpu.vector_store %arg7[%swap3A_918, %swap3A_919, %swap3A_920], %swap3A_923 {strides = array<i32>} : memref<8x32x64xf32, #tpu.memory_space<vmem>>, vector<1x1x16xf32>,
      %get3A_924 = arith.constant 0 : i32
      %get3A_925 = arith.index_cast %get3A_924 : i32 to index
      %get3A_926 = arith.index_cast %scan3A_897 : i32 to index
      %get3A_927 = arith.constant 32 : index
      %get3A_928 = tpu.vector_load %arg6[%get3A_925, %get3A_926, %get3A_927] {strides = array<i32>} : memref<8x32x128xf32, #tpu.memory_space<vmem>>, vector<1x1x16xf32>,
      %get3A_929 = vector.shape_cast %get3A_928 : vector<1x1x16xf32> to vector<16xf32>
      %swap3A_930 = arith.constant 0 : i32
      %swap3A_931 = arith.index_cast %swap3A_930 : i32 to index
      %swap3A_932 = arith.index_cast %scan3A_897 : i32 to index
      %swap3A_933 = arith.constant 32 : index
      %swap3A_934 = tpu.vector_load %arg7[%swap3A_931, %swap3A_932, %swap3A_933] {strides = array<i32>} : memref<8x32x64xf32, #tpu.memory_space<vmem>>, vector<1x1x16xf32>,
      %swap3A_935 = vector.shape_cast %swap3A_934 : vector<1x1x16xf32> to vector<16xf32>
      %swap3A_936 = vector.shape_cast %get3A_929 : vector<16xf32> to vector<1x1x16xf32>
      tpu.vector_store %arg7[%swap3A_931, %swap3A_932, %swap3A_933], %swap3A_936 {strides = array<i32>} : memref<8x32x64xf32, #tpu.memory_space<vmem>>, vector<1x1x16xf32>,
      %get3A_937 = arith.constant 0 : i32
      %get3A_938 = arith.index_cast %get3A_937 : i32 to index
      %get3A_939 = arith.index_cast %scan3A_897 : i32 to index
      %get3A_940 = arith.constant 48 : index
      %get3A_941 = tpu.vector_load %arg6[%get3A_938, %get3A_939, %get3A_940] {strides = array<i32>} : memref<8x32x128xf32, #tpu.memory_space<vmem>>, vector<1x1x16xf32>,
      %get3A_942 = vector.shape_cast %get3A_941 : vector<1x1x16xf32> to vector<16xf32>
      %swap3A_943 = arith.constant 0 : i32
      %swap3A_944 = arith.index_cast %swap3A_943 : i32 to index
      %swap3A_945 = arith.index_cast %scan3A_897 : i32 to index
      %swap3A_946 = arith.constant 48 : index
      %swap3A_947 = tpu.vector_load %arg7[%swap3A_944, %swap3A_945, %swap3A_946] {strides = array<i32>} : memref<8x32x64xf32, #tpu.memory_space<vmem>>, vector<1x1x16xf32>,
      %swap3A_948 = vector.shape_cast %swap3A_947 : vector<1x1x16xf32> to vector<16xf32>
      %swap3A_949 = vector.shape_cast %get3A_942 : vector<16xf32> to vector<1x1x16xf32>
      tpu.vector_store %arg7[%swap3A_944, %swap3A_945, %swap3A_946], %swap3A_949 {strides = array<i32>} : memref<8x32x64xf32, #tpu.memory_space<vmem>>, vector<1x1x16xf32>,
    }
    %scan3A_235 = arith.constant 32 : i32
    %add3A_236 = arith.constant 0 : i32
    %add3A_237 = arith.addi %mul3A_4, %add3A_236 : i32
    %dma_start3A_238 = arith.constant 0 : i32
    %dma_start3A_239 = arith.constant 0 : i32
    %dma_start3A_240 = arith.constant 0 : i32
    %dma_start3A_241 = arith.constant 0 : i32
    %dma_start3A_242 = tpu.memref_slice %arg7[%dma_start3A_238, %dma_start3A_240, %dma_start3A_241] : memref<8x32x64xf32, #tpu.memory_space<vmem>> -> memref<1x32x64xf32, #tpu.memory_space<vmem>>
    %dma_start3A_243 = tpu.memref_squeeze %dma_start3A_242 : memref<1x32x64xf32, #tpu.memory_space<vmem>> -> memref<32x64xf32, #tpu.memory_space<vmem>>
    %dma_start3A_244 = arith.constant 0 : i32
    %dma_start3A_245 = tpu.memref_slice %arg4[%add3A_237, %dma_start3A_244] : memref<819200x64xf32, #tpu.memory_space<hbm>> -> memref<32x64xf32, #tpu.memory_space<hbm>>
    %dma_start3A_246 = tpu.memref_slice %arg9[%dma_start3A_239] : memref<8x!tpu.dma_semaphore, #tpu.memory_space<semaphore_mem>> -> memref<1x!tpu.dma_semaphore, #tpu.memory_space<semaphore_mem>>
    %dma_start3A_247 = tpu.memref_squeeze %dma_start3A_246 : memref<1x!tpu.dma_semaphore, #tpu.memory_space<semaphore_mem>> -> memref<!tpu.dma_semaphore, #tpu.memory_space<semaphore_mem>>
    %dma_start3A_248 = arith.constant 0 : i32
    %dma_start3A_249 = tpu.memref_slice %arg4[%add3A_237, %dma_start3A_248] : memref<819200x64xf32, #tpu.memory_space<hbm>> -> memref<32x64xf32, #tpu.memory_space<hbm>>
    %dma_start3A_250 = arith.constant 0 : i32
    %dma_start3A_251 = arith.constant 0 : i32
    %dma_start3A_252 = tpu.memref_slice %arg7[%dma_start3A_238, %dma_start3A_250, %dma_start3A_251] : memref<8x32x64xf32, #tpu.memory_space<vmem>> -> memref<1x32x64xf32, #tpu.memory_space<vmem>>
    %dma_start3A_253 = tpu.memref_squeeze %dma_start3A_252 : memref<1x32x64xf32, #tpu.memory_space<vmem>> -> memref<32x64xf32, #tpu.memory_space<vmem>>
    tpu.enqueue_dma source(%dma_start3A_253 : memref<32x64xf32, #tpu.memory_space<vmem>>) target(%dma_start3A_249 : memref<32x64xf32, #tpu.memory_space<hbm>>) target_semaphore(%dma_start3A_247 : memref<!tpu.dma_semaphore, #tpu.memory_space<semaphore_mem>>)
    %get3A_254 = arith.constant 1 : i32
    %get3A_255 = arith.index_cast %get3A_254 : i32 to index
    %get3A_256 = arith.constant 0 : index
    %get3A_257 = tpu.vector_load %arg5[%get3A_255, %get3A_256] {strides = array<i32>} : memref<200x128xi32, #tpu.memory_space<vmem>>, vector<1x16xi32>,
    %get3A_258 = vector.shape_cast %get3A_257 : vector<1x16xi32> to vector<16xi32>
    %eq3A_259 = arith.constant 0 : i32
    %eq3A_260 = vector.broadcast %eq3A_259 : i32 to vector<16xi32>
    %eq3A_261 = arith.cmpi eq, %get3A_258, %eq3A_260 : vector<16xi32>
    %sub3A_262 = arith.constant 1 : i32
    %sub3A_263 = vector.broadcast %sub3A_262 : i32 to vector<16xi32>
    %sub3A_264 = arith.subi %get3A_258, %sub3A_263 : vector<16xi32>
    %jit3A_265 = arith.constant 99999 : i32
    %broadcast_in_dim3A_266 = vector.broadcast %jit3A_265 : i32 to vector<16xi32>
    %select_n3A_267 = arith.select %eq3A_261, %broadcast_in_dim3A_266, %sub3A_264 : vector<16xi1>, vector<16xi32>
    %swap3A_268 = arith.constant 1 : i32
    %swap3A_269 = arith.index_cast %swap3A_268 : i32 to index
    %swap3A_270 = arith.constant 0 : index
    %swap3A_271 = tpu.vector_load %arg5[%swap3A_269, %swap3A_270] {strides = array<i32>} : memref<200x128xi32, #tpu.memory_space<vmem>>, vector<1x16xi32>,
    %swap3A_272 = vector.shape_cast %swap3A_271 : vector<1x16xi32> to vector<16xi32>
    %swap3A_273 = vector.shape_cast %select_n3A_267 : vector<16xi32> to vector<1x16xi32>
    tpu.vector_store %arg5[%swap3A_269, %swap3A_270], %swap3A_273 {strides = array<i32>} : memref<200x128xi32, #tpu.memory_space<vmem>>, vector<1x16xi32>,
    %get3A_274 = arith.constant 1 : i32
    %get3A_275 = arith.index_cast %get3A_274 : i32 to index
    %get3A_276 = arith.constant 16 : index
    %get3A_277 = tpu.vector_load %arg5[%get3A_275, %get3A_276] {strides = array<i32>} : memref<200x128xi32, #tpu.memory_space<vmem>>, vector<1x16xi32>,
    %get3A_278 = vector.shape_cast %get3A_277 : vector<1x16xi32> to vector<16xi32>
    %eq3A_279 = arith.constant 0 : i32
    %eq3A_280 = vector.broadcast %eq3A_279 : i32 to vector<16xi32>
    %eq3A_281 = arith.cmpi eq, %get3A_278, %eq3A_280 : vector<16xi32>
    %sub3A_282 = arith.constant 1 : i32
    %sub3A_283 = vector.broadcast %sub3A_282 : i32 to vector<16xi32>
    %sub3A_284 = arith.subi %get3A_278, %sub3A_283 : vector<16xi32>
    %jit3A_285 = arith.constant 99999 : i32
    %broadcast_in_dim3A_286 = vector.broadcast %jit3A_285 : i32 to vector<16xi32>
    %select_n3A_287 = arith.select %eq3A_281, %broadcast_in_dim3A_286, %sub3A_284 : vector<16xi1>, vector<16xi32>
    %swap3A_288 = arith.constant 1 : i32
    %swap3A_289 = arith.index_cast %swap3A_288 : i32 to index
    %swap3A_290 = arith.constant 16 : index
    %swap3A_291 = tpu.vector_load %arg5[%swap3A_289, %swap3A_290] {strides = array<i32>} : memref<200x128xi32, #tpu.memory_space<vmem>>, vector<1x16xi32>,
    %swap3A_292 = vector.shape_cast %swap3A_291 : vector<1x16xi32> to vector<16xi32>
    %swap3A_293 = vector.shape_cast %select_n3A_287 : vector<16xi32> to vector<1x16xi32>
    tpu.vector_store %arg5[%swap3A_289, %swap3A_290], %swap3A_293 {strides = array<i32>} : memref<200x128xi32, #tpu.memory_space<vmem>>, vector<1x16xi32>,
    %dma_start3A_294 = arith.constant 1 : i32
    %dma_start3A_295 = arith.constant 4 : i32
    %dma_start3A_296 = arith.constant 4 : i32
    %dma_start3A_297 = arith.constant 0 : i32
    %dma_start3A_298 = arith.constant 0 : i32
    %dma_start3A_299 = tpu.memref_slice %arg6[%dma_start3A_295, %dma_start3A_297, %dma_start3A_298] : memref<8x32x128xf32, #tpu.memory_space<vmem>> -> memref<1x32x128xf32, #tpu.memory_space<vmem>>
    %dma_start3A_300 = tpu.memref_squeeze %dma_start3A_299 : memref<1x32x128xf32, #tpu.memory_space<vmem>> -> memref<32x128xf32, #tpu.memory_space<vmem>>
    %dma_start3A_301 = arith.constant 0 : i32
    %dma_start3A_302 = tpu.memref_slice %arg5[%dma_start3A_294, %dma_start3A_301] : memref<200x128xi32, #tpu.memory_space<vmem>> -> memref<1x32xi32, #tpu.memory_space<vmem>>
    %dma_start3A_303 = tpu.memref_squeeze %dma_start3A_302 : memref<1x32xi32, #tpu.memory_space<vmem>> -> memref<32xi32, #tpu.memory_space<vmem>>
    %dma_start3A_304 = arith.constant 0 : i32
    %dma_start3A_305 = arith.constant 0 : i32
    %dma_start3A_306 = tpu.memref_slice %arg3[%dma_start3A_304, %dma_start3A_305] : memref<100000x128xf32, #tpu.memory_space<hbm>> -> memref<100000x128xf32, #tpu.memory_space<hbm>>
    %dma_start3A_307 = tpu.memref_slice %arg8[%dma_start3A_296] : memref<8x!tpu.dma_semaphore, #tpu.memory_space<semaphore_mem>> -> memref<1x!tpu.dma_semaphore, #tpu.memory_space<semaphore_mem>>
    %dma_start3A_308 = tpu.memref_squeeze %dma_start3A_307 : memref<1x!tpu.dma_semaphore, #tpu.memory_space<semaphore_mem>> -> memref<!tpu.dma_semaphore, #tpu.memory_space<semaphore_mem>>
    tpu.enqueue_indirect_dma source(%dma_start3A_306 : memref<100000x128xf32, #tpu.memory_space<hbm>>) target(%dma_start3A_300 : memref<32x128xf32, #tpu.memory_space<vmem>>) offsets(%dma_start3A_303 : memref<32xi32, #tpu.memory_space<vmem>>) semaphore(%dma_start3A_308 : memref<!tpu.dma_semaphore, #tpu.memory_space<semaphore_mem>>)
    %dma_wait3A_309 = arith.constant 0 : i32
    %dma_wait3A_310 = arith.constant 1 : i32
    %dma_wait3A_311 = arith.constant 1 : i32
    %dma_wait3A_312 = arith.constant 0 : i32
    %dma_wait3A_313 = arith.constant 0 : i32
    %dma_wait3A_314 = tpu.memref_slice %arg6[%dma_wait3A_310, %dma_wait3A_312, %dma_wait3A_313] : memref<8x32x128xf32, #tpu.memory_space<vmem>> -> memref<1x32x128xf32, #tpu.memory_space<vmem>>
    %dma_wait3A_315 = tpu.memref_squeeze %dma_wait3A_314 : memref<1x32x128xf32, #tpu.memory_space<vmem>> -> memref<32x128xf32, #tpu.memory_space<vmem>>
    %dma_wait3A_316 = arith.constant 32 : i32
    %dma_wait3A_317 = tpu.memref_slice %arg5[%dma_wait3A_309, %dma_wait3A_316] : memref<200x128xi32, #tpu.memory_space<vmem>> -> memref<1x32xi32, #tpu.memory_space<vmem>>
    %dma_wait3A_318 = tpu.memref_squeeze %dma_wait3A_317 : memref<1x32xi32, #tpu.memory_space<vmem>> -> memref<32xi32, #tpu.memory_space<vmem>>
    %dma_wait3A_319 = arith.constant 0 : i32
    %dma_wait3A_320 = arith.constant 0 : i32
    %dma_wait3A_321 = tpu.memref_slice %arg3[%dma_wait3A_319, %dma_wait3A_320] : memref<100000x128xf32, #tpu.memory_space<hbm>> -> memref<100000x128xf32, #tpu.memory_space<hbm>>
    %dma_wait3A_322 = tpu.memref_slice %arg8[%dma_wait3A_311] : memref<8x!tpu.dma_semaphore, #tpu.memory_space<semaphore_mem>> -> memref<1x!tpu.dma_semaphore, #tpu.memory_space<semaphore_mem>>
    %dma_wait3A_323 = tpu.memref_squeeze %dma_wait3A_322 : memref<1x!tpu.dma_semaphore, #tpu.memory_space<semaphore_mem>> -> memref<!tpu.dma_semaphore, #tpu.memory_space<semaphore_mem>>
    tpu.wait_indirect_dma semaphore(%dma_wait3A_323 : memref<!tpu.dma_semaphore, #tpu.memory_space<semaphore_mem>>) src(%dma_wait3A_321 : memref<100000x128xf32, #tpu.memory_space<hbm>>) dst(%dma_wait3A_315 : memref<32x128xf32, #tpu.memory_space<vmem>>)
    %scan3A_324 = arith.constant 0 : i32
    %scan3A_325 = arith.constant 0 : i32
    %scan3A_326 = arith.constant 32 : i32
    %scan3A_327 = arith.addi %scan3A_325, %scan3A_326 : i32
    %scan3A_328 = arith.constant 1 : i32
    scf.for %scan3A_897 = %scan3A_325 to %scan3A_327 step %scan3A_328  : i32 {
      %get3A_898 = arith.constant 1 : i32
      %get3A_899 = arith.index_cast %get3A_898 : i32 to index
      %get3A_900 = arith.index_cast %scan3A_897 : i32 to index
      %get3A_901 = arith.constant 0 : index
      %get3A_902 = tpu.vector_load %arg6[%get3A_899, %get3A_900, %get3A_901] {strides = array<i32>} : memref<8x32x128xf32, #tpu.memory_space<vmem>>, vector<1x1x16xf32>,
      %get3A_903 = vector.shape_cast %get3A_902 : vector<1x1x16xf32> to vector<16xf32>
      %swap3A_904 = arith.constant 1 : i32
      %swap3A_905 = arith.index_cast %swap3A_904 : i32 to index
      %swap3A_906 = arith.index_cast %scan3A_897 : i32 to index
      %swap3A_907 = arith.constant 0 : index
      %swap3A_908 = tpu.vector_load %arg7[%swap3A_905, %swap3A_906, %swap3A_907] {strides = array<i32>} : memref<8x32x64xf32, #tpu.memory_space<vmem>>, vector<1x1x16xf32>,
      %swap3A_909 = vector.shape_cast %swap3A_908 : vector<1x1x16xf32> to vector<16xf32>
      %swap3A_910 = vector.shape_cast %get3A_903 : vector<16xf32> to vector<1x1x16xf32>
      tpu.vector_store %arg7[%swap3A_905, %swap3A_906, %swap3A_907], %swap3A_910 {strides = array<i32>} : memref<8x32x64xf32, #tpu.memory_space<vmem>>, vector<1x1x16xf32>,
      %get3A_911 = arith.constant 1 : i32
      %get3A_912 = arith.index_cast %get3A_911 : i32 to index
      %get3A_913 = arith.index_cast %scan3A_897 : i32 to index
      %get3A_914 = arith.constant 16 : index
      %get3A_915 = tpu.vector_load %arg6[%get3A_912, %get3A_913, %get3A_914] {strides = array<i32>} : memref<8x32x128xf32, #tpu.memory_space<vmem>>, vector<1x1x16xf32>,
      %get3A_916 = vector.shape_cast %get3A_915 : vector<1x1x16xf32> to vector<16xf32>
      %swap3A_917 = arith.constant 1 : i32
      %swap3A_918 = arith.index_cast %swap3A_917 : i32 to index
      %swap3A_919 = arith.index_cast %scan3A_897 : i32 to index
      %swap3A_920 = arith.constant 16 : index
      %swap3A_921 = tpu.vector_load %arg7[%swap3A_918, %swap3A_919, %swap3A_920] {strides = array<i32>} : memref<8x32x64xf32, #tpu.memory_space<vmem>>, vector<1x1x16xf32>,
      %swap3A_922 = vector.shape_cast %swap3A_921 : vector<1x1x16xf32> to vector<16xf32>
      %swap3A_923 = vector.shape_cast %get3A_916 : vector<16xf32> to vector<1x1x16xf32>
      tpu.vector_store %arg7[%swap3A_918, %swap3A_919, %swap3A_920], %swap3A_923 {strides = array<i32>} : memref<8x32x64xf32, #tpu.memory_space<vmem>>, vector<1x1x16xf32>,
      %get3A_924 = arith.constant 1 : i32
      %get3A_925 = arith.index_cast %get3A_924 : i32 to index
      %get3A_926 = arith.index_cast %scan3A_897 : i32 to index
      %get3A_927 = arith.constant 32 : index
      %get3A_928 = tpu.vector_load %arg6[%get3A_925, %get3A_926, %get3A_927] {strides = array<i32>} : memref<8x32x128xf32, #tpu.memory_space<vmem>>, vector<1x1x16xf32>,
      %get3A_929 = vector.shape_cast %get3A_928 : vector<1x1x16xf32> to vector<16xf32>
      %swap3A_930 = arith.constant 1 : i32
      %swap3A_931 = arith.index_cast %swap3A_930 : i32 to index
      %swap3A_932 = arith.index_cast %scan3A_897 : i32 to index
      %swap3A_933 = arith.constant 32 : index
      %swap3A_934 = tpu.vector_load %arg7[%swap3A_931, %swap3A_932, %swap3A_933] {strides = array<i32>} : memref<8x32x64xf32, #tpu.memory_space<vmem>>, vector<1x1x16xf32>,
      %swap3A_935 = vector.shape_cast %swap3A_934 : vector<1x1x16xf32> to vector<16xf32>
      %swap3A_936 = vector.shape_cast %get3A_929 : vector<16xf32> to vector<1x1x16xf32>
      tpu.vector_store %arg7[%swap3A_931, %swap3A_932, %swap3A_933], %swap3A_936 {strides = array<i32>} : memref<8x32x64xf32, #tpu.memory_space<vmem>>, vector<1x1x16xf32>,
      %get3A_937 = arith.constant 1 : i32
      %get3A_938 = arith.index_cast %get3A_937 : i32 to index
      %get3A_939 = arith.index_cast %scan3A_897 : i32 to index
      %get3A_940 = arith.constant 48 : index
      %get3A_941 = tpu.vector_load %arg6[%get3A_938, %get3A_939, %get3A_940] {strides = array<i32>} : memref<8x32x128xf32, #tpu.memory_space<vmem>>, vector<1x1x16xf32>,
      %get3A_942 = vector.shape_cast %get3A_941 : vector<1x1x16xf32> to vector<16xf32>
      %swap3A_943 = arith.constant 1 : i32
      %swap3A_944 = arith.index_cast %swap3A_943 : i32 to index
      %swap3A_945 = arith.index_cast %scan3A_897 : i32 to index
      %swap3A_946 = arith.constant 48 : index
      %swap3A_947 = tpu.vector_load %arg7[%swap3A_944, %swap3A_945, %swap3A_946] {strides = array<i32>} : memref<8x32x64xf32, #tpu.memory_space<vmem>>, vector<1x1x16xf32>,
      %swap3A_948 = vector.shape_cast %swap3A_947 : vector<1x1x16xf32> to vector<16xf32>
      %swap3A_949 = vector.shape_cast %get3A_942 : vector<16xf32> to vector<1x1x16xf32>
      tpu.vector_store %arg7[%swap3A_944, %swap3A_945, %swap3A_946], %swap3A_949 {strides = array<i32>} : memref<8x32x64xf32, #tpu.memory_space<vmem>>, vector<1x1x16xf32>,
    }
    %scan3A_329 = arith.constant 32 : i32
    %add3A_330 = arith.constant 32 : i32
    %add3A_331 = arith.addi %mul3A_4, %add3A_330 : i32
    %dma_start3A_332 = arith.constant 1 : i32
    %dma_start3A_333 = arith.constant 1 : i32
    %dma_start3A_334 = arith.constant 0 : i32
    %dma_start3A_335 = arith.constant 0 : i32
    %dma_start3A_336 = tpu.memref_slice %arg7[%dma_start3A_332, %dma_start3A_334, %dma_start3A_335] : memref<8x32x64xf32, #tpu.memory_space<vmem>> -> memref<1x32x64xf32, #tpu.memory_space<vmem>>
    %dma_start3A_337 = tpu.memref_squeeze %dma_start3A_336 : memref<1x32x64xf32, #tpu.memory_space<vmem>> -> memref<32x64xf32, #tpu.memory_space<vmem>>
    %dma_start3A_338 = arith.constant 0 : i32
    %dma_start3A_339 = tpu.memref_slice %arg4[%add3A_331, %dma_start3A_338] : memref<819200x64xf32, #tpu.memory_space<hbm>> -> memref<32x64xf32, #tpu.memory_space<hbm>>
    %dma_start3A_340 = tpu.memref_slice %arg9[%dma_start3A_333] : memref<8x!tpu.dma_semaphore, #tpu.memory_space<semaphore_mem>> -> memref<1x!tpu.dma_semaphore, #tpu.memory_space<semaphore_mem>>
    %dma_start3A_341 = tpu.memref_squeeze %dma_start3A_340 : memref<1x!tpu.dma_semaphore, #tpu.memory_space<semaphore_mem>> -> memref<!tpu.dma_semaphore, #tpu.memory_space<semaphore_mem>>
    %dma_start3A_342 = arith.constant 0 : i32
    %dma_start3A_343 = tpu.memref_slice %arg4[%add3A_331, %dma_start3A_342] : memref<819200x64xf32, #tpu.memory_space<hbm>> -> memref<32x64xf32, #tpu.memory_space<hbm>>
    %dma_start3A_344 = arith.constant 0 : i32
    %dma_start3A_345 = arith.constant 0 : i32
    %dma_start3A_346 = tpu.memref_slice %arg7[%dma_start3A_332, %dma_start3A_344, %dma_start3A_345] : memref<8x32x64xf32, #tpu.memory_space<vmem>> -> memref<1x32x64xf32, #tpu.memory_space<vmem>>
    %dma_start3A_347 = tpu.memref_squeeze %dma_start3A_346 : memref<1x32x64xf32, #tpu.memory_space<vmem>> -> memref<32x64xf32, #tpu.memory_space<vmem>>
    tpu.enqueue_dma source(%dma_start3A_347 : memref<32x64xf32, #tpu.memory_space<vmem>>) target(%dma_start3A_343 : memref<32x64xf32, #tpu.memory_space<hbm>>) target_semaphore(%dma_start3A_341 : memref<!tpu.dma_semaphore, #tpu.memory_space<semaphore_mem>>)
    %get3A_348 = arith.constant 1 : i32
    %get3A_349 = arith.index_cast %get3A_348 : i32 to index
    %get3A_350 = arith.constant 32 : index
    %get3A_351 = tpu.vector_load %arg5[%get3A_349, %get3A_350] {strides = array<i32>} : memref<200x128xi32, #tpu.memory_space<vmem>>, vector<1x16xi32>,
    %get3A_352 = vector.shape_cast %get3A_351 : vector<1x16xi32> to vector<16xi32>
    %eq3A_353 = arith.constant 0 : i32
    %eq3A_354 = vector.broadcast %eq3A_353 : i32 to vector<16xi32>
    %eq3A_355 = arith.cmpi eq, %get3A_352, %eq3A_354 : vector<16xi32>
    %sub3A_356 = arith.constant 1 : i32
    %sub3A_357 = vector.broadcast %sub3A_356 : i32 to vector<16xi32>
    %sub3A_358 = arith.subi %get3A_352, %sub3A_357 : vector<16xi32>
    %jit3A_359 = arith.constant 99999 : i32
    %broadcast_in_dim3A_360 = vector.broadcast %jit3A_359 : i32 to vector<16xi32>
    %select_n3A_361 = arith.select %eq3A_355, %broadcast_in_dim3A_360, %sub3A_358 : vector<16xi1>, vector<16xi32>
    %swap3A_362 = arith.constant 1 : i32
    %swap3A_363 = arith.index_cast %swap3A_362 : i32 to index
    %swap3A_364 = arith.constant 32 : index
    %swap3A_365 = tpu.vector_load %arg5[%swap3A_363, %swap3A_364] {strides = array<i32>} : memref<200x128xi32, #tpu.memory_space<vmem>>, vector<1x16xi32>,
    %swap3A_366 = vector.shape_cast %swap3A_365 : vector<1x16xi32> to vector<16xi32>
    %swap3A_367 = vector.shape_cast %select_n3A_361 : vector<16xi32> to vector<1x16xi32>
    tpu.vector_store %arg5[%swap3A_363, %swap3A_364], %swap3A_367 {strides = array<i32>} : memref<200x128xi32, #tpu.memory_space<vmem>>, vector<1x16xi32>,
    %get3A_368 = arith.constant 1 : i32
    %get3A_369 = arith.index_cast %get3A_368 : i32 to index
    %get3A_370 = arith.constant 48 : index
    %get3A_371 = tpu.vector_load %arg5[%get3A_369, %get3A_370] {strides = array<i32>} : memref<200x128xi32, #tpu.memory_space<vmem>>, vector<1x16xi32>,
    %get3A_372 = vector.shape_cast %get3A_371 : vector<1x16xi32> to vector<16xi32>
    %eq3A_373 = arith.constant 0 : i32
    %eq3A_374 = vector.broadcast %eq3A_373 : i32 to vector<16xi32>
    %eq3A_375 = arith.cmpi eq, %get3A_372, %eq3A_374 : vector<16xi32>
    %sub3A_376 = arith.constant 1 : i32
    %sub3A_377 = vector.broadcast %sub3A_376 : i32 to vector<16xi32>
    %sub3A_378 = arith.subi %get3A_372, %sub3A_377 : vector<16xi32>
    %jit3A_379 = arith.constant 99999 : i32
    %broadcast_in_dim3A_380 = vector.broadcast %jit3A_379 : i32 to vector<16xi32>
    %select_n3A_381 = arith.select %eq3A_375, %broadcast_in_dim3A_380, %sub3A_378 : vector<16xi1>, vector<16xi32>
    %swap3A_382 = arith.constant 1 : i32
    %swap3A_383 = arith.index_cast %swap3A_382 : i32 to index
    %swap3A_384 = arith.constant 48 : index
    %swap3A_385 = tpu.vector_load %arg5[%swap3A_383, %swap3A_384] {strides = array<i32>} : memref<200x128xi32, #tpu.memory_space<vmem>>, vector<1x16xi32>,
    %swap3A_386 = vector.shape_cast %swap3A_385 : vector<1x16xi32> to vector<16xi32>
    %swap3A_387 = vector.shape_cast %select_n3A_381 : vector<16xi32> to vector<1x16xi32>
    tpu.vector_store %arg5[%swap3A_383, %swap3A_384], %swap3A_387 {strides = array<i32>} : memref<200x128xi32, #tpu.memory_space<vmem>>, vector<1x16xi32>,
    %dma_start3A_388 = arith.constant 1 : i32
    %dma_start3A_389 = arith.constant 5 : i32
    %dma_start3A_390 = arith.constant 5 : i32
    %dma_start3A_391 = arith.constant 0 : i32
    %dma_start3A_392 = arith.constant 0 : i32
    %dma_start3A_393 = tpu.memref_slice %arg6[%dma_start3A_389, %dma_start3A_391, %dma_start3A_392] : memref<8x32x128xf32, #tpu.memory_space<vmem>> -> memref<1x32x128xf32, #tpu.memory_space<vmem>>
    %dma_start3A_394 = tpu.memref_squeeze %dma_start3A_393 : memref<1x32x128xf32, #tpu.memory_space<vmem>> -> memref<32x128xf32, #tpu.memory_space<vmem>>
    %dma_start3A_395 = arith.constant 32 : i32
    %dma_start3A_396 = tpu.memref_slice %arg5[%dma_start3A_388, %dma_start3A_395] : memref<200x128xi32, #tpu.memory_space<vmem>> -> memref<1x32xi32, #tpu.memory_space<vmem>>
    %dma_start3A_397 = tpu.memref_squeeze %dma_start3A_396 : memref<1x32xi32, #tpu.memory_space<vmem>> -> memref<32xi32, #tpu.memory_space<vmem>>
    %dma_start3A_398 = arith.constant 0 : i32
    %dma_start3A_399 = arith.constant 0 : i32
    %dma_start3A_400 = tpu.memref_slice %arg3[%dma_start3A_398, %dma_start3A_399] : memref<100000x128xf32, #tpu.memory_space<hbm>> -> memref<100000x128xf32, #tpu.memory_space<hbm>>
    %dma_start3A_401 = tpu.memref_slice %arg8[%dma_start3A_390] : memref<8x!tpu.dma_semaphore, #tpu.memory_space<semaphore_mem>> -> memref<1x!tpu.dma_semaphore, #tpu.memory_space<semaphore_mem>>
    %dma_start3A_402 = tpu.memref_squeeze %dma_start3A_401 : memref<1x!tpu.dma_semaphore, #tpu.memory_space<semaphore_mem>> -> memref<!tpu.dma_semaphore, #tpu.memory_space<semaphore_mem>>
    tpu.enqueue_indirect_dma source(%dma_start3A_400 : memref<100000x128xf32, #tpu.memory_space<hbm>>) target(%dma_start3A_394 : memref<32x128xf32, #tpu.memory_space<vmem>>) offsets(%dma_start3A_397 : memref<32xi32, #tpu.memory_space<vmem>>) semaphore(%dma_start3A_402 : memref<!tpu.dma_semaphore, #tpu.memory_space<semaphore_mem>>)
    %dma_wait3A_403 = arith.constant 0 : i32
    %dma_wait3A_404 = arith.constant 2 : i32
    %dma_wait3A_405 = arith.constant 2 : i32
    %dma_wait3A_406 = arith.constant 0 : i32
    %dma_wait3A_407 = arith.constant 0 : i32
    %dma_wait3A_408 = tpu.memref_slice %arg6[%dma_wait3A_404, %dma_wait3A_406, %dma_wait3A_407] : memref<8x32x128xf32, #tpu.memory_space<vmem>> -> memref<1x32x128xf32, #tpu.memory_space<vmem>>
    %dma_wait3A_409 = tpu.memref_squeeze %dma_wait3A_408 : memref<1x32x128xf32, #tpu.memory_space<vmem>> -> memref<32x128xf32, #tpu.memory_space<vmem>>
    %dma_wait3A_410 = arith.constant 64 : i32
    %dma_wait3A_411 = tpu.memref_slice %arg5[%dma_wait3A_403, %dma_wait3A_410] : memref<200x128xi32, #tpu.memory_space<vmem>> -> memref<1x32xi32, #tpu.memory_space<vmem>>
    %dma_wait3A_412 = tpu.memref_squeeze %dma_wait3A_411 : memref<1x32xi32, #tpu.memory_space<vmem>> -> memref<32xi32, #tpu.memory_space<vmem>>
    %dma_wait3A_413 = arith.constant 0 : i32
    %dma_wait3A_414 = arith.constant 0 : i32
    %dma_wait3A_415 = tpu.memref_slice %arg3[%dma_wait3A_413, %dma_wait3A_414] : memref<100000x128xf32, #tpu.memory_space<hbm>> -> memref<100000x128xf32, #tpu.memory_space<hbm>>
    %dma_wait3A_416 = tpu.memref_slice %arg8[%dma_wait3A_405] : memref<8x!tpu.dma_semaphore, #tpu.memory_space<semaphore_mem>> -> memref<1x!tpu.dma_semaphore, #tpu.memory_space<semaphore_mem>>
    %dma_wait3A_417 = tpu.memref_squeeze %dma_wait3A_416 : memref<1x!tpu.dma_semaphore, #tpu.memory_space<semaphore_mem>> -> memref<!tpu.dma_semaphore, #tpu.memory_space<semaphore_mem>>
    tpu.wait_indirect_dma semaphore(%dma_wait3A_417 : memref<!tpu.dma_semaphore, #tpu.memory_space<semaphore_mem>>) src(%dma_wait3A_415 : memref<100000x128xf32, #tpu.memory_space<hbm>>) dst(%dma_wait3A_409 : memref<32x128xf32, #tpu.memory_space<vmem>>)
    %scan3A_418 = arith.constant 0 : i32
    %scan3A_419 = arith.constant 0 : i32
    %scan3A_420 = arith.constant 32 : i32
    %scan3A_421 = arith.addi %scan3A_419, %scan3A_420 : i32
    %scan3A_422 = arith.constant 1 : i32
    scf.for %scan3A_897 = %scan3A_419 to %scan3A_421 step %scan3A_422  : i32 {
      %get3A_898 = arith.constant 2 : i32
      %get3A_899 = arith.index_cast %get3A_898 : i32 to index
      %get3A_900 = arith.index_cast %scan3A_897 : i32 to index
      %get3A_901 = arith.constant 0 : index
      %get3A_902 = tpu.vector_load %arg6[%get3A_899, %get3A_900, %get3A_901] {strides = array<i32>} : memref<8x32x128xf32, #tpu.memory_space<vmem>>, vector<1x1x16xf32>,
      %get3A_903 = vector.shape_cast %get3A_902 : vector<1x1x16xf32> to vector<16xf32>
      %swap3A_904 = arith.constant 2 : i32
      %swap3A_905 = arith.index_cast %swap3A_904 : i32 to index
      %swap3A_906 = arith.index_cast %scan3A_897 : i32 to index
      %swap3A_907 = arith.constant 0 : index
      %swap3A_908 = tpu.vector_load %arg7[%swap3A_905, %swap3A_906, %swap3A_907] {strides = array<i32>} : memref<8x32x64xf32, #tpu.memory_space<vmem>>, vector<1x1x16xf32>,
      %swap3A_909 = vector.shape_cast %swap3A_908 : vector<1x1x16xf32> to vector<16xf32>
      %swap3A_910 = vector.shape_cast %get3A_903 : vector<16xf32> to vector<1x1x16xf32>
      tpu.vector_store %arg7[%swap3A_905, %swap3A_906, %swap3A_907], %swap3A_910 {strides = array<i32>} : memref<8x32x64xf32, #tpu.memory_space<vmem>>, vector<1x1x16xf32>,
      %get3A_911 = arith.constant 2 : i32
      %get3A_912 = arith.index_cast %get3A_911 : i32 to index
      %get3A_913 = arith.index_cast %scan3A_897 : i32 to index
      %get3A_914 = arith.constant 16 : index
      %get3A_915 = tpu.vector_load %arg6[%get3A_912, %get3A_913, %get3A_914] {strides = array<i32>} : memref<8x32x128xf32, #tpu.memory_space<vmem>>, vector<1x1x16xf32>,
      %get3A_916 = vector.shape_cast %get3A_915 : vector<1x1x16xf32> to vector<16xf32>
      %swap3A_917 = arith.constant 2 : i32
      %swap3A_918 = arith.index_cast %swap3A_917 : i32 to index
      %swap3A_919 = arith.index_cast %scan3A_897 : i32 to index
      %swap3A_920 = arith.constant 16 : index
      %swap3A_921 = tpu.vector_load %arg7[%swap3A_918, %swap3A_919, %swap3A_920] {strides = array<i32>} : memref<8x32x64xf32, #tpu.memory_space<vmem>>, vector<1x1x16xf32>,
      %swap3A_922 = vector.shape_cast %swap3A_921 : vector<1x1x16xf32> to vector<16xf32>
      %swap3A_923 = vector.shape_cast %get3A_916 : vector<16xf32> to vector<1x1x16xf32>
      tpu.vector_store %arg7[%swap3A_918, %swap3A_919, %swap3A_920], %swap3A_923 {strides = array<i32>} : memref<8x32x64xf32, #tpu.memory_space<vmem>>, vector<1x1x16xf32>,
      %get3A_924 = arith.constant 2 : i32
      %get3A_925 = arith.index_cast %get3A_924 : i32 to index
      %get3A_926 = arith.index_cast %scan3A_897 : i32 to index
      %get3A_927 = arith.constant 32 : index
      %get3A_928 = tpu.vector_load %arg6[%get3A_925, %get3A_926, %get3A_927] {strides = array<i32>} : memref<8x32x128xf32, #tpu.memory_space<vmem>>, vector<1x1x16xf32>,
      %get3A_929 = vector.shape_cast %get3A_928 : vector<1x1x16xf32> to vector<16xf32>
      %swap3A_930 = arith.constant 2 : i32
      %swap3A_931 = arith.index_cast %swap3A_930 : i32 to index
      %swap3A_932 = arith.index_cast %scan3A_897 : i32 to index
      %swap3A_933 = arith.constant 32 : index
      %swap3A_934 = tpu.vector_load %arg7[%swap3A_931, %swap3A_932, %swap3A_933] {strides = array<i32>} : memref<8x32x64xf32, #tpu.memory_space<vmem>>, vector<1x1x16xf32>,
      %swap3A_935 = vector.shape_cast %swap3A_934 : vector<1x1x16xf32> to vector<16xf32>
      %swap3A_936 = vector.shape_cast %get3A_929 : vector<16xf32> to vector<1x1x16xf32>
      tpu.vector_store %arg7[%swap3A_931, %swap3A_932, %swap3A_933], %swap3A_936 {strides = array<i32>} : memref<8x32x64xf32, #tpu.memory_space<vmem>>, vector<1x1x16xf32>,
      %get3A_937 = arith.constant 2 : i32
      %get3A_938 = arith.index_cast %get3A_937 : i32 to index
      %get3A_939 = arith.index_cast %scan3A_897 : i32 to index
      %get3A_940 = arith.constant 48 : index
      %get3A_941 = tpu.vector_load %arg6[%get3A_938, %get3A_939, %get3A_940] {strides = array<i32>} : memref<8x32x128xf32, #tpu.memory_space<vmem>>, vector<1x1x16xf32>,
      %get3A_942 = vector.shape_cast %get3A_941 : vector<1x1x16xf32> to vector<16xf32>
      %swap3A_943 = arith.constant 2 : i32
      %swap3A_944 = arith.index_cast %swap3A_943 : i32 to index
      %swap3A_945 = arith.index_cast %scan3A_897 : i32 to index
      %swap3A_946 = arith.constant 48 : index
      %swap3A_947 = tpu.vector_load %arg7[%swap3A_944, %swap3A_945, %swap3A_946] {strides = array<i32>} : memref<8x32x64xf32, #tpu.memory_space<vmem>>, vector<1x1x16xf32>,
      %swap3A_948 = vector.shape_cast %swap3A_947 : vector<1x1x16xf32> to vector<16xf32>
      %swap3A_949 = vector.shape_cast %get3A_942 : vector<16xf32> to vector<1x1x16xf32>
      tpu.vector_store %arg7[%swap3A_944, %swap3A_945, %swap3A_946], %swap3A_949 {strides = array<i32>} : memref<8x32x64xf32, #tpu.memory_space<vmem>>, vector<1x1x16xf32>,
    }
    %scan3A_423 = arith.constant 32 : i32
    %add3A_424 = arith.constant 64 : i32
    %add3A_425 = arith.addi %mul3A_4, %add3A_424 : i32
    %dma_start3A_426 = arith.constant 2 : i32
    %dma_start3A_427 = arith.constant 2 : i32
    %dma_start3A_428 = arith.constant 0 : i32
    %dma_start3A_429 = arith.constant 0 : i32
    %dma_start3A_430 = tpu.memref_slice %arg7[%dma_start3A_426, %dma_start3A_428, %dma_start3A_429] : memref<8x32x64xf32, #tpu.memory_space<vmem>> -> memref<1x32x64xf32, #tpu.memory_space<vmem>>
    %dma_start3A_431 = tpu.memref_squeeze %dma_start3A_430 : memref<1x32x64xf32, #tpu.memory_space<vmem>> -> memref<32x64xf32, #tpu.memory_space<vmem>>
    %dma_start3A_432 = arith.constant 0 : i32
    %dma_start3A_433 = tpu.memref_slice %arg4[%add3A_425, %dma_start3A_432] : memref<819200x64xf32, #tpu.memory_space<hbm>> -> memref<32x64xf32, #tpu.memory_space<hbm>>
    %dma_start3A_434 = tpu.memref_slice %arg9[%dma_start3A_427] : memref<8x!tpu.dma_semaphore, #tpu.memory_space<semaphore_mem>> -> memref<1x!tpu.dma_semaphore, #tpu.memory_space<semaphore_mem>>
    %dma_start3A_435 = tpu.memref_squeeze %dma_start3A_434 : memref<1x!tpu.dma_semaphore, #tpu.memory_space<semaphore_mem>> -> memref<!tpu.dma_semaphore, #tpu.memory_space<semaphore_mem>>
    %dma_start3A_436 = arith.constant 0 : i32
    %dma_start3A_437 = tpu.memref_slice %arg4[%add3A_425, %dma_start3A_436] : memref<819200x64xf32, #tpu.memory_space<hbm>> -> memref<32x64xf32, #tpu.memory_space<hbm>>
    %dma_start3A_438 = arith.constant 0 : i32
    %dma_start3A_439 = arith.constant 0 : i32
    %dma_start3A_440 = tpu.memref_slice %arg7[%dma_start3A_426, %dma_start3A_438, %dma_start3A_439] : memref<8x32x64xf32, #tpu.memory_space<vmem>> -> memref<1x32x64xf32, #tpu.memory_space<vmem>>
    %dma_start3A_441 = tpu.memref_squeeze %dma_start3A_440 : memref<1x32x64xf32, #tpu.memory_space<vmem>> -> memref<32x64xf32, #tpu.memory_space<vmem>>
    tpu.enqueue_dma source(%dma_start3A_441 : memref<32x64xf32, #tpu.memory_space<vmem>>) target(%dma_start3A_437 : memref<32x64xf32, #tpu.memory_space<hbm>>) target_semaphore(%dma_start3A_435 : memref<!tpu.dma_semaphore, #tpu.memory_space<semaphore_mem>>)
    %get3A_442 = arith.constant 1 : i32
    %get3A_443 = arith.index_cast %get3A_442 : i32 to index
    %get3A_444 = arith.constant 64 : index
    %get3A_445 = tpu.vector_load %arg5[%get3A_443, %get3A_444] {strides = array<i32>} : memref<200x128xi32, #tpu.memory_space<vmem>>, vector<1x16xi32>,
    %get3A_446 = vector.shape_cast %get3A_445 : vector<1x16xi32> to vector<16xi32>
    %eq3A_447 = arith.constant 0 : i32
    %eq3A_448 = vector.broadcast %eq3A_447 : i32 to vector<16xi32>
    %eq3A_449 = arith.cmpi eq, %get3A_446, %eq3A_448 : vector<16xi32>
    %sub3A_450 = arith.constant 1 : i32
    %sub3A_451 = vector.broadcast %sub3A_450 : i32 to vector<16xi32>
    %sub3A_452 = arith.subi %get3A_446, %sub3A_451 : vector<16xi32>
    %jit3A_453 = arith.constant 99999 : i32
    %broadcast_in_dim3A_454 = vector.broadcast %jit3A_453 : i32 to vector<16xi32>
    %select_n3A_455 = arith.select %eq3A_449, %broadcast_in_dim3A_454, %sub3A_452 : vector<16xi1>, vector<16xi32>
    %swap3A_456 = arith.constant 1 : i32
    %swap3A_457 = arith.index_cast %swap3A_456 : i32 to index
    %swap3A_458 = arith.constant 64 : index
    %swap3A_459 = tpu.vector_load %arg5[%swap3A_457, %swap3A_458] {strides = array<i32>} : memref<200x128xi32, #tpu.memory_space<vmem>>, vector<1x16xi32>,
    %swap3A_460 = vector.shape_cast %swap3A_459 : vector<1x16xi32> to vector<16xi32>
    %swap3A_461 = vector.shape_cast %select_n3A_455 : vector<16xi32> to vector<1x16xi32>
    tpu.vector_store %arg5[%swap3A_457, %swap3A_458], %swap3A_461 {strides = array<i32>} : memref<200x128xi32, #tpu.memory_space<vmem>>, vector<1x16xi32>,
    %get3A_462 = arith.constant 1 : i32
    %get3A_463 = arith.index_cast %get3A_462 : i32 to index
    %get3A_464 = arith.constant 80 : index
    %get3A_465 = tpu.vector_load %arg5[%get3A_463, %get3A_464] {strides = array<i32>} : memref<200x128xi32, #tpu.memory_space<vmem>>, vector<1x16xi32>,
    %get3A_466 = vector.shape_cast %get3A_465 : vector<1x16xi32> to vector<16xi32>
    %eq3A_467 = arith.constant 0 : i32
    %eq3A_468 = vector.broadcast %eq3A_467 : i32 to vector<16xi32>
    %eq3A_469 = arith.cmpi eq, %get3A_466, %eq3A_468 : vector<16xi32>
    %sub3A_470 = arith.constant 1 : i32
    %sub3A_471 = vector.broadcast %sub3A_470 : i32 to vector<16xi32>
    %sub3A_472 = arith.subi %get3A_466, %sub3A_471 : vector<16xi32>
    %jit3A_473 = arith.constant 99999 : i32
    %broadcast_in_dim3A_474 = vector.broadcast %jit3A_473 : i32 to vector<16xi32>
    %select_n3A_475 = arith.select %eq3A_469, %broadcast_in_dim3A_474, %sub3A_472 : vector<16xi1>, vector<16xi32>
    %swap3A_476 = arith.constant 1 : i32
    %swap3A_477 = arith.index_cast %swap3A_476 : i32 to index
    %swap3A_478 = arith.constant 80 : index
    %swap3A_479 = tpu.vector_load %arg5[%swap3A_477, %swap3A_478] {strides = array<i32>} : memref<200x128xi32, #tpu.memory_space<vmem>>, vector<1x16xi32>,
    %swap3A_480 = vector.shape_cast %swap3A_479 : vector<1x16xi32> to vector<16xi32>
    %swap3A_481 = vector.shape_cast %select_n3A_475 : vector<16xi32> to vector<1x16xi32>
    tpu.vector_store %arg5[%swap3A_477, %swap3A_478], %swap3A_481 {strides = array<i32>} : memref<200x128xi32, #tpu.memory_space<vmem>>, vector<1x16xi32>,
    %dma_start3A_482 = arith.constant 1 : i32
    %dma_start3A_483 = arith.constant 6 : i32
    %dma_start3A_484 = arith.constant 6 : i32
    %dma_start3A_485 = arith.constant 0 : i32
    %dma_start3A_486 = arith.constant 0 : i32
    %dma_start3A_487 = tpu.memref_slice %arg6[%dma_start3A_483, %dma_start3A_485, %dma_start3A_486] : memref<8x32x128xf32, #tpu.memory_space<vmem>> -> memref<1x32x128xf32, #tpu.memory_space<vmem>>
    %dma_start3A_488 = tpu.memref_squeeze %dma_start3A_487 : memref<1x32x128xf32, #tpu.memory_space<vmem>> -> memref<32x128xf32, #tpu.memory_space<vmem>>
    %dma_start3A_489 = arith.constant 64 : i32
    %dma_start3A_490 = tpu.memref_slice %arg5[%dma_start3A_482, %dma_start3A_489] : memref<200x128xi32, #tpu.memory_space<vmem>> -> memref<1x32xi32, #tpu.memory_space<vmem>>
    %dma_start3A_491 = tpu.memref_squeeze %dma_start3A_490 : memref<1x32xi32, #tpu.memory_space<vmem>> -> memref<32xi32, #tpu.memory_space<vmem>>
    %dma_start3A_492 = arith.constant 0 : i32
    %dma_start3A_493 = arith.constant 0 : i32
    %dma_start3A_494 = tpu.memref_slice %arg3[%dma_start3A_492, %dma_start3A_493] : memref<100000x128xf32, #tpu.memory_space<hbm>> -> memref<100000x128xf32, #tpu.memory_space<hbm>>
    %dma_start3A_495 = tpu.memref_slice %arg8[%dma_start3A_484] : memref<8x!tpu.dma_semaphore, #tpu.memory_space<semaphore_mem>> -> memref<1x!tpu.dma_semaphore, #tpu.memory_space<semaphore_mem>>
    %dma_start3A_496 = tpu.memref_squeeze %dma_start3A_495 : memref<1x!tpu.dma_semaphore, #tpu.memory_space<semaphore_mem>> -> memref<!tpu.dma_semaphore, #tpu.memory_space<semaphore_mem>>
    tpu.enqueue_indirect_dma source(%dma_start3A_494 : memref<100000x128xf32, #tpu.memory_space<hbm>>) target(%dma_start3A_488 : memref<32x128xf32, #tpu.memory_space<vmem>>) offsets(%dma_start3A_491 : memref<32xi32, #tpu.memory_space<vmem>>) semaphore(%dma_start3A_496 : memref<!tpu.dma_semaphore, #tpu.memory_space<semaphore_mem>>)
    %dma_wait3A_497 = arith.constant 0 : i32
    %dma_wait3A_498 = arith.constant 3 : i32
    %dma_wait3A_499 = arith.constant 3 : i32
    %dma_wait3A_500 = arith.constant 0 : i32
    %dma_wait3A_501 = arith.constant 0 : i32
    %dma_wait3A_502 = tpu.memref_slice %arg6[%dma_wait3A_498, %dma_wait3A_500, %dma_wait3A_501] : memref<8x32x128xf32, #tpu.memory_space<vmem>> -> memref<1x32x128xf32, #tpu.memory_space<vmem>>
    %dma_wait3A_503 = tpu.memref_squeeze %dma_wait3A_502 : memref<1x32x128xf32, #tpu.memory_space<vmem>> -> memref<32x128xf32, #tpu.memory_space<vmem>>
    %dma_wait3A_504 = arith.constant 96 : i32
    %dma_wait3A_505 = tpu.memref_slice %arg5[%dma_wait3A_497, %dma_wait3A_504] : memref<200x128xi32, #tpu.memory_space<vmem>> -> memref<1x32xi32, #tpu.memory_space<vmem>>
    %dma_wait3A_506 = tpu.memref_squeeze %dma_wait3A_505 : memref<1x32xi32, #tpu.memory_space<vmem>> -> memref<32xi32, #tpu.memory_space<vmem>>
    %dma_wait3A_507 = arith.constant 0 : i32
    %dma_wait3A_508 = arith.constant 0 : i32
    %dma_wait3A_509 = tpu.memref_slice %arg3[%dma_wait3A_507, %dma_wait3A_508] : memref<100000x128xf32, #tpu.memory_space<hbm>> -> memref<100000x128xf32, #tpu.memory_space<hbm>>
    %dma_wait3A_510 = tpu.memref_slice %arg8[%dma_wait3A_499] : memref<8x!tpu.dma_semaphore, #tpu.memory_space<semaphore_mem>> -> memref<1x!tpu.dma_semaphore, #tpu.memory_space<semaphore_mem>>
    %dma_wait3A_511 = tpu.memref_squeeze %dma_wait3A_510 : memref<1x!tpu.dma_semaphore, #tpu.memory_space<semaphore_mem>> -> memref<!tpu.dma_semaphore, #tpu.memory_space<semaphore_mem>>
    tpu.wait_indirect_dma semaphore(%dma_wait3A_511 : memref<!tpu.dma_semaphore, #tpu.memory_space<semaphore_mem>>) src(%dma_wait3A_509 : memref<100000x128xf32, #tpu.memory_space<hbm>>) dst(%dma_wait3A_503 : memref<32x128xf32, #tpu.memory_space<vmem>>)
    %scan3A_512 = arith.constant 0 : i32
    %scan3A_513 = arith.constant 0 : i32
    %scan3A_514 = arith.constant 32 : i32
    %scan3A_515 = arith.addi %scan3A_513, %scan3A_514 : i32
    %scan3A_516 = arith.constant 1 : i32
    scf.for %scan3A_897 = %scan3A_513 to %scan3A_515 step %scan3A_516  : i32 {
      %get3A_898 = arith.constant 3 : i32
      %get3A_899 = arith.index_cast %get3A_898 : i32 to index
      %get3A_900 = arith.index_cast %scan3A_897 : i32 to index
      %get3A_901 = arith.constant 0 : index
      %get3A_902 = tpu.vector_load %arg6[%get3A_899, %get3A_900, %get3A_901] {strides = array<i32>} : memref<8x32x128xf32, #tpu.memory_space<vmem>>, vector<1x1x16xf32>,
      %get3A_903 = vector.shape_cast %get3A_902 : vector<1x1x16xf32> to vector<16xf32>
      %swap3A_904 = arith.constant 3 : i32
      %swap3A_905 = arith.index_cast %swap3A_904 : i32 to index
      %swap3A_906 = arith.index_cast %scan3A_897 : i32 to index
      %swap3A_907 = arith.constant 0 : index
      %swap3A_908 = tpu.vector_load %arg7[%swap3A_905, %swap3A_906, %swap3A_907] {strides = array<i32>} : memref<8x32x64xf32, #tpu.memory_space<vmem>>, vector<1x1x16xf32>,
      %swap3A_909 = vector.shape_cast %swap3A_908 : vector<1x1x16xf32> to vector<16xf32>
      %swap3A_910 = vector.shape_cast %get3A_903 : vector<16xf32> to vector<1x1x16xf32>
      tpu.vector_store %arg7[%swap3A_905, %swap3A_906, %swap3A_907], %swap3A_910 {strides = array<i32>} : memref<8x32x64xf32, #tpu.memory_space<vmem>>, vector<1x1x16xf32>,
      %get3A_911 = arith.constant 3 : i32
      %get3A_912 = arith.index_cast %get3A_911 : i32 to index
      %get3A_913 = arith.index_cast %scan3A_897 : i32 to index
      %get3A_914 = arith.constant 16 : index
      %get3A_915 = tpu.vector_load %arg6[%get3A_912, %get3A_913, %get3A_914] {strides = array<i32>} : memref<8x32x128xf32, #tpu.memory_space<vmem>>, vector<1x1x16xf32>,
      %get3A_916 = vector.shape_cast %get3A_915 : vector<1x1x16xf32> to vector<16xf32>
      %swap3A_917 = arith.constant 3 : i32
      %swap3A_918 = arith.index_cast %swap3A_917 : i32 to index
      %swap3A_919 = arith.index_cast %scan3A_897 : i32 to index
      %swap3A_920 = arith.constant 16 : index
      %swap3A_921 = tpu.vector_load %arg7[%swap3A_918, %swap3A_919, %swap3A_920] {strides = array<i32>} : memref<8x32x64xf32, #tpu.memory_space<vmem>>, vector<1x1x16xf32>,
      %swap3A_922 = vector.shape_cast %swap3A_921 : vector<1x1x16xf32> to vector<16xf32>
      %swap3A_923 = vector.shape_cast %get3A_916 : vector<16xf32> to vector<1x1x16xf32>
      tpu.vector_store %arg7[%swap3A_918, %swap3A_919, %swap3A_920], %swap3A_923 {strides = array<i32>} : memref<8x32x64xf32, #tpu.memory_space<vmem>>, vector<1x1x16xf32>,
      %get3A_924 = arith.constant 3 : i32
      %get3A_925 = arith.index_cast %get3A_924 : i32 to index
      %get3A_926 = arith.index_cast %scan3A_897 : i32 to index
      %get3A_927 = arith.constant 32 : index
      %get3A_928 = tpu.vector_load %arg6[%get3A_925, %get3A_926, %get3A_927] {strides = array<i32>} : memref<8x32x128xf32, #tpu.memory_space<vmem>>, vector<1x1x16xf32>,
      %get3A_929 = vector.shape_cast %get3A_928 : vector<1x1x16xf32> to vector<16xf32>
      %swap3A_930 = arith.constant 3 : i32
      %swap3A_931 = arith.index_cast %swap3A_930 : i32 to index
      %swap3A_932 = arith.index_cast %scan3A_897 : i32 to index
      %swap3A_933 = arith.constant 32 : index
      %swap3A_934 = tpu.vector_load %arg7[%swap3A_931, %swap3A_932, %swap3A_933] {strides = array<i32>} : memref<8x32x64xf32, #tpu.memory_space<vmem>>, vector<1x1x16xf32>,
      %swap3A_935 = vector.shape_cast %swap3A_934 : vector<1x1x16xf32> to vector<16xf32>
      %swap3A_936 = vector.shape_cast %get3A_929 : vector<16xf32> to vector<1x1x16xf32>
      tpu.vector_store %arg7[%swap3A_931, %swap3A_932, %swap3A_933], %swap3A_936 {strides = array<i32>} : memref<8x32x64xf32, #tpu.memory_space<vmem>>, vector<1x1x16xf32>,
      %get3A_937 = arith.constant 3 : i32
      %get3A_938 = arith.index_cast %get3A_937 : i32 to index
      %get3A_939 = arith.index_cast %scan3A_897 : i32 to index
      %get3A_940 = arith.constant 48 : index
      %get3A_941 = tpu.vector_load %arg6[%get3A_938, %get3A_939, %get3A_940] {strides = array<i32>} : memref<8x32x128xf32, #tpu.memory_space<vmem>>, vector<1x1x16xf32>,
      %get3A_942 = vector.shape_cast %get3A_941 : vector<1x1x16xf32> to vector<16xf32>
      %swap3A_943 = arith.constant 3 : i32
      %swap3A_944 = arith.index_cast %swap3A_943 : i32 to index
      %swap3A_945 = arith.index_cast %scan3A_897 : i32 to index
      %swap3A_946 = arith.constant 48 : index
      %swap3A_947 = tpu.vector_load %arg7[%swap3A_944, %swap3A_945, %swap3A_946] {strides = array<i32>} : memref<8x32x64xf32, #tpu.memory_space<vmem>>, vector<1x1x16xf32>,
      %swap3A_948 = vector.shape_cast %swap3A_947 : vector<1x1x16xf32> to vector<16xf32>
      %swap3A_949 = vector.shape_cast %get3A_942 : vector<16xf32> to vector<1x1x16xf32>
      tpu.vector_store %arg7[%swap3A_944, %swap3A_945, %swap3A_946], %swap3A_949 {strides = array<i32>} : memref<8x32x64xf32, #tpu.memory_space<vmem>>, vector<1x1x16xf32>,
    }
    %scan3A_517 = arith.constant 32 : i32
    %add3A_518 = arith.constant 96 : i32
    %add3A_519 = arith.addi %mul3A_4, %add3A_518 : i32
    %dma_start3A_520 = arith.constant 3 : i32
    %dma_start3A_521 = arith.constant 3 : i32
    %dma_start3A_522 = arith.constant 0 : i32
    %dma_start3A_523 = arith.constant 0 : i32
    %dma_start3A_524 = tpu.memref_slice %arg7[%dma_start3A_520, %dma_start3A_522, %dma_start3A_523] : memref<8x32x64xf32, #tpu.memory_space<vmem>> -> memref<1x32x64xf32, #tpu.memory_space<vmem>>
    %dma_start3A_525 = tpu.memref_squeeze %dma_start3A_524 : memref<1x32x64xf32, #tpu.memory_space<vmem>> -> memref<32x64xf32, #tpu.memory_space<vmem>>
    %dma_start3A_526 = arith.constant 0 : i32
    %dma_start3A_527 = tpu.memref_slice %arg4[%add3A_519, %dma_start3A_526] : memref<819200x64xf32, #tpu.memory_space<hbm>> -> memref<32x64xf32, #tpu.memory_space<hbm>>
    %dma_start3A_528 = tpu.memref_slice %arg9[%dma_start3A_521] : memref<8x!tpu.dma_semaphore, #tpu.memory_space<semaphore_mem>> -> memref<1x!tpu.dma_semaphore, #tpu.memory_space<semaphore_mem>>
    %dma_start3A_529 = tpu.memref_squeeze %dma_start3A_528 : memref<1x!tpu.dma_semaphore, #tpu.memory_space<semaphore_mem>> -> memref<!tpu.dma_semaphore, #tpu.memory_space<semaphore_mem>>
    %dma_start3A_530 = arith.constant 0 : i32
    %dma_start3A_531 = tpu.memref_slice %arg4[%add3A_519, %dma_start3A_530] : memref<819200x64xf32, #tpu.memory_space<hbm>> -> memref<32x64xf32, #tpu.memory_space<hbm>>
    %dma_start3A_532 = arith.constant 0 : i32
    %dma_start3A_533 = arith.constant 0 : i32
    %dma_start3A_534 = tpu.memref_slice %arg7[%dma_start3A_520, %dma_start3A_532, %dma_start3A_533] : memref<8x32x64xf32, #tpu.memory_space<vmem>> -> memref<1x32x64xf32, #tpu.memory_space<vmem>>
    %dma_start3A_535 = tpu.memref_squeeze %dma_start3A_534 : memref<1x32x64xf32, #tpu.memory_space<vmem>> -> memref<32x64xf32, #tpu.memory_space<vmem>>
    tpu.enqueue_dma source(%dma_start3A_535 : memref<32x64xf32, #tpu.memory_space<vmem>>) target(%dma_start3A_531 : memref<32x64xf32, #tpu.memory_space<hbm>>) target_semaphore(%dma_start3A_529 : memref<!tpu.dma_semaphore, #tpu.memory_space<semaphore_mem>>)
    %get3A_536 = arith.constant 1 : i32
    %get3A_537 = arith.index_cast %get3A_536 : i32 to index
    %get3A_538 = arith.constant 96 : index
    %get3A_539 = tpu.vector_load %arg5[%get3A_537, %get3A_538] {strides = array<i32>} : memref<200x128xi32, #tpu.memory_space<vmem>>, vector<1x16xi32>,
    %get3A_540 = vector.shape_cast %get3A_539 : vector<1x16xi32> to vector<16xi32>
    %eq3A_541 = arith.constant 0 : i32
    %eq3A_542 = vector.broadcast %eq3A_541 : i32 to vector<16xi32>
    %eq3A_543 = arith.cmpi eq, %get3A_540, %eq3A_542 : vector<16xi32>
    %sub3A_544 = arith.constant 1 : i32
    %sub3A_545 = vector.broadcast %sub3A_544 : i32 to vector<16xi32>
    %sub3A_546 = arith.subi %get3A_540, %sub3A_545 : vector<16xi32>
    %jit3A_547 = arith.constant 99999 : i32
    %broadcast_in_dim3A_548 = vector.broadcast %jit3A_547 : i32 to vector<16xi32>
    %select_n3A_549 = arith.select %eq3A_543, %broadcast_in_dim3A_548, %sub3A_546 : vector<16xi1>, vector<16xi32>
    %swap3A_550 = arith.constant 1 : i32
    %swap3A_551 = arith.index_cast %swap3A_550 : i32 to index
    %swap3A_552 = arith.constant 96 : index
    %swap3A_553 = tpu.vector_load %arg5[%swap3A_551, %swap3A_552] {strides = array<i32>} : memref<200x128xi32, #tpu.memory_space<vmem>>, vector<1x16xi32>,
    %swap3A_554 = vector.shape_cast %swap3A_553 : vector<1x16xi32> to vector<16xi32>
    %swap3A_555 = vector.shape_cast %select_n3A_549 : vector<16xi32> to vector<1x16xi32>
    tpu.vector_store %arg5[%swap3A_551, %swap3A_552], %swap3A_555 {strides = array<i32>} : memref<200x128xi32, #tpu.memory_space<vmem>>, vector<1x16xi32>,
    %get3A_556 = arith.constant 1 : i32
    %get3A_557 = arith.index_cast %get3A_556 : i32 to index
    %get3A_558 = arith.constant 112 : index
    %get3A_559 = tpu.vector_load %arg5[%get3A_557, %get3A_558] {strides = array<i32>} : memref<200x128xi32, #tpu.memory_space<vmem>>, vector<1x16xi32>,
    %get3A_560 = vector.shape_cast %get3A_559 : vector<1x16xi32> to vector<16xi32>
    %eq3A_561 = arith.constant 0 : i32
    %eq3A_562 = vector.broadcast %eq3A_561 : i32 to vector<16xi32>
    %eq3A_563 = arith.cmpi eq, %get3A_560, %eq3A_562 : vector<16xi32>
    %sub3A_564 = arith.constant 1 : i32
    %sub3A_565 = vector.broadcast %sub3A_564 : i32 to vector<16xi32>
    %sub3A_566 = arith.subi %get3A_560, %sub3A_565 : vector<16xi32>
    %jit3A_567 = arith.constant 99999 : i32
    %broadcast_in_dim3A_568 = vector.broadcast %jit3A_567 : i32 to vector<16xi32>
    %select_n3A_569 = arith.select %eq3A_563, %broadcast_in_dim3A_568, %sub3A_566 : vector<16xi1>, vector<16xi32>
    %swap3A_570 = arith.constant 1 : i32
    %swap3A_571 = arith.index_cast %swap3A_570 : i32 to index
    %swap3A_572 = arith.constant 112 : index
    %swap3A_573 = tpu.vector_load %arg5[%swap3A_571, %swap3A_572] {strides = array<i32>} : memref<200x128xi32, #tpu.memory_space<vmem>>, vector<1x16xi32>,
    %swap3A_574 = vector.shape_cast %swap3A_573 : vector<1x16xi32> to vector<16xi32>
    %swap3A_575 = vector.shape_cast %select_n3A_569 : vector<16xi32> to vector<1x16xi32>
    tpu.vector_store %arg5[%swap3A_571, %swap3A_572], %swap3A_575 {strides = array<i32>} : memref<200x128xi32, #tpu.memory_space<vmem>>, vector<1x16xi32>,
    %dma_start3A_576 = arith.constant 1 : i32
    %dma_start3A_577 = arith.constant 7 : i32
    %dma_start3A_578 = arith.constant 7 : i32
    %dma_start3A_579 = arith.constant 0 : i32
    %dma_start3A_580 = arith.constant 0 : i32
    %dma_start3A_581 = tpu.memref_slice %arg6[%dma_start3A_577, %dma_start3A_579, %dma_start3A_580] : memref<8x32x128xf32, #tpu.memory_space<vmem>> -> memref<1x32x128xf32, #tpu.memory_space<vmem>>
    %dma_start3A_582 = tpu.memref_squeeze %dma_start3A_581 : memref<1x32x128xf32, #tpu.memory_space<vmem>> -> memref<32x128xf32, #tpu.memory_space<vmem>>
    %dma_start3A_583 = arith.constant 96 : i32
    %dma_start3A_584 = tpu.memref_slice %arg5[%dma_start3A_576, %dma_start3A_583] : memref<200x128xi32, #tpu.memory_space<vmem>> -> memref<1x32xi32, #tpu.memory_space<vmem>>
    %dma_start3A_585 = tpu.memref_squeeze %dma_start3A_584 : memref<1x32xi32, #tpu.memory_space<vmem>> -> memref<32xi32, #tpu.memory_space<vmem>>
    %dma_start3A_586 = arith.constant 0 : i32
    %dma_start3A_587 = arith.constant 0 : i32
    %dma_start3A_588 = tpu.memref_slice %arg3[%dma_start3A_586, %dma_start3A_587] : memref<100000x128xf32, #tpu.memory_space<hbm>> -> memref<100000x128xf32, #tpu.memory_space<hbm>>
    %dma_start3A_589 = tpu.memref_slice %arg8[%dma_start3A_578] : memref<8x!tpu.dma_semaphore, #tpu.memory_space<semaphore_mem>> -> memref<1x!tpu.dma_semaphore, #tpu.memory_space<semaphore_mem>>
    %dma_start3A_590 = tpu.memref_squeeze %dma_start3A_589 : memref<1x!tpu.dma_semaphore, #tpu.memory_space<semaphore_mem>> -> memref<!tpu.dma_semaphore, #tpu.memory_space<semaphore_mem>>
    tpu.enqueue_indirect_dma source(%dma_start3A_588 : memref<100000x128xf32, #tpu.memory_space<hbm>>) target(%dma_start3A_582 : memref<32x128xf32, #tpu.memory_space<vmem>>) offsets(%dma_start3A_585 : memref<32xi32, #tpu.memory_space<vmem>>) semaphore(%dma_start3A_590 : memref<!tpu.dma_semaphore, #tpu.memory_space<semaphore_mem>>)
    %scan3A_591 = arith.constant 0 : i32
    %scan3A_592 = arith.constant 0 : i32
    %scan3A_593 = arith.constant 99 : i32
    %scan3A_594 = arith.addi %scan3A_592, %scan3A_593 : i32
    %scan3A_595 = arith.constant 1 : i32
    scf.for %scan3A_897 = %scan3A_592 to %scan3A_594 step %scan3A_595  : i32 {
      %mul3A_898 = arith.constant 8 : i32
      %mul3A_899 = arith.muli %scan3A_897, %mul3A_898 : i32
      %add3A_900 = arith.constant 4 : i32
      %add3A_901 = arith.addi %add3A_900, %mul3A_899 : i32
      %add3A_902 = arith.constant 0 : i32
      %add3A_903 = arith.addi %add3A_901, %add3A_902 : i32
      %jit3A_904 = arith.constant 4 : i32
      %div3A = arith.divsi %add3A_903, %jit3A_904 : i32
      %sign3A = arith.constant 0 : i32
      %sign3A_905 = arith.cmpi sgt, %add3A_903, %sign3A : i32
      %sign3A_906 = arith.extui %sign3A_905 : i1 to i32
      %sign3A_907 = arith.constant 0 : i32
      %sign3A_908 = arith.cmpi slt, %add3A_903, %sign3A_907 : i32
      %sign3A_909 = arith.extui %sign3A_908 : i1 to i32
      %sign3A_910 = arith.subi %sign3A_906, %sign3A_909 : i32
      %sign3A_911 = arith.constant 0 : i32
      %sign3A_912 = arith.cmpi sgt, %jit3A_904, %sign3A_911 : i32
      %sign3A_913 = arith.extui %sign3A_912 : i1 to i32
      %sign3A_914 = arith.constant 0 : i32
      %sign3A_915 = arith.cmpi slt, %jit3A_904, %sign3A_914 : i32
      %sign3A_916 = arith.extui %sign3A_915 : i1 to i32
      %sign3A_917 = arith.subi %sign3A_913, %sign3A_916 : i32
      %ne3A = arith.cmpi ne, %sign3A_910, %sign3A_917 : i32
      %rem3A = arith.remsi %add3A_903, %jit3A_904 : i32
      %ne3A_918 = arith.constant 0 : i32
      %ne3A_919 = arith.cmpi ne, %rem3A, %ne3A_918 : i32
      %and3A = arith.andi %ne3A, %ne3A_919 : i1
      %sub3A_920 = arith.constant 1 : i32
      %sub3A_921 = arith.subi %div3A, %sub3A_920 : i32
      %select_n3A_922 = arith.select %and3A, %sub3A_921, %div3A : i32
      %jit3A_923 = arith.constant 4 : i32
      %eq3A_924 = arith.constant 0 : i32
      %eq3A_925 = arith.cmpi eq, %jit3A_923, %eq3A_924 : i32
      %jit3A_926 = arith.constant 1 : i32
      %select_n3A_927 = arith.select %eq3A_925, %jit3A_926, %jit3A_923 : i32
      %rem3A_928 = arith.remsi %add3A_903, %select_n3A_927 : i32
      %ne3A_929 = arith.constant 0 : i32
      %ne3A_930 = arith.cmpi ne, %rem3A_928, %ne3A_929 : i32
      %lt3A = arith.constant 0 : i32
      %lt3A_931 = arith.cmpi slt, %rem3A_928, %lt3A : i32
      %lt3A_932 = arith.constant 0 : i32
      %lt3A_933 = arith.cmpi slt, %select_n3A_927, %lt3A_932 : i32
      %ne3A_934 = arith.xori %lt3A_931, %lt3A_933 : i1
      %and3A_935 = arith.andi %ne3A_934, %ne3A_930 : i1
      %add3A_936 = arith.addi %rem3A_928, %select_n3A_927 : i32
      %select_n3A_937 = arith.select %and3A_935, %add3A_936, %rem3A_928 : i32
      %mul3A_938 = arith.constant 32 : i32
      %mul3A_939 = arith.muli %select_n3A_937, %mul3A_938 : i32
      %dma_wait3A_940 = arith.constant 4 : i32
      %dma_wait3A_941 = arith.constant 4 : i32
      %dma_wait3A_942 = arith.constant 0 : i32
      %dma_wait3A_943 = arith.constant 0 : i32
      %dma_wait3A_944 = tpu.memref_slice %arg6[%dma_wait3A_940, %dma_wait3A_942, %dma_wait3A_943] : memref<8x32x128xf32, #tpu.memory_space<vmem>> -> memref<1x32x128xf32, #tpu.memory_space<vmem>>
      %dma_wait3A_945 = tpu.memref_squeeze %dma_wait3A_944 : memref<1x32x128xf32, #tpu.memory_space<vmem>> -> memref<32x128xf32, #tpu.memory_space<vmem>>
      %dma_wait3A_946 = tpu.memref_slice %arg5[%select_n3A_922, %mul3A_939] : memref<200x128xi32, #tpu.memory_space<vmem>> -> memref<1x32xi32, #tpu.memory_space<vmem>>
      %dma_wait3A_947 = tpu.memref_squeeze %dma_wait3A_946 : memref<1x32xi32, #tpu.memory_space<vmem>> -> memref<32xi32, #tpu.memory_space<vmem>>
      %dma_wait3A_948 = arith.constant 0 : i32
      %dma_wait3A_949 = arith.constant 0 : i32
      %dma_wait3A_950 = tpu.memref_slice %arg3[%dma_wait3A_948, %dma_wait3A_949] : memref<100000x128xf32, #tpu.memory_space<hbm>> -> memref<100000x128xf32, #tpu.memory_space<hbm>>
      %dma_wait3A_951 = tpu.memref_slice %arg8[%dma_wait3A_941] : memref<8x!tpu.dma_semaphore, #tpu.memory_space<semaphore_mem>> -> memref<1x!tpu.dma_semaphore, #tpu.memory_space<semaphore_mem>>
      %dma_wait3A_952 = tpu.memref_squeeze %dma_wait3A_951 : memref<1x!tpu.dma_semaphore, #tpu.memory_space<semaphore_mem>> -> memref<!tpu.dma_semaphore, #tpu.memory_space<semaphore_mem>>
      tpu.wait_indirect_dma semaphore(%dma_wait3A_952 : memref<!tpu.dma_semaphore, #tpu.memory_space<semaphore_mem>>) src(%dma_wait3A_950 : memref<100000x128xf32, #tpu.memory_space<hbm>>) dst(%dma_wait3A_945 : memref<32x128xf32, #tpu.memory_space<vmem>>)
      %scan3A_953 = arith.constant 0 : i32
      %scan3A_954 = arith.constant 0 : i32
      %scan3A_955 = arith.constant 32 : i32
      %scan3A_956 = arith.addi %scan3A_954, %scan3A_955 : i32
      %scan3A_957 = arith.constant 1 : i32
      scf.for %scan3A_2528 = %scan3A_954 to %scan3A_956 step %scan3A_957  : i32 {
        %get3A_2529 = arith.constant 4 : i32
        %get3A_2530 = arith.index_cast %get3A_2529 : i32 to index
        %get3A_2531 = arith.index_cast %scan3A_2528 : i32 to index
        %get3A_2532 = arith.constant 0 : index
        %get3A_2533 = tpu.vector_load %arg6[%get3A_2530, %get3A_2531, %get3A_2532] {strides = array<i32>} : memref<8x32x128xf32, #tpu.memory_space<vmem>>, vector<1x1x16xf32>,
        %get3A_2534 = vector.shape_cast %get3A_2533 : vector<1x1x16xf32> to vector<16xf32>
        %swap3A_2535 = arith.constant 4 : i32
        %swap3A_2536 = arith.index_cast %swap3A_2535 : i32 to index
        %swap3A_2537 = arith.index_cast %scan3A_2528 : i32 to index
        %swap3A_2538 = arith.constant 0 : index
        %swap3A_2539 = tpu.vector_load %arg7[%swap3A_2536, %swap3A_2537, %swap3A_2538] {strides = array<i32>} : memref<8x32x64xf32, #tpu.memory_space<vmem>>, vector<1x1x16xf32>,
        %swap3A_2540 = vector.shape_cast %swap3A_2539 : vector<1x1x16xf32> to vector<16xf32>
        %swap3A_2541 = vector.shape_cast %get3A_2534 : vector<16xf32> to vector<1x1x16xf32>
        tpu.vector_store %arg7[%swap3A_2536, %swap3A_2537, %swap3A_2538], %swap3A_2541 {strides = array<i32>} : memref<8x32x64xf32, #tpu.memory_space<vmem>>, vector<1x1x16xf32>,
        %get3A_2542 = arith.constant 4 : i32
        %get3A_2543 = arith.index_cast %get3A_2542 : i32 to index
        %get3A_2544 = arith.index_cast %scan3A_2528 : i32 to index
        %get3A_2545 = arith.constant 16 : index
        %get3A_2546 = tpu.vector_load %arg6[%get3A_2543, %get3A_2544, %get3A_2545] {strides = array<i32>} : memref<8x32x128xf32, #tpu.memory_space<vmem>>, vector<1x1x16xf32>,
        %get3A_2547 = vector.shape_cast %get3A_2546 : vector<1x1x16xf32> to vector<16xf32>
        %swap3A_2548 = arith.constant 4 : i32
        %swap3A_2549 = arith.index_cast %swap3A_2548 : i32 to index
        %swap3A_2550 = arith.index_cast %scan3A_2528 : i32 to index
        %swap3A_2551 = arith.constant 16 : index
        %swap3A_2552 = tpu.vector_load %arg7[%swap3A_2549, %swap3A_2550, %swap3A_2551] {strides = array<i32>} : memref<8x32x64xf32, #tpu.memory_space<vmem>>, vector<1x1x16xf32>,
        %swap3A_2553 = vector.shape_cast %swap3A_2552 : vector<1x1x16xf32> to vector<16xf32>
        %swap3A_2554 = vector.shape_cast %get3A_2547 : vector<16xf32> to vector<1x1x16xf32>
        tpu.vector_store %arg7[%swap3A_2549, %swap3A_2550, %swap3A_2551], %swap3A_2554 {strides = array<i32>} : memref<8x32x64xf32, #tpu.memory_space<vmem>>, vector<1x1x16xf32>,
        %get3A_2555 = arith.constant 4 : i32
        %get3A_2556 = arith.index_cast %get3A_2555 : i32 to index
        %get3A_2557 = arith.index_cast %scan3A_2528 : i32 to index
        %get3A_2558 = arith.constant 32 : index
        %get3A_2559 = tpu.vector_load %arg6[%get3A_2556, %get3A_2557, %get3A_2558] {strides = array<i32>} : memref<8x32x128xf32, #tpu.memory_space<vmem>>, vector<1x1x16xf32>,
        %get3A_2560 = vector.shape_cast %get3A_2559 : vector<1x1x16xf32> to vector<16xf32>
        %swap3A_2561 = arith.constant 4 : i32
        %swap3A_2562 = arith.index_cast %swap3A_2561 : i32 to index
        %swap3A_2563 = arith.index_cast %scan3A_2528 : i32 to index
        %swap3A_2564 = arith.constant 32 : index
        %swap3A_2565 = tpu.vector_load %arg7[%swap3A_2562, %swap3A_2563, %swap3A_2564] {strides = array<i32>} : memref<8x32x64xf32, #tpu.memory_space<vmem>>, vector<1x1x16xf32>,
        %swap3A_2566 = vector.shape_cast %swap3A_2565 : vector<1x1x16xf32> to vector<16xf32>
        %swap3A_2567 = vector.shape_cast %get3A_2560 : vector<16xf32> to vector<1x1x16xf32>
        tpu.vector_store %arg7[%swap3A_2562, %swap3A_2563, %swap3A_2564], %swap3A_2567 {strides = array<i32>} : memref<8x32x64xf32, #tpu.memory_space<vmem>>, vector<1x1x16xf32>,
        %get3A_2568 = arith.constant 4 : i32
        %get3A_2569 = arith.index_cast %get3A_2568 : i32 to index
        %get3A_2570 = arith.index_cast %scan3A_2528 : i32 to index
        %get3A_2571 = arith.constant 48 : index
        %get3A_2572 = tpu.vector_load %arg6[%get3A_2569, %get3A_2570, %get3A_2571] {strides = array<i32>} : memref<8x32x128xf32, #tpu.memory_space<vmem>>, vector<1x1x16xf32>,
        %get3A_2573 = vector.shape_cast %get3A_2572 : vector<1x1x16xf32> to vector<16xf32>
        %swap3A_2574 = arith.constant 4 : i32
        %swap3A_2575 = arith.index_cast %swap3A_2574 : i32 to index
        %swap3A_2576 = arith.index_cast %scan3A_2528 : i32 to index
        %swap3A_2577 = arith.constant 48 : index
        %swap3A_2578 = tpu.vector_load %arg7[%swap3A_2575, %swap3A_2576, %swap3A_2577] {strides = array<i32>} : memref<8x32x64xf32, #tpu.memory_space<vmem>>, vector<1x1x16xf32>,
        %swap3A_2579 = vector.shape_cast %swap3A_2578 : vector<1x1x16xf32> to vector<16xf32>
        %swap3A_2580 = vector.shape_cast %get3A_2573 : vector<16xf32> to vector<1x1x16xf32>
        tpu.vector_store %arg7[%swap3A_2575, %swap3A_2576, %swap3A_2577], %swap3A_2580 {strides = array<i32>} : memref<8x32x64xf32, #tpu.memory_space<vmem>>, vector<1x1x16xf32>,
      }
      %scan3A_958 = arith.constant 32 : i32
      %mul3A_959 = arith.constant 32 : i32
      %mul3A_960 = arith.muli %add3A_903, %mul3A_959 : i32
      %add3A_961 = arith.addi %mul3A_4, %mul3A_960 : i32
      %dma_start3A_962 = arith.constant 4 : i32
      %dma_start3A_963 = arith.constant 4 : i32
      %dma_start3A_964 = arith.constant 0 : i32
      %dma_start3A_965 = arith.constant 0 : i32
      %dma_start3A_966 = tpu.memref_slice %arg7[%dma_start3A_962, %dma_start3A_964, %dma_start3A_965] : memref<8x32x64xf32, #tpu.memory_space<vmem>> -> memref<1x32x64xf32, #tpu.memory_space<vmem>>
      %dma_start3A_967 = tpu.memref_squeeze %dma_start3A_966 : memref<1x32x64xf32, #tpu.memory_space<vmem>> -> memref<32x64xf32, #tpu.memory_space<vmem>>
      %dma_start3A_968 = arith.constant 0 : i32
      %dma_start3A_969 = tpu.memref_slice %arg4[%add3A_961, %dma_start3A_968] : memref<819200x64xf32, #tpu.memory_space<hbm>> -> memref<32x64xf32, #tpu.memory_space<hbm>>
      %dma_start3A_970 = tpu.memref_slice %arg9[%dma_start3A_963] : memref<8x!tpu.dma_semaphore, #tpu.memory_space<semaphore_mem>> -> memref<1x!tpu.dma_semaphore, #tpu.memory_space<semaphore_mem>>
      %dma_start3A_971 = tpu.memref_squeeze %dma_start3A_970 : memref<1x!tpu.dma_semaphore, #tpu.memory_space<semaphore_mem>> -> memref<!tpu.dma_semaphore, #tpu.memory_space<semaphore_mem>>
      %dma_start3A_972 = arith.constant 0 : i32
      %dma_start3A_973 = tpu.memref_slice %arg4[%add3A_961, %dma_start3A_972] : memref<819200x64xf32, #tpu.memory_space<hbm>> -> memref<32x64xf32, #tpu.memory_space<hbm>>
      %dma_start3A_974 = arith.constant 0 : i32
      %dma_start3A_975 = arith.constant 0 : i32
      %dma_start3A_976 = tpu.memref_slice %arg7[%dma_start3A_962, %dma_start3A_974, %dma_start3A_975] : memref<8x32x64xf32, #tpu.memory_space<vmem>> -> memref<1x32x64xf32, #tpu.memory_space<vmem>>
      %dma_start3A_977 = tpu.memref_squeeze %dma_start3A_976 : memref<1x32x64xf32, #tpu.memory_space<vmem>> -> memref<32x64xf32, #tpu.memory_space<vmem>>
      tpu.enqueue_dma source(%dma_start3A_977 : memref<32x64xf32, #tpu.memory_space<vmem>>) target(%dma_start3A_973 : memref<32x64xf32, #tpu.memory_space<hbm>>) target_semaphore(%dma_start3A_971 : memref<!tpu.dma_semaphore, #tpu.memory_space<semaphore_mem>>)
      %sub3A_978 = arith.constant 4 : i32
      %sub3A_979 = arith.subi %add3A_903, %sub3A_978 : i32
      %mul3A_980 = arith.constant 32 : i32
      %mul3A_981 = arith.muli %sub3A_979, %mul3A_980 : i32
      %add3A_982 = arith.addi %mul3A_4, %mul3A_981 : i32
      %dma_wait3A_983 = arith.constant 0 : i32
      %dma_wait3A_984 = arith.constant 0 : i32
      %dma_wait3A_985 = arith.constant 0 : i32
      %dma_wait3A_986 = arith.constant 0 : i32
      %dma_wait3A_987 = tpu.memref_slice %arg7[%dma_wait3A_983, %dma_wait3A_985, %dma_wait3A_986] : memref<8x32x64xf32, #tpu.memory_space<vmem>> -> memref<1x32x64xf32, #tpu.memory_space<vmem>>
      %dma_wait3A_988 = tpu.memref_squeeze %dma_wait3A_987 : memref<1x32x64xf32, #tpu.memory_space<vmem>> -> memref<32x64xf32, #tpu.memory_space<vmem>>
      %dma_wait3A_989 = arith.constant 0 : i32
      %dma_wait3A_990 = tpu.memref_slice %arg4[%add3A_982, %dma_wait3A_989] : memref<819200x64xf32, #tpu.memory_space<hbm>> -> memref<32x64xf32, #tpu.memory_space<hbm>>
      %dma_wait3A_991 = tpu.memref_slice %arg9[%dma_wait3A_984] : memref<8x!tpu.dma_semaphore, #tpu.memory_space<semaphore_mem>> -> memref<1x!tpu.dma_semaphore, #tpu.memory_space<semaphore_mem>>
      %dma_wait3A_992 = tpu.memref_squeeze %dma_wait3A_991 : memref<1x!tpu.dma_semaphore, #tpu.memory_space<semaphore_mem>> -> memref<!tpu.dma_semaphore, #tpu.memory_space<semaphore_mem>>
      %dma_wait3A_993 = arith.constant 0 : i32
      %dma_wait3A_994 = tpu.memref_slice %arg4[%add3A_982, %dma_wait3A_993] : memref<819200x64xf32, #tpu.memory_space<hbm>> -> memref<32x64xf32, #tpu.memory_space<hbm>>
      %dma_wait3A_995 = arith.constant 0 : i32
      %dma_wait3A_996 = arith.constant 0 : i32
      %dma_wait3A_997 = tpu.memref_slice %arg7[%dma_wait3A_983, %dma_wait3A_995, %dma_wait3A_996] : memref<8x32x64xf32, #tpu.memory_space<vmem>> -> memref<1x32x64xf32, #tpu.memory_space<vmem>>
      %dma_wait3A_998 = tpu.memref_squeeze %dma_wait3A_997 : memref<1x32x64xf32, #tpu.memory_space<vmem>> -> memref<32x64xf32, #tpu.memory_space<vmem>>
      tpu.wait_dma2 semaphore(%dma_wait3A_992 : memref<!tpu.dma_semaphore, #tpu.memory_space<semaphore_mem>>) src(%dma_wait3A_998 : memref<32x64xf32, #tpu.memory_space<vmem>>) dst(%dma_wait3A_994 : memref<32x64xf32, #tpu.memory_space<hbm>>)
      %add3A_999 = arith.constant 4 : i32
      %add3A_1000 = arith.addi %add3A_903, %add3A_999 : i32
      %jit3A_1001 = arith.constant 4 : i32
      %div3A_1002 = arith.divsi %add3A_1000, %jit3A_1001 : i32
      %sign3A_1003 = arith.constant 0 : i32
      %sign3A_1004 = arith.cmpi sgt, %add3A_1000, %sign3A_1003 : i32
      %sign3A_1005 = arith.extui %sign3A_1004 : i1 to i32
      %sign3A_1006 = arith.constant 0 : i32
      %sign3A_1007 = arith.cmpi slt, %add3A_1000, %sign3A_1006 : i32
      %sign3A_1008 = arith.extui %sign3A_1007 : i1 to i32
      %sign3A_1009 = arith.subi %sign3A_1005, %sign3A_1008 : i32
      %sign3A_1010 = arith.constant 0 : i32
      %sign3A_1011 = arith.cmpi sgt, %jit3A_1001, %sign3A_1010 : i32
      %sign3A_1012 = arith.extui %sign3A_1011 : i1 to i32
      %sign3A_1013 = arith.constant 0 : i32
      %sign3A_1014 = arith.cmpi slt, %jit3A_1001, %sign3A_1013 : i32
      %sign3A_1015 = arith.extui %sign3A_1014 : i1 to i32
      %sign3A_1016 = arith.subi %sign3A_1012, %sign3A_1015 : i32
      %ne3A_1017 = arith.cmpi ne, %sign3A_1009, %sign3A_1016 : i32
      %rem3A_1018 = arith.remsi %add3A_1000, %jit3A_1001 : i32
      %ne3A_1019 = arith.constant 0 : i32
      %ne3A_1020 = arith.cmpi ne, %rem3A_1018, %ne3A_1019 : i32
      %and3A_1021 = arith.andi %ne3A_1017, %ne3A_1020 : i1
      %sub3A_1022 = arith.constant 1 : i32
      %sub3A_1023 = arith.subi %div3A_1002, %sub3A_1022 : i32
      %select_n3A_1024 = arith.select %and3A_1021, %sub3A_1023, %div3A_1002 : i32
      %jit3A_1025 = arith.constant 4 : i32
      %eq3A_1026 = arith.constant 0 : i32
      %eq3A_1027 = arith.cmpi eq, %jit3A_1025, %eq3A_1026 : i32
      %jit3A_1028 = arith.constant 1 : i32
      %select_n3A_1029 = arith.select %eq3A_1027, %jit3A_1028, %jit3A_1025 : i32
      %rem3A_1030 = arith.remsi %add3A_1000, %select_n3A_1029 : i32
      %ne3A_1031 = arith.constant 0 : i32
      %ne3A_1032 = arith.cmpi ne, %rem3A_1030, %ne3A_1031 : i32
      %lt3A_1033 = arith.constant 0 : i32
      %lt3A_1034 = arith.cmpi slt, %rem3A_1030, %lt3A_1033 : i32
      %lt3A_1035 = arith.constant 0 : i32
      %lt3A_1036 = arith.cmpi slt, %select_n3A_1029, %lt3A_1035 : i32
      %ne3A_1037 = arith.xori %lt3A_1034, %lt3A_1036 : i1
      %and3A_1038 = arith.andi %ne3A_1037, %ne3A_1032 : i1
      %add3A_1039 = arith.addi %rem3A_1030, %select_n3A_1029 : i32
      %select_n3A_1040 = arith.select %and3A_1038, %add3A_1039, %rem3A_1030 : i32
      %mul3A_1041 = arith.constant 32 : i32
      %mul3A_1042 = arith.muli %select_n3A_1040, %mul3A_1041 : i32
      %add3A_1043 = arith.constant 0 : i32
      %add3A_1044 = arith.addi %mul3A_1042, %add3A_1043 : i32
      %get3A_1045 = arith.index_cast %select_n3A_1024 : i32 to index
      %get3A_1046 = arith.index_cast %add3A_1044 : i32 to index
      %get3A_1047 = tpu.vector_load %arg5[%get3A_1045, %get3A_1046] {strides = array<i32>} : memref<200x128xi32, #tpu.memory_space<vmem>>, vector<1x16xi32>,
      %get3A_1048 = vector.shape_cast %get3A_1047 : vector<1x16xi32> to vector<16xi32>
      %eq3A_1049 = arith.constant 0 : i32
      %eq3A_1050 = vector.broadcast %eq3A_1049 : i32 to vector<16xi32>
      %eq3A_1051 = arith.cmpi eq, %get3A_1048, %eq3A_1050 : vector<16xi32>
      %sub3A_1052 = arith.constant 1 : i32
      %sub3A_1053 = vector.broadcast %sub3A_1052 : i32 to vector<16xi32>
      %sub3A_1054 = arith.subi %get3A_1048, %sub3A_1053 : vector<16xi32>
      %jit3A_1055 = arith.constant 99999 : i32
      %broadcast_in_dim3A_1056 = vector.broadcast %jit3A_1055 : i32 to vector<16xi32>
      %select_n3A_1057 = arith.select %eq3A_1051, %broadcast_in_dim3A_1056, %sub3A_1054 : vector<16xi1>, vector<16xi32>
      %add3A_1058 = arith.constant 0 : i32
      %add3A_1059 = arith.addi %mul3A_1042, %add3A_1058 : i32
      %swap3A_1060 = arith.index_cast %select_n3A_1024 : i32 to index
      %swap3A_1061 = arith.index_cast %add3A_1059 : i32 to index
      %swap3A_1062 = tpu.vector_load %arg5[%swap3A_1060, %swap3A_1061] {strides = array<i32>} : memref<200x128xi32, #tpu.memory_space<vmem>>, vector<1x16xi32>,
      %swap3A_1063 = vector.shape_cast %swap3A_1062 : vector<1x16xi32> to vector<16xi32>
      %swap3A_1064 = vector.shape_cast %select_n3A_1057 : vector<16xi32> to vector<1x16xi32>
      tpu.vector_store %arg5[%swap3A_1060, %swap3A_1061], %swap3A_1064 {strides = array<i32>} : memref<200x128xi32, #tpu.memory_space<vmem>>, vector<1x16xi32>,
      %add3A_1065 = arith.constant 16 : i32
      %add3A_1066 = arith.addi %mul3A_1042, %add3A_1065 : i32
      %get3A_1067 = arith.index_cast %select_n3A_1024 : i32 to index
      %get3A_1068 = arith.index_cast %add3A_1066 : i32 to index
      %get3A_1069 = tpu.vector_load %arg5[%get3A_1067, %get3A_1068] {strides = array<i32>} : memref<200x128xi32, #tpu.memory_space<vmem>>, vector<1x16xi32>,
      %get3A_1070 = vector.shape_cast %get3A_1069 : vector<1x16xi32> to vector<16xi32>
      %eq3A_1071 = arith.constant 0 : i32
      %eq3A_1072 = vector.broadcast %eq3A_1071 : i32 to vector<16xi32>
      %eq3A_1073 = arith.cmpi eq, %get3A_1070, %eq3A_1072 : vector<16xi32>
      %sub3A_1074 = arith.constant 1 : i32
      %sub3A_1075 = vector.broadcast %sub3A_1074 : i32 to vector<16xi32>
      %sub3A_1076 = arith.subi %get3A_1070, %sub3A_1075 : vector<16xi32>
      %jit3A_1077 = arith.constant 99999 : i32
      %broadcast_in_dim3A_1078 = vector.broadcast %jit3A_1077 : i32 to vector<16xi32>
      %select_n3A_1079 = arith.select %eq3A_1073, %broadcast_in_dim3A_1078, %sub3A_1076 : vector<16xi1>, vector<16xi32>
      %add3A_1080 = arith.constant 16 : i32
      %add3A_1081 = arith.addi %mul3A_1042, %add3A_1080 : i32
      %swap3A_1082 = arith.index_cast %select_n3A_1024 : i32 to index
      %swap3A_1083 = arith.index_cast %add3A_1081 : i32 to index
      %swap3A_1084 = tpu.vector_load %arg5[%swap3A_1082, %swap3A_1083] {strides = array<i32>} : memref<200x128xi32, #tpu.memory_space<vmem>>, vector<1x16xi32>,
      %swap3A_1085 = vector.shape_cast %swap3A_1084 : vector<1x16xi32> to vector<16xi32>
      %swap3A_1086 = vector.shape_cast %select_n3A_1079 : vector<16xi32> to vector<1x16xi32>
      tpu.vector_store %arg5[%swap3A_1082, %swap3A_1083], %swap3A_1086 {strides = array<i32>} : memref<200x128xi32, #tpu.memory_space<vmem>>, vector<1x16xi32>,
      %dma_start3A_1087 = arith.constant 0 : i32
      %dma_start3A_1088 = arith.constant 0 : i32
      %dma_start3A_1089 = arith.constant 0 : i32
      %dma_start3A_1090 = arith.constant 0 : i32
      %dma_start3A_1091 = tpu.memref_slice %arg6[%dma_start3A_1087, %dma_start3A_1089, %dma_start3A_1090] : memref<8x32x128xf32, #tpu.memory_space<vmem>> -> memref<1x32x128xf32, #tpu.memory_space<vmem>>
      %dma_start3A_1092 = tpu.memref_squeeze %dma_start3A_1091 : memref<1x32x128xf32, #tpu.memory_space<vmem>> -> memref<32x128xf32, #tpu.memory_space<vmem>>
      %dma_start3A_1093 = tpu.memref_slice %arg5[%select_n3A_1024, %mul3A_1042] : memref<200x128xi32, #tpu.memory_space<vmem>> -> memref<1x32xi32, #tpu.memory_space<vmem>>
      %dma_start3A_1094 = tpu.memref_squeeze %dma_start3A_1093 : memref<1x32xi32, #tpu.memory_space<vmem>> -> memref<32xi32, #tpu.memory_space<vmem>>
      %dma_start3A_1095 = arith.constant 0 : i32
      %dma_start3A_1096 = arith.constant 0 : i32
      %dma_start3A_1097 = tpu.memref_slice %arg3[%dma_start3A_1095, %dma_start3A_1096] : memref<100000x128xf32, #tpu.memory_space<hbm>> -> memref<100000x128xf32, #tpu.memory_space<hbm>>
      %dma_start3A_1098 = tpu.memref_slice %arg8[%dma_start3A_1088] : memref<8x!tpu.dma_semaphore, #tpu.memory_space<semaphore_mem>> -> memref<1x!tpu.dma_semaphore, #tpu.memory_space<semaphore_mem>>
      %dma_start3A_1099 = tpu.memref_squeeze %dma_start3A_1098 : memref<1x!tpu.dma_semaphore, #tpu.memory_space<semaphore_mem>> -> memref<!tpu.dma_semaphore, #tpu.memory_space<semaphore_mem>>
      tpu.enqueue_indirect_dma source(%dma_start3A_1097 : memref<100000x128xf32, #tpu.memory_space<hbm>>) target(%dma_start3A_1092 : memref<32x128xf32, #tpu.memory_space<vmem>>) offsets(%dma_start3A_1094 : memref<32xi32, #tpu.memory_space<vmem>>) semaphore(%dma_start3A_1099 : memref<!tpu.dma_semaphore, #tpu.memory_space<semaphore_mem>>)
      %add3A_1100 = arith.constant 1 : i32
      %add3A_1101 = arith.addi %add3A_901, %add3A_1100 : i32
      %jit3A_1102 = arith.constant 4 : i32
      %div3A_1103 = arith.divsi %add3A_1101, %jit3A_1102 : i32
      %sign3A_1104 = arith.constant 0 : i32
      %sign3A_1105 = arith.cmpi sgt, %add3A_1101, %sign3A_1104 : i32
      %sign3A_1106 = arith.extui %sign3A_1105 : i1 to i32
      %sign3A_1107 = arith.constant 0 : i32
      %sign3A_1108 = arith.cmpi slt, %add3A_1101, %sign3A_1107 : i32
      %sign3A_1109 = arith.extui %sign3A_1108 : i1 to i32
      %sign3A_1110 = arith.subi %sign3A_1106, %sign3A_1109 : i32
      %sign3A_1111 = arith.constant 0 : i32
      %sign3A_1112 = arith.cmpi sgt, %jit3A_1102, %sign3A_1111 : i32
      %sign3A_1113 = arith.extui %sign3A_1112 : i1 to i32
      %sign3A_1114 = arith.constant 0 : i32
      %sign3A_1115 = arith.cmpi slt, %jit3A_1102, %sign3A_1114 : i32
      %sign3A_1116 = arith.extui %sign3A_1115 : i1 to i32
      %sign3A_1117 = arith.subi %sign3A_1113, %sign3A_1116 : i32
      %ne3A_1118 = arith.cmpi ne, %sign3A_1110, %sign3A_1117 : i32
      %rem3A_1119 = arith.remsi %add3A_1101, %jit3A_1102 : i32
      %ne3A_1120 = arith.constant 0 : i32
      %ne3A_1121 = arith.cmpi ne, %rem3A_1119, %ne3A_1120 : i32
      %and3A_1122 = arith.andi %ne3A_1118, %ne3A_1121 : i1
      %sub3A_1123 = arith.constant 1 : i32
      %sub3A_1124 = arith.subi %div3A_1103, %sub3A_1123 : i32
      %select_n3A_1125 = arith.select %and3A_1122, %sub3A_1124, %div3A_1103 : i32
      %jit3A_1126 = arith.constant 4 : i32
      %eq3A_1127 = arith.constant 0 : i32
      %eq3A_1128 = arith.cmpi eq, %jit3A_1126, %eq3A_1127 : i32
      %jit3A_1129 = arith.constant 1 : i32
      %select_n3A_1130 = arith.select %eq3A_1128, %jit3A_1129, %jit3A_1126 : i32
      %rem3A_1131 = arith.remsi %add3A_1101, %select_n3A_1130 : i32
      %ne3A_1132 = arith.constant 0 : i32
      %ne3A_1133 = arith.cmpi ne, %rem3A_1131, %ne3A_1132 : i32
      %lt3A_1134 = arith.constant 0 : i32
      %lt3A_1135 = arith.cmpi slt, %rem3A_1131, %lt3A_1134 : i32
      %lt3A_1136 = arith.constant 0 : i32
      %lt3A_1137 = arith.cmpi slt, %select_n3A_1130, %lt3A_1136 : i32
      %ne3A_1138 = arith.xori %lt3A_1135, %lt3A_1137 : i1
      %and3A_1139 = arith.andi %ne3A_1138, %ne3A_1133 : i1
      %add3A_1140 = arith.addi %rem3A_1131, %select_n3A_1130 : i32
      %select_n3A_1141 = arith.select %and3A_1139, %add3A_1140, %rem3A_1131 : i32
      %mul3A_1142 = arith.constant 32 : i32
      %mul3A_1143 = arith.muli %select_n3A_1141, %mul3A_1142 : i32
      %dma_wait3A_1144 = arith.constant 5 : i32
      %dma_wait3A_1145 = arith.constant 5 : i32
      %dma_wait3A_1146 = arith.constant 0 : i32
      %dma_wait3A_1147 = arith.constant 0 : i32
      %dma_wait3A_1148 = tpu.memref_slice %arg6[%dma_wait3A_1144, %dma_wait3A_1146, %dma_wait3A_1147] : memref<8x32x128xf32, #tpu.memory_space<vmem>> -> memref<1x32x128xf32, #tpu.memory_space<vmem>>
      %dma_wait3A_1149 = tpu.memref_squeeze %dma_wait3A_1148 : memref<1x32x128xf32, #tpu.memory_space<vmem>> -> memref<32x128xf32, #tpu.memory_space<vmem>>
      %dma_wait3A_1150 = tpu.memref_slice %arg5[%select_n3A_1125, %mul3A_1143] : memref<200x128xi32, #tpu.memory_space<vmem>> -> memref<1x32xi32, #tpu.memory_space<vmem>>
      %dma_wait3A_1151 = tpu.memref_squeeze %dma_wait3A_1150 : memref<1x32xi32, #tpu.memory_space<vmem>> -> memref<32xi32, #tpu.memory_space<vmem>>
      %dma_wait3A_1152 = arith.constant 0 : i32
      %dma_wait3A_1153 = arith.constant 0 : i32
      %dma_wait3A_1154 = tpu.memref_slice %arg3[%dma_wait3A_1152, %dma_wait3A_1153] : memref<100000x128xf32, #tpu.memory_space<hbm>> -> memref<100000x128xf32, #tpu.memory_space<hbm>>
      %dma_wait3A_1155 = tpu.memref_slice %arg8[%dma_wait3A_1145] : memref<8x!tpu.dma_semaphore, #tpu.memory_space<semaphore_mem>> -> memref<1x!tpu.dma_semaphore, #tpu.memory_space<semaphore_mem>>
      %dma_wait3A_1156 = tpu.memref_squeeze %dma_wait3A_1155 : memref<1x!tpu.dma_semaphore, #tpu.memory_space<semaphore_mem>> -> memref<!tpu.dma_semaphore, #tpu.memory_space<semaphore_mem>>
      tpu.wait_indirect_dma semaphore(%dma_wait3A_1156 : memref<!tpu.dma_semaphore, #tpu.memory_space<semaphore_mem>>) src(%dma_wait3A_1154 : memref<100000x128xf32, #tpu.memory_space<hbm>>) dst(%dma_wait3A_1149 : memref<32x128xf32, #tpu.memory_space<vmem>>)
      %scan3A_1157 = arith.constant 0 : i32
      %scan3A_1158 = arith.constant 0 : i32
      %scan3A_1159 = arith.constant 32 : i32
      %scan3A_1160 = arith.addi %scan3A_1158, %scan3A_1159 : i32
      %scan3A_1161 = arith.constant 1 : i32
      scf.for %scan3A_2528 = %scan3A_1158 to %scan3A_1160 step %scan3A_1161  : i32 {
        %get3A_2529 = arith.constant 5 : i32
        %get3A_2530 = arith.index_cast %get3A_2529 : i32 to index
        %get3A_2531 = arith.index_cast %scan3A_2528 : i32 to index
        %get3A_2532 = arith.constant 0 : index
        %get3A_2533 = tpu.vector_load %arg6[%get3A_2530, %get3A_2531, %get3A_2532] {strides = array<i32>} : memref<8x32x128xf32, #tpu.memory_space<vmem>>, vector<1x1x16xf32>,
        %get3A_2534 = vector.shape_cast %get3A_2533 : vector<1x1x16xf32> to vector<16xf32>
        %swap3A_2535 = arith.constant 5 : i32
        %swap3A_2536 = arith.index_cast %swap3A_2535 : i32 to index
        %swap3A_2537 = arith.index_cast %scan3A_2528 : i32 to index
        %swap3A_2538 = arith.constant 0 : index
        %swap3A_2539 = tpu.vector_load %arg7[%swap3A_2536, %swap3A_2537, %swap3A_2538] {strides = array<i32>} : memref<8x32x64xf32, #tpu.memory_space<vmem>>, vector<1x1x16xf32>,
        %swap3A_2540 = vector.shape_cast %swap3A_2539 : vector<1x1x16xf32> to vector<16xf32>
        %swap3A_2541 = vector.shape_cast %get3A_2534 : vector<16xf32> to vector<1x1x16xf32>
        tpu.vector_store %arg7[%swap3A_2536, %swap3A_2537, %swap3A_2538], %swap3A_2541 {strides = array<i32>} : memref<8x32x64xf32, #tpu.memory_space<vmem>>, vector<1x1x16xf32>,
        %get3A_2542 = arith.constant 5 : i32
        %get3A_2543 = arith.index_cast %get3A_2542 : i32 to index
        %get3A_2544 = arith.index_cast %scan3A_2528 : i32 to index
        %get3A_2545 = arith.constant 16 : index
        %get3A_2546 = tpu.vector_load %arg6[%get3A_2543, %get3A_2544, %get3A_2545] {strides = array<i32>} : memref<8x32x128xf32, #tpu.memory_space<vmem>>, vector<1x1x16xf32>,
        %get3A_2547 = vector.shape_cast %get3A_2546 : vector<1x1x16xf32> to vector<16xf32>
        %swap3A_2548 = arith.constant 5 : i32
        %swap3A_2549 = arith.index_cast %swap3A_2548 : i32 to index
        %swap3A_2550 = arith.index_cast %scan3A_2528 : i32 to index
        %swap3A_2551 = arith.constant 16 : index
        %swap3A_2552 = tpu.vector_load %arg7[%swap3A_2549, %swap3A_2550, %swap3A_2551] {strides = array<i32>} : memref<8x32x64xf32, #tpu.memory_space<vmem>>, vector<1x1x16xf32>,
        %swap3A_2553 = vector.shape_cast %swap3A_2552 : vector<1x1x16xf32> to vector<16xf32>
        %swap3A_2554 = vector.shape_cast %get3A_2547 : vector<16xf32> to vector<1x1x16xf32>
        tpu.vector_store %arg7[%swap3A_2549, %swap3A_2550, %swap3A_2551], %swap3A_2554 {strides = array<i32>} : memref<8x32x64xf32, #tpu.memory_space<vmem>>, vector<1x1x16xf32>,
        %get3A_2555 = arith.constant 5 : i32
        %get3A_2556 = arith.index_cast %get3A_2555 : i32 to index
        %get3A_2557 = arith.index_cast %scan3A_2528 : i32 to index
        %get3A_2558 = arith.constant 32 : index
        %get3A_2559 = tpu.vector_load %arg6[%get3A_2556, %get3A_2557, %get3A_2558] {strides = array<i32>} : memref<8x32x128xf32, #tpu.memory_space<vmem>>, vector<1x1x16xf32>,
        %get3A_2560 = vector.shape_cast %get3A_2559 : vector<1x1x16xf32> to vector<16xf32>
        %swap3A_2561 = arith.constant 5 : i32
        %swap3A_2562 = arith.index_cast %swap3A_2561 : i32 to index
        %swap3A_2563 = arith.index_cast %scan3A_2528 : i32 to index
        %swap3A_2564 = arith.constant 32 : index
        %swap3A_2565 = tpu.vector_load %arg7[%swap3A_2562, %swap3A_2563, %swap3A_2564] {strides = array<i32>} : memref<8x32x64xf32, #tpu.memory_space<vmem>>, vector<1x1x16xf32>,
        %swap3A_2566 = vector.shape_cast %swap3A_2565 : vector<1x1x16xf32> to vector<16xf32>
        %swap3A_2567 = vector.shape_cast %get3A_2560 : vector<16xf32> to vector<1x1x16xf32>
        tpu.vector_store %arg7[%swap3A_2562, %swap3A_2563, %swap3A_2564], %swap3A_2567 {strides = array<i32>} : memref<8x32x64xf32, #tpu.memory_space<vmem>>, vector<1x1x16xf32>,
        %get3A_2568 = arith.constant 5 : i32
        %get3A_2569 = arith.index_cast %get3A_2568 : i32 to index
        %get3A_2570 = arith.index_cast %scan3A_2528 : i32 to index
        %get3A_2571 = arith.constant 48 : index
        %get3A_2572 = tpu.vector_load %arg6[%get3A_2569, %get3A_2570, %get3A_2571] {strides = array<i32>} : memref<8x32x128xf32, #tpu.memory_space<vmem>>, vector<1x1x16xf32>,
        %get3A_2573 = vector.shape_cast %get3A_2572 : vector<1x1x16xf32> to vector<16xf32>
        %swap3A_2574 = arith.constant 5 : i32
        %swap3A_2575 = arith.index_cast %swap3A_2574 : i32 to index
        %swap3A_2576 = arith.index_cast %scan3A_2528 : i32 to index
        %swap3A_2577 = arith.constant 48 : index
        %swap3A_2578 = tpu.vector_load %arg7[%swap3A_2575, %swap3A_2576, %swap3A_2577] {strides = array<i32>} : memref<8x32x64xf32, #tpu.memory_space<vmem>>, vector<1x1x16xf32>,
        %swap3A_2579 = vector.shape_cast %swap3A_2578 : vector<1x1x16xf32> to vector<16xf32>
        %swap3A_2580 = vector.shape_cast %get3A_2573 : vector<16xf32> to vector<1x1x16xf32>
        tpu.vector_store %arg7[%swap3A_2575, %swap3A_2576, %swap3A_2577], %swap3A_2580 {strides = array<i32>} : memref<8x32x64xf32, #tpu.memory_space<vmem>>, vector<1x1x16xf32>,
      }
      %scan3A_1162 = arith.constant 32 : i32
      %mul3A_1163 = arith.constant 32 : i32
      %mul3A_1164 = arith.muli %add3A_1101, %mul3A_1163 : i32
      %add3A_1165 = arith.addi %mul3A_4, %mul3A_1164 : i32
      %dma_start3A_1166 = arith.constant 5 : i32
      %dma_start3A_1167 = arith.constant 5 : i32
      %dma_start3A_1168 = arith.constant 0 : i32
      %dma_start3A_1169 = arith.constant 0 : i32
      %dma_start3A_1170 = tpu.memref_slice %arg7[%dma_start3A_1166, %dma_start3A_1168, %dma_start3A_1169] : memref<8x32x64xf32, #tpu.memory_space<vmem>> -> memref<1x32x64xf32, #tpu.memory_space<vmem>>
      %dma_start3A_1171 = tpu.memref_squeeze %dma_start3A_1170 : memref<1x32x64xf32, #tpu.memory_space<vmem>> -> memref<32x64xf32, #tpu.memory_space<vmem>>
      %dma_start3A_1172 = arith.constant 0 : i32
      %dma_start3A_1173 = tpu.memref_slice %arg4[%add3A_1165, %dma_start3A_1172] : memref<819200x64xf32, #tpu.memory_space<hbm>> -> memref<32x64xf32, #tpu.memory_space<hbm>>
      %dma_start3A_1174 = tpu.memref_slice %arg9[%dma_start3A_1167] : memref<8x!tpu.dma_semaphore, #tpu.memory_space<semaphore_mem>> -> memref<1x!tpu.dma_semaphore, #tpu.memory_space<semaphore_mem>>
      %dma_start3A_1175 = tpu.memref_squeeze %dma_start3A_1174 : memref<1x!tpu.dma_semaphore, #tpu.memory_space<semaphore_mem>> -> memref<!tpu.dma_semaphore, #tpu.memory_space<semaphore_mem>>
      %dma_start3A_1176 = arith.constant 0 : i32
      %dma_start3A_1177 = tpu.memref_slice %arg4[%add3A_1165, %dma_start3A_1176] : memref<819200x64xf32, #tpu.memory_space<hbm>> -> memref<32x64xf32, #tpu.memory_space<hbm>>
      %dma_start3A_1178 = arith.constant 0 : i32
      %dma_start3A_1179 = arith.constant 0 : i32
      %dma_start3A_1180 = tpu.memref_slice %arg7[%dma_start3A_1166, %dma_start3A_1178, %dma_start3A_1179] : memref<8x32x64xf32, #tpu.memory_space<vmem>> -> memref<1x32x64xf32, #tpu.memory_space<vmem>>
      %dma_start3A_1181 = tpu.memref_squeeze %dma_start3A_1180 : memref<1x32x64xf32, #tpu.memory_space<vmem>> -> memref<32x64xf32, #tpu.memory_space<vmem>>
      tpu.enqueue_dma source(%dma_start3A_1181 : memref<32x64xf32, #tpu.memory_space<vmem>>) target(%dma_start3A_1177 : memref<32x64xf32, #tpu.memory_space<hbm>>) target_semaphore(%dma_start3A_1175 : memref<!tpu.dma_semaphore, #tpu.memory_space<semaphore_mem>>)
      %sub3A_1182 = arith.constant 4 : i32
      %sub3A_1183 = arith.subi %add3A_1101, %sub3A_1182 : i32
      %mul3A_1184 = arith.constant 32 : i32
      %mul3A_1185 = arith.muli %sub3A_1183, %mul3A_1184 : i32
      %add3A_1186 = arith.addi %mul3A_4, %mul3A_1185 : i32
      %dma_wait3A_1187 = arith.constant 1 : i32
      %dma_wait3A_1188 = arith.constant 1 : i32
      %dma_wait3A_1189 = arith.constant 0 : i32
      %dma_wait3A_1190 = arith.constant 0 : i32
      %dma_wait3A_1191 = tpu.memref_slice %arg7[%dma_wait3A_1187, %dma_wait3A_1189, %dma_wait3A_1190] : memref<8x32x64xf32, #tpu.memory_space<vmem>> -> memref<1x32x64xf32, #tpu.memory_space<vmem>>
      %dma_wait3A_1192 = tpu.memref_squeeze %dma_wait3A_1191 : memref<1x32x64xf32, #tpu.memory_space<vmem>> -> memref<32x64xf32, #tpu.memory_space<vmem>>
      %dma_wait3A_1193 = arith.constant 0 : i32
      %dma_wait3A_1194 = tpu.memref_slice %arg4[%add3A_1186, %dma_wait3A_1193] : memref<819200x64xf32, #tpu.memory_space<hbm>> -> memref<32x64xf32, #tpu.memory_space<hbm>>
      %dma_wait3A_1195 = tpu.memref_slice %arg9[%dma_wait3A_1188] : memref<8x!tpu.dma_semaphore, #tpu.memory_space<semaphore_mem>> -> memref<1x!tpu.dma_semaphore, #tpu.memory_space<semaphore_mem>>
      %dma_wait3A_1196 = tpu.memref_squeeze %dma_wait3A_1195 : memref<1x!tpu.dma_semaphore, #tpu.memory_space<semaphore_mem>> -> memref<!tpu.dma_semaphore, #tpu.memory_space<semaphore_mem>>
      %dma_wait3A_1197 = arith.constant 0 : i32
      %dma_wait3A_1198 = tpu.memref_slice %arg4[%add3A_1186, %dma_wait3A_1197] : memref<819200x64xf32, #tpu.memory_space<hbm>> -> memref<32x64xf32, #tpu.memory_space<hbm>>
      %dma_wait3A_1199 = arith.constant 0 : i32
      %dma_wait3A_1200 = arith.constant 0 : i32
      %dma_wait3A_1201 = tpu.memref_slice %arg7[%dma_wait3A_1187, %dma_wait3A_1199, %dma_wait3A_1200] : memref<8x32x64xf32, #tpu.memory_space<vmem>> -> memref<1x32x64xf32, #tpu.memory_space<vmem>>
      %dma_wait3A_1202 = tpu.memref_squeeze %dma_wait3A_1201 : memref<1x32x64xf32, #tpu.memory_space<vmem>> -> memref<32x64xf32, #tpu.memory_space<vmem>>
      tpu.wait_dma2 semaphore(%dma_wait3A_1196 : memref<!tpu.dma_semaphore, #tpu.memory_space<semaphore_mem>>) src(%dma_wait3A_1202 : memref<32x64xf32, #tpu.memory_space<vmem>>) dst(%dma_wait3A_1198 : memref<32x64xf32, #tpu.memory_space<hbm>>)
      %add3A_1203 = arith.constant 4 : i32
      %add3A_1204 = arith.addi %add3A_1101, %add3A_1203 : i32
      %jit3A_1205 = arith.constant 4 : i32
      %div3A_1206 = arith.divsi %add3A_1204, %jit3A_1205 : i32
      %sign3A_1207 = arith.constant 0 : i32
      %sign3A_1208 = arith.cmpi sgt, %add3A_1204, %sign3A_1207 : i32
      %sign3A_1209 = arith.extui %sign3A_1208 : i1 to i32
      %sign3A_1210 = arith.constant 0 : i32
      %sign3A_1211 = arith.cmpi slt, %add3A_1204, %sign3A_1210 : i32
      %sign3A_1212 = arith.extui %sign3A_1211 : i1 to i32
      %sign3A_1213 = arith.subi %sign3A_1209, %sign3A_1212 : i32
      %sign3A_1214 = arith.constant 0 : i32
      %sign3A_1215 = arith.cmpi sgt, %jit3A_1205, %sign3A_1214 : i32
      %sign3A_1216 = arith.extui %sign3A_1215 : i1 to i32
      %sign3A_1217 = arith.constant 0 : i32
      %sign3A_1218 = arith.cmpi slt, %jit3A_1205, %sign3A_1217 : i32
      %sign3A_1219 = arith.extui %sign3A_1218 : i1 to i32
      %sign3A_1220 = arith.subi %sign3A_1216, %sign3A_1219 : i32
      %ne3A_1221 = arith.cmpi ne, %sign3A_1213, %sign3A_1220 : i32
      %rem3A_1222 = arith.remsi %add3A_1204, %jit3A_1205 : i32
      %ne3A_1223 = arith.constant 0 : i32
      %ne3A_1224 = arith.cmpi ne, %rem3A_1222, %ne3A_1223 : i32
      %and3A_1225 = arith.andi %ne3A_1221, %ne3A_1224 : i1
      %sub3A_1226 = arith.constant 1 : i32
      %sub3A_1227 = arith.subi %div3A_1206, %sub3A_1226 : i32
      %select_n3A_1228 = arith.select %and3A_1225, %sub3A_1227, %div3A_1206 : i32
      %jit3A_1229 = arith.constant 4 : i32
      %eq3A_1230 = arith.constant 0 : i32
      %eq3A_1231 = arith.cmpi eq, %jit3A_1229, %eq3A_1230 : i32
      %jit3A_1232 = arith.constant 1 : i32
      %select_n3A_1233 = arith.select %eq3A_1231, %jit3A_1232, %jit3A_1229 : i32
      %rem3A_1234 = arith.remsi %add3A_1204, %select_n3A_1233 : i32
      %ne3A_1235 = arith.constant 0 : i32
      %ne3A_1236 = arith.cmpi ne, %rem3A_1234, %ne3A_1235 : i32
      %lt3A_1237 = arith.constant 0 : i32
      %lt3A_1238 = arith.cmpi slt, %rem3A_1234, %lt3A_1237 : i32
      %lt3A_1239 = arith.constant 0 : i32
      %lt3A_1240 = arith.cmpi slt, %select_n3A_1233, %lt3A_1239 : i32
      %ne3A_1241 = arith.xori %lt3A_1238, %lt3A_1240 : i1
      %and3A_1242 = arith.andi %ne3A_1241, %ne3A_1236 : i1
      %add3A_1243 = arith.addi %rem3A_1234, %select_n3A_1233 : i32
      %select_n3A_1244 = arith.select %and3A_1242, %add3A_1243, %rem3A_1234 : i32
      %mul3A_1245 = arith.constant 32 : i32
      %mul3A_1246 = arith.muli %select_n3A_1244, %mul3A_1245 : i32
      %add3A_1247 = arith.constant 0 : i32
      %add3A_1248 = arith.addi %mul3A_1246, %add3A_1247 : i32
      %get3A_1249 = arith.index_cast %select_n3A_1228 : i32 to index
      %get3A_1250 = arith.index_cast %add3A_1248 : i32 to index
      %get3A_1251 = tpu.vector_load %arg5[%get3A_1249, %get3A_1250] {strides = array<i32>} : memref<200x128xi32, #tpu.memory_space<vmem>>, vector<1x16xi32>,
      %get3A_1252 = vector.shape_cast %get3A_1251 : vector<1x16xi32> to vector<16xi32>
      %eq3A_1253 = arith.constant 0 : i32
      %eq3A_1254 = vector.broadcast %eq3A_1253 : i32 to vector<16xi32>
      %eq3A_1255 = arith.cmpi eq, %get3A_1252, %eq3A_1254 : vector<16xi32>
      %sub3A_1256 = arith.constant 1 : i32
      %sub3A_1257 = vector.broadcast %sub3A_1256 : i32 to vector<16xi32>
      %sub3A_1258 = arith.subi %get3A_1252, %sub3A_1257 : vector<16xi32>
      %jit3A_1259 = arith.constant 99999 : i32
      %broadcast_in_dim3A_1260 = vector.broadcast %jit3A_1259 : i32 to vector<16xi32>
      %select_n3A_1261 = arith.select %eq3A_1255, %broadcast_in_dim3A_1260, %sub3A_1258 : vector<16xi1>, vector<16xi32>
      %add3A_1262 = arith.constant 0 : i32
      %add3A_1263 = arith.addi %mul3A_1246, %add3A_1262 : i32
      %swap3A_1264 = arith.index_cast %select_n3A_1228 : i32 to index
      %swap3A_1265 = arith.index_cast %add3A_1263 : i32 to index
      %swap3A_1266 = tpu.vector_load %arg5[%swap3A_1264, %swap3A_1265] {strides = array<i32>} : memref<200x128xi32, #tpu.memory_space<vmem>>, vector<1x16xi32>,
      %swap3A_1267 = vector.shape_cast %swap3A_1266 : vector<1x16xi32> to vector<16xi32>
      %swap3A_1268 = vector.shape_cast %select_n3A_1261 : vector<16xi32> to vector<1x16xi32>
      tpu.vector_store %arg5[%swap3A_1264, %swap3A_1265], %swap3A_1268 {strides = array<i32>} : memref<200x128xi32, #tpu.memory_space<vmem>>, vector<1x16xi32>,
      %add3A_1269 = arith.constant 16 : i32
      %add3A_1270 = arith.addi %mul3A_1246, %add3A_1269 : i32
      %get3A_1271 = arith.index_cast %select_n3A_1228 : i32 to index
      %get3A_1272 = arith.index_cast %add3A_1270 : i32 to index
      %get3A_1273 = tpu.vector_load %arg5[%get3A_1271, %get3A_1272] {strides = array<i32>} : memref<200x128xi32, #tpu.memory_space<vmem>>, vector<1x16xi32>,
      %get3A_1274 = vector.shape_cast %get3A_1273 : vector<1x16xi32> to vector<16xi32>
      %eq3A_1275 = arith.constant 0 : i32
      %eq3A_1276 = vector.broadcast %eq3A_1275 : i32 to vector<16xi32>
      %eq3A_1277 = arith.cmpi eq, %get3A_1274, %eq3A_1276 : vector<16xi32>
      %sub3A_1278 = arith.constant 1 : i32
      %sub3A_1279 = vector.broadcast %sub3A_1278 : i32 to vector<16xi32>
      %sub3A_1280 = arith.subi %get3A_1274, %sub3A_1279 : vector<16xi32>
      %jit3A_1281 = arith.constant 99999 : i32
      %broadcast_in_dim3A_1282 = vector.broadcast %jit3A_1281 : i32 to vector<16xi32>
      %select_n3A_1283 = arith.select %eq3A_1277, %broadcast_in_dim3A_1282, %sub3A_1280 : vector<16xi1>, vector<16xi32>
      %add3A_1284 = arith.constant 16 : i32
      %add3A_1285 = arith.addi %mul3A_1246, %add3A_1284 : i32
      %swap3A_1286 = arith.index_cast %select_n3A_1228 : i32 to index
      %swap3A_1287 = arith.index_cast %add3A_1285 : i32 to index
      %swap3A_1288 = tpu.vector_load %arg5[%swap3A_1286, %swap3A_1287] {strides = array<i32>} : memref<200x128xi32, #tpu.memory_space<vmem>>, vector<1x16xi32>,
      %swap3A_1289 = vector.shape_cast %swap3A_1288 : vector<1x16xi32> to vector<16xi32>
      %swap3A_1290 = vector.shape_cast %select_n3A_1283 : vector<16xi32> to vector<1x16xi32>
      tpu.vector_store %arg5[%swap3A_1286, %swap3A_1287], %swap3A_1290 {strides = array<i32>} : memref<200x128xi32, #tpu.memory_space<vmem>>, vector<1x16xi32>,
      %dma_start3A_1291 = arith.constant 1 : i32
      %dma_start3A_1292 = arith.constant 1 : i32
      %dma_start3A_1293 = arith.constant 0 : i32
      %dma_start3A_1294 = arith.constant 0 : i32
      %dma_start3A_1295 = tpu.memref_slice %arg6[%dma_start3A_1291, %dma_start3A_1293, %dma_start3A_1294] : memref<8x32x128xf32, #tpu.memory_space<vmem>> -> memref<1x32x128xf32, #tpu.memory_space<vmem>>
      %dma_start3A_1296 = tpu.memref_squeeze %dma_start3A_1295 : memref<1x32x128xf32, #tpu.memory_space<vmem>> -> memref<32x128xf32, #tpu.memory_space<vmem>>
      %dma_start3A_1297 = tpu.memref_slice %arg5[%select_n3A_1228, %mul3A_1246] : memref<200x128xi32, #tpu.memory_space<vmem>> -> memref<1x32xi32, #tpu.memory_space<vmem>>
      %dma_start3A_1298 = tpu.memref_squeeze %dma_start3A_1297 : memref<1x32xi32, #tpu.memory_space<vmem>> -> memref<32xi32, #tpu.memory_space<vmem>>
      %dma_start3A_1299 = arith.constant 0 : i32
      %dma_start3A_1300 = arith.constant 0 : i32
      %dma_start3A_1301 = tpu.memref_slice %arg3[%dma_start3A_1299, %dma_start3A_1300] : memref<100000x128xf32, #tpu.memory_space<hbm>> -> memref<100000x128xf32, #tpu.memory_space<hbm>>
      %dma_start3A_1302 = tpu.memref_slice %arg8[%dma_start3A_1292] : memref<8x!tpu.dma_semaphore, #tpu.memory_space<semaphore_mem>> -> memref<1x!tpu.dma_semaphore, #tpu.memory_space<semaphore_mem>>
      %dma_start3A_1303 = tpu.memref_squeeze %dma_start3A_1302 : memref<1x!tpu.dma_semaphore, #tpu.memory_space<semaphore_mem>> -> memref<!tpu.dma_semaphore, #tpu.memory_space<semaphore_mem>>
      tpu.enqueue_indirect_dma source(%dma_start3A_1301 : memref<100000x128xf32, #tpu.memory_space<hbm>>) target(%dma_start3A_1296 : memref<32x128xf32, #tpu.memory_space<vmem>>) offsets(%dma_start3A_1298 : memref<32xi32, #tpu.memory_space<vmem>>) semaphore(%dma_start3A_1303 : memref<!tpu.dma_semaphore, #tpu.memory_space<semaphore_mem>>)
      %add3A_1304 = arith.constant 2 : i32
      %add3A_1305 = arith.addi %add3A_901, %add3A_1304 : i32
      %jit3A_1306 = arith.constant 4 : i32
      %div3A_1307 = arith.divsi %add3A_1305, %jit3A_1306 : i32
      %sign3A_1308 = arith.constant 0 : i32
      %sign3A_1309 = arith.cmpi sgt, %add3A_1305, %sign3A_1308 : i32
      %sign3A_1310 = arith.extui %sign3A_1309 : i1 to i32
      %sign3A_1311 = arith.constant 0 : i32
      %sign3A_1312 = arith.cmpi slt, %add3A_1305, %sign3A_1311 : i32
      %sign3A_1313 = arith.extui %sign3A_1312 : i1 to i32
      %sign3A_1314 = arith.subi %sign3A_1310, %sign3A_1313 : i32
      %sign3A_1315 = arith.constant 0 : i32
      %sign3A_1316 = arith.cmpi sgt, %jit3A_1306, %sign3A_1315 : i32
      %sign3A_1317 = arith.extui %sign3A_1316 : i1 to i32
      %sign3A_1318 = arith.constant 0 : i32
      %sign3A_1319 = arith.cmpi slt, %jit3A_1306, %sign3A_1318 : i32
      %sign3A_1320 = arith.extui %sign3A_1319 : i1 to i32
      %sign3A_1321 = arith.subi %sign3A_1317, %sign3A_1320 : i32
      %ne3A_1322 = arith.cmpi ne, %sign3A_1314, %sign3A_1321 : i32
      %rem3A_1323 = arith.remsi %add3A_1305, %jit3A_1306 : i32
      %ne3A_1324 = arith.constant 0 : i32
      %ne3A_1325 = arith.cmpi ne, %rem3A_1323, %ne3A_1324 : i32
      %and3A_1326 = arith.andi %ne3A_1322, %ne3A_1325 : i1
      %sub3A_1327 = arith.constant 1 : i32
      %sub3A_1328 = arith.subi %div3A_1307, %sub3A_1327 : i32
      %select_n3A_1329 = arith.select %and3A_1326, %sub3A_1328, %div3A_1307 : i32
      %jit3A_1330 = arith.constant 4 : i32
      %eq3A_1331 = arith.constant 0 : i32
      %eq3A_1332 = arith.cmpi eq, %jit3A_1330, %eq3A_1331 : i32
      %jit3A_1333 = arith.constant 1 : i32
      %select_n3A_1334 = arith.select %eq3A_1332, %jit3A_1333, %jit3A_1330 : i32
      %rem3A_1335 = arith.remsi %add3A_1305, %select_n3A_1334 : i32
      %ne3A_1336 = arith.constant 0 : i32
      %ne3A_1337 = arith.cmpi ne, %rem3A_1335, %ne3A_1336 : i32
      %lt3A_1338 = arith.constant 0 : i32
      %lt3A_1339 = arith.cmpi slt, %rem3A_1335, %lt3A_1338 : i32
      %lt3A_1340 = arith.constant 0 : i32
      %lt3A_1341 = arith.cmpi slt, %select_n3A_1334, %lt3A_1340 : i32
      %ne3A_1342 = arith.xori %lt3A_1339, %lt3A_1341 : i1
      %and3A_1343 = arith.andi %ne3A_1342, %ne3A_1337 : i1
      %add3A_1344 = arith.addi %rem3A_1335, %select_n3A_1334 : i32
      %select_n3A_1345 = arith.select %and3A_1343, %add3A_1344, %rem3A_1335 : i32
      %mul3A_1346 = arith.constant 32 : i32
      %mul3A_1347 = arith.muli %select_n3A_1345, %mul3A_1346 : i32
      %dma_wait3A_1348 = arith.constant 6 : i32
      %dma_wait3A_1349 = arith.constant 6 : i32
      %dma_wait3A_1350 = arith.constant 0 : i32
      %dma_wait3A_1351 = arith.constant 0 : i32
      %dma_wait3A_1352 = tpu.memref_slice %arg6[%dma_wait3A_1348, %dma_wait3A_1350, %dma_wait3A_1351] : memref<8x32x128xf32, #tpu.memory_space<vmem>> -> memref<1x32x128xf32, #tpu.memory_space<vmem>>
      %dma_wait3A_1353 = tpu.memref_squeeze %dma_wait3A_1352 : memref<1x32x128xf32, #tpu.memory_space<vmem>> -> memref<32x128xf32, #tpu.memory_space<vmem>>
      %dma_wait3A_1354 = tpu.memref_slice %arg5[%select_n3A_1329, %mul3A_1347] : memref<200x128xi32, #tpu.memory_space<vmem>> -> memref<1x32xi32, #tpu.memory_space<vmem>>
      %dma_wait3A_1355 = tpu.memref_squeeze %dma_wait3A_1354 : memref<1x32xi32, #tpu.memory_space<vmem>> -> memref<32xi32, #tpu.memory_space<vmem>>
      %dma_wait3A_1356 = arith.constant 0 : i32
      %dma_wait3A_1357 = arith.constant 0 : i32
      %dma_wait3A_1358 = tpu.memref_slice %arg3[%dma_wait3A_1356, %dma_wait3A_1357] : memref<100000x128xf32, #tpu.memory_space<hbm>> -> memref<100000x128xf32, #tpu.memory_space<hbm>>
      %dma_wait3A_1359 = tpu.memref_slice %arg8[%dma_wait3A_1349] : memref<8x!tpu.dma_semaphore, #tpu.memory_space<semaphore_mem>> -> memref<1x!tpu.dma_semaphore, #tpu.memory_space<semaphore_mem>>
      %dma_wait3A_1360 = tpu.memref_squeeze %dma_wait3A_1359 : memref<1x!tpu.dma_semaphore, #tpu.memory_space<semaphore_mem>> -> memref<!tpu.dma_semaphore, #tpu.memory_space<semaphore_mem>>
      tpu.wait_indirect_dma semaphore(%dma_wait3A_1360 : memref<!tpu.dma_semaphore, #tpu.memory_space<semaphore_mem>>) src(%dma_wait3A_1358 : memref<100000x128xf32, #tpu.memory_space<hbm>>) dst(%dma_wait3A_1353 : memref<32x128xf32, #tpu.memory_space<vmem>>)
      %scan3A_1361 = arith.constant 0 : i32
      %scan3A_1362 = arith.constant 0 : i32
      %scan3A_1363 = arith.constant 32 : i32
      %scan3A_1364 = arith.addi %scan3A_1362, %scan3A_1363 : i32
      %scan3A_1365 = arith.constant 1 : i32
      scf.for %scan3A_2528 = %scan3A_1362 to %scan3A_1364 step %scan3A_1365  : i32 {
        %get3A_2529 = arith.constant 6 : i32
        %get3A_2530 = arith.index_cast %get3A_2529 : i32 to index
        %get3A_2531 = arith.index_cast %scan3A_2528 : i32 to index
        %get3A_2532 = arith.constant 0 : index
        %get3A_2533 = tpu.vector_load %arg6[%get3A_2530, %get3A_2531, %get3A_2532] {strides = array<i32>} : memref<8x32x128xf32, #tpu.memory_space<vmem>>, vector<1x1x16xf32>,
        %get3A_2534 = vector.shape_cast %get3A_2533 : vector<1x1x16xf32> to vector<16xf32>
        %swap3A_2535 = arith.constant 6 : i32
        %swap3A_2536 = arith.index_cast %swap3A_2535 : i32 to index
        %swap3A_2537 = arith.index_cast %scan3A_2528 : i32 to index
        %swap3A_2538 = arith.constant 0 : index
        %swap3A_2539 = tpu.vector_load %arg7[%swap3A_2536, %swap3A_2537, %swap3A_2538] {strides = array<i32>} : memref<8x32x64xf32, #tpu.memory_space<vmem>>, vector<1x1x16xf32>,
        %swap3A_2540 = vector.shape_cast %swap3A_2539 : vector<1x1x16xf32> to vector<16xf32>
        %swap3A_2541 = vector.shape_cast %get3A_2534 : vector<16xf32> to vector<1x1x16xf32>
        tpu.vector_store %arg7[%swap3A_2536, %swap3A_2537, %swap3A_2538], %swap3A_2541 {strides = array<i32>} : memref<8x32x64xf32, #tpu.memory_space<vmem>>, vector<1x1x16xf32>,
        %get3A_2542 = arith.constant 6 : i32
        %get3A_2543 = arith.index_cast %get3A_2542 : i32 to index
        %get3A_2544 = arith.index_cast %scan3A_2528 : i32 to index
        %get3A_2545 = arith.constant 16 : index
        %get3A_2546 = tpu.vector_load %arg6[%get3A_2543, %get3A_2544, %get3A_2545] {strides = array<i32>} : memref<8x32x128xf32, #tpu.memory_space<vmem>>, vector<1x1x16xf32>,
        %get3A_2547 = vector.shape_cast %get3A_2546 : vector<1x1x16xf32> to vector<16xf32>
        %swap3A_2548 = arith.constant 6 : i32
        %swap3A_2549 = arith.index_cast %swap3A_2548 : i32 to index
        %swap3A_2550 = arith.index_cast %scan3A_2528 : i32 to index
        %swap3A_2551 = arith.constant 16 : index
        %swap3A_2552 = tpu.vector_load %arg7[%swap3A_2549, %swap3A_2550, %swap3A_2551] {strides = array<i32>} : memref<8x32x64xf32, #tpu.memory_space<vmem>>, vector<1x1x16xf32>,
        %swap3A_2553 = vector.shape_cast %swap3A_2552 : vector<1x1x16xf32> to vector<16xf32>
        %swap3A_2554 = vector.shape_cast %get3A_2547 : vector<16xf32> to vector<1x1x16xf32>
        tpu.vector_store %arg7[%swap3A_2549, %swap3A_2550, %swap3A_2551], %swap3A_2554 {strides = array<i32>} : memref<8x32x64xf32, #tpu.memory_space<vmem>>, vector<1x1x16xf32>,
        %get3A_2555 = arith.constant 6 : i32
        %get3A_2556 = arith.index_cast %get3A_2555 : i32 to index
        %get3A_2557 = arith.index_cast %scan3A_2528 : i32 to index
        %get3A_2558 = arith.constant 32 : index
        %get3A_2559 = tpu.vector_load %arg6[%get3A_2556, %get3A_2557, %get3A_2558] {strides = array<i32>} : memref<8x32x128xf32, #tpu.memory_space<vmem>>, vector<1x1x16xf32>,
        %get3A_2560 = vector.shape_cast %get3A_2559 : vector<1x1x16xf32> to vector<16xf32>
        %swap3A_2561 = arith.constant 6 : i32
        %swap3A_2562 = arith.index_cast %swap3A_2561 : i32 to index
        %swap3A_2563 = arith.index_cast %scan3A_2528 : i32 to index
        %swap3A_2564 = arith.constant 32 : index
        %swap3A_2565 = tpu.vector_load %arg7[%swap3A_2562, %swap3A_2563, %swap3A_2564] {strides = array<i32>} : memref<8x32x64xf32, #tpu.memory_space<vmem>>, vector<1x1x16xf32>,
        %swap3A_2566 = vector.shape_cast %swap3A_2565 : vector<1x1x16xf32> to vector<16xf32>
        %swap3A_2567 = vector.shape_cast %get3A_2560 : vector<16xf32> to vector<1x1x16xf32>
        tpu.vector_store %arg7[%swap3A_2562, %swap3A_2563, %swap3A_2564], %swap3A_2567 {strides = array<i32>} : memref<8x32x64xf32, #tpu.memory_space<vmem>>, vector<1x1x16xf32>,
        %get3A_2568 = arith.constant 6 : i32
        %get3A_2569 = arith.index_cast %get3A_2568 : i32 to index
        %get3A_2570 = arith.index_cast %scan3A_2528 : i32 to index
        %get3A_2571 = arith.constant 48 : index
        %get3A_2572 = tpu.vector_load %arg6[%get3A_2569, %get3A_2570, %get3A_2571] {strides = array<i32>} : memref<8x32x128xf32, #tpu.memory_space<vmem>>, vector<1x1x16xf32>,
        %get3A_2573 = vector.shape_cast %get3A_2572 : vector<1x1x16xf32> to vector<16xf32>
        %swap3A_2574 = arith.constant 6 : i32
        %swap3A_2575 = arith.index_cast %swap3A_2574 : i32 to index
        %swap3A_2576 = arith.index_cast %scan3A_2528 : i32 to index
        %swap3A_2577 = arith.constant 48 : index
        %swap3A_2578 = tpu.vector_load %arg7[%swap3A_2575, %swap3A_2576, %swap3A_2577] {strides = array<i32>} : memref<8x32x64xf32, #tpu.memory_space<vmem>>, vector<1x1x16xf32>,
        %swap3A_2579 = vector.shape_cast %swap3A_2578 : vector<1x1x16xf32> to vector<16xf32>
        %swap3A_2580 = vector.shape_cast %get3A_2573 : vector<16xf32> to vector<1x1x16xf32>
        tpu.vector_store %arg7[%swap3A_2575, %swap3A_2576, %swap3A_2577], %swap3A_2580 {strides = array<i32>} : memref<8x32x64xf32, #tpu.memory_space<vmem>>, vector<1x1x16xf32>,
      }
      %scan3A_1366 = arith.constant 32 : i32
      %mul3A_1367 = arith.constant 32 : i32
      %mul3A_1368 = arith.muli %add3A_1305, %mul3A_1367 : i32
      %add3A_1369 = arith.addi %mul3A_4, %mul3A_1368 : i32
      %dma_start3A_1370 = arith.constant 6 : i32
      %dma_start3A_1371 = arith.constant 6 : i32
      %dma_start3A_1372 = arith.constant 0 : i32
      %dma_start3A_1373 = arith.constant 0 : i32
      %dma_start3A_1374 = tpu.memref_slice %arg7[%dma_start3A_1370, %dma_start3A_1372, %dma_start3A_1373] : memref<8x32x64xf32, #tpu.memory_space<vmem>> -> memref<1x32x64xf32, #tpu.memory_space<vmem>>
      %dma_start3A_1375 = tpu.memref_squeeze %dma_start3A_1374 : memref<1x32x64xf32, #tpu.memory_space<vmem>> -> memref<32x64xf32, #tpu.memory_space<vmem>>
      %dma_start3A_1376 = arith.constant 0 : i32
      %dma_start3A_1377 = tpu.memref_slice %arg4[%add3A_1369, %dma_start3A_1376] : memref<819200x64xf32, #tpu.memory_space<hbm>> -> memref<32x64xf32, #tpu.memory_space<hbm>>
      %dma_start3A_1378 = tpu.memref_slice %arg9[%dma_start3A_1371] : memref<8x!tpu.dma_semaphore, #tpu.memory_space<semaphore_mem>> -> memref<1x!tpu.dma_semaphore, #tpu.memory_space<semaphore_mem>>
      %dma_start3A_1379 = tpu.memref_squeeze %dma_start3A_1378 : memref<1x!tpu.dma_semaphore, #tpu.memory_space<semaphore_mem>> -> memref<!tpu.dma_semaphore, #tpu.memory_space<semaphore_mem>>
      %dma_start3A_1380 = arith.constant 0 : i32
      %dma_start3A_1381 = tpu.memref_slice %arg4[%add3A_1369, %dma_start3A_1380] : memref<819200x64xf32, #tpu.memory_space<hbm>> -> memref<32x64xf32, #tpu.memory_space<hbm>>
      %dma_start3A_1382 = arith.constant 0 : i32
      %dma_start3A_1383 = arith.constant 0 : i32
      %dma_start3A_1384 = tpu.memref_slice %arg7[%dma_start3A_1370, %dma_start3A_1382, %dma_start3A_1383] : memref<8x32x64xf32, #tpu.memory_space<vmem>> -> memref<1x32x64xf32, #tpu.memory_space<vmem>>
      %dma_start3A_1385 = tpu.memref_squeeze %dma_start3A_1384 : memref<1x32x64xf32, #tpu.memory_space<vmem>> -> memref<32x64xf32, #tpu.memory_space<vmem>>
      tpu.enqueue_dma source(%dma_start3A_1385 : memref<32x64xf32, #tpu.memory_space<vmem>>) target(%dma_start3A_1381 : memref<32x64xf32, #tpu.memory_space<hbm>>) target_semaphore(%dma_start3A_1379 : memref<!tpu.dma_semaphore, #tpu.memory_space<semaphore_mem>>)
      %sub3A_1386 = arith.constant 4 : i32
      %sub3A_1387 = arith.subi %add3A_1305, %sub3A_1386 : i32
      %mul3A_1388 = arith.constant 32 : i32
      %mul3A_1389 = arith.muli %sub3A_1387, %mul3A_1388 : i32
      %add3A_1390 = arith.addi %mul3A_4, %mul3A_1389 : i32
      %dma_wait3A_1391 = arith.constant 2 : i32
      %dma_wait3A_1392 = arith.constant 2 : i32
      %dma_wait3A_1393 = arith.constant 0 : i32
      %dma_wait3A_1394 = arith.constant 0 : i32
      %dma_wait3A_1395 = tpu.memref_slice %arg7[%dma_wait3A_1391, %dma_wait3A_1393, %dma_wait3A_1394] : memref<8x32x64xf32, #tpu.memory_space<vmem>> -> memref<1x32x64xf32, #tpu.memory_space<vmem>>
      %dma_wait3A_1396 = tpu.memref_squeeze %dma_wait3A_1395 : memref<1x32x64xf32, #tpu.memory_space<vmem>> -> memref<32x64xf32, #tpu.memory_space<vmem>>
      %dma_wait3A_1397 = arith.constant 0 : i32
      %dma_wait3A_1398 = tpu.memref_slice %arg4[%add3A_1390, %dma_wait3A_1397] : memref<819200x64xf32, #tpu.memory_space<hbm>> -> memref<32x64xf32, #tpu.memory_space<hbm>>
      %dma_wait3A_1399 = tpu.memref_slice %arg9[%dma_wait3A_1392] : memref<8x!tpu.dma_semaphore, #tpu.memory_space<semaphore_mem>> -> memref<1x!tpu.dma_semaphore, #tpu.memory_space<semaphore_mem>>
      %dma_wait3A_1400 = tpu.memref_squeeze %dma_wait3A_1399 : memref<1x!tpu.dma_semaphore, #tpu.memory_space<semaphore_mem>> -> memref<!tpu.dma_semaphore, #tpu.memory_space<semaphore_mem>>
      %dma_wait3A_1401 = arith.constant 0 : i32
      %dma_wait3A_1402 = tpu.memref_slice %arg4[%add3A_1390, %dma_wait3A_1401] : memref<819200x64xf32, #tpu.memory_space<hbm>> -> memref<32x64xf32, #tpu.memory_space<hbm>>
      %dma_wait3A_1403 = arith.constant 0 : i32
      %dma_wait3A_1404 = arith.constant 0 : i32
      %dma_wait3A_1405 = tpu.memref_slice %arg7[%dma_wait3A_1391, %dma_wait3A_1403, %dma_wait3A_1404] : memref<8x32x64xf32, #tpu.memory_space<vmem>> -> memref<1x32x64xf32, #tpu.memory_space<vmem>>
      %dma_wait3A_1406 = tpu.memref_squeeze %dma_wait3A_1405 : memref<1x32x64xf32, #tpu.memory_space<vmem>> -> memref<32x64xf32, #tpu.memory_space<vmem>>
      tpu.wait_dma2 semaphore(%dma_wait3A_1400 : memref<!tpu.dma_semaphore, #tpu.memory_space<semaphore_mem>>) src(%dma_wait3A_1406 : memref<32x64xf32, #tpu.memory_space<vmem>>) dst(%dma_wait3A_1402 : memref<32x64xf32, #tpu.memory_space<hbm>>)
      %add3A_1407 = arith.constant 4 : i32
      %add3A_1408 = arith.addi %add3A_1305, %add3A_1407 : i32
      %jit3A_1409 = arith.constant 4 : i32
      %div3A_1410 = arith.divsi %add3A_1408, %jit3A_1409 : i32
      %sign3A_1411 = arith.constant 0 : i32
      %sign3A_1412 = arith.cmpi sgt, %add3A_1408, %sign3A_1411 : i32
      %sign3A_1413 = arith.extui %sign3A_1412 : i1 to i32
      %sign3A_1414 = arith.constant 0 : i32
      %sign3A_1415 = arith.cmpi slt, %add3A_1408, %sign3A_1414 : i32
      %sign3A_1416 = arith.extui %sign3A_1415 : i1 to i32
      %sign3A_1417 = arith.subi %sign3A_1413, %sign3A_1416 : i32
      %sign3A_1418 = arith.constant 0 : i32
      %sign3A_1419 = arith.cmpi sgt, %jit3A_1409, %sign3A_1418 : i32
      %sign3A_1420 = arith.extui %sign3A_1419 : i1 to i32
      %sign3A_1421 = arith.constant 0 : i32
      %sign3A_1422 = arith.cmpi slt, %jit3A_1409, %sign3A_1421 : i32
      %sign3A_1423 = arith.extui %sign3A_1422 : i1 to i32
      %sign3A_1424 = arith.subi %sign3A_1420, %sign3A_1423 : i32
      %ne3A_1425 = arith.cmpi ne, %sign3A_1417, %sign3A_1424 : i32
      %rem3A_1426 = arith.remsi %add3A_1408, %jit3A_1409 : i32
      %ne3A_1427 = arith.constant 0 : i32
      %ne3A_1428 = arith.cmpi ne, %rem3A_1426, %ne3A_1427 : i32
      %and3A_1429 = arith.andi %ne3A_1425, %ne3A_1428 : i1
      %sub3A_1430 = arith.constant 1 : i32
      %sub3A_1431 = arith.subi %div3A_1410, %sub3A_1430 : i32
      %select_n3A_1432 = arith.select %and3A_1429, %sub3A_1431, %div3A_1410 : i32
      %jit3A_1433 = arith.constant 4 : i32
      %eq3A_1434 = arith.constant 0 : i32
      %eq3A_1435 = arith.cmpi eq, %jit3A_1433, %eq3A_1434 : i32
      %jit3A_1436 = arith.constant 1 : i32
      %select_n3A_1437 = arith.select %eq3A_1435, %jit3A_1436, %jit3A_1433 : i32
      %rem3A_1438 = arith.remsi %add3A_1408, %select_n3A_1437 : i32
      %ne3A_1439 = arith.constant 0 : i32
      %ne3A_1440 = arith.cmpi ne, %rem3A_1438, %ne3A_1439 : i32
      %lt3A_1441 = arith.constant 0 : i32
      %lt3A_1442 = arith.cmpi slt, %rem3A_1438, %lt3A_1441 : i32
      %lt3A_1443 = arith.constant 0 : i32
      %lt3A_1444 = arith.cmpi slt, %select_n3A_1437, %lt3A_1443 : i32
      %ne3A_1445 = arith.xori %lt3A_1442, %lt3A_1444 : i1
      %and3A_1446 = arith.andi %ne3A_1445, %ne3A_1440 : i1
      %add3A_1447 = arith.addi %rem3A_1438, %select_n3A_1437 : i32
      %select_n3A_1448 = arith.select %and3A_1446, %add3A_1447, %rem3A_1438 : i32
      %mul3A_1449 = arith.constant 32 : i32
      %mul3A_1450 = arith.muli %select_n3A_1448, %mul3A_1449 : i32
      %add3A_1451 = arith.constant 0 : i32
      %add3A_1452 = arith.addi %mul3A_1450, %add3A_1451 : i32
      %get3A_1453 = arith.index_cast %select_n3A_1432 : i32 to index
      %get3A_1454 = arith.index_cast %add3A_1452 : i32 to index
      %get3A_1455 = tpu.vector_load %arg5[%get3A_1453, %get3A_1454] {strides = array<i32>} : memref<200x128xi32, #tpu.memory_space<vmem>>, vector<1x16xi32>,
      %get3A_1456 = vector.shape_cast %get3A_1455 : vector<1x16xi32> to vector<16xi32>
      %eq3A_1457 = arith.constant 0 : i32
      %eq3A_1458 = vector.broadcast %eq3A_1457 : i32 to vector<16xi32>
      %eq3A_1459 = arith.cmpi eq, %get3A_1456, %eq3A_1458 : vector<16xi32>
      %sub3A_1460 = arith.constant 1 : i32
      %sub3A_1461 = vector.broadcast %sub3A_1460 : i32 to vector<16xi32>
      %sub3A_1462 = arith.subi %get3A_1456, %sub3A_1461 : vector<16xi32>
      %jit3A_1463 = arith.constant 99999 : i32
      %broadcast_in_dim3A_1464 = vector.broadcast %jit3A_1463 : i32 to vector<16xi32>
      %select_n3A_1465 = arith.select %eq3A_1459, %broadcast_in_dim3A_1464, %sub3A_1462 : vector<16xi1>, vector<16xi32>
      %add3A_1466 = arith.constant 0 : i32
      %add3A_1467 = arith.addi %mul3A_1450, %add3A_1466 : i32
      %swap3A_1468 = arith.index_cast %select_n3A_1432 : i32 to index
      %swap3A_1469 = arith.index_cast %add3A_1467 : i32 to index
      %swap3A_1470 = tpu.vector_load %arg5[%swap3A_1468, %swap3A_1469] {strides = array<i32>} : memref<200x128xi32, #tpu.memory_space<vmem>>, vector<1x16xi32>,
      %swap3A_1471 = vector.shape_cast %swap3A_1470 : vector<1x16xi32> to vector<16xi32>
      %swap3A_1472 = vector.shape_cast %select_n3A_1465 : vector<16xi32> to vector<1x16xi32>
      tpu.vector_store %arg5[%swap3A_1468, %swap3A_1469], %swap3A_1472 {strides = array<i32>} : memref<200x128xi32, #tpu.memory_space<vmem>>, vector<1x16xi32>,
      %add3A_1473 = arith.constant 16 : i32
      %add3A_1474 = arith.addi %mul3A_1450, %add3A_1473 : i32
      %get3A_1475 = arith.index_cast %select_n3A_1432 : i32 to index
      %get3A_1476 = arith.index_cast %add3A_1474 : i32 to index
      %get3A_1477 = tpu.vector_load %arg5[%get3A_1475, %get3A_1476] {strides = array<i32>} : memref<200x128xi32, #tpu.memory_space<vmem>>, vector<1x16xi32>,
      %get3A_1478 = vector.shape_cast %get3A_1477 : vector<1x16xi32> to vector<16xi32>
      %eq3A_1479 = arith.constant 0 : i32
      %eq3A_1480 = vector.broadcast %eq3A_1479 : i32 to vector<16xi32>
      %eq3A_1481 = arith.cmpi eq, %get3A_1478, %eq3A_1480 : vector<16xi32>
      %sub3A_1482 = arith.constant 1 : i32
      %sub3A_1483 = vector.broadcast %sub3A_1482 : i32 to vector<16xi32>
      %sub3A_1484 = arith.subi %get3A_1478, %sub3A_1483 : vector<16xi32>
      %jit3A_1485 = arith.constant 99999 : i32
      %broadcast_in_dim3A_1486 = vector.broadcast %jit3A_1485 : i32 to vector<16xi32>
      %select_n3A_1487 = arith.select %eq3A_1481, %broadcast_in_dim3A_1486, %sub3A_1484 : vector<16xi1>, vector<16xi32>
      %add3A_1488 = arith.constant 16 : i32
      %add3A_1489 = arith.addi %mul3A_1450, %add3A_1488 : i32
      %swap3A_1490 = arith.index_cast %select_n3A_1432 : i32 to index
      %swap3A_1491 = arith.index_cast %add3A_1489 : i32 to index
      %swap3A_1492 = tpu.vector_load %arg5[%swap3A_1490, %swap3A_1491] {strides = array<i32>} : memref<200x128xi32, #tpu.memory_space<vmem>>, vector<1x16xi32>,
      %swap3A_1493 = vector.shape_cast %swap3A_1492 : vector<1x16xi32> to vector<16xi32>
      %swap3A_1494 = vector.shape_cast %select_n3A_1487 : vector<16xi32> to vector<1x16xi32>
      tpu.vector_store %arg5[%swap3A_1490, %swap3A_1491], %swap3A_1494 {strides = array<i32>} : memref<200x128xi32, #tpu.memory_space<vmem>>, vector<1x16xi32>,
      %dma_start3A_1495 = arith.constant 2 : i32
      %dma_start3A_1496 = arith.constant 2 : i32
      %dma_start3A_1497 = arith.constant 0 : i32
      %dma_start3A_1498 = arith.constant 0 : i32
      %dma_start3A_1499 = tpu.memref_slice %arg6[%dma_start3A_1495, %dma_start3A_1497, %dma_start3A_1498] : memref<8x32x128xf32, #tpu.memory_space<vmem>> -> memref<1x32x128xf32, #tpu.memory_space<vmem>>
      %dma_start3A_1500 = tpu.memref_squeeze %dma_start3A_1499 : memref<1x32x128xf32, #tpu.memory_space<vmem>> -> memref<32x128xf32, #tpu.memory_space<vmem>>
      %dma_start3A_1501 = tpu.memref_slice %arg5[%select_n3A_1432, %mul3A_1450] : memref<200x128xi32, #tpu.memory_space<vmem>> -> memref<1x32xi32, #tpu.memory_space<vmem>>
      %dma_start3A_1502 = tpu.memref_squeeze %dma_start3A_1501 : memref<1x32xi32, #tpu.memory_space<vmem>> -> memref<32xi32, #tpu.memory_space<vmem>>
      %dma_start3A_1503 = arith.constant 0 : i32
      %dma_start3A_1504 = arith.constant 0 : i32
      %dma_start3A_1505 = tpu.memref_slice %arg3[%dma_start3A_1503, %dma_start3A_1504] : memref<100000x128xf32, #tpu.memory_space<hbm>> -> memref<100000x128xf32, #tpu.memory_space<hbm>>
      %dma_start3A_1506 = tpu.memref_slice %arg8[%dma_start3A_1496] : memref<8x!tpu.dma_semaphore, #tpu.memory_space<semaphore_mem>> -> memref<1x!tpu.dma_semaphore, #tpu.memory_space<semaphore_mem>>
      %dma_start3A_1507 = tpu.memref_squeeze %dma_start3A_1506 : memref<1x!tpu.dma_semaphore, #tpu.memory_space<semaphore_mem>> -> memref<!tpu.dma_semaphore, #tpu.memory_space<semaphore_mem>>
      tpu.enqueue_indirect_dma source(%dma_start3A_1505 : memref<100000x128xf32, #tpu.memory_space<hbm>>) target(%dma_start3A_1500 : memref<32x128xf32, #tpu.memory_space<vmem>>) offsets(%dma_start3A_1502 : memref<32xi32, #tpu.memory_space<vmem>>) semaphore(%dma_start3A_1507 : memref<!tpu.dma_semaphore, #tpu.memory_space<semaphore_mem>>)
      %add3A_1508 = arith.constant 3 : i32
      %add3A_1509 = arith.addi %add3A_901, %add3A_1508 : i32
      %jit3A_1510 = arith.constant 4 : i32
      %div3A_1511 = arith.divsi %add3A_1509, %jit3A_1510 : i32
      %sign3A_1512 = arith.constant 0 : i32
      %sign3A_1513 = arith.cmpi sgt, %add3A_1509, %sign3A_1512 : i32
      %sign3A_1514 = arith.extui %sign3A_1513 : i1 to i32
      %sign3A_1515 = arith.constant 0 : i32
      %sign3A_1516 = arith.cmpi slt, %add3A_1509, %sign3A_1515 : i32
      %sign3A_1517 = arith.extui %sign3A_1516 : i1 to i32
      %sign3A_1518 = arith.subi %sign3A_1514, %sign3A_1517 : i32
      %sign3A_1519 = arith.constant 0 : i32
      %sign3A_1520 = arith.cmpi sgt, %jit3A_1510, %sign3A_1519 : i32
      %sign3A_1521 = arith.extui %sign3A_1520 : i1 to i32
      %sign3A_1522 = arith.constant 0 : i32
      %sign3A_1523 = arith.cmpi slt, %jit3A_1510, %sign3A_1522 : i32
      %sign3A_1524 = arith.extui %sign3A_1523 : i1 to i32
      %sign3A_1525 = arith.subi %sign3A_1521, %sign3A_1524 : i32
      %ne3A_1526 = arith.cmpi ne, %sign3A_1518, %sign3A_1525 : i32
      %rem3A_1527 = arith.remsi %add3A_1509, %jit3A_1510 : i32
      %ne3A_1528 = arith.constant 0 : i32
      %ne3A_1529 = arith.cmpi ne, %rem3A_1527, %ne3A_1528 : i32
      %and3A_1530 = arith.andi %ne3A_1526, %ne3A_1529 : i1
      %sub3A_1531 = arith.constant 1 : i32
      %sub3A_1532 = arith.subi %div3A_1511, %sub3A_1531 : i32
      %select_n3A_1533 = arith.select %and3A_1530, %sub3A_1532, %div3A_1511 : i32
      %jit3A_1534 = arith.constant 4 : i32
      %eq3A_1535 = arith.constant 0 : i32
      %eq3A_1536 = arith.cmpi eq, %jit3A_1534, %eq3A_1535 : i32
      %jit3A_1537 = arith.constant 1 : i32
      %select_n3A_1538 = arith.select %eq3A_1536, %jit3A_1537, %jit3A_1534 : i32
      %rem3A_1539 = arith.remsi %add3A_1509, %select_n3A_1538 : i32
      %ne3A_1540 = arith.constant 0 : i32
      %ne3A_1541 = arith.cmpi ne, %rem3A_1539, %ne3A_1540 : i32
      %lt3A_1542 = arith.constant 0 : i32
      %lt3A_1543 = arith.cmpi slt, %rem3A_1539, %lt3A_1542 : i32
      %lt3A_1544 = arith.constant 0 : i32
      %lt3A_1545 = arith.cmpi slt, %select_n3A_1538, %lt3A_1544 : i32
      %ne3A_1546 = arith.xori %lt3A_1543, %lt3A_1545 : i1
      %and3A_1547 = arith.andi %ne3A_1546, %ne3A_1541 : i1
      %add3A_1548 = arith.addi %rem3A_1539, %select_n3A_1538 : i32
      %select_n3A_1549 = arith.select %and3A_1547, %add3A_1548, %rem3A_1539 : i32
      %mul3A_1550 = arith.constant 32 : i32
      %mul3A_1551 = arith.muli %select_n3A_1549, %mul3A_1550 : i32
      %dma_wait3A_1552 = arith.constant 7 : i32
      %dma_wait3A_1553 = arith.constant 7 : i32
      %dma_wait3A_1554 = arith.constant 0 : i32
      %dma_wait3A_1555 = arith.constant 0 : i32
      %dma_wait3A_1556 = tpu.memref_slice %arg6[%dma_wait3A_1552, %dma_wait3A_1554, %dma_wait3A_1555] : memref<8x32x128xf32, #tpu.memory_space<vmem>> -> memref<1x32x128xf32, #tpu.memory_space<vmem>>
      %dma_wait3A_1557 = tpu.memref_squeeze %dma_wait3A_1556 : memref<1x32x128xf32, #tpu.memory_space<vmem>> -> memref<32x128xf32, #tpu.memory_space<vmem>>
      %dma_wait3A_1558 = tpu.memref_slice %arg5[%select_n3A_1533, %mul3A_1551] : memref<200x128xi32, #tpu.memory_space<vmem>> -> memref<1x32xi32, #tpu.memory_space<vmem>>
      %dma_wait3A_1559 = tpu.memref_squeeze %dma_wait3A_1558 : memref<1x32xi32, #tpu.memory_space<vmem>> -> memref<32xi32, #tpu.memory_space<vmem>>
      %dma_wait3A_1560 = arith.constant 0 : i32
      %dma_wait3A_1561 = arith.constant 0 : i32
      %dma_wait3A_1562 = tpu.memref_slice %arg3[%dma_wait3A_1560, %dma_wait3A_1561] : memref<100000x128xf32, #tpu.memory_space<hbm>> -> memref<100000x128xf32, #tpu.memory_space<hbm>>
      %dma_wait3A_1563 = tpu.memref_slice %arg8[%dma_wait3A_1553] : memref<8x!tpu.dma_semaphore, #tpu.memory_space<semaphore_mem>> -> memref<1x!tpu.dma_semaphore, #tpu.memory_space<semaphore_mem>>
      %dma_wait3A_1564 = tpu.memref_squeeze %dma_wait3A_1563 : memref<1x!tpu.dma_semaphore, #tpu.memory_space<semaphore_mem>> -> memref<!tpu.dma_semaphore, #tpu.memory_space<semaphore_mem>>
      tpu.wait_indirect_dma semaphore(%dma_wait3A_1564 : memref<!tpu.dma_semaphore, #tpu.memory_space<semaphore_mem>>) src(%dma_wait3A_1562 : memref<100000x128xf32, #tpu.memory_space<hbm>>) dst(%dma_wait3A_1557 : memref<32x128xf32, #tpu.memory_space<vmem>>)
      %scan3A_1565 = arith.constant 0 : i32
      %scan3A_1566 = arith.constant 0 : i32
      %scan3A_1567 = arith.constant 32 : i32
      %scan3A_1568 = arith.addi %scan3A_1566, %scan3A_1567 : i32
      %scan3A_1569 = arith.constant 1 : i32
      scf.for %scan3A_2528 = %scan3A_1566 to %scan3A_1568 step %scan3A_1569  : i32 {
        %get3A_2529 = arith.constant 7 : i32
        %get3A_2530 = arith.index_cast %get3A_2529 : i32 to index
        %get3A_2531 = arith.index_cast %scan3A_2528 : i32 to index
        %get3A_2532 = arith.constant 0 : index
        %get3A_2533 = tpu.vector_load %arg6[%get3A_2530, %get3A_2531, %get3A_2532] {strides = array<i32>} : memref<8x32x128xf32, #tpu.memory_space<vmem>>, vector<1x1x16xf32>,
        %get3A_2534 = vector.shape_cast %get3A_2533 : vector<1x1x16xf32> to vector<16xf32>
        %swap3A_2535 = arith.constant 7 : i32
        %swap3A_2536 = arith.index_cast %swap3A_2535 : i32 to index
        %swap3A_2537 = arith.index_cast %scan3A_2528 : i32 to index
        %swap3A_2538 = arith.constant 0 : index
        %swap3A_2539 = tpu.vector_load %arg7[%swap3A_2536, %swap3A_2537, %swap3A_2538] {strides = array<i32>} : memref<8x32x64xf32, #tpu.memory_space<vmem>>, vector<1x1x16xf32>,
        %swap3A_2540 = vector.shape_cast %swap3A_2539 : vector<1x1x16xf32> to vector<16xf32>
        %swap3A_2541 = vector.shape_cast %get3A_2534 : vector<16xf32> to vector<1x1x16xf32>
        tpu.vector_store %arg7[%swap3A_2536, %swap3A_2537, %swap3A_2538], %swap3A_2541 {strides = array<i32>} : memref<8x32x64xf32, #tpu.memory_space<vmem>>, vector<1x1x16xf32>,
        %get3A_2542 = arith.constant 7 : i32
        %get3A_2543 = arith.index_cast %get3A_2542 : i32 to index
        %get3A_2544 = arith.index_cast %scan3A_2528 : i32 to index
        %get3A_2545 = arith.constant 16 : index
        %get3A_2546 = tpu.vector_load %arg6[%get3A_2543, %get3A_2544, %get3A_2545] {strides = array<i32>} : memref<8x32x128xf32, #tpu.memory_space<vmem>>, vector<1x1x16xf32>,
        %get3A_2547 = vector.shape_cast %get3A_2546 : vector<1x1x16xf32> to vector<16xf32>
        %swap3A_2548 = arith.constant 7 : i32
        %swap3A_2549 = arith.index_cast %swap3A_2548 : i32 to index
        %swap3A_2550 = arith.index_cast %scan3A_2528 : i32 to index
        %swap3A_2551 = arith.constant 16 : index
        %swap3A_2552 = tpu.vector_load %arg7[%swap3A_2549, %swap3A_2550, %swap3A_2551] {strides = array<i32>} : memref<8x32x64xf32, #tpu.memory_space<vmem>>, vector<1x1x16xf32>,
        %swap3A_2553 = vector.shape_cast %swap3A_2552 : vector<1x1x16xf32> to vector<16xf32>
        %swap3A_2554 = vector.shape_cast %get3A_2547 : vector<16xf32> to vector<1x1x16xf32>
        tpu.vector_store %arg7[%swap3A_2549, %swap3A_2550, %swap3A_2551], %swap3A_2554 {strides = array<i32>} : memref<8x32x64xf32, #tpu.memory_space<vmem>>, vector<1x1x16xf32>,
        %get3A_2555 = arith.constant 7 : i32
        %get3A_2556 = arith.index_cast %get3A_2555 : i32 to index
        %get3A_2557 = arith.index_cast %scan3A_2528 : i32 to index
        %get3A_2558 = arith.constant 32 : index
        %get3A_2559 = tpu.vector_load %arg6[%get3A_2556, %get3A_2557, %get3A_2558] {strides = array<i32>} : memref<8x32x128xf32, #tpu.memory_space<vmem>>, vector<1x1x16xf32>,
        %get3A_2560 = vector.shape_cast %get3A_2559 : vector<1x1x16xf32> to vector<16xf32>
        %swap3A_2561 = arith.constant 7 : i32
        %swap3A_2562 = arith.index_cast %swap3A_2561 : i32 to index
        %swap3A_2563 = arith.index_cast %scan3A_2528 : i32 to index
        %swap3A_2564 = arith.constant 32 : index
        %swap3A_2565 = tpu.vector_load %arg7[%swap3A_2562, %swap3A_2563, %swap3A_2564] {strides = array<i32>} : memref<8x32x64xf32, #tpu.memory_space<vmem>>, vector<1x1x16xf32>,
        %swap3A_2566 = vector.shape_cast %swap3A_2565 : vector<1x1x16xf32> to vector<16xf32>
        %swap3A_2567 = vector.shape_cast %get3A_2560 : vector<16xf32> to vector<1x1x16xf32>
        tpu.vector_store %arg7[%swap3A_2562, %swap3A_2563, %swap3A_2564], %swap3A_2567 {strides = array<i32>} : memref<8x32x64xf32, #tpu.memory_space<vmem>>, vector<1x1x16xf32>,
        %get3A_2568 = arith.constant 7 : i32
        %get3A_2569 = arith.index_cast %get3A_2568 : i32 to index
        %get3A_2570 = arith.index_cast %scan3A_2528 : i32 to index
        %get3A_2571 = arith.constant 48 : index
        %get3A_2572 = tpu.vector_load %arg6[%get3A_2569, %get3A_2570, %get3A_2571] {strides = array<i32>} : memref<8x32x128xf32, #tpu.memory_space<vmem>>, vector<1x1x16xf32>,
        %get3A_2573 = vector.shape_cast %get3A_2572 : vector<1x1x16xf32> to vector<16xf32>
        %swap3A_2574 = arith.constant 7 : i32
        %swap3A_2575 = arith.index_cast %swap3A_2574 : i32 to index
        %swap3A_2576 = arith.index_cast %scan3A_2528 : i32 to index
        %swap3A_2577 = arith.constant 48 : index
        %swap3A_2578 = tpu.vector_load %arg7[%swap3A_2575, %swap3A_2576, %swap3A_2577] {strides = array<i32>} : memref<8x32x64xf32, #tpu.memory_space<vmem>>, vector<1x1x16xf32>,
        %swap3A_2579 = vector.shape_cast %swap3A_2578 : vector<1x1x16xf32> to vector<16xf32>
        %swap3A_2580 = vector.shape_cast %get3A_2573 : vector<16xf32> to vector<1x1x16xf32>
        tpu.vector_store %arg7[%swap3A_2575, %swap3A_2576, %swap3A_2577], %swap3A_2580 {strides = array<i32>} : memref<8x32x64xf32, #tpu.memory_space<vmem>>, vector<1x1x16xf32>,
      }
      %scan3A_1570 = arith.constant 32 : i32
      %mul3A_1571 = arith.constant 32 : i32
      %mul3A_1572 = arith.muli %add3A_1509, %mul3A_1571 : i32
      %add3A_1573 = arith.addi %mul3A_4, %mul3A_1572 : i32
      %dma_start3A_1574 = arith.constant 7 : i32
      %dma_start3A_1575 = arith.constant 7 : i32
      %dma_start3A_1576 = arith.constant 0 : i32
      %dma_start3A_1577 = arith.constant 0 : i32
      %dma_start3A_1578 = tpu.memref_slice %arg7[%dma_start3A_1574, %dma_start3A_1576, %dma_start3A_1577] : memref<8x32x64xf32, #tpu.memory_space<vmem>> -> memref<1x32x64xf32, #tpu.memory_space<vmem>>
      %dma_start3A_1579 = tpu.memref_squeeze %dma_start3A_1578 : memref<1x32x64xf32, #tpu.memory_space<vmem>> -> memref<32x64xf32, #tpu.memory_space<vmem>>
      %dma_start3A_1580 = arith.constant 0 : i32
      %dma_start3A_1581 = tpu.memref_slice %arg4[%add3A_1573, %dma_start3A_1580] : memref<819200x64xf32, #tpu.memory_space<hbm>> -> memref<32x64xf32, #tpu.memory_space<hbm>>
      %dma_start3A_1582 = tpu.memref_slice %arg9[%dma_start3A_1575] : memref<8x!tpu.dma_semaphore, #tpu.memory_space<semaphore_mem>> -> memref<1x!tpu.dma_semaphore, #tpu.memory_space<semaphore_mem>>
      %dma_start3A_1583 = tpu.memref_squeeze %dma_start3A_1582 : memref<1x!tpu.dma_semaphore, #tpu.memory_space<semaphore_mem>> -> memref<!tpu.dma_semaphore, #tpu.memory_space<semaphore_mem>>
      %dma_start3A_1584 = arith.constant 0 : i32
      %dma_start3A_1585 = tpu.memref_slice %arg4[%add3A_1573, %dma_start3A_1584] : memref<819200x64xf32, #tpu.memory_space<hbm>> -> memref<32x64xf32, #tpu.memory_space<hbm>>
      %dma_start3A_1586 = arith.constant 0 : i32
      %dma_start3A_1587 = arith.constant 0 : i32
      %dma_start3A_1588 = tpu.memref_slice %arg7[%dma_start3A_1574, %dma_start3A_1586, %dma_start3A_1587] : memref<8x32x64xf32, #tpu.memory_space<vmem>> -> memref<1x32x64xf32, #tpu.memory_space<vmem>>
      %dma_start3A_1589 = tpu.memref_squeeze %dma_start3A_1588 : memref<1x32x64xf32, #tpu.memory_space<vmem>> -> memref<32x64xf32, #tpu.memory_space<vmem>>
      tpu.enqueue_dma source(%dma_start3A_1589 : memref<32x64xf32, #tpu.memory_space<vmem>>) target(%dma_start3A_1585 : memref<32x64xf32, #tpu.memory_space<hbm>>) target_semaphore(%dma_start3A_1583 : memref<!tpu.dma_semaphore, #tpu.memory_space<semaphore_mem>>)
      %sub3A_1590 = arith.constant 4 : i32
      %sub3A_1591 = arith.subi %add3A_1509, %sub3A_1590 : i32
      %mul3A_1592 = arith.constant 32 : i32
      %mul3A_1593 = arith.muli %sub3A_1591, %mul3A_1592 : i32
      %add3A_1594 = arith.addi %mul3A_4, %mul3A_1593 : i32
      %dma_wait3A_1595 = arith.constant 3 : i32
      %dma_wait3A_1596 = arith.constant 3 : i32
      %dma_wait3A_1597 = arith.constant 0 : i32
      %dma_wait3A_1598 = arith.constant 0 : i32
      %dma_wait3A_1599 = tpu.memref_slice %arg7[%dma_wait3A_1595, %dma_wait3A_1597, %dma_wait3A_1598] : memref<8x32x64xf32, #tpu.memory_space<vmem>> -> memref<1x32x64xf32, #tpu.memory_space<vmem>>
      %dma_wait3A_1600 = tpu.memref_squeeze %dma_wait3A_1599 : memref<1x32x64xf32, #tpu.memory_space<vmem>> -> memref<32x64xf32, #tpu.memory_space<vmem>>
      %dma_wait3A_1601 = arith.constant 0 : i32
      %dma_wait3A_1602 = tpu.memref_slice %arg4[%add3A_1594, %dma_wait3A_1601] : memref<819200x64xf32, #tpu.memory_space<hbm>> -> memref<32x64xf32, #tpu.memory_space<hbm>>
      %dma_wait3A_1603 = tpu.memref_slice %arg9[%dma_wait3A_1596] : memref<8x!tpu.dma_semaphore, #tpu.memory_space<semaphore_mem>> -> memref<1x!tpu.dma_semaphore, #tpu.memory_space<semaphore_mem>>
      %dma_wait3A_1604 = tpu.memref_squeeze %dma_wait3A_1603 : memref<1x!tpu.dma_semaphore, #tpu.memory_space<semaphore_mem>> -> memref<!tpu.dma_semaphore, #tpu.memory_space<semaphore_mem>>
      %dma_wait3A_1605 = arith.constant 0 : i32
      %dma_wait3A_1606 = tpu.memref_slice %arg4[%add3A_1594, %dma_wait3A_1605] : memref<819200x64xf32, #tpu.memory_space<hbm>> -> memref<32x64xf32, #tpu.memory_space<hbm>>
      %dma_wait3A_1607 = arith.constant 0 : i32
      %dma_wait3A_1608 = arith.constant 0 : i32
      %dma_wait3A_1609 = tpu.memref_slice %arg7[%dma_wait3A_1595, %dma_wait3A_1607, %dma_wait3A_1608] : memref<8x32x64xf32, #tpu.memory_space<vmem>> -> memref<1x32x64xf32, #tpu.memory_space<vmem>>
      %dma_wait3A_1610 = tpu.memref_squeeze %dma_wait3A_1609 : memref<1x32x64xf32, #tpu.memory_space<vmem>> -> memref<32x64xf32, #tpu.memory_space<vmem>>
      tpu.wait_dma2 semaphore(%dma_wait3A_1604 : memref<!tpu.dma_semaphore, #tpu.memory_space<semaphore_mem>>) src(%dma_wait3A_1610 : memref<32x64xf32, #tpu.memory_space<vmem>>) dst(%dma_wait3A_1606 : memref<32x64xf32, #tpu.memory_space<hbm>>)
      %add3A_1611 = arith.constant 4 : i32
      %add3A_1612 = arith.addi %add3A_1509, %add3A_1611 : i32
      %jit3A_1613 = arith.constant 4 : i32
      %div3A_1614 = arith.divsi %add3A_1612, %jit3A_1613 : i32
      %sign3A_1615 = arith.constant 0 : i32
      %sign3A_1616 = arith.cmpi sgt, %add3A_1612, %sign3A_1615 : i32
      %sign3A_1617 = arith.extui %sign3A_1616 : i1 to i32
      %sign3A_1618 = arith.constant 0 : i32
      %sign3A_1619 = arith.cmpi slt, %add3A_1612, %sign3A_1618 : i32
      %sign3A_1620 = arith.extui %sign3A_1619 : i1 to i32
      %sign3A_1621 = arith.subi %sign3A_1617, %sign3A_1620 : i32
      %sign3A_1622 = arith.constant 0 : i32
      %sign3A_1623 = arith.cmpi sgt, %jit3A_1613, %sign3A_1622 : i32
      %sign3A_1624 = arith.extui %sign3A_1623 : i1 to i32
      %sign3A_1625 = arith.constant 0 : i32
      %sign3A_1626 = arith.cmpi slt, %jit3A_1613, %sign3A_1625 : i32
      %sign3A_1627 = arith.extui %sign3A_1626 : i1 to i32
      %sign3A_1628 = arith.subi %sign3A_1624, %sign3A_1627 : i32
      %ne3A_1629 = arith.cmpi ne, %sign3A_1621, %sign3A_1628 : i32
      %rem3A_1630 = arith.remsi %add3A_1612, %jit3A_1613 : i32
      %ne3A_1631 = arith.constant 0 : i32
      %ne3A_1632 = arith.cmpi ne, %rem3A_1630, %ne3A_1631 : i32
      %and3A_1633 = arith.andi %ne3A_1629, %ne3A_1632 : i1
      %sub3A_1634 = arith.constant 1 : i32
      %sub3A_1635 = arith.subi %div3A_1614, %sub3A_1634 : i32
      %select_n3A_1636 = arith.select %and3A_1633, %sub3A_1635, %div3A_1614 : i32
      %jit3A_1637 = arith.constant 4 : i32
      %eq3A_1638 = arith.constant 0 : i32
      %eq3A_1639 = arith.cmpi eq, %jit3A_1637, %eq3A_1638 : i32
      %jit3A_1640 = arith.constant 1 : i32
      %select_n3A_1641 = arith.select %eq3A_1639, %jit3A_1640, %jit3A_1637 : i32
      %rem3A_1642 = arith.remsi %add3A_1612, %select_n3A_1641 : i32
      %ne3A_1643 = arith.constant 0 : i32
      %ne3A_1644 = arith.cmpi ne, %rem3A_1642, %ne3A_1643 : i32
      %lt3A_1645 = arith.constant 0 : i32
      %lt3A_1646 = arith.cmpi slt, %rem3A_1642, %lt3A_1645 : i32
      %lt3A_1647 = arith.constant 0 : i32
      %lt3A_1648 = arith.cmpi slt, %select_n3A_1641, %lt3A_1647 : i32
      %ne3A_1649 = arith.xori %lt3A_1646, %lt3A_1648 : i1
      %and3A_1650 = arith.andi %ne3A_1649, %ne3A_1644 : i1
      %add3A_1651 = arith.addi %rem3A_1642, %select_n3A_1641 : i32
      %select_n3A_1652 = arith.select %and3A_1650, %add3A_1651, %rem3A_1642 : i32
      %mul3A_1653 = arith.constant 32 : i32
      %mul3A_1654 = arith.muli %select_n3A_1652, %mul3A_1653 : i32
      %add3A_1655 = arith.constant 0 : i32
      %add3A_1656 = arith.addi %mul3A_1654, %add3A_1655 : i32
      %get3A_1657 = arith.index_cast %select_n3A_1636 : i32 to index
      %get3A_1658 = arith.index_cast %add3A_1656 : i32 to index
      %get3A_1659 = tpu.vector_load %arg5[%get3A_1657, %get3A_1658] {strides = array<i32>} : memref<200x128xi32, #tpu.memory_space<vmem>>, vector<1x16xi32>,
      %get3A_1660 = vector.shape_cast %get3A_1659 : vector<1x16xi32> to vector<16xi32>
      %eq3A_1661 = arith.constant 0 : i32
      %eq3A_1662 = vector.broadcast %eq3A_1661 : i32 to vector<16xi32>
      %eq3A_1663 = arith.cmpi eq, %get3A_1660, %eq3A_1662 : vector<16xi32>
      %sub3A_1664 = arith.constant 1 : i32
      %sub3A_1665 = vector.broadcast %sub3A_1664 : i32 to vector<16xi32>
      %sub3A_1666 = arith.subi %get3A_1660, %sub3A_1665 : vector<16xi32>
      %jit3A_1667 = arith.constant 99999 : i32
      %broadcast_in_dim3A_1668 = vector.broadcast %jit3A_1667 : i32 to vector<16xi32>
      %select_n3A_1669 = arith.select %eq3A_1663, %broadcast_in_dim3A_1668, %sub3A_1666 : vector<16xi1>, vector<16xi32>
      %add3A_1670 = arith.constant 0 : i32
      %add3A_1671 = arith.addi %mul3A_1654, %add3A_1670 : i32
      %swap3A_1672 = arith.index_cast %select_n3A_1636 : i32 to index
      %swap3A_1673 = arith.index_cast %add3A_1671 : i32 to index
      %swap3A_1674 = tpu.vector_load %arg5[%swap3A_1672, %swap3A_1673] {strides = array<i32>} : memref<200x128xi32, #tpu.memory_space<vmem>>, vector<1x16xi32>,
      %swap3A_1675 = vector.shape_cast %swap3A_1674 : vector<1x16xi32> to vector<16xi32>
      %swap3A_1676 = vector.shape_cast %select_n3A_1669 : vector<16xi32> to vector<1x16xi32>
      tpu.vector_store %arg5[%swap3A_1672, %swap3A_1673], %swap3A_1676 {strides = array<i32>} : memref<200x128xi32, #tpu.memory_space<vmem>>, vector<1x16xi32>,
      %add3A_1677 = arith.constant 16 : i32
      %add3A_1678 = arith.addi %mul3A_1654, %add3A_1677 : i32
      %get3A_1679 = arith.index_cast %select_n3A_1636 : i32 to index
      %get3A_1680 = arith.index_cast %add3A_1678 : i32 to index
      %get3A_1681 = tpu.vector_load %arg5[%get3A_1679, %get3A_1680] {strides = array<i32>} : memref<200x128xi32, #tpu.memory_space<vmem>>, vector<1x16xi32>,
      %get3A_1682 = vector.shape_cast %get3A_1681 : vector<1x16xi32> to vector<16xi32>
      %eq3A_1683 = arith.constant 0 : i32
      %eq3A_1684 = vector.broadcast %eq3A_1683 : i32 to vector<16xi32>
      %eq3A_1685 = arith.cmpi eq, %get3A_1682, %eq3A_1684 : vector<16xi32>
      %sub3A_1686 = arith.constant 1 : i32
      %sub3A_1687 = vector.broadcast %sub3A_1686 : i32 to vector<16xi32>
      %sub3A_1688 = arith.subi %get3A_1682, %sub3A_1687 : vector<16xi32>
      %jit3A_1689 = arith.constant 99999 : i32
      %broadcast_in_dim3A_1690 = vector.broadcast %jit3A_1689 : i32 to vector<16xi32>
      %select_n3A_1691 = arith.select %eq3A_1685, %broadcast_in_dim3A_1690, %sub3A_1688 : vector<16xi1>, vector<16xi32>
      %add3A_1692 = arith.constant 16 : i32
      %add3A_1693 = arith.addi %mul3A_1654, %add3A_1692 : i32
      %swap3A_1694 = arith.index_cast %select_n3A_1636 : i32 to index
      %swap3A_1695 = arith.index_cast %add3A_1693 : i32 to index
      %swap3A_1696 = tpu.vector_load %arg5[%swap3A_1694, %swap3A_1695] {strides = array<i32>} : memref<200x128xi32, #tpu.memory_space<vmem>>, vector<1x16xi32>,
      %swap3A_1697 = vector.shape_cast %swap3A_1696 : vector<1x16xi32> to vector<16xi32>
      %swap3A_1698 = vector.shape_cast %select_n3A_1691 : vector<16xi32> to vector<1x16xi32>
      tpu.vector_store %arg5[%swap3A_1694, %swap3A_1695], %swap3A_1698 {strides = array<i32>} : memref<200x128xi32, #tpu.memory_space<vmem>>, vector<1x16xi32>,
      %dma_start3A_1699 = arith.constant 3 : i32
      %dma_start3A_1700 = arith.constant 3 : i32
      %dma_start3A_1701 = arith.constant 0 : i32
      %dma_start3A_1702 = arith.constant 0 : i32
      %dma_start3A_1703 = tpu.memref_slice %arg6[%dma_start3A_1699, %dma_start3A_1701, %dma_start3A_1702] : memref<8x32x128xf32, #tpu.memory_space<vmem>> -> memref<1x32x128xf32, #tpu.memory_space<vmem>>
      %dma_start3A_1704 = tpu.memref_squeeze %dma_start3A_1703 : memref<1x32x128xf32, #tpu.memory_space<vmem>> -> memref<32x128xf32, #tpu.memory_space<vmem>>
      %dma_start3A_1705 = tpu.memref_slice %arg5[%select_n3A_1636, %mul3A_1654] : memref<200x128xi32, #tpu.memory_space<vmem>> -> memref<1x32xi32, #tpu.memory_space<vmem>>
      %dma_start3A_1706 = tpu.memref_squeeze %dma_start3A_1705 : memref<1x32xi32, #tpu.memory_space<vmem>> -> memref<32xi32, #tpu.memory_space<vmem>>
      %dma_start3A_1707 = arith.constant 0 : i32
      %dma_start3A_1708 = arith.constant 0 : i32
      %dma_start3A_1709 = tpu.memref_slice %arg3[%dma_start3A_1707, %dma_start3A_1708] : memref<100000x128xf32, #tpu.memory_space<hbm>> -> memref<100000x128xf32, #tpu.memory_space<hbm>>
      %dma_start3A_1710 = tpu.memref_slice %arg8[%dma_start3A_1700] : memref<8x!tpu.dma_semaphore, #tpu.memory_space<semaphore_mem>> -> memref<1x!tpu.dma_semaphore, #tpu.memory_space<semaphore_mem>>
      %dma_start3A_1711 = tpu.memref_squeeze %dma_start3A_1710 : memref<1x!tpu.dma_semaphore, #tpu.memory_space<semaphore_mem>> -> memref<!tpu.dma_semaphore, #tpu.memory_space<semaphore_mem>>
      tpu.enqueue_indirect_dma source(%dma_start3A_1709 : memref<100000x128xf32, #tpu.memory_space<hbm>>) target(%dma_start3A_1704 : memref<32x128xf32, #tpu.memory_space<vmem>>) offsets(%dma_start3A_1706 : memref<32xi32, #tpu.memory_space<vmem>>) semaphore(%dma_start3A_1711 : memref<!tpu.dma_semaphore, #tpu.memory_space<semaphore_mem>>)
      %add3A_1712 = arith.constant 4 : i32
      %add3A_1713 = arith.addi %add3A_901, %add3A_1712 : i32
      %jit3A_1714 = arith.constant 4 : i32
      %div3A_1715 = arith.divsi %add3A_1713, %jit3A_1714 : i32
      %sign3A_1716 = arith.constant 0 : i32
      %sign3A_1717 = arith.cmpi sgt, %add3A_1713, %sign3A_1716 : i32
      %sign3A_1718 = arith.extui %sign3A_1717 : i1 to i32
      %sign3A_1719 = arith.constant 0 : i32
      %sign3A_1720 = arith.cmpi slt, %add3A_1713, %sign3A_1719 : i32
      %sign3A_1721 = arith.extui %sign3A_1720 : i1 to i32
      %sign3A_1722 = arith.subi %sign3A_1718, %sign3A_1721 : i32
      %sign3A_1723 = arith.constant 0 : i32
      %sign3A_1724 = arith.cmpi sgt, %jit3A_1714, %sign3A_1723 : i32
      %sign3A_1725 = arith.extui %sign3A_1724 : i1 to i32
      %sign3A_1726 = arith.constant 0 : i32
      %sign3A_1727 = arith.cmpi slt, %jit3A_1714, %sign3A_1726 : i32
      %sign3A_1728 = arith.extui %sign3A_1727 : i1 to i32
      %sign3A_1729 = arith.subi %sign3A_1725, %sign3A_1728 : i32
      %ne3A_1730 = arith.cmpi ne, %sign3A_1722, %sign3A_1729 : i32
      %rem3A_1731 = arith.remsi %add3A_1713, %jit3A_1714 : i32
      %ne3A_1732 = arith.constant 0 : i32
      %ne3A_1733 = arith.cmpi ne, %rem3A_1731, %ne3A_1732 : i32
      %and3A_1734 = arith.andi %ne3A_1730, %ne3A_1733 : i1
      %sub3A_1735 = arith.constant 1 : i32
      %sub3A_1736 = arith.subi %div3A_1715, %sub3A_1735 : i32
      %select_n3A_1737 = arith.select %and3A_1734, %sub3A_1736, %div3A_1715 : i32
      %jit3A_1738 = arith.constant 4 : i32
      %eq3A_1739 = arith.constant 0 : i32
      %eq3A_1740 = arith.cmpi eq, %jit3A_1738, %eq3A_1739 : i32
      %jit3A_1741 = arith.constant 1 : i32
      %select_n3A_1742 = arith.select %eq3A_1740, %jit3A_1741, %jit3A_1738 : i32
      %rem3A_1743 = arith.remsi %add3A_1713, %select_n3A_1742 : i32
      %ne3A_1744 = arith.constant 0 : i32
      %ne3A_1745 = arith.cmpi ne, %rem3A_1743, %ne3A_1744 : i32
      %lt3A_1746 = arith.constant 0 : i32
      %lt3A_1747 = arith.cmpi slt, %rem3A_1743, %lt3A_1746 : i32
      %lt3A_1748 = arith.constant 0 : i32
      %lt3A_1749 = arith.cmpi slt, %select_n3A_1742, %lt3A_1748 : i32
      %ne3A_1750 = arith.xori %lt3A_1747, %lt3A_1749 : i1
      %and3A_1751 = arith.andi %ne3A_1750, %ne3A_1745 : i1
      %add3A_1752 = arith.addi %rem3A_1743, %select_n3A_1742 : i32
      %select_n3A_1753 = arith.select %and3A_1751, %add3A_1752, %rem3A_1743 : i32
      %mul3A_1754 = arith.constant 32 : i32
      %mul3A_1755 = arith.muli %select_n3A_1753, %mul3A_1754 : i32
      %dma_wait3A_1756 = arith.constant 0 : i32
      %dma_wait3A_1757 = arith.constant 0 : i32
      %dma_wait3A_1758 = arith.constant 0 : i32
      %dma_wait3A_1759 = arith.constant 0 : i32
      %dma_wait3A_1760 = tpu.memref_slice %arg6[%dma_wait3A_1756, %dma_wait3A_1758, %dma_wait3A_1759] : memref<8x32x128xf32, #tpu.memory_space<vmem>> -> memref<1x32x128xf32, #tpu.memory_space<vmem>>
      %dma_wait3A_1761 = tpu.memref_squeeze %dma_wait3A_1760 : memref<1x32x128xf32, #tpu.memory_space<vmem>> -> memref<32x128xf32, #tpu.memory_space<vmem>>
      %dma_wait3A_1762 = tpu.memref_slice %arg5[%select_n3A_1737, %mul3A_1755] : memref<200x128xi32, #tpu.memory_space<vmem>> -> memref<1x32xi32, #tpu.memory_space<vmem>>
      %dma_wait3A_1763 = tpu.memref_squeeze %dma_wait3A_1762 : memref<1x32xi32, #tpu.memory_space<vmem>> -> memref<32xi32, #tpu.memory_space<vmem>>
      %dma_wait3A_1764 = arith.constant 0 : i32
      %dma_wait3A_1765 = arith.constant 0 : i32
      %dma_wait3A_1766 = tpu.memref_slice %arg3[%dma_wait3A_1764, %dma_wait3A_1765] : memref<100000x128xf32, #tpu.memory_space<hbm>> -> memref<100000x128xf32, #tpu.memory_space<hbm>>
      %dma_wait3A_1767 = tpu.memref_slice %arg8[%dma_wait3A_1757] : memref<8x!tpu.dma_semaphore, #tpu.memory_space<semaphore_mem>> -> memref<1x!tpu.dma_semaphore, #tpu.memory_space<semaphore_mem>>
      %dma_wait3A_1768 = tpu.memref_squeeze %dma_wait3A_1767 : memref<1x!tpu.dma_semaphore, #tpu.memory_space<semaphore_mem>> -> memref<!tpu.dma_semaphore, #tpu.memory_space<semaphore_mem>>
      tpu.wait_indirect_dma semaphore(%dma_wait3A_1768 : memref<!tpu.dma_semaphore, #tpu.memory_space<semaphore_mem>>) src(%dma_wait3A_1766 : memref<100000x128xf32, #tpu.memory_space<hbm>>) dst(%dma_wait3A_1761 : memref<32x128xf32, #tpu.memory_space<vmem>>)
      %scan3A_1769 = arith.constant 0 : i32
      %scan3A_1770 = arith.constant 0 : i32
      %scan3A_1771 = arith.constant 32 : i32
      %scan3A_1772 = arith.addi %scan3A_1770, %scan3A_1771 : i32
      %scan3A_1773 = arith.constant 1 : i32
      scf.for %scan3A_2528 = %scan3A_1770 to %scan3A_1772 step %scan3A_1773  : i32 {
        %get3A_2529 = arith.constant 0 : i32
        %get3A_2530 = arith.index_cast %get3A_2529 : i32 to index
        %get3A_2531 = arith.index_cast %scan3A_2528 : i32 to index
        %get3A_2532 = arith.constant 0 : index
        %get3A_2533 = tpu.vector_load %arg6[%get3A_2530, %get3A_2531, %get3A_2532] {strides = array<i32>} : memref<8x32x128xf32, #tpu.memory_space<vmem>>, vector<1x1x16xf32>,
        %get3A_2534 = vector.shape_cast %get3A_2533 : vector<1x1x16xf32> to vector<16xf32>
        %swap3A_2535 = arith.constant 0 : i32
        %swap3A_2536 = arith.index_cast %swap3A_2535 : i32 to index
        %swap3A_2537 = arith.index_cast %scan3A_2528 : i32 to index
        %swap3A_2538 = arith.constant 0 : index
        %swap3A_2539 = tpu.vector_load %arg7[%swap3A_2536, %swap3A_2537, %swap3A_2538] {strides = array<i32>} : memref<8x32x64xf32, #tpu.memory_space<vmem>>, vector<1x1x16xf32>,
        %swap3A_2540 = vector.shape_cast %swap3A_2539 : vector<1x1x16xf32> to vector<16xf32>
        %swap3A_2541 = vector.shape_cast %get3A_2534 : vector<16xf32> to vector<1x1x16xf32>
        tpu.vector_store %arg7[%swap3A_2536, %swap3A_2537, %swap3A_2538], %swap3A_2541 {strides = array<i32>} : memref<8x32x64xf32, #tpu.memory_space<vmem>>, vector<1x1x16xf32>,
        %get3A_2542 = arith.constant 0 : i32
        %get3A_2543 = arith.index_cast %get3A_2542 : i32 to index
        %get3A_2544 = arith.index_cast %scan3A_2528 : i32 to index
        %get3A_2545 = arith.constant 16 : index
        %get3A_2546 = tpu.vector_load %arg6[%get3A_2543, %get3A_2544, %get3A_2545] {strides = array<i32>} : memref<8x32x128xf32, #tpu.memory_space<vmem>>, vector<1x1x16xf32>,
        %get3A_2547 = vector.shape_cast %get3A_2546 : vector<1x1x16xf32> to vector<16xf32>
        %swap3A_2548 = arith.constant 0 : i32
        %swap3A_2549 = arith.index_cast %swap3A_2548 : i32 to index
        %swap3A_2550 = arith.index_cast %scan3A_2528 : i32 to index
        %swap3A_2551 = arith.constant 16 : index
        %swap3A_2552 = tpu.vector_load %arg7[%swap3A_2549, %swap3A_2550, %swap3A_2551] {strides = array<i32>} : memref<8x32x64xf32, #tpu.memory_space<vmem>>, vector<1x1x16xf32>,
        %swap3A_2553 = vector.shape_cast %swap3A_2552 : vector<1x1x16xf32> to vector<16xf32>
        %swap3A_2554 = vector.shape_cast %get3A_2547 : vector<16xf32> to vector<1x1x16xf32>
        tpu.vector_store %arg7[%swap3A_2549, %swap3A_2550, %swap3A_2551], %swap3A_2554 {strides = array<i32>} : memref<8x32x64xf32, #tpu.memory_space<vmem>>, vector<1x1x16xf32>,
        %get3A_2555 = arith.constant 0 : i32
        %get3A_2556 = arith.index_cast %get3A_2555 : i32 to index
        %get3A_2557 = arith.index_cast %scan3A_2528 : i32 to index
        %get3A_2558 = arith.constant 32 : index
        %get3A_2559 = tpu.vector_load %arg6[%get3A_2556, %get3A_2557, %get3A_2558] {strides = array<i32>} : memref<8x32x128xf32, #tpu.memory_space<vmem>>, vector<1x1x16xf32>,
        %get3A_2560 = vector.shape_cast %get3A_2559 : vector<1x1x16xf32> to vector<16xf32>
        %swap3A_2561 = arith.constant 0 : i32
        %swap3A_2562 = arith.index_cast %swap3A_2561 : i32 to index
        %swap3A_2563 = arith.index_cast %scan3A_2528 : i32 to index
        %swap3A_2564 = arith.constant 32 : index
        %swap3A_2565 = tpu.vector_load %arg7[%swap3A_2562, %swap3A_2563, %swap3A_2564] {strides = array<i32>} : memref<8x32x64xf32, #tpu.memory_space<vmem>>, vector<1x1x16xf32>,
        %swap3A_2566 = vector.shape_cast %swap3A_2565 : vector<1x1x16xf32> to vector<16xf32>
        %swap3A_2567 = vector.shape_cast %get3A_2560 : vector<16xf32> to vector<1x1x16xf32>
        tpu.vector_store %arg7[%swap3A_2562, %swap3A_2563, %swap3A_2564], %swap3A_2567 {strides = array<i32>} : memref<8x32x64xf32, #tpu.memory_space<vmem>>, vector<1x1x16xf32>,
        %get3A_2568 = arith.constant 0 : i32
        %get3A_2569 = arith.index_cast %get3A_2568 : i32 to index
        %get3A_2570 = arith.index_cast %scan3A_2528 : i32 to index
        %get3A_2571 = arith.constant 48 : index
        %get3A_2572 = tpu.vector_load %arg6[%get3A_2569, %get3A_2570, %get3A_2571] {strides = array<i32>} : memref<8x32x128xf32, #tpu.memory_space<vmem>>, vector<1x1x16xf32>,
        %get3A_2573 = vector.shape_cast %get3A_2572 : vector<1x1x16xf32> to vector<16xf32>
        %swap3A_2574 = arith.constant 0 : i32
        %swap3A_2575 = arith.index_cast %swap3A_2574 : i32 to index
        %swap3A_2576 = arith.index_cast %scan3A_2528 : i32 to index
        %swap3A_2577 = arith.constant 48 : index
        %swap3A_2578 = tpu.vector_load %arg7[%swap3A_2575, %swap3A_2576, %swap3A_2577] {strides = array<i32>} : memref<8x32x64xf32, #tpu.memory_space<vmem>>, vector<1x1x16xf32>,
        %swap3A_2579 = vector.shape_cast %swap3A_2578 : vector<1x1x16xf32> to vector<16xf32>
        %swap3A_2580 = vector.shape_cast %get3A_2573 : vector<16xf32> to vector<1x1x16xf32>
        tpu.vector_store %arg7[%swap3A_2575, %swap3A_2576, %swap3A_2577], %swap3A_2580 {strides = array<i32>} : memref<8x32x64xf32, #tpu.memory_space<vmem>>, vector<1x1x16xf32>,
      }
      %scan3A_1774 = arith.constant 32 : i32
      %mul3A_1775 = arith.constant 32 : i32
      %mul3A_1776 = arith.muli %add3A_1713, %mul3A_1775 : i32
      %add3A_1777 = arith.addi %mul3A_4, %mul3A_1776 : i32
      %dma_start3A_1778 = arith.constant 0 : i32
      %dma_start3A_1779 = arith.constant 0 : i32
      %dma_start3A_1780 = arith.constant 0 : i32
      %dma_start3A_1781 = arith.constant 0 : i32
      %dma_start3A_1782 = tpu.memref_slice %arg7[%dma_start3A_1778, %dma_start3A_1780, %dma_start3A_1781] : memref<8x32x64xf32, #tpu.memory_space<vmem>> -> memref<1x32x64xf32, #tpu.memory_space<vmem>>
      %dma_start3A_1783 = tpu.memref_squeeze %dma_start3A_1782 : memref<1x32x64xf32, #tpu.memory_space<vmem>> -> memref<32x64xf32, #tpu.memory_space<vmem>>
      %dma_start3A_1784 = arith.constant 0 : i32
      %dma_start3A_1785 = tpu.memref_slice %arg4[%add3A_1777, %dma_start3A_1784] : memref<819200x64xf32, #tpu.memory_space<hbm>> -> memref<32x64xf32, #tpu.memory_space<hbm>>
      %dma_start3A_1786 = tpu.memref_slice %arg9[%dma_start3A_1779] : memref<8x!tpu.dma_semaphore, #tpu.memory_space<semaphore_mem>> -> memref<1x!tpu.dma_semaphore, #tpu.memory_space<semaphore_mem>>
      %dma_start3A_1787 = tpu.memref_squeeze %dma_start3A_1786 : memref<1x!tpu.dma_semaphore, #tpu.memory_space<semaphore_mem>> -> memref<!tpu.dma_semaphore, #tpu.memory_space<semaphore_mem>>
      %dma_start3A_1788 = arith.constant 0 : i32
      %dma_start3A_1789 = tpu.memref_slice %arg4[%add3A_1777, %dma_start3A_1788] : memref<819200x64xf32, #tpu.memory_space<hbm>> -> memref<32x64xf32, #tpu.memory_space<hbm>>
      %dma_start3A_1790 = arith.constant 0 : i32
      %dma_start3A_1791 = arith.constant 0 : i32
      %dma_start3A_1792 = tpu.memref_slice %arg7[%dma_start3A_1778, %dma_start3A_1790, %dma_start3A_1791] : memref<8x32x64xf32, #tpu.memory_space<vmem>> -> memref<1x32x64xf32, #tpu.memory_space<vmem>>
      %dma_start3A_1793 = tpu.memref_squeeze %dma_start3A_1792 : memref<1x32x64xf32, #tpu.memory_space<vmem>> -> memref<32x64xf32, #tpu.memory_space<vmem>>
      tpu.enqueue_dma source(%dma_start3A_1793 : memref<32x64xf32, #tpu.memory_space<vmem>>) target(%dma_start3A_1789 : memref<32x64xf32, #tpu.memory_space<hbm>>) target_semaphore(%dma_start3A_1787 : memref<!tpu.dma_semaphore, #tpu.memory_space<semaphore_mem>>)
      %sub3A_1794 = arith.constant 4 : i32
      %sub3A_1795 = arith.subi %add3A_1713, %sub3A_1794 : i32
      %mul3A_1796 = arith.constant 32 : i32
      %mul3A_1797 = arith.muli %sub3A_1795, %mul3A_1796 : i32
      %add3A_1798 = arith.addi %mul3A_4, %mul3A_1797 : i32
      %dma_wait3A_1799 = arith.constant 4 : i32
      %dma_wait3A_1800 = arith.constant 4 : i32
      %dma_wait3A_1801 = arith.constant 0 : i32
      %dma_wait3A_1802 = arith.constant 0 : i32
      %dma_wait3A_1803 = tpu.memref_slice %arg7[%dma_wait3A_1799, %dma_wait3A_1801, %dma_wait3A_1802] : memref<8x32x64xf32, #tpu.memory_space<vmem>> -> memref<1x32x64xf32, #tpu.memory_space<vmem>>
      %dma_wait3A_1804 = tpu.memref_squeeze %dma_wait3A_1803 : memref<1x32x64xf32, #tpu.memory_space<vmem>> -> memref<32x64xf32, #tpu.memory_space<vmem>>
      %dma_wait3A_1805 = arith.constant 0 : i32
      %dma_wait3A_1806 = tpu.memref_slice %arg4[%add3A_1798, %dma_wait3A_1805] : memref<819200x64xf32, #tpu.memory_space<hbm>> -> memref<32x64xf32, #tpu.memory_space<hbm>>
      %dma_wait3A_1807 = tpu.memref_slice %arg9[%dma_wait3A_1800] : memref<8x!tpu.dma_semaphore, #tpu.memory_space<semaphore_mem>> -> memref<1x!tpu.dma_semaphore, #tpu.memory_space<semaphore_mem>>
      %dma_wait3A_1808 = tpu.memref_squeeze %dma_wait3A_1807 : memref<1x!tpu.dma_semaphore, #tpu.memory_space<semaphore_mem>> -> memref<!tpu.dma_semaphore, #tpu.memory_space<semaphore_mem>>
      %dma_wait3A_1809 = arith.constant 0 : i32
      %dma_wait3A_1810 = tpu.memref_slice %arg4[%add3A_1798, %dma_wait3A_1809] : memref<819200x64xf32, #tpu.memory_space<hbm>> -> memref<32x64xf32, #tpu.memory_space<hbm>>
      %dma_wait3A_1811 = arith.constant 0 : i32
      %dma_wait3A_1812 = arith.constant 0 : i32
      %dma_wait3A_1813 = tpu.memref_slice %arg7[%dma_wait3A_1799, %dma_wait3A_1811, %dma_wait3A_1812] : memref<8x32x64xf32, #tpu.memory_space<vmem>> -> memref<1x32x64xf32, #tpu.memory_space<vmem>>
      %dma_wait3A_1814 = tpu.memref_squeeze %dma_wait3A_1813 : memref<1x32x64xf32, #tpu.memory_space<vmem>> -> memref<32x64xf32, #tpu.memory_space<vmem>>
      tpu.wait_dma2 semaphore(%dma_wait3A_1808 : memref<!tpu.dma_semaphore, #tpu.memory_space<semaphore_mem>>) src(%dma_wait3A_1814 : memref<32x64xf32, #tpu.memory_space<vmem>>) dst(%dma_wait3A_1810 : memref<32x64xf32, #tpu.memory_space<hbm>>)
      %add3A_1815 = arith.constant 4 : i32
      %add3A_1816 = arith.addi %add3A_1713, %add3A_1815 : i32
      %jit3A_1817 = arith.constant 4 : i32
      %div3A_1818 = arith.divsi %add3A_1816, %jit3A_1817 : i32
      %sign3A_1819 = arith.constant 0 : i32
      %sign3A_1820 = arith.cmpi sgt, %add3A_1816, %sign3A_1819 : i32
      %sign3A_1821 = arith.extui %sign3A_1820 : i1 to i32
      %sign3A_1822 = arith.constant 0 : i32
      %sign3A_1823 = arith.cmpi slt, %add3A_1816, %sign3A_1822 : i32
      %sign3A_1824 = arith.extui %sign3A_1823 : i1 to i32
      %sign3A_1825 = arith.subi %sign3A_1821, %sign3A_1824 : i32
      %sign3A_1826 = arith.constant 0 : i32
      %sign3A_1827 = arith.cmpi sgt, %jit3A_1817, %sign3A_1826 : i32
      %sign3A_1828 = arith.extui %sign3A_1827 : i1 to i32
      %sign3A_1829 = arith.constant 0 : i32
      %sign3A_1830 = arith.cmpi slt, %jit3A_1817, %sign3A_1829 : i32
      %sign3A_1831 = arith.extui %sign3A_1830 : i1 to i32
      %sign3A_1832 = arith.subi %sign3A_1828, %sign3A_1831 : i32
      %ne3A_1833 = arith.cmpi ne, %sign3A_1825, %sign3A_1832 : i32
      %rem3A_1834 = arith.remsi %add3A_1816, %jit3A_1817 : i32
      %ne3A_1835 = arith.constant 0 : i32
      %ne3A_1836 = arith.cmpi ne, %rem3A_1834, %ne3A_1835 : i32
      %and3A_1837 = arith.andi %ne3A_1833, %ne3A_1836 : i1
      %sub3A_1838 = arith.constant 1 : i32
      %sub3A_1839 = arith.subi %div3A_1818, %sub3A_1838 : i32
      %select_n3A_1840 = arith.select %and3A_1837, %sub3A_1839, %div3A_1818 : i32
      %jit3A_1841 = arith.constant 4 : i32
      %eq3A_1842 = arith.constant 0 : i32
      %eq3A_1843 = arith.cmpi eq, %jit3A_1841, %eq3A_1842 : i32
      %jit3A_1844 = arith.constant 1 : i32
      %select_n3A_1845 = arith.select %eq3A_1843, %jit3A_1844, %jit3A_1841 : i32
      %rem3A_1846 = arith.remsi %add3A_1816, %select_n3A_1845 : i32
      %ne3A_1847 = arith.constant 0 : i32
      %ne3A_1848 = arith.cmpi ne, %rem3A_1846, %ne3A_1847 : i32
      %lt3A_1849 = arith.constant 0 : i32
      %lt3A_1850 = arith.cmpi slt, %rem3A_1846, %lt3A_1849 : i32
      %lt3A_1851 = arith.constant 0 : i32
      %lt3A_1852 = arith.cmpi slt, %select_n3A_1845, %lt3A_1851 : i32
      %ne3A_1853 = arith.xori %lt3A_1850, %lt3A_1852 : i1
      %and3A_1854 = arith.andi %ne3A_1853, %ne3A_1848 : i1
      %add3A_1855 = arith.addi %rem3A_1846, %select_n3A_1845 : i32
      %select_n3A_1856 = arith.select %and3A_1854, %add3A_1855, %rem3A_1846 : i32
      %mul3A_1857 = arith.constant 32 : i32
      %mul3A_1858 = arith.muli %select_n3A_1856, %mul3A_1857 : i32
      %add3A_1859 = arith.constant 0 : i32
      %add3A_1860 = arith.addi %mul3A_1858, %add3A_1859 : i32
      %get3A_1861 = arith.index_cast %select_n3A_1840 : i32 to index
      %get3A_1862 = arith.index_cast %add3A_1860 : i32 to index
      %get3A_1863 = tpu.vector_load %arg5[%get3A_1861, %get3A_1862] {strides = array<i32>} : memref<200x128xi32, #tpu.memory_space<vmem>>, vector<1x16xi32>,
      %get3A_1864 = vector.shape_cast %get3A_1863 : vector<1x16xi32> to vector<16xi32>
      %eq3A_1865 = arith.constant 0 : i32
      %eq3A_1866 = vector.broadcast %eq3A_1865 : i32 to vector<16xi32>
      %eq3A_1867 = arith.cmpi eq, %get3A_1864, %eq3A_1866 : vector<16xi32>
      %sub3A_1868 = arith.constant 1 : i32
      %sub3A_1869 = vector.broadcast %sub3A_1868 : i32 to vector<16xi32>
      %sub3A_1870 = arith.subi %get3A_1864, %sub3A_1869 : vector<16xi32>
      %jit3A_1871 = arith.constant 99999 : i32
      %broadcast_in_dim3A_1872 = vector.broadcast %jit3A_1871 : i32 to vector<16xi32>
      %select_n3A_1873 = arith.select %eq3A_1867, %broadcast_in_dim3A_1872, %sub3A_1870 : vector<16xi1>, vector<16xi32>
      %add3A_1874 = arith.constant 0 : i32
      %add3A_1875 = arith.addi %mul3A_1858, %add3A_1874 : i32
      %swap3A_1876 = arith.index_cast %select_n3A_1840 : i32 to index
      %swap3A_1877 = arith.index_cast %add3A_1875 : i32 to index
      %swap3A_1878 = tpu.vector_load %arg5[%swap3A_1876, %swap3A_1877] {strides = array<i32>} : memref<200x128xi32, #tpu.memory_space<vmem>>, vector<1x16xi32>,
      %swap3A_1879 = vector.shape_cast %swap3A_1878 : vector<1x16xi32> to vector<16xi32>
      %swap3A_1880 = vector.shape_cast %select_n3A_1873 : vector<16xi32> to vector<1x16xi32>
      tpu.vector_store %arg5[%swap3A_1876, %swap3A_1877], %swap3A_1880 {strides = array<i32>} : memref<200x128xi32, #tpu.memory_space<vmem>>, vector<1x16xi32>,
      %add3A_1881 = arith.constant 16 : i32
      %add3A_1882 = arith.addi %mul3A_1858, %add3A_1881 : i32
      %get3A_1883 = arith.index_cast %select_n3A_1840 : i32 to index
      %get3A_1884 = arith.index_cast %add3A_1882 : i32 to index
      %get3A_1885 = tpu.vector_load %arg5[%get3A_1883, %get3A_1884] {strides = array<i32>} : memref<200x128xi32, #tpu.memory_space<vmem>>, vector<1x16xi32>,
      %get3A_1886 = vector.shape_cast %get3A_1885 : vector<1x16xi32> to vector<16xi32>
      %eq3A_1887 = arith.constant 0 : i32
      %eq3A_1888 = vector.broadcast %eq3A_1887 : i32 to vector<16xi32>
      %eq3A_1889 = arith.cmpi eq, %get3A_1886, %eq3A_1888 : vector<16xi32>
      %sub3A_1890 = arith.constant 1 : i32
      %sub3A_1891 = vector.broadcast %sub3A_1890 : i32 to vector<16xi32>
      %sub3A_1892 = arith.subi %get3A_1886, %sub3A_1891 : vector<16xi32>
      %jit3A_1893 = arith.constant 99999 : i32
      %broadcast_in_dim3A_1894 = vector.broadcast %jit3A_1893 : i32 to vector<16xi32>
      %select_n3A_1895 = arith.select %eq3A_1889, %broadcast_in_dim3A_1894, %sub3A_1892 : vector<16xi1>, vector<16xi32>
      %add3A_1896 = arith.constant 16 : i32
      %add3A_1897 = arith.addi %mul3A_1858, %add3A_1896 : i32
      %swap3A_1898 = arith.index_cast %select_n3A_1840 : i32 to index
      %swap3A_1899 = arith.index_cast %add3A_1897 : i32 to index
      %swap3A_1900 = tpu.vector_load %arg5[%swap3A_1898, %swap3A_1899] {strides = array<i32>} : memref<200x128xi32, #tpu.memory_space<vmem>>, vector<1x16xi32>,
      %swap3A_1901 = vector.shape_cast %swap3A_1900 : vector<1x16xi32> to vector<16xi32>
      %swap3A_1902 = vector.shape_cast %select_n3A_1895 : vector<16xi32> to vector<1x16xi32>
      tpu.vector_store %arg5[%swap3A_1898, %swap3A_1899], %swap3A_1902 {strides = array<i32>} : memref<200x128xi32, #tpu.memory_space<vmem>>, vector<1x16xi32>,
      %dma_start3A_1903 = arith.constant 4 : i32
      %dma_start3A_1904 = arith.constant 4 : i32
      %dma_start3A_1905 = arith.constant 0 : i32
      %dma_start3A_1906 = arith.constant 0 : i32
      %dma_start3A_1907 = tpu.memref_slice %arg6[%dma_start3A_1903, %dma_start3A_1905, %dma_start3A_1906] : memref<8x32x128xf32, #tpu.memory_space<vmem>> -> memref<1x32x128xf32, #tpu.memory_space<vmem>>
      %dma_start3A_1908 = tpu.memref_squeeze %dma_start3A_1907 : memref<1x32x128xf32, #tpu.memory_space<vmem>> -> memref<32x128xf32, #tpu.memory_space<vmem>>
      %dma_start3A_1909 = tpu.memref_slice %arg5[%select_n3A_1840, %mul3A_1858] : memref<200x128xi32, #tpu.memory_space<vmem>> -> memref<1x32xi32, #tpu.memory_space<vmem>>
      %dma_start3A_1910 = tpu.memref_squeeze %dma_start3A_1909 : memref<1x32xi32, #tpu.memory_space<vmem>> -> memref<32xi32, #tpu.memory_space<vmem>>
      %dma_start3A_1911 = arith.constant 0 : i32
      %dma_start3A_1912 = arith.constant 0 : i32
      %dma_start3A_1913 = tpu.memref_slice %arg3[%dma_start3A_1911, %dma_start3A_1912] : memref<100000x128xf32, #tpu.memory_space<hbm>> -> memref<100000x128xf32, #tpu.memory_space<hbm>>
      %dma_start3A_1914 = tpu.memref_slice %arg8[%dma_start3A_1904] : memref<8x!tpu.dma_semaphore, #tpu.memory_space<semaphore_mem>> -> memref<1x!tpu.dma_semaphore, #tpu.memory_space<semaphore_mem>>
      %dma_start3A_1915 = tpu.memref_squeeze %dma_start3A_1914 : memref<1x!tpu.dma_semaphore, #tpu.memory_space<semaphore_mem>> -> memref<!tpu.dma_semaphore, #tpu.memory_space<semaphore_mem>>
      tpu.enqueue_indirect_dma source(%dma_start3A_1913 : memref<100000x128xf32, #tpu.memory_space<hbm>>) target(%dma_start3A_1908 : memref<32x128xf32, #tpu.memory_space<vmem>>) offsets(%dma_start3A_1910 : memref<32xi32, #tpu.memory_space<vmem>>) semaphore(%dma_start3A_1915 : memref<!tpu.dma_semaphore, #tpu.memory_space<semaphore_mem>>)
      %add3A_1916 = arith.constant 5 : i32
      %add3A_1917 = arith.addi %add3A_901, %add3A_1916 : i32
      %jit3A_1918 = arith.constant 4 : i32
      %div3A_1919 = arith.divsi %add3A_1917, %jit3A_1918 : i32
      %sign3A_1920 = arith.constant 0 : i32
      %sign3A_1921 = arith.cmpi sgt, %add3A_1917, %sign3A_1920 : i32
      %sign3A_1922 = arith.extui %sign3A_1921 : i1 to i32
      %sign3A_1923 = arith.constant 0 : i32
      %sign3A_1924 = arith.cmpi slt, %add3A_1917, %sign3A_1923 : i32
      %sign3A_1925 = arith.extui %sign3A_1924 : i1 to i32
      %sign3A_1926 = arith.subi %sign3A_1922, %sign3A_1925 : i32
      %sign3A_1927 = arith.constant 0 : i32
      %sign3A_1928 = arith.cmpi sgt, %jit3A_1918, %sign3A_1927 : i32
      %sign3A_1929 = arith.extui %sign3A_1928 : i1 to i32
      %sign3A_1930 = arith.constant 0 : i32
      %sign3A_1931 = arith.cmpi slt, %jit3A_1918, %sign3A_1930 : i32
      %sign3A_1932 = arith.extui %sign3A_1931 : i1 to i32
      %sign3A_1933 = arith.subi %sign3A_1929, %sign3A_1932 : i32
      %ne3A_1934 = arith.cmpi ne, %sign3A_1926, %sign3A_1933 : i32
      %rem3A_1935 = arith.remsi %add3A_1917, %jit3A_1918 : i32
      %ne3A_1936 = arith.constant 0 : i32
      %ne3A_1937 = arith.cmpi ne, %rem3A_1935, %ne3A_1936 : i32
      %and3A_1938 = arith.andi %ne3A_1934, %ne3A_1937 : i1
      %sub3A_1939 = arith.constant 1 : i32
      %sub3A_1940 = arith.subi %div3A_1919, %sub3A_1939 : i32
      %select_n3A_1941 = arith.select %and3A_1938, %sub3A_1940, %div3A_1919 : i32
      %jit3A_1942 = arith.constant 4 : i32
      %eq3A_1943 = arith.constant 0 : i32
      %eq3A_1944 = arith.cmpi eq, %jit3A_1942, %eq3A_1943 : i32
      %jit3A_1945 = arith.constant 1 : i32
      %select_n3A_1946 = arith.select %eq3A_1944, %jit3A_1945, %jit3A_1942 : i32
      %rem3A_1947 = arith.remsi %add3A_1917, %select_n3A_1946 : i32
      %ne3A_1948 = arith.constant 0 : i32
      %ne3A_1949 = arith.cmpi ne, %rem3A_1947, %ne3A_1948 : i32
      %lt3A_1950 = arith.constant 0 : i32
      %lt3A_1951 = arith.cmpi slt, %rem3A_1947, %lt3A_1950 : i32
      %lt3A_1952 = arith.constant 0 : i32
      %lt3A_1953 = arith.cmpi slt, %select_n3A_1946, %lt3A_1952 : i32
      %ne3A_1954 = arith.xori %lt3A_1951, %lt3A_1953 : i1
      %and3A_1955 = arith.andi %ne3A_1954, %ne3A_1949 : i1
      %add3A_1956 = arith.addi %rem3A_1947, %select_n3A_1946 : i32
      %select_n3A_1957 = arith.select %and3A_1955, %add3A_1956, %rem3A_1947 : i32
      %mul3A_1958 = arith.constant 32 : i32
      %mul3A_1959 = arith.muli %select_n3A_1957, %mul3A_1958 : i32
      %dma_wait3A_1960 = arith.constant 1 : i32
      %dma_wait3A_1961 = arith.constant 1 : i32
      %dma_wait3A_1962 = arith.constant 0 : i32
      %dma_wait3A_1963 = arith.constant 0 : i32
      %dma_wait3A_1964 = tpu.memref_slice %arg6[%dma_wait3A_1960, %dma_wait3A_1962, %dma_wait3A_1963] : memref<8x32x128xf32, #tpu.memory_space<vmem>> -> memref<1x32x128xf32, #tpu.memory_space<vmem>>
      %dma_wait3A_1965 = tpu.memref_squeeze %dma_wait3A_1964 : memref<1x32x128xf32, #tpu.memory_space<vmem>> -> memref<32x128xf32, #tpu.memory_space<vmem>>
      %dma_wait3A_1966 = tpu.memref_slice %arg5[%select_n3A_1941, %mul3A_1959] : memref<200x128xi32, #tpu.memory_space<vmem>> -> memref<1x32xi32, #tpu.memory_space<vmem>>
      %dma_wait3A_1967 = tpu.memref_squeeze %dma_wait3A_1966 : memref<1x32xi32, #tpu.memory_space<vmem>> -> memref<32xi32, #tpu.memory_space<vmem>>
      %dma_wait3A_1968 = arith.constant 0 : i32
      %dma_wait3A_1969 = arith.constant 0 : i32
      %dma_wait3A_1970 = tpu.memref_slice %arg3[%dma_wait3A_1968, %dma_wait3A_1969] : memref<100000x128xf32, #tpu.memory_space<hbm>> -> memref<100000x128xf32, #tpu.memory_space<hbm>>
      %dma_wait3A_1971 = tpu.memref_slice %arg8[%dma_wait3A_1961] : memref<8x!tpu.dma_semaphore, #tpu.memory_space<semaphore_mem>> -> memref<1x!tpu.dma_semaphore, #tpu.memory_space<semaphore_mem>>
      %dma_wait3A_1972 = tpu.memref_squeeze %dma_wait3A_1971 : memref<1x!tpu.dma_semaphore, #tpu.memory_space<semaphore_mem>> -> memref<!tpu.dma_semaphore, #tpu.memory_space<semaphore_mem>>
      tpu.wait_indirect_dma semaphore(%dma_wait3A_1972 : memref<!tpu.dma_semaphore, #tpu.memory_space<semaphore_mem>>) src(%dma_wait3A_1970 : memref<100000x128xf32, #tpu.memory_space<hbm>>) dst(%dma_wait3A_1965 : memref<32x128xf32, #tpu.memory_space<vmem>>)
      %scan3A_1973 = arith.constant 0 : i32
      %scan3A_1974 = arith.constant 0 : i32
      %scan3A_1975 = arith.constant 32 : i32
      %scan3A_1976 = arith.addi %scan3A_1974, %scan3A_1975 : i32
      %scan3A_1977 = arith.constant 1 : i32
      scf.for %scan3A_2528 = %scan3A_1974 to %scan3A_1976 step %scan3A_1977  : i32 {
        %get3A_2529 = arith.constant 1 : i32
        %get3A_2530 = arith.index_cast %get3A_2529 : i32 to index
        %get3A_2531 = arith.index_cast %scan3A_2528 : i32 to index
        %get3A_2532 = arith.constant 0 : index
        %get3A_2533 = tpu.vector_load %arg6[%get3A_2530, %get3A_2531, %get3A_2532] {strides = array<i32>} : memref<8x32x128xf32, #tpu.memory_space<vmem>>, vector<1x1x16xf32>,
        %get3A_2534 = vector.shape_cast %get3A_2533 : vector<1x1x16xf32> to vector<16xf32>
        %swap3A_2535 = arith.constant 1 : i32
        %swap3A_2536 = arith.index_cast %swap3A_2535 : i32 to index
        %swap3A_2537 = arith.index_cast %scan3A_2528 : i32 to index
        %swap3A_2538 = arith.constant 0 : index
        %swap3A_2539 = tpu.vector_load %arg7[%swap3A_2536, %swap3A_2537, %swap3A_2538] {strides = array<i32>} : memref<8x32x64xf32, #tpu.memory_space<vmem>>, vector<1x1x16xf32>,
        %swap3A_2540 = vector.shape_cast %swap3A_2539 : vector<1x1x16xf32> to vector<16xf32>
        %swap3A_2541 = vector.shape_cast %get3A_2534 : vector<16xf32> to vector<1x1x16xf32>
        tpu.vector_store %arg7[%swap3A_2536, %swap3A_2537, %swap3A_2538], %swap3A_2541 {strides = array<i32>} : memref<8x32x64xf32, #tpu.memory_space<vmem>>, vector<1x1x16xf32>,
        %get3A_2542 = arith.constant 1 : i32
        %get3A_2543 = arith.index_cast %get3A_2542 : i32 to index
        %get3A_2544 = arith.index_cast %scan3A_2528 : i32 to index
        %get3A_2545 = arith.constant 16 : index
        %get3A_2546 = tpu.vector_load %arg6[%get3A_2543, %get3A_2544, %get3A_2545] {strides = array<i32>} : memref<8x32x128xf32, #tpu.memory_space<vmem>>, vector<1x1x16xf32>,
        %get3A_2547 = vector.shape_cast %get3A_2546 : vector<1x1x16xf32> to vector<16xf32>
        %swap3A_2548 = arith.constant 1 : i32
        %swap3A_2549 = arith.index_cast %swap3A_2548 : i32 to index
        %swap3A_2550 = arith.index_cast %scan3A_2528 : i32 to index
        %swap3A_2551 = arith.constant 16 : index
        %swap3A_2552 = tpu.vector_load %arg7[%swap3A_2549, %swap3A_2550, %swap3A_2551] {strides = array<i32>} : memref<8x32x64xf32, #tpu.memory_space<vmem>>, vector<1x1x16xf32>,
        %swap3A_2553 = vector.shape_cast %swap3A_2552 : vector<1x1x16xf32> to vector<16xf32>
        %swap3A_2554 = vector.shape_cast %get3A_2547 : vector<16xf32> to vector<1x1x16xf32>
        tpu.vector_store %arg7[%swap3A_2549, %swap3A_2550, %swap3A_2551], %swap3A_2554 {strides = array<i32>} : memref<8x32x64xf32, #tpu.memory_space<vmem>>, vector<1x1x16xf32>,
        %get3A_2555 = arith.constant 1 : i32
        %get3A_2556 = arith.index_cast %get3A_2555 : i32 to index
        %get3A_2557 = arith.index_cast %scan3A_2528 : i32 to index
        %get3A_2558 = arith.constant 32 : index
        %get3A_2559 = tpu.vector_load %arg6[%get3A_2556, %get3A_2557, %get3A_2558] {strides = array<i32>} : memref<8x32x128xf32, #tpu.memory_space<vmem>>, vector<1x1x16xf32>,
        %get3A_2560 = vector.shape_cast %get3A_2559 : vector<1x1x16xf32> to vector<16xf32>
        %swap3A_2561 = arith.constant 1 : i32
        %swap3A_2562 = arith.index_cast %swap3A_2561 : i32 to index
        %swap3A_2563 = arith.index_cast %scan3A_2528 : i32 to index
        %swap3A_2564 = arith.constant 32 : index
        %swap3A_2565 = tpu.vector_load %arg7[%swap3A_2562, %swap3A_2563, %swap3A_2564] {strides = array<i32>} : memref<8x32x64xf32, #tpu.memory_space<vmem>>, vector<1x1x16xf32>,
        %swap3A_2566 = vector.shape_cast %swap3A_2565 : vector<1x1x16xf32> to vector<16xf32>
        %swap3A_2567 = vector.shape_cast %get3A_2560 : vector<16xf32> to vector<1x1x16xf32>
        tpu.vector_store %arg7[%swap3A_2562, %swap3A_2563, %swap3A_2564], %swap3A_2567 {strides = array<i32>} : memref<8x32x64xf32, #tpu.memory_space<vmem>>, vector<1x1x16xf32>,
        %get3A_2568 = arith.constant 1 : i32
        %get3A_2569 = arith.index_cast %get3A_2568 : i32 to index
        %get3A_2570 = arith.index_cast %scan3A_2528 : i32 to index
        %get3A_2571 = arith.constant 48 : index
        %get3A_2572 = tpu.vector_load %arg6[%get3A_2569, %get3A_2570, %get3A_2571] {strides = array<i32>} : memref<8x32x128xf32, #tpu.memory_space<vmem>>, vector<1x1x16xf32>,
        %get3A_2573 = vector.shape_cast %get3A_2572 : vector<1x1x16xf32> to vector<16xf32>
        %swap3A_2574 = arith.constant 1 : i32
        %swap3A_2575 = arith.index_cast %swap3A_2574 : i32 to index
        %swap3A_2576 = arith.index_cast %scan3A_2528 : i32 to index
        %swap3A_2577 = arith.constant 48 : index
        %swap3A_2578 = tpu.vector_load %arg7[%swap3A_2575, %swap3A_2576, %swap3A_2577] {strides = array<i32>} : memref<8x32x64xf32, #tpu.memory_space<vmem>>, vector<1x1x16xf32>,
        %swap3A_2579 = vector.shape_cast %swap3A_2578 : vector<1x1x16xf32> to vector<16xf32>
        %swap3A_2580 = vector.shape_cast %get3A_2573 : vector<16xf32> to vector<1x1x16xf32>
        tpu.vector_store %arg7[%swap3A_2575, %swap3A_2576, %swap3A_2577], %swap3A_2580 {strides = array<i32>} : memref<8x32x64xf32, #tpu.memory_space<vmem>>, vector<1x1x16xf32>,
      }
      %scan3A_1978 = arith.constant 32 : i32
      %mul3A_1979 = arith.constant 32 : i32
      %mul3A_1980 = arith.muli %add3A_1917, %mul3A_1979 : i32
      %add3A_1981 = arith.addi %mul3A_4, %mul3A_1980 : i32
      %dma_start3A_1982 = arith.constant 1 : i32
      %dma_start3A_1983 = arith.constant 1 : i32
      %dma_start3A_1984 = arith.constant 0 : i32
      %dma_start3A_1985 = arith.constant 0 : i32
      %dma_start3A_1986 = tpu.memref_slice %arg7[%dma_start3A_1982, %dma_start3A_1984, %dma_start3A_1985] : memref<8x32x64xf32, #tpu.memory_space<vmem>> -> memref<1x32x64xf32, #tpu.memory_space<vmem>>
      %dma_start3A_1987 = tpu.memref_squeeze %dma_start3A_1986 : memref<1x32x64xf32, #tpu.memory_space<vmem>> -> memref<32x64xf32, #tpu.memory_space<vmem>>
      %dma_start3A_1988 = arith.constant 0 : i32
      %dma_start3A_1989 = tpu.memref_slice %arg4[%add3A_1981, %dma_start3A_1988] : memref<819200x64xf32, #tpu.memory_space<hbm>> -> memref<32x64xf32, #tpu.memory_space<hbm>>
      %dma_start3A_1990 = tpu.memref_slice %arg9[%dma_start3A_1983] : memref<8x!tpu.dma_semaphore, #tpu.memory_space<semaphore_mem>> -> memref<1x!tpu.dma_semaphore, #tpu.memory_space<semaphore_mem>>
      %dma_start3A_1991 = tpu.memref_squeeze %dma_start3A_1990 : memref<1x!tpu.dma_semaphore, #tpu.memory_space<semaphore_mem>> -> memref<!tpu.dma_semaphore, #tpu.memory_space<semaphore_mem>>
      %dma_start3A_1992 = arith.constant 0 : i32
      %dma_start3A_1993 = tpu.memref_slice %arg4[%add3A_1981, %dma_start3A_1992] : memref<819200x64xf32, #tpu.memory_space<hbm>> -> memref<32x64xf32, #tpu.memory_space<hbm>>
      %dma_start3A_1994 = arith.constant 0 : i32
      %dma_start3A_1995 = arith.constant 0 : i32
      %dma_start3A_1996 = tpu.memref_slice %arg7[%dma_start3A_1982, %dma_start3A_1994, %dma_start3A_1995] : memref<8x32x64xf32, #tpu.memory_space<vmem>> -> memref<1x32x64xf32, #tpu.memory_space<vmem>>
      %dma_start3A_1997 = tpu.memref_squeeze %dma_start3A_1996 : memref<1x32x64xf32, #tpu.memory_space<vmem>> -> memref<32x64xf32, #tpu.memory_space<vmem>>
      tpu.enqueue_dma source(%dma_start3A_1997 : memref<32x64xf32, #tpu.memory_space<vmem>>) target(%dma_start3A_1993 : memref<32x64xf32, #tpu.memory_space<hbm>>) target_semaphore(%dma_start3A_1991 : memref<!tpu.dma_semaphore, #tpu.memory_space<semaphore_mem>>)
      %sub3A_1998 = arith.constant 4 : i32
      %sub3A_1999 = arith.subi %add3A_1917, %sub3A_1998 : i32
      %mul3A_2000 = arith.constant 32 : i32
      %mul3A_2001 = arith.muli %sub3A_1999, %mul3A_2000 : i32
      %add3A_2002 = arith.addi %mul3A_4, %mul3A_2001 : i32
      %dma_wait3A_2003 = arith.constant 5 : i32
      %dma_wait3A_2004 = arith.constant 5 : i32
      %dma_wait3A_2005 = arith.constant 0 : i32
      %dma_wait3A_2006 = arith.constant 0 : i32
      %dma_wait3A_2007 = tpu.memref_slice %arg7[%dma_wait3A_2003, %dma_wait3A_2005, %dma_wait3A_2006] : memref<8x32x64xf32, #tpu.memory_space<vmem>> -> memref<1x32x64xf32, #tpu.memory_space<vmem>>
      %dma_wait3A_2008 = tpu.memref_squeeze %dma_wait3A_2007 : memref<1x32x64xf32, #tpu.memory_space<vmem>> -> memref<32x64xf32, #tpu.memory_space<vmem>>
      %dma_wait3A_2009 = arith.constant 0 : i32
      %dma_wait3A_2010 = tpu.memref_slice %arg4[%add3A_2002, %dma_wait3A_2009] : memref<819200x64xf32, #tpu.memory_space<hbm>> -> memref<32x64xf32, #tpu.memory_space<hbm>>
      %dma_wait3A_2011 = tpu.memref_slice %arg9[%dma_wait3A_2004] : memref<8x!tpu.dma_semaphore, #tpu.memory_space<semaphore_mem>> -> memref<1x!tpu.dma_semaphore, #tpu.memory_space<semaphore_mem>>
      %dma_wait3A_2012 = tpu.memref_squeeze %dma_wait3A_2011 : memref<1x!tpu.dma_semaphore, #tpu.memory_space<semaphore_mem>> -> memref<!tpu.dma_semaphore, #tpu.memory_space<semaphore_mem>>
      %dma_wait3A_2013 = arith.constant 0 : i32
      %dma_wait3A_2014 = tpu.memref_slice %arg4[%add3A_2002, %dma_wait3A_2013] : memref<819200x64xf32, #tpu.memory_space<hbm>> -> memref<32x64xf32, #tpu.memory_space<hbm>>
      %dma_wait3A_2015 = arith.constant 0 : i32
      %dma_wait3A_2016 = arith.constant 0 : i32
      %dma_wait3A_2017 = tpu.memref_slice %arg7[%dma_wait3A_2003, %dma_wait3A_2015, %dma_wait3A_2016] : memref<8x32x64xf32, #tpu.memory_space<vmem>> -> memref<1x32x64xf32, #tpu.memory_space<vmem>>
      %dma_wait3A_2018 = tpu.memref_squeeze %dma_wait3A_2017 : memref<1x32x64xf32, #tpu.memory_space<vmem>> -> memref<32x64xf32, #tpu.memory_space<vmem>>
      tpu.wait_dma2 semaphore(%dma_wait3A_2012 : memref<!tpu.dma_semaphore, #tpu.memory_space<semaphore_mem>>) src(%dma_wait3A_2018 : memref<32x64xf32, #tpu.memory_space<vmem>>) dst(%dma_wait3A_2014 : memref<32x64xf32, #tpu.memory_space<hbm>>)
      %add3A_2019 = arith.constant 4 : i32
      %add3A_2020 = arith.addi %add3A_1917, %add3A_2019 : i32
      %jit3A_2021 = arith.constant 4 : i32
      %div3A_2022 = arith.divsi %add3A_2020, %jit3A_2021 : i32
      %sign3A_2023 = arith.constant 0 : i32
      %sign3A_2024 = arith.cmpi sgt, %add3A_2020, %sign3A_2023 : i32
      %sign3A_2025 = arith.extui %sign3A_2024 : i1 to i32
      %sign3A_2026 = arith.constant 0 : i32
      %sign3A_2027 = arith.cmpi slt, %add3A_2020, %sign3A_2026 : i32
      %sign3A_2028 = arith.extui %sign3A_2027 : i1 to i32
      %sign3A_2029 = arith.subi %sign3A_2025, %sign3A_2028 : i32
      %sign3A_2030 = arith.constant 0 : i32
      %sign3A_2031 = arith.cmpi sgt, %jit3A_2021, %sign3A_2030 : i32
      %sign3A_2032 = arith.extui %sign3A_2031 : i1 to i32
      %sign3A_2033 = arith.constant 0 : i32
      %sign3A_2034 = arith.cmpi slt, %jit3A_2021, %sign3A_2033 : i32
      %sign3A_2035 = arith.extui %sign3A_2034 : i1 to i32
      %sign3A_2036 = arith.subi %sign3A_2032, %sign3A_2035 : i32
      %ne3A_2037 = arith.cmpi ne, %sign3A_2029, %sign3A_2036 : i32
      %rem3A_2038 = arith.remsi %add3A_2020, %jit3A_2021 : i32
      %ne3A_2039 = arith.constant 0 : i32
      %ne3A_2040 = arith.cmpi ne, %rem3A_2038, %ne3A_2039 : i32
      %and3A_2041 = arith.andi %ne3A_2037, %ne3A_2040 : i1
      %sub3A_2042 = arith.constant 1 : i32
      %sub3A_2043 = arith.subi %div3A_2022, %sub3A_2042 : i32
      %select_n3A_2044 = arith.select %and3A_2041, %sub3A_2043, %div3A_2022 : i32
      %jit3A_2045 = arith.constant 4 : i32
      %eq3A_2046 = arith.constant 0 : i32
      %eq3A_2047 = arith.cmpi eq, %jit3A_2045, %eq3A_2046 : i32
      %jit3A_2048 = arith.constant 1 : i32
      %select_n3A_2049 = arith.select %eq3A_2047, %jit3A_2048, %jit3A_2045 : i32
      %rem3A_2050 = arith.remsi %add3A_2020, %select_n3A_2049 : i32
      %ne3A_2051 = arith.constant 0 : i32
      %ne3A_2052 = arith.cmpi ne, %rem3A_2050, %ne3A_2051 : i32
      %lt3A_2053 = arith.constant 0 : i32
      %lt3A_2054 = arith.cmpi slt, %rem3A_2050, %lt3A_2053 : i32
      %lt3A_2055 = arith.constant 0 : i32
      %lt3A_2056 = arith.cmpi slt, %select_n3A_2049, %lt3A_2055 : i32
      %ne3A_2057 = arith.xori %lt3A_2054, %lt3A_2056 : i1
      %and3A_2058 = arith.andi %ne3A_2057, %ne3A_2052 : i1
      %add3A_2059 = arith.addi %rem3A_2050, %select_n3A_2049 : i32
      %select_n3A_2060 = arith.select %and3A_2058, %add3A_2059, %rem3A_2050 : i32
      %mul3A_2061 = arith.constant 32 : i32
      %mul3A_2062 = arith.muli %select_n3A_2060, %mul3A_2061 : i32
      %add3A_2063 = arith.constant 0 : i32
      %add3A_2064 = arith.addi %mul3A_2062, %add3A_2063 : i32
      %get3A_2065 = arith.index_cast %select_n3A_2044 : i32 to index
      %get3A_2066 = arith.index_cast %add3A_2064 : i32 to index
      %get3A_2067 = tpu.vector_load %arg5[%get3A_2065, %get3A_2066] {strides = array<i32>} : memref<200x128xi32, #tpu.memory_space<vmem>>, vector<1x16xi32>,
      %get3A_2068 = vector.shape_cast %get3A_2067 : vector<1x16xi32> to vector<16xi32>
      %eq3A_2069 = arith.constant 0 : i32
      %eq3A_2070 = vector.broadcast %eq3A_2069 : i32 to vector<16xi32>
      %eq3A_2071 = arith.cmpi eq, %get3A_2068, %eq3A_2070 : vector<16xi32>
      %sub3A_2072 = arith.constant 1 : i32
      %sub3A_2073 = vector.broadcast %sub3A_2072 : i32 to vector<16xi32>
      %sub3A_2074 = arith.subi %get3A_2068, %sub3A_2073 : vector<16xi32>
      %jit3A_2075 = arith.constant 99999 : i32
      %broadcast_in_dim3A_2076 = vector.broadcast %jit3A_2075 : i32 to vector<16xi32>
      %select_n3A_2077 = arith.select %eq3A_2071, %broadcast_in_dim3A_2076, %sub3A_2074 : vector<16xi1>, vector<16xi32>
      %add3A_2078 = arith.constant 0 : i32
      %add3A_2079 = arith.addi %mul3A_2062, %add3A_2078 : i32
      %swap3A_2080 = arith.index_cast %select_n3A_2044 : i32 to index
      %swap3A_2081 = arith.index_cast %add3A_2079 : i32 to index
      %swap3A_2082 = tpu.vector_load %arg5[%swap3A_2080, %swap3A_2081] {strides = array<i32>} : memref<200x128xi32, #tpu.memory_space<vmem>>, vector<1x16xi32>,
      %swap3A_2083 = vector.shape_cast %swap3A_2082 : vector<1x16xi32> to vector<16xi32>
      %swap3A_2084 = vector.shape_cast %select_n3A_2077 : vector<16xi32> to vector<1x16xi32>
      tpu.vector_store %arg5[%swap3A_2080, %swap3A_2081], %swap3A_2084 {strides = array<i32>} : memref<200x128xi32, #tpu.memory_space<vmem>>, vector<1x16xi32>,
      %add3A_2085 = arith.constant 16 : i32
      %add3A_2086 = arith.addi %mul3A_2062, %add3A_2085 : i32
      %get3A_2087 = arith.index_cast %select_n3A_2044 : i32 to index
      %get3A_2088 = arith.index_cast %add3A_2086 : i32 to index
      %get3A_2089 = tpu.vector_load %arg5[%get3A_2087, %get3A_2088] {strides = array<i32>} : memref<200x128xi32, #tpu.memory_space<vmem>>, vector<1x16xi32>,
      %get3A_2090 = vector.shape_cast %get3A_2089 : vector<1x16xi32> to vector<16xi32>
      %eq3A_2091 = arith.constant 0 : i32
      %eq3A_2092 = vector.broadcast %eq3A_2091 : i32 to vector<16xi32>
      %eq3A_2093 = arith.cmpi eq, %get3A_2090, %eq3A_2092 : vector<16xi32>
      %sub3A_2094 = arith.constant 1 : i32
      %sub3A_2095 = vector.broadcast %sub3A_2094 : i32 to vector<16xi32>
      %sub3A_2096 = arith.subi %get3A_2090, %sub3A_2095 : vector<16xi32>
      %jit3A_2097 = arith.constant 99999 : i32
      %broadcast_in_dim3A_2098 = vector.broadcast %jit3A_2097 : i32 to vector<16xi32>
      %select_n3A_2099 = arith.select %eq3A_2093, %broadcast_in_dim3A_2098, %sub3A_2096 : vector<16xi1>, vector<16xi32>
      %add3A_2100 = arith.constant 16 : i32
      %add3A_2101 = arith.addi %mul3A_2062, %add3A_2100 : i32
      %swap3A_2102 = arith.index_cast %select_n3A_2044 : i32 to index
      %swap3A_2103 = arith.index_cast %add3A_2101 : i32 to index
      %swap3A_2104 = tpu.vector_load %arg5[%swap3A_2102, %swap3A_2103] {strides = array<i32>} : memref<200x128xi32, #tpu.memory_space<vmem>>, vector<1x16xi32>,
      %swap3A_2105 = vector.shape_cast %swap3A_2104 : vector<1x16xi32> to vector<16xi32>
      %swap3A_2106 = vector.shape_cast %select_n3A_2099 : vector<16xi32> to vector<1x16xi32>
      tpu.vector_store %arg5[%swap3A_2102, %swap3A_2103], %swap3A_2106 {strides = array<i32>} : memref<200x128xi32, #tpu.memory_space<vmem>>, vector<1x16xi32>,
      %dma_start3A_2107 = arith.constant 5 : i32
      %dma_start3A_2108 = arith.constant 5 : i32
      %dma_start3A_2109 = arith.constant 0 : i32
      %dma_start3A_2110 = arith.constant 0 : i32
      %dma_start3A_2111 = tpu.memref_slice %arg6[%dma_start3A_2107, %dma_start3A_2109, %dma_start3A_2110] : memref<8x32x128xf32, #tpu.memory_space<vmem>> -> memref<1x32x128xf32, #tpu.memory_space<vmem>>
      %dma_start3A_2112 = tpu.memref_squeeze %dma_start3A_2111 : memref<1x32x128xf32, #tpu.memory_space<vmem>> -> memref<32x128xf32, #tpu.memory_space<vmem>>
      %dma_start3A_2113 = tpu.memref_slice %arg5[%select_n3A_2044, %mul3A_2062] : memref<200x128xi32, #tpu.memory_space<vmem>> -> memref<1x32xi32, #tpu.memory_space<vmem>>
      %dma_start3A_2114 = tpu.memref_squeeze %dma_start3A_2113 : memref<1x32xi32, #tpu.memory_space<vmem>> -> memref<32xi32, #tpu.memory_space<vmem>>
      %dma_start3A_2115 = arith.constant 0 : i32
      %dma_start3A_2116 = arith.constant 0 : i32
      %dma_start3A_2117 = tpu.memref_slice %arg3[%dma_start3A_2115, %dma_start3A_2116] : memref<100000x128xf32, #tpu.memory_space<hbm>> -> memref<100000x128xf32, #tpu.memory_space<hbm>>
      %dma_start3A_2118 = tpu.memref_slice %arg8[%dma_start3A_2108] : memref<8x!tpu.dma_semaphore, #tpu.memory_space<semaphore_mem>> -> memref<1x!tpu.dma_semaphore, #tpu.memory_space<semaphore_mem>>
      %dma_start3A_2119 = tpu.memref_squeeze %dma_start3A_2118 : memref<1x!tpu.dma_semaphore, #tpu.memory_space<semaphore_mem>> -> memref<!tpu.dma_semaphore, #tpu.memory_space<semaphore_mem>>
      tpu.enqueue_indirect_dma source(%dma_start3A_2117 : memref<100000x128xf32, #tpu.memory_space<hbm>>) target(%dma_start3A_2112 : memref<32x128xf32, #tpu.memory_space<vmem>>) offsets(%dma_start3A_2114 : memref<32xi32, #tpu.memory_space<vmem>>) semaphore(%dma_start3A_2119 : memref<!tpu.dma_semaphore, #tpu.memory_space<semaphore_mem>>)
      %add3A_2120 = arith.constant 6 : i32
      %add3A_2121 = arith.addi %add3A_901, %add3A_2120 : i32
      %jit3A_2122 = arith.constant 4 : i32
      %div3A_2123 = arith.divsi %add3A_2121, %jit3A_2122 : i32
      %sign3A_2124 = arith.constant 0 : i32
      %sign3A_2125 = arith.cmpi sgt, %add3A_2121, %sign3A_2124 : i32
      %sign3A_2126 = arith.extui %sign3A_2125 : i1 to i32
      %sign3A_2127 = arith.constant 0 : i32
      %sign3A_2128 = arith.cmpi slt, %add3A_2121, %sign3A_2127 : i32
      %sign3A_2129 = arith.extui %sign3A_2128 : i1 to i32
      %sign3A_2130 = arith.subi %sign3A_2126, %sign3A_2129 : i32
      %sign3A_2131 = arith.constant 0 : i32
      %sign3A_2132 = arith.cmpi sgt, %jit3A_2122, %sign3A_2131 : i32
      %sign3A_2133 = arith.extui %sign3A_2132 : i1 to i32
      %sign3A_2134 = arith.constant 0 : i32
      %sign3A_2135 = arith.cmpi slt, %jit3A_2122, %sign3A_2134 : i32
      %sign3A_2136 = arith.extui %sign3A_2135 : i1 to i32
      %sign3A_2137 = arith.subi %sign3A_2133, %sign3A_2136 : i32
      %ne3A_2138 = arith.cmpi ne, %sign3A_2130, %sign3A_2137 : i32
      %rem3A_2139 = arith.remsi %add3A_2121, %jit3A_2122 : i32
      %ne3A_2140 = arith.constant 0 : i32
      %ne3A_2141 = arith.cmpi ne, %rem3A_2139, %ne3A_2140 : i32
      %and3A_2142 = arith.andi %ne3A_2138, %ne3A_2141 : i1
      %sub3A_2143 = arith.constant 1 : i32
      %sub3A_2144 = arith.subi %div3A_2123, %sub3A_2143 : i32
      %select_n3A_2145 = arith.select %and3A_2142, %sub3A_2144, %div3A_2123 : i32
      %jit3A_2146 = arith.constant 4 : i32
      %eq3A_2147 = arith.constant 0 : i32
      %eq3A_2148 = arith.cmpi eq, %jit3A_2146, %eq3A_2147 : i32
      %jit3A_2149 = arith.constant 1 : i32
      %select_n3A_2150 = arith.select %eq3A_2148, %jit3A_2149, %jit3A_2146 : i32
      %rem3A_2151 = arith.remsi %add3A_2121, %select_n3A_2150 : i32
      %ne3A_2152 = arith.constant 0 : i32
      %ne3A_2153 = arith.cmpi ne, %rem3A_2151, %ne3A_2152 : i32
      %lt3A_2154 = arith.constant 0 : i32
      %lt3A_2155 = arith.cmpi slt, %rem3A_2151, %lt3A_2154 : i32
      %lt3A_2156 = arith.constant 0 : i32
      %lt3A_2157 = arith.cmpi slt, %select_n3A_2150, %lt3A_2156 : i32
      %ne3A_2158 = arith.xori %lt3A_2155, %lt3A_2157 : i1
      %and3A_2159 = arith.andi %ne3A_2158, %ne3A_2153 : i1
      %add3A_2160 = arith.addi %rem3A_2151, %select_n3A_2150 : i32
      %select_n3A_2161 = arith.select %and3A_2159, %add3A_2160, %rem3A_2151 : i32
      %mul3A_2162 = arith.constant 32 : i32
      %mul3A_2163 = arith.muli %select_n3A_2161, %mul3A_2162 : i32
      %dma_wait3A_2164 = arith.constant 2 : i32
      %dma_wait3A_2165 = arith.constant 2 : i32
      %dma_wait3A_2166 = arith.constant 0 : i32
      %dma_wait3A_2167 = arith.constant 0 : i32
      %dma_wait3A_2168 = tpu.memref_slice %arg6[%dma_wait3A_2164, %dma_wait3A_2166, %dma_wait3A_2167] : memref<8x32x128xf32, #tpu.memory_space<vmem>> -> memref<1x32x128xf32, #tpu.memory_space<vmem>>
      %dma_wait3A_2169 = tpu.memref_squeeze %dma_wait3A_2168 : memref<1x32x128xf32, #tpu.memory_space<vmem>> -> memref<32x128xf32, #tpu.memory_space<vmem>>
      %dma_wait3A_2170 = tpu.memref_slice %arg5[%select_n3A_2145, %mul3A_2163] : memref<200x128xi32, #tpu.memory_space<vmem>> -> memref<1x32xi32, #tpu.memory_space<vmem>>
      %dma_wait3A_2171 = tpu.memref_squeeze %dma_wait3A_2170 : memref<1x32xi32, #tpu.memory_space<vmem>> -> memref<32xi32, #tpu.memory_space<vmem>>
      %dma_wait3A_2172 = arith.constant 0 : i32
      %dma_wait3A_2173 = arith.constant 0 : i32
      %dma_wait3A_2174 = tpu.memref_slice %arg3[%dma_wait3A_2172, %dma_wait3A_2173] : memref<100000x128xf32, #tpu.memory_space<hbm>> -> memref<100000x128xf32, #tpu.memory_space<hbm>>
      %dma_wait3A_2175 = tpu.memref_slice %arg8[%dma_wait3A_2165] : memref<8x!tpu.dma_semaphore, #tpu.memory_space<semaphore_mem>> -> memref<1x!tpu.dma_semaphore, #tpu.memory_space<semaphore_mem>>
      %dma_wait3A_2176 = tpu.memref_squeeze %dma_wait3A_2175 : memref<1x!tpu.dma_semaphore, #tpu.memory_space<semaphore_mem>> -> memref<!tpu.dma_semaphore, #tpu.memory_space<semaphore_mem>>
      tpu.wait_indirect_dma semaphore(%dma_wait3A_2176 : memref<!tpu.dma_semaphore, #tpu.memory_space<semaphore_mem>>) src(%dma_wait3A_2174 : memref<100000x128xf32, #tpu.memory_space<hbm>>) dst(%dma_wait3A_2169 : memref<32x128xf32, #tpu.memory_space<vmem>>)
      %scan3A_2177 = arith.constant 0 : i32
      %scan3A_2178 = arith.constant 0 : i32
      %scan3A_2179 = arith.constant 32 : i32
      %scan3A_2180 = arith.addi %scan3A_2178, %scan3A_2179 : i32
      %scan3A_2181 = arith.constant 1 : i32
      scf.for %scan3A_2528 = %scan3A_2178 to %scan3A_2180 step %scan3A_2181  : i32 {
        %get3A_2529 = arith.constant 2 : i32
        %get3A_2530 = arith.index_cast %get3A_2529 : i32 to index
        %get3A_2531 = arith.index_cast %scan3A_2528 : i32 to index
        %get3A_2532 = arith.constant 0 : index
        %get3A_2533 = tpu.vector_load %arg6[%get3A_2530, %get3A_2531, %get3A_2532] {strides = array<i32>} : memref<8x32x128xf32, #tpu.memory_space<vmem>>, vector<1x1x16xf32>,
        %get3A_2534 = vector.shape_cast %get3A_2533 : vector<1x1x16xf32> to vector<16xf32>
        %swap3A_2535 = arith.constant 2 : i32
        %swap3A_2536 = arith.index_cast %swap3A_2535 : i32 to index
        %swap3A_2537 = arith.index_cast %scan3A_2528 : i32 to index
        %swap3A_2538 = arith.constant 0 : index
        %swap3A_2539 = tpu.vector_load %arg7[%swap3A_2536, %swap3A_2537, %swap3A_2538] {strides = array<i32>} : memref<8x32x64xf32, #tpu.memory_space<vmem>>, vector<1x1x16xf32>,
        %swap3A_2540 = vector.shape_cast %swap3A_2539 : vector<1x1x16xf32> to vector<16xf32>
        %swap3A_2541 = vector.shape_cast %get3A_2534 : vector<16xf32> to vector<1x1x16xf32>
        tpu.vector_store %arg7[%swap3A_2536, %swap3A_2537, %swap3A_2538], %swap3A_2541 {strides = array<i32>} : memref<8x32x64xf32, #tpu.memory_space<vmem>>, vector<1x1x16xf32>,
        %get3A_2542 = arith.constant 2 : i32
        %get3A_2543 = arith.index_cast %get3A_2542 : i32 to index
        %get3A_2544 = arith.index_cast %scan3A_2528 : i32 to index
        %get3A_2545 = arith.constant 16 : index
        %get3A_2546 = tpu.vector_load %arg6[%get3A_2543, %get3A_2544, %get3A_2545] {strides = array<i32>} : memref<8x32x128xf32, #tpu.memory_space<vmem>>, vector<1x1x16xf32>,
        %get3A_2547 = vector.shape_cast %get3A_2546 : vector<1x1x16xf32> to vector<16xf32>
        %swap3A_2548 = arith.constant 2 : i32
        %swap3A_2549 = arith.index_cast %swap3A_2548 : i32 to index
        %swap3A_2550 = arith.index_cast %scan3A_2528 : i32 to index
        %swap3A_2551 = arith.constant 16 : index
        %swap3A_2552 = tpu.vector_load %arg7[%swap3A_2549, %swap3A_2550, %swap3A_2551] {strides = array<i32>} : memref<8x32x64xf32, #tpu.memory_space<vmem>>, vector<1x1x16xf32>,
        %swap3A_2553 = vector.shape_cast %swap3A_2552 : vector<1x1x16xf32> to vector<16xf32>
        %swap3A_2554 = vector.shape_cast %get3A_2547 : vector<16xf32> to vector<1x1x16xf32>
        tpu.vector_store %arg7[%swap3A_2549, %swap3A_2550, %swap3A_2551], %swap3A_2554 {strides = array<i32>} : memref<8x32x64xf32, #tpu.memory_space<vmem>>, vector<1x1x16xf32>,
        %get3A_2555 = arith.constant 2 : i32
        %get3A_2556 = arith.index_cast %get3A_2555 : i32 to index
        %get3A_2557 = arith.index_cast %scan3A_2528 : i32 to index
        %get3A_2558 = arith.constant 32 : index
        %get3A_2559 = tpu.vector_load %arg6[%get3A_2556, %get3A_2557, %get3A_2558] {strides = array<i32>} : memref<8x32x128xf32, #tpu.memory_space<vmem>>, vector<1x1x16xf32>,
        %get3A_2560 = vector.shape_cast %get3A_2559 : vector<1x1x16xf32> to vector<16xf32>
        %swap3A_2561 = arith.constant 2 : i32
        %swap3A_2562 = arith.index_cast %swap3A_2561 : i32 to index
        %swap3A_2563 = arith.index_cast %scan3A_2528 : i32 to index
        %swap3A_2564 = arith.constant 32 : index
        %swap3A_2565 = tpu.vector_load %arg7[%swap3A_2562, %swap3A_2563, %swap3A_2564] {strides = array<i32>} : memref<8x32x64xf32, #tpu.memory_space<vmem>>, vector<1x1x16xf32>,
        %swap3A_2566 = vector.shape_cast %swap3A_2565 : vector<1x1x16xf32> to vector<16xf32>
        %swap3A_2567 = vector.shape_cast %get3A_2560 : vector<16xf32> to vector<1x1x16xf32>
        tpu.vector_store %arg7[%swap3A_2562, %swap3A_2563, %swap3A_2564], %swap3A_2567 {strides = array<i32>} : memref<8x32x64xf32, #tpu.memory_space<vmem>>, vector<1x1x16xf32>,
        %get3A_2568 = arith.constant 2 : i32
        %get3A_2569 = arith.index_cast %get3A_2568 : i32 to index
        %get3A_2570 = arith.index_cast %scan3A_2528 : i32 to index
        %get3A_2571 = arith.constant 48 : index
        %get3A_2572 = tpu.vector_load %arg6[%get3A_2569, %get3A_2570, %get3A_2571] {strides = array<i32>} : memref<8x32x128xf32, #tpu.memory_space<vmem>>, vector<1x1x16xf32>,
        %get3A_2573 = vector.shape_cast %get3A_2572 : vector<1x1x16xf32> to vector<16xf32>
        %swap3A_2574 = arith.constant 2 : i32
        %swap3A_2575 = arith.index_cast %swap3A_2574 : i32 to index
        %swap3A_2576 = arith.index_cast %scan3A_2528 : i32 to index
        %swap3A_2577 = arith.constant 48 : index
        %swap3A_2578 = tpu.vector_load %arg7[%swap3A_2575, %swap3A_2576, %swap3A_2577] {strides = array<i32>} : memref<8x32x64xf32, #tpu.memory_space<vmem>>, vector<1x1x16xf32>,
        %swap3A_2579 = vector.shape_cast %swap3A_2578 : vector<1x1x16xf32> to vector<16xf32>
        %swap3A_2580 = vector.shape_cast %get3A_2573 : vector<16xf32> to vector<1x1x16xf32>
        tpu.vector_store %arg7[%swap3A_2575, %swap3A_2576, %swap3A_2577], %swap3A_2580 {strides = array<i32>} : memref<8x32x64xf32, #tpu.memory_space<vmem>>, vector<1x1x16xf32>,
      }
      %scan3A_2182 = arith.constant 32 : i32
      %mul3A_2183 = arith.constant 32 : i32
      %mul3A_2184 = arith.muli %add3A_2121, %mul3A_2183 : i32
      %add3A_2185 = arith.addi %mul3A_4, %mul3A_2184 : i32
      %dma_start3A_2186 = arith.constant 2 : i32
      %dma_start3A_2187 = arith.constant 2 : i32
      %dma_start3A_2188 = arith.constant 0 : i32
      %dma_start3A_2189 = arith.constant 0 : i32
      %dma_start3A_2190 = tpu.memref_slice %arg7[%dma_start3A_2186, %dma_start3A_2188, %dma_start3A_2189] : memref<8x32x64xf32, #tpu.memory_space<vmem>> -> memref<1x32x64xf32, #tpu.memory_space<vmem>>
      %dma_start3A_2191 = tpu.memref_squeeze %dma_start3A_2190 : memref<1x32x64xf32, #tpu.memory_space<vmem>> -> memref<32x64xf32, #tpu.memory_space<vmem>>
      %dma_start3A_2192 = arith.constant 0 : i32
      %dma_start3A_2193 = tpu.memref_slice %arg4[%add3A_2185, %dma_start3A_2192] : memref<819200x64xf32, #tpu.memory_space<hbm>> -> memref<32x64xf32, #tpu.memory_space<hbm>>
      %dma_start3A_2194 = tpu.memref_slice %arg9[%dma_start3A_2187] : memref<8x!tpu.dma_semaphore, #tpu.memory_space<semaphore_mem>> -> memref<1x!tpu.dma_semaphore, #tpu.memory_space<semaphore_mem>>
      %dma_start3A_2195 = tpu.memref_squeeze %dma_start3A_2194 : memref<1x!tpu.dma_semaphore, #tpu.memory_space<semaphore_mem>> -> memref<!tpu.dma_semaphore, #tpu.memory_space<semaphore_mem>>
      %dma_start3A_2196 = arith.constant 0 : i32
      %dma_start3A_2197 = tpu.memref_slice %arg4[%add3A_2185, %dma_start3A_2196] : memref<819200x64xf32, #tpu.memory_space<hbm>> -> memref<32x64xf32, #tpu.memory_space<hbm>>
      %dma_start3A_2198 = arith.constant 0 : i32
      %dma_start3A_2199 = arith.constant 0 : i32
      %dma_start3A_2200 = tpu.memref_slice %arg7[%dma_start3A_2186, %dma_start3A_2198, %dma_start3A_2199] : memref<8x32x64xf32, #tpu.memory_space<vmem>> -> memref<1x32x64xf32, #tpu.memory_space<vmem>>
      %dma_start3A_2201 = tpu.memref_squeeze %dma_start3A_2200 : memref<1x32x64xf32, #tpu.memory_space<vmem>> -> memref<32x64xf32, #tpu.memory_space<vmem>>
      tpu.enqueue_dma source(%dma_start3A_2201 : memref<32x64xf32, #tpu.memory_space<vmem>>) target(%dma_start3A_2197 : memref<32x64xf32, #tpu.memory_space<hbm>>) target_semaphore(%dma_start3A_2195 : memref<!tpu.dma_semaphore, #tpu.memory_space<semaphore_mem>>)
      %sub3A_2202 = arith.constant 4 : i32
      %sub3A_2203 = arith.subi %add3A_2121, %sub3A_2202 : i32
      %mul3A_2204 = arith.constant 32 : i32
      %mul3A_2205 = arith.muli %sub3A_2203, %mul3A_2204 : i32
      %add3A_2206 = arith.addi %mul3A_4, %mul3A_2205 : i32
      %dma_wait3A_2207 = arith.constant 6 : i32
      %dma_wait3A_2208 = arith.constant 6 : i32
      %dma_wait3A_2209 = arith.constant 0 : i32
      %dma_wait3A_2210 = arith.constant 0 : i32
      %dma_wait3A_2211 = tpu.memref_slice %arg7[%dma_wait3A_2207, %dma_wait3A_2209, %dma_wait3A_2210] : memref<8x32x64xf32, #tpu.memory_space<vmem>> -> memref<1x32x64xf32, #tpu.memory_space<vmem>>
      %dma_wait3A_2212 = tpu.memref_squeeze %dma_wait3A_2211 : memref<1x32x64xf32, #tpu.memory_space<vmem>> -> memref<32x64xf32, #tpu.memory_space<vmem>>
      %dma_wait3A_2213 = arith.constant 0 : i32
      %dma_wait3A_2214 = tpu.memref_slice %arg4[%add3A_2206, %dma_wait3A_2213] : memref<819200x64xf32, #tpu.memory_space<hbm>> -> memref<32x64xf32, #tpu.memory_space<hbm>>
      %dma_wait3A_2215 = tpu.memref_slice %arg9[%dma_wait3A_2208] : memref<8x!tpu.dma_semaphore, #tpu.memory_space<semaphore_mem>> -> memref<1x!tpu.dma_semaphore, #tpu.memory_space<semaphore_mem>>
      %dma_wait3A_2216 = tpu.memref_squeeze %dma_wait3A_2215 : memref<1x!tpu.dma_semaphore, #tpu.memory_space<semaphore_mem>> -> memref<!tpu.dma_semaphore, #tpu.memory_space<semaphore_mem>>
      %dma_wait3A_2217 = arith.constant 0 : i32
      %dma_wait3A_2218 = tpu.memref_slice %arg4[%add3A_2206, %dma_wait3A_2217] : memref<819200x64xf32, #tpu.memory_space<hbm>> -> memref<32x64xf32, #tpu.memory_space<hbm>>
      %dma_wait3A_2219 = arith.constant 0 : i32
      %dma_wait3A_2220 = arith.constant 0 : i32
      %dma_wait3A_2221 = tpu.memref_slice %arg7[%dma_wait3A_2207, %dma_wait3A_2219, %dma_wait3A_2220] : memref<8x32x64xf32, #tpu.memory_space<vmem>> -> memref<1x32x64xf32, #tpu.memory_space<vmem>>
      %dma_wait3A_2222 = tpu.memref_squeeze %dma_wait3A_2221 : memref<1x32x64xf32, #tpu.memory_space<vmem>> -> memref<32x64xf32, #tpu.memory_space<vmem>>
      tpu.wait_dma2 semaphore(%dma_wait3A_2216 : memref<!tpu.dma_semaphore, #tpu.memory_space<semaphore_mem>>) src(%dma_wait3A_2222 : memref<32x64xf32, #tpu.memory_space<vmem>>) dst(%dma_wait3A_2218 : memref<32x64xf32, #tpu.memory_space<hbm>>)
      %add3A_2223 = arith.constant 4 : i32
      %add3A_2224 = arith.addi %add3A_2121, %add3A_2223 : i32
      %jit3A_2225 = arith.constant 4 : i32
      %div3A_2226 = arith.divsi %add3A_2224, %jit3A_2225 : i32
      %sign3A_2227 = arith.constant 0 : i32
      %sign3A_2228 = arith.cmpi sgt, %add3A_2224, %sign3A_2227 : i32
      %sign3A_2229 = arith.extui %sign3A_2228 : i1 to i32
      %sign3A_2230 = arith.constant 0 : i32
      %sign3A_2231 = arith.cmpi slt, %add3A_2224, %sign3A_2230 : i32
      %sign3A_2232 = arith.extui %sign3A_2231 : i1 to i32
      %sign3A_2233 = arith.subi %sign3A_2229, %sign3A_2232 : i32
      %sign3A_2234 = arith.constant 0 : i32
      %sign3A_2235 = arith.cmpi sgt, %jit3A_2225, %sign3A_2234 : i32
      %sign3A_2236 = arith.extui %sign3A_2235 : i1 to i32
      %sign3A_2237 = arith.constant 0 : i32
      %sign3A_2238 = arith.cmpi slt, %jit3A_2225, %sign3A_2237 : i32
      %sign3A_2239 = arith.extui %sign3A_2238 : i1 to i32
      %sign3A_2240 = arith.subi %sign3A_2236, %sign3A_2239 : i32
      %ne3A_2241 = arith.cmpi ne, %sign3A_2233, %sign3A_2240 : i32
      %rem3A_2242 = arith.remsi %add3A_2224, %jit3A_2225 : i32
      %ne3A_2243 = arith.constant 0 : i32
      %ne3A_2244 = arith.cmpi ne, %rem3A_2242, %ne3A_2243 : i32
      %and3A_2245 = arith.andi %ne3A_2241, %ne3A_2244 : i1
      %sub3A_2246 = arith.constant 1 : i32
      %sub3A_2247 = arith.subi %div3A_2226, %sub3A_2246 : i32
      %select_n3A_2248 = arith.select %and3A_2245, %sub3A_2247, %div3A_2226 : i32
      %jit3A_2249 = arith.constant 4 : i32
      %eq3A_2250 = arith.constant 0 : i32
      %eq3A_2251 = arith.cmpi eq, %jit3A_2249, %eq3A_2250 : i32
      %jit3A_2252 = arith.constant 1 : i32
      %select_n3A_2253 = arith.select %eq3A_2251, %jit3A_2252, %jit3A_2249 : i32
      %rem3A_2254 = arith.remsi %add3A_2224, %select_n3A_2253 : i32
      %ne3A_2255 = arith.constant 0 : i32
      %ne3A_2256 = arith.cmpi ne, %rem3A_2254, %ne3A_2255 : i32
      %lt3A_2257 = arith.constant 0 : i32
      %lt3A_2258 = arith.cmpi slt, %rem3A_2254, %lt3A_2257 : i32
      %lt3A_2259 = arith.constant 0 : i32
      %lt3A_2260 = arith.cmpi slt, %select_n3A_2253, %lt3A_2259 : i32
      %ne3A_2261 = arith.xori %lt3A_2258, %lt3A_2260 : i1
      %and3A_2262 = arith.andi %ne3A_2261, %ne3A_2256 : i1
      %add3A_2263 = arith.addi %rem3A_2254, %select_n3A_2253 : i32
      %select_n3A_2264 = arith.select %and3A_2262, %add3A_2263, %rem3A_2254 : i32
      %mul3A_2265 = arith.constant 32 : i32
      %mul3A_2266 = arith.muli %select_n3A_2264, %mul3A_2265 : i32
      %add3A_2267 = arith.constant 0 : i32
      %add3A_2268 = arith.addi %mul3A_2266, %add3A_2267 : i32
      %get3A_2269 = arith.index_cast %select_n3A_2248 : i32 to index
      %get3A_2270 = arith.index_cast %add3A_2268 : i32 to index
      %get3A_2271 = tpu.vector_load %arg5[%get3A_2269, %get3A_2270] {strides = array<i32>} : memref<200x128xi32, #tpu.memory_space<vmem>>, vector<1x16xi32>,
      %get3A_2272 = vector.shape_cast %get3A_2271 : vector<1x16xi32> to vector<16xi32>
      %eq3A_2273 = arith.constant 0 : i32
      %eq3A_2274 = vector.broadcast %eq3A_2273 : i32 to vector<16xi32>
      %eq3A_2275 = arith.cmpi eq, %get3A_2272, %eq3A_2274 : vector<16xi32>
      %sub3A_2276 = arith.constant 1 : i32
      %sub3A_2277 = vector.broadcast %sub3A_2276 : i32 to vector<16xi32>
      %sub3A_2278 = arith.subi %get3A_2272, %sub3A_2277 : vector<16xi32>
      %jit3A_2279 = arith.constant 99999 : i32
      %broadcast_in_dim3A_2280 = vector.broadcast %jit3A_2279 : i32 to vector<16xi32>
      %select_n3A_2281 = arith.select %eq3A_2275, %broadcast_in_dim3A_2280, %sub3A_2278 : vector<16xi1>, vector<16xi32>
      %add3A_2282 = arith.constant 0 : i32
      %add3A_2283 = arith.addi %mul3A_2266, %add3A_2282 : i32
      %swap3A_2284 = arith.index_cast %select_n3A_2248 : i32 to index
      %swap3A_2285 = arith.index_cast %add3A_2283 : i32 to index
      %swap3A_2286 = tpu.vector_load %arg5[%swap3A_2284, %swap3A_2285] {strides = array<i32>} : memref<200x128xi32, #tpu.memory_space<vmem>>, vector<1x16xi32>,
      %swap3A_2287 = vector.shape_cast %swap3A_2286 : vector<1x16xi32> to vector<16xi32>
      %swap3A_2288 = vector.shape_cast %select_n3A_2281 : vector<16xi32> to vector<1x16xi32>
      tpu.vector_store %arg5[%swap3A_2284, %swap3A_2285], %swap3A_2288 {strides = array<i32>} : memref<200x128xi32, #tpu.memory_space<vmem>>, vector<1x16xi32>,
      %add3A_2289 = arith.constant 16 : i32
      %add3A_2290 = arith.addi %mul3A_2266, %add3A_2289 : i32
      %get3A_2291 = arith.index_cast %select_n3A_2248 : i32 to index
      %get3A_2292 = arith.index_cast %add3A_2290 : i32 to index
      %get3A_2293 = tpu.vector_load %arg5[%get3A_2291, %get3A_2292] {strides = array<i32>} : memref<200x128xi32, #tpu.memory_space<vmem>>, vector<1x16xi32>,
      %get3A_2294 = vector.shape_cast %get3A_2293 : vector<1x16xi32> to vector<16xi32>
      %eq3A_2295 = arith.constant 0 : i32
      %eq3A_2296 = vector.broadcast %eq3A_2295 : i32 to vector<16xi32>
      %eq3A_2297 = arith.cmpi eq, %get3A_2294, %eq3A_2296 : vector<16xi32>
      %sub3A_2298 = arith.constant 1 : i32
      %sub3A_2299 = vector.broadcast %sub3A_2298 : i32 to vector<16xi32>
      %sub3A_2300 = arith.subi %get3A_2294, %sub3A_2299 : vector<16xi32>
      %jit3A_2301 = arith.constant 99999 : i32
      %broadcast_in_dim3A_2302 = vector.broadcast %jit3A_2301 : i32 to vector<16xi32>
      %select_n3A_2303 = arith.select %eq3A_2297, %broadcast_in_dim3A_2302, %sub3A_2300 : vector<16xi1>, vector<16xi32>
      %add3A_2304 = arith.constant 16 : i32
      %add3A_2305 = arith.addi %mul3A_2266, %add3A_2304 : i32
      %swap3A_2306 = arith.index_cast %select_n3A_2248 : i32 to index
      %swap3A_2307 = arith.index_cast %add3A_2305 : i32 to index
      %swap3A_2308 = tpu.vector_load %arg5[%swap3A_2306, %swap3A_2307] {strides = array<i32>} : memref<200x128xi32, #tpu.memory_space<vmem>>, vector<1x16xi32>,
      %swap3A_2309 = vector.shape_cast %swap3A_2308 : vector<1x16xi32> to vector<16xi32>
      %swap3A_2310 = vector.shape_cast %select_n3A_2303 : vector<16xi32> to vector<1x16xi32>
      tpu.vector_store %arg5[%swap3A_2306, %swap3A_2307], %swap3A_2310 {strides = array<i32>} : memref<200x128xi32, #tpu.memory_space<vmem>>, vector<1x16xi32>,
      %dma_start3A_2311 = arith.constant 6 : i32
      %dma_start3A_2312 = arith.constant 6 : i32
      %dma_start3A_2313 = arith.constant 0 : i32
      %dma_start3A_2314 = arith.constant 0 : i32
      %dma_start3A_2315 = tpu.memref_slice %arg6[%dma_start3A_2311, %dma_start3A_2313, %dma_start3A_2314] : memref<8x32x128xf32, #tpu.memory_space<vmem>> -> memref<1x32x128xf32, #tpu.memory_space<vmem>>
      %dma_start3A_2316 = tpu.memref_squeeze %dma_start3A_2315 : memref<1x32x128xf32, #tpu.memory_space<vmem>> -> memref<32x128xf32, #tpu.memory_space<vmem>>
      %dma_start3A_2317 = tpu.memref_slice %arg5[%select_n3A_2248, %mul3A_2266] : memref<200x128xi32, #tpu.memory_space<vmem>> -> memref<1x32xi32, #tpu.memory_space<vmem>>
      %dma_start3A_2318 = tpu.memref_squeeze %dma_start3A_2317 : memref<1x32xi32, #tpu.memory_space<vmem>> -> memref<32xi32, #tpu.memory_space<vmem>>
      %dma_start3A_2319 = arith.constant 0 : i32
      %dma_start3A_2320 = arith.constant 0 : i32
      %dma_start3A_2321 = tpu.memref_slice %arg3[%dma_start3A_2319, %dma_start3A_2320] : memref<100000x128xf32, #tpu.memory_space<hbm>> -> memref<100000x128xf32, #tpu.memory_space<hbm>>
      %dma_start3A_2322 = tpu.memref_slice %arg8[%dma_start3A_2312] : memref<8x!tpu.dma_semaphore, #tpu.memory_space<semaphore_mem>> -> memref<1x!tpu.dma_semaphore, #tpu.memory_space<semaphore_mem>>
      %dma_start3A_2323 = tpu.memref_squeeze %dma_start3A_2322 : memref<1x!tpu.dma_semaphore, #tpu.memory_space<semaphore_mem>> -> memref<!tpu.dma_semaphore, #tpu.memory_space<semaphore_mem>>
      tpu.enqueue_indirect_dma source(%dma_start3A_2321 : memref<100000x128xf32, #tpu.memory_space<hbm>>) target(%dma_start3A_2316 : memref<32x128xf32, #tpu.memory_space<vmem>>) offsets(%dma_start3A_2318 : memref<32xi32, #tpu.memory_space<vmem>>) semaphore(%dma_start3A_2323 : memref<!tpu.dma_semaphore, #tpu.memory_space<semaphore_mem>>)
      %add3A_2324 = arith.constant 7 : i32
      %add3A_2325 = arith.addi %add3A_901, %add3A_2324 : i32
      %jit3A_2326 = arith.constant 4 : i32
      %div3A_2327 = arith.divsi %add3A_2325, %jit3A_2326 : i32
      %sign3A_2328 = arith.constant 0 : i32
      %sign3A_2329 = arith.cmpi sgt, %add3A_2325, %sign3A_2328 : i32
      %sign3A_2330 = arith.extui %sign3A_2329 : i1 to i32
      %sign3A_2331 = arith.constant 0 : i32
      %sign3A_2332 = arith.cmpi slt, %add3A_2325, %sign3A_2331 : i32
      %sign3A_2333 = arith.extui %sign3A_2332 : i1 to i32
      %sign3A_2334 = arith.subi %sign3A_2330, %sign3A_2333 : i32
      %sign3A_2335 = arith.constant 0 : i32
      %sign3A_2336 = arith.cmpi sgt, %jit3A_2326, %sign3A_2335 : i32
      %sign3A_2337 = arith.extui %sign3A_2336 : i1 to i32
      %sign3A_2338 = arith.constant 0 : i32
      %sign3A_2339 = arith.cmpi slt, %jit3A_2326, %sign3A_2338 : i32
      %sign3A_2340 = arith.extui %sign3A_2339 : i1 to i32
      %sign3A_2341 = arith.subi %sign3A_2337, %sign3A_2340 : i32
      %ne3A_2342 = arith.cmpi ne, %sign3A_2334, %sign3A_2341 : i32
      %rem3A_2343 = arith.remsi %add3A_2325, %jit3A_2326 : i32
      %ne3A_2344 = arith.constant 0 : i32
      %ne3A_2345 = arith.cmpi ne, %rem3A_2343, %ne3A_2344 : i32
      %and3A_2346 = arith.andi %ne3A_2342, %ne3A_2345 : i1
      %sub3A_2347 = arith.constant 1 : i32
      %sub3A_2348 = arith.subi %div3A_2327, %sub3A_2347 : i32
      %select_n3A_2349 = arith.select %and3A_2346, %sub3A_2348, %div3A_2327 : i32
      %jit3A_2350 = arith.constant 4 : i32
      %eq3A_2351 = arith.constant 0 : i32
      %eq3A_2352 = arith.cmpi eq, %jit3A_2350, %eq3A_2351 : i32
      %jit3A_2353 = arith.constant 1 : i32
      %select_n3A_2354 = arith.select %eq3A_2352, %jit3A_2353, %jit3A_2350 : i32
      %rem3A_2355 = arith.remsi %add3A_2325, %select_n3A_2354 : i32
      %ne3A_2356 = arith.constant 0 : i32
      %ne3A_2357 = arith.cmpi ne, %rem3A_2355, %ne3A_2356 : i32
      %lt3A_2358 = arith.constant 0 : i32
      %lt3A_2359 = arith.cmpi slt, %rem3A_2355, %lt3A_2358 : i32
      %lt3A_2360 = arith.constant 0 : i32
      %lt3A_2361 = arith.cmpi slt, %select_n3A_2354, %lt3A_2360 : i32
      %ne3A_2362 = arith.xori %lt3A_2359, %lt3A_2361 : i1
      %and3A_2363 = arith.andi %ne3A_2362, %ne3A_2357 : i1
      %add3A_2364 = arith.addi %rem3A_2355, %select_n3A_2354 : i32
      %select_n3A_2365 = arith.select %and3A_2363, %add3A_2364, %rem3A_2355 : i32
      %mul3A_2366 = arith.constant 32 : i32
      %mul3A_2367 = arith.muli %select_n3A_2365, %mul3A_2366 : i32
      %dma_wait3A_2368 = arith.constant 3 : i32
      %dma_wait3A_2369 = arith.constant 3 : i32
      %dma_wait3A_2370 = arith.constant 0 : i32
      %dma_wait3A_2371 = arith.constant 0 : i32
      %dma_wait3A_2372 = tpu.memref_slice %arg6[%dma_wait3A_2368, %dma_wait3A_2370, %dma_wait3A_2371] : memref<8x32x128xf32, #tpu.memory_space<vmem>> -> memref<1x32x128xf32, #tpu.memory_space<vmem>>
      %dma_wait3A_2373 = tpu.memref_squeeze %dma_wait3A_2372 : memref<1x32x128xf32, #tpu.memory_space<vmem>> -> memref<32x128xf32, #tpu.memory_space<vmem>>
      %dma_wait3A_2374 = tpu.memref_slice %arg5[%select_n3A_2349, %mul3A_2367] : memref<200x128xi32, #tpu.memory_space<vmem>> -> memref<1x32xi32, #tpu.memory_space<vmem>>
      %dma_wait3A_2375 = tpu.memref_squeeze %dma_wait3A_2374 : memref<1x32xi32, #tpu.memory_space<vmem>> -> memref<32xi32, #tpu.memory_space<vmem>>
      %dma_wait3A_2376 = arith.constant 0 : i32
      %dma_wait3A_2377 = arith.constant 0 : i32
      %dma_wait3A_2378 = tpu.memref_slice %arg3[%dma_wait3A_2376, %dma_wait3A_2377] : memref<100000x128xf32, #tpu.memory_space<hbm>> -> memref<100000x128xf32, #tpu.memory_space<hbm>>
      %dma_wait3A_2379 = tpu.memref_slice %arg8[%dma_wait3A_2369] : memref<8x!tpu.dma_semaphore, #tpu.memory_space<semaphore_mem>> -> memref<1x!tpu.dma_semaphore, #tpu.memory_space<semaphore_mem>>
      %dma_wait3A_2380 = tpu.memref_squeeze %dma_wait3A_2379 : memref<1x!tpu.dma_semaphore, #tpu.memory_space<semaphore_mem>> -> memref<!tpu.dma_semaphore, #tpu.memory_space<semaphore_mem>>
      tpu.wait_indirect_dma semaphore(%dma_wait3A_2380 : memref<!tpu.dma_semaphore, #tpu.memory_space<semaphore_mem>>) src(%dma_wait3A_2378 : memref<100000x128xf32, #tpu.memory_space<hbm>>) dst(%dma_wait3A_2373 : memref<32x128xf32, #tpu.memory_space<vmem>>)
      %scan3A_2381 = arith.constant 0 : i32
      %scan3A_2382 = arith.constant 0 : i32
      %scan3A_2383 = arith.constant 32 : i32
      %scan3A_2384 = arith.addi %scan3A_2382, %scan3A_2383 : i32
      %scan3A_2385 = arith.constant 1 : i32
      scf.for %scan3A_2528 = %scan3A_2382 to %scan3A_2384 step %scan3A_2385  : i32 {
        %get3A_2529 = arith.constant 3 : i32
        %get3A_2530 = arith.index_cast %get3A_2529 : i32 to index
        %get3A_2531 = arith.index_cast %scan3A_2528 : i32 to index
        %get3A_2532 = arith.constant 0 : index
        %get3A_2533 = tpu.vector_load %arg6[%get3A_2530, %get3A_2531, %get3A_2532] {strides = array<i32>} : memref<8x32x128xf32, #tpu.memory_space<vmem>>, vector<1x1x16xf32>,
        %get3A_2534 = vector.shape_cast %get3A_2533 : vector<1x1x16xf32> to vector<16xf32>
        %swap3A_2535 = arith.constant 3 : i32
        %swap3A_2536 = arith.index_cast %swap3A_2535 : i32 to index
        %swap3A_2537 = arith.index_cast %scan3A_2528 : i32 to index
        %swap3A_2538 = arith.constant 0 : index
        %swap3A_2539 = tpu.vector_load %arg7[%swap3A_2536, %swap3A_2537, %swap3A_2538] {strides = array<i32>} : memref<8x32x64xf32, #tpu.memory_space<vmem>>, vector<1x1x16xf32>,
        %swap3A_2540 = vector.shape_cast %swap3A_2539 : vector<1x1x16xf32> to vector<16xf32>
        %swap3A_2541 = vector.shape_cast %get3A_2534 : vector<16xf32> to vector<1x1x16xf32>
        tpu.vector_store %arg7[%swap3A_2536, %swap3A_2537, %swap3A_2538], %swap3A_2541 {strides = array<i32>} : memref<8x32x64xf32, #tpu.memory_space<vmem>>, vector<1x1x16xf32>,
        %get3A_2542 = arith.constant 3 : i32
        %get3A_2543 = arith.index_cast %get3A_2542 : i32 to index
        %get3A_2544 = arith.index_cast %scan3A_2528 : i32 to index
        %get3A_2545 = arith.constant 16 : index
        %get3A_2546 = tpu.vector_load %arg6[%get3A_2543, %get3A_2544, %get3A_2545] {strides = array<i32>} : memref<8x32x128xf32, #tpu.memory_space<vmem>>, vector<1x1x16xf32>,
        %get3A_2547 = vector.shape_cast %get3A_2546 : vector<1x1x16xf32> to vector<16xf32>
        %swap3A_2548 = arith.constant 3 : i32
        %swap3A_2549 = arith.index_cast %swap3A_2548 : i32 to index
        %swap3A_2550 = arith.index_cast %scan3A_2528 : i32 to index
        %swap3A_2551 = arith.constant 16 : index
        %swap3A_2552 = tpu.vector_load %arg7[%swap3A_2549, %swap3A_2550, %swap3A_2551] {strides = array<i32>} : memref<8x32x64xf32, #tpu.memory_space<vmem>>, vector<1x1x16xf32>,
        %swap3A_2553 = vector.shape_cast %swap3A_2552 : vector<1x1x16xf32> to vector<16xf32>
        %swap3A_2554 = vector.shape_cast %get3A_2547 : vector<16xf32> to vector<1x1x16xf32>
        tpu.vector_store %arg7[%swap3A_2549, %swap3A_2550, %swap3A_2551], %swap3A_2554 {strides = array<i32>} : memref<8x32x64xf32, #tpu.memory_space<vmem>>, vector<1x1x16xf32>,
        %get3A_2555 = arith.constant 3 : i32
        %get3A_2556 = arith.index_cast %get3A_2555 : i32 to index
        %get3A_2557 = arith.index_cast %scan3A_2528 : i32 to index
        %get3A_2558 = arith.constant 32 : index
        %get3A_2559 = tpu.vector_load %arg6[%get3A_2556, %get3A_2557, %get3A_2558] {strides = array<i32>} : memref<8x32x128xf32, #tpu.memory_space<vmem>>, vector<1x1x16xf32>,
        %get3A_2560 = vector.shape_cast %get3A_2559 : vector<1x1x16xf32> to vector<16xf32>
        %swap3A_2561 = arith.constant 3 : i32
        %swap3A_2562 = arith.index_cast %swap3A_2561 : i32 to index
        %swap3A_2563 = arith.index_cast %scan3A_2528 : i32 to index
        %swap3A_2564 = arith.constant 32 : index
        %swap3A_2565 = tpu.vector_load %arg7[%swap3A_2562, %swap3A_2563, %swap3A_2564] {strides = array<i32>} : memref<8x32x64xf32, #tpu.memory_space<vmem>>, vector<1x1x16xf32>,
        %swap3A_2566 = vector.shape_cast %swap3A_2565 : vector<1x1x16xf32> to vector<16xf32>
        %swap3A_2567 = vector.shape_cast %get3A_2560 : vector<16xf32> to vector<1x1x16xf32>
        tpu.vector_store %arg7[%swap3A_2562, %swap3A_2563, %swap3A_2564], %swap3A_2567 {strides = array<i32>} : memref<8x32x64xf32, #tpu.memory_space<vmem>>, vector<1x1x16xf32>,
        %get3A_2568 = arith.constant 3 : i32
        %get3A_2569 = arith.index_cast %get3A_2568 : i32 to index
        %get3A_2570 = arith.index_cast %scan3A_2528 : i32 to index
        %get3A_2571 = arith.constant 48 : index
        %get3A_2572 = tpu.vector_load %arg6[%get3A_2569, %get3A_2570, %get3A_2571] {strides = array<i32>} : memref<8x32x128xf32, #tpu.memory_space<vmem>>, vector<1x1x16xf32>,
        %get3A_2573 = vector.shape_cast %get3A_2572 : vector<1x1x16xf32> to vector<16xf32>
        %swap3A_2574 = arith.constant 3 : i32
        %swap3A_2575 = arith.index_cast %swap3A_2574 : i32 to index
        %swap3A_2576 = arith.index_cast %scan3A_2528 : i32 to index
        %swap3A_2577 = arith.constant 48 : index
        %swap3A_2578 = tpu.vector_load %arg7[%swap3A_2575, %swap3A_2576, %swap3A_2577] {strides = array<i32>} : memref<8x32x64xf32, #tpu.memory_space<vmem>>, vector<1x1x16xf32>,
        %swap3A_2579 = vector.shape_cast %swap3A_2578 : vector<1x1x16xf32> to vector<16xf32>
        %swap3A_2580 = vector.shape_cast %get3A_2573 : vector<16xf32> to vector<1x1x16xf32>
        tpu.vector_store %arg7[%swap3A_2575, %swap3A_2576, %swap3A_2577], %swap3A_2580 {strides = array<i32>} : memref<8x32x64xf32, #tpu.memory_space<vmem>>, vector<1x1x16xf32>,
      }
      %scan3A_2386 = arith.constant 32 : i32
      %mul3A_2387 = arith.constant 32 : i32
      %mul3A_2388 = arith.muli %add3A_2325, %mul3A_2387 : i32
      %add3A_2389 = arith.addi %mul3A_4, %mul3A_2388 : i32
      %dma_start3A_2390 = arith.constant 3 : i32
      %dma_start3A_2391 = arith.constant 3 : i32
      %dma_start3A_2392 = arith.constant 0 : i32
      %dma_start3A_2393 = arith.constant 0 : i32
      %dma_start3A_2394 = tpu.memref_slice %arg7[%dma_start3A_2390, %dma_start3A_2392, %dma_start3A_2393] : memref<8x32x64xf32, #tpu.memory_space<vmem>> -> memref<1x32x64xf32, #tpu.memory_space<vmem>>
      %dma_start3A_2395 = tpu.memref_squeeze %dma_start3A_2394 : memref<1x32x64xf32, #tpu.memory_space<vmem>> -> memref<32x64xf32, #tpu.memory_space<vmem>>
      %dma_start3A_2396 = arith.constant 0 : i32
      %dma_start3A_2397 = tpu.memref_slice %arg4[%add3A_2389, %dma_start3A_2396] : memref<819200x64xf32, #tpu.memory_space<hbm>> -> memref<32x64xf32, #tpu.memory_space<hbm>>
      %dma_start3A_2398 = tpu.memref_slice %arg9[%dma_start3A_2391] : memref<8x!tpu.dma_semaphore, #tpu.memory_space<semaphore_mem>> -> memref<1x!tpu.dma_semaphore, #tpu.memory_space<semaphore_mem>>
      %dma_start3A_2399 = tpu.memref_squeeze %dma_start3A_2398 : memref<1x!tpu.dma_semaphore, #tpu.memory_space<semaphore_mem>> -> memref<!tpu.dma_semaphore, #tpu.memory_space<semaphore_mem>>
      %dma_start3A_2400 = arith.constant 0 : i32
      %dma_start3A_2401 = tpu.memref_slice %arg4[%add3A_2389, %dma_start3A_2400] : memref<819200x64xf32, #tpu.memory_space<hbm>> -> memref<32x64xf32, #tpu.memory_space<hbm>>
      %dma_start3A_2402 = arith.constant 0 : i32
      %dma_start3A_2403 = arith.constant 0 : i32
      %dma_start3A_2404 = tpu.memref_slice %arg7[%dma_start3A_2390, %dma_start3A_2402, %dma_start3A_2403] : memref<8x32x64xf32, #tpu.memory_space<vmem>> -> memref<1x32x64xf32, #tpu.memory_space<vmem>>
      %dma_start3A_2405 = tpu.memref_squeeze %dma_start3A_2404 : memref<1x32x64xf32, #tpu.memory_space<vmem>> -> memref<32x64xf32, #tpu.memory_space<vmem>>
      tpu.enqueue_dma source(%dma_start3A_2405 : memref<32x64xf32, #tpu.memory_space<vmem>>) target(%dma_start3A_2401 : memref<32x64xf32, #tpu.memory_space<hbm>>) target_semaphore(%dma_start3A_2399 : memref<!tpu.dma_semaphore, #tpu.memory_space<semaphore_mem>>)
      %sub3A_2406 = arith.constant 4 : i32
      %sub3A_2407 = arith.subi %add3A_2325, %sub3A_2406 : i32
      %mul3A_2408 = arith.constant 32 : i32
      %mul3A_2409 = arith.muli %sub3A_2407, %mul3A_2408 : i32
      %add3A_2410 = arith.addi %mul3A_4, %mul3A_2409 : i32
      %dma_wait3A_2411 = arith.constant 7 : i32
      %dma_wait3A_2412 = arith.constant 7 : i32
      %dma_wait3A_2413 = arith.constant 0 : i32
      %dma_wait3A_2414 = arith.constant 0 : i32
      %dma_wait3A_2415 = tpu.memref_slice %arg7[%dma_wait3A_2411, %dma_wait3A_2413, %dma_wait3A_2414] : memref<8x32x64xf32, #tpu.memory_space<vmem>> -> memref<1x32x64xf32, #tpu.memory_space<vmem>>
      %dma_wait3A_2416 = tpu.memref_squeeze %dma_wait3A_2415 : memref<1x32x64xf32, #tpu.memory_space<vmem>> -> memref<32x64xf32, #tpu.memory_space<vmem>>
      %dma_wait3A_2417 = arith.constant 0 : i32
      %dma_wait3A_2418 = tpu.memref_slice %arg4[%add3A_2410, %dma_wait3A_2417] : memref<819200x64xf32, #tpu.memory_space<hbm>> -> memref<32x64xf32, #tpu.memory_space<hbm>>
      %dma_wait3A_2419 = tpu.memref_slice %arg9[%dma_wait3A_2412] : memref<8x!tpu.dma_semaphore, #tpu.memory_space<semaphore_mem>> -> memref<1x!tpu.dma_semaphore, #tpu.memory_space<semaphore_mem>>
      %dma_wait3A_2420 = tpu.memref_squeeze %dma_wait3A_2419 : memref<1x!tpu.dma_semaphore, #tpu.memory_space<semaphore_mem>> -> memref<!tpu.dma_semaphore, #tpu.memory_space<semaphore_mem>>
      %dma_wait3A_2421 = arith.constant 0 : i32
      %dma_wait3A_2422 = tpu.memref_slice %arg4[%add3A_2410, %dma_wait3A_2421] : memref<819200x64xf32, #tpu.memory_space<hbm>> -> memref<32x64xf32, #tpu.memory_space<hbm>>
      %dma_wait3A_2423 = arith.constant 0 : i32
      %dma_wait3A_2424 = arith.constant 0 : i32
      %dma_wait3A_2425 = tpu.memref_slice %arg7[%dma_wait3A_2411, %dma_wait3A_2423, %dma_wait3A_2424] : memref<8x32x64xf32, #tpu.memory_space<vmem>> -> memref<1x32x64xf32, #tpu.memory_space<vmem>>
      %dma_wait3A_2426 = tpu.memref_squeeze %dma_wait3A_2425 : memref<1x32x64xf32, #tpu.memory_space<vmem>> -> memref<32x64xf32, #tpu.memory_space<vmem>>
      tpu.wait_dma2 semaphore(%dma_wait3A_2420 : memref<!tpu.dma_semaphore, #tpu.memory_space<semaphore_mem>>) src(%dma_wait3A_2426 : memref<32x64xf32, #tpu.memory_space<vmem>>) dst(%dma_wait3A_2422 : memref<32x64xf32, #tpu.memory_space<hbm>>)
      %add3A_2427 = arith.constant 4 : i32
      %add3A_2428 = arith.addi %add3A_2325, %add3A_2427 : i32
      %jit3A_2429 = arith.constant 4 : i32
      %div3A_2430 = arith.divsi %add3A_2428, %jit3A_2429 : i32
      %sign3A_2431 = arith.constant 0 : i32
      %sign3A_2432 = arith.cmpi sgt, %add3A_2428, %sign3A_2431 : i32
      %sign3A_2433 = arith.extui %sign3A_2432 : i1 to i32
      %sign3A_2434 = arith.constant 0 : i32
      %sign3A_2435 = arith.cmpi slt, %add3A_2428, %sign3A_2434 : i32
      %sign3A_2436 = arith.extui %sign3A_2435 : i1 to i32
      %sign3A_2437 = arith.subi %sign3A_2433, %sign3A_2436 : i32
      %sign3A_2438 = arith.constant 0 : i32
      %sign3A_2439 = arith.cmpi sgt, %jit3A_2429, %sign3A_2438 : i32
      %sign3A_2440 = arith.extui %sign3A_2439 : i1 to i32
      %sign3A_2441 = arith.constant 0 : i32
      %sign3A_2442 = arith.cmpi slt, %jit3A_2429, %sign3A_2441 : i32
      %sign3A_2443 = arith.extui %sign3A_2442 : i1 to i32
      %sign3A_2444 = arith.subi %sign3A_2440, %sign3A_2443 : i32
      %ne3A_2445 = arith.cmpi ne, %sign3A_2437, %sign3A_2444 : i32
      %rem3A_2446 = arith.remsi %add3A_2428, %jit3A_2429 : i32
      %ne3A_2447 = arith.constant 0 : i32
      %ne3A_2448 = arith.cmpi ne, %rem3A_2446, %ne3A_2447 : i32
      %and3A_2449 = arith.andi %ne3A_2445, %ne3A_2448 : i1
      %sub3A_2450 = arith.constant 1 : i32
      %sub3A_2451 = arith.subi %div3A_2430, %sub3A_2450 : i32
      %select_n3A_2452 = arith.select %and3A_2449, %sub3A_2451, %div3A_2430 : i32
      %jit3A_2453 = arith.constant 4 : i32
      %eq3A_2454 = arith.constant 0 : i32
      %eq3A_2455 = arith.cmpi eq, %jit3A_2453, %eq3A_2454 : i32
      %jit3A_2456 = arith.constant 1 : i32
      %select_n3A_2457 = arith.select %eq3A_2455, %jit3A_2456, %jit3A_2453 : i32
      %rem3A_2458 = arith.remsi %add3A_2428, %select_n3A_2457 : i32
      %ne3A_2459 = arith.constant 0 : i32
      %ne3A_2460 = arith.cmpi ne, %rem3A_2458, %ne3A_2459 : i32
      %lt3A_2461 = arith.constant 0 : i32
      %lt3A_2462 = arith.cmpi slt, %rem3A_2458, %lt3A_2461 : i32
      %lt3A_2463 = arith.constant 0 : i32
      %lt3A_2464 = arith.cmpi slt, %select_n3A_2457, %lt3A_2463 : i32
      %ne3A_2465 = arith.xori %lt3A_2462, %lt3A_2464 : i1
      %and3A_2466 = arith.andi %ne3A_2465, %ne3A_2460 : i1
      %add3A_2467 = arith.addi %rem3A_2458, %select_n3A_2457 : i32
      %select_n3A_2468 = arith.select %and3A_2466, %add3A_2467, %rem3A_2458 : i32
      %mul3A_2469 = arith.constant 32 : i32
      %mul3A_2470 = arith.muli %select_n3A_2468, %mul3A_2469 : i32
      %add3A_2471 = arith.constant 0 : i32
      %add3A_2472 = arith.addi %mul3A_2470, %add3A_2471 : i32
      %get3A_2473 = arith.index_cast %select_n3A_2452 : i32 to index
      %get3A_2474 = arith.index_cast %add3A_2472 : i32 to index
      %get3A_2475 = tpu.vector_load %arg5[%get3A_2473, %get3A_2474] {strides = array<i32>} : memref<200x128xi32, #tpu.memory_space<vmem>>, vector<1x16xi32>,
      %get3A_2476 = vector.shape_cast %get3A_2475 : vector<1x16xi32> to vector<16xi32>
      %eq3A_2477 = arith.constant 0 : i32
      %eq3A_2478 = vector.broadcast %eq3A_2477 : i32 to vector<16xi32>
      %eq3A_2479 = arith.cmpi eq, %get3A_2476, %eq3A_2478 : vector<16xi32>
      %sub3A_2480 = arith.constant 1 : i32
      %sub3A_2481 = vector.broadcast %sub3A_2480 : i32 to vector<16xi32>
      %sub3A_2482 = arith.subi %get3A_2476, %sub3A_2481 : vector<16xi32>
      %jit3A_2483 = arith.constant 99999 : i32
      %broadcast_in_dim3A_2484 = vector.broadcast %jit3A_2483 : i32 to vector<16xi32>
      %select_n3A_2485 = arith.select %eq3A_2479, %broadcast_in_dim3A_2484, %sub3A_2482 : vector<16xi1>, vector<16xi32>
      %add3A_2486 = arith.constant 0 : i32
      %add3A_2487 = arith.addi %mul3A_2470, %add3A_2486 : i32
      %swap3A_2488 = arith.index_cast %select_n3A_2452 : i32 to index
      %swap3A_2489 = arith.index_cast %add3A_2487 : i32 to index
      %swap3A_2490 = tpu.vector_load %arg5[%swap3A_2488, %swap3A_2489] {strides = array<i32>} : memref<200x128xi32, #tpu.memory_space<vmem>>, vector<1x16xi32>,
      %swap3A_2491 = vector.shape_cast %swap3A_2490 : vector<1x16xi32> to vector<16xi32>
      %swap3A_2492 = vector.shape_cast %select_n3A_2485 : vector<16xi32> to vector<1x16xi32>
      tpu.vector_store %arg5[%swap3A_2488, %swap3A_2489], %swap3A_2492 {strides = array<i32>} : memref<200x128xi32, #tpu.memory_space<vmem>>, vector<1x16xi32>,
      %add3A_2493 = arith.constant 16 : i32
      %add3A_2494 = arith.addi %mul3A_2470, %add3A_2493 : i32
      %get3A_2495 = arith.index_cast %select_n3A_2452 : i32 to index
      %get3A_2496 = arith.index_cast %add3A_2494 : i32 to index
      %get3A_2497 = tpu.vector_load %arg5[%get3A_2495, %get3A_2496] {strides = array<i32>} : memref<200x128xi32, #tpu.memory_space<vmem>>, vector<1x16xi32>,
      %get3A_2498 = vector.shape_cast %get3A_2497 : vector<1x16xi32> to vector<16xi32>
      %eq3A_2499 = arith.constant 0 : i32
      %eq3A_2500 = vector.broadcast %eq3A_2499 : i32 to vector<16xi32>
      %eq3A_2501 = arith.cmpi eq, %get3A_2498, %eq3A_2500 : vector<16xi32>
      %sub3A_2502 = arith.constant 1 : i32
      %sub3A_2503 = vector.broadcast %sub3A_2502 : i32 to vector<16xi32>
      %sub3A_2504 = arith.subi %get3A_2498, %sub3A_2503 : vector<16xi32>
      %jit3A_2505 = arith.constant 99999 : i32
      %broadcast_in_dim3A_2506 = vector.broadcast %jit3A_2505 : i32 to vector<16xi32>
      %select_n3A_2507 = arith.select %eq3A_2501, %broadcast_in_dim3A_2506, %sub3A_2504 : vector<16xi1>, vector<16xi32>
      %add3A_2508 = arith.constant 16 : i32
      %add3A_2509 = arith.addi %mul3A_2470, %add3A_2508 : i32
      %swap3A_2510 = arith.index_cast %select_n3A_2452 : i32 to index
      %swap3A_2511 = arith.index_cast %add3A_2509 : i32 to index
      %swap3A_2512 = tpu.vector_load %arg5[%swap3A_2510, %swap3A_2511] {strides = array<i32>} : memref<200x128xi32, #tpu.memory_space<vmem>>, vector<1x16xi32>,
      %swap3A_2513 = vector.shape_cast %swap3A_2512 : vector<1x16xi32> to vector<16xi32>
      %swap3A_2514 = vector.shape_cast %select_n3A_2507 : vector<16xi32> to vector<1x16xi32>
      tpu.vector_store %arg5[%swap3A_2510, %swap3A_2511], %swap3A_2514 {strides = array<i32>} : memref<200x128xi32, #tpu.memory_space<vmem>>, vector<1x16xi32>,
      %dma_start3A_2515 = arith.constant 7 : i32
      %dma_start3A_2516 = arith.constant 7 : i32
      %dma_start3A_2517 = arith.constant 0 : i32
      %dma_start3A_2518 = arith.constant 0 : i32
      %dma_start3A_2519 = tpu.memref_slice %arg6[%dma_start3A_2515, %dma_start3A_2517, %dma_start3A_2518] : memref<8x32x128xf32, #tpu.memory_space<vmem>> -> memref<1x32x128xf32, #tpu.memory_space<vmem>>
      %dma_start3A_2520 = tpu.memref_squeeze %dma_start3A_2519 : memref<1x32x128xf32, #tpu.memory_space<vmem>> -> memref<32x128xf32, #tpu.memory_space<vmem>>
      %dma_start3A_2521 = tpu.memref_slice %arg5[%select_n3A_2452, %mul3A_2470] : memref<200x128xi32, #tpu.memory_space<vmem>> -> memref<1x32xi32, #tpu.memory_space<vmem>>
      %dma_start3A_2522 = tpu.memref_squeeze %dma_start3A_2521 : memref<1x32xi32, #tpu.memory_space<vmem>> -> memref<32xi32, #tpu.memory_space<vmem>>
      %dma_start3A_2523 = arith.constant 0 : i32
      %dma_start3A_2524 = arith.constant 0 : i32
      %dma_start3A_2525 = tpu.memref_slice %arg3[%dma_start3A_2523, %dma_start3A_2524] : memref<100000x128xf32, #tpu.memory_space<hbm>> -> memref<100000x128xf32, #tpu.memory_space<hbm>>
      %dma_start3A_2526 = tpu.memref_slice %arg8[%dma_start3A_2516] : memref<8x!tpu.dma_semaphore, #tpu.memory_space<semaphore_mem>> -> memref<1x!tpu.dma_semaphore, #tpu.memory_space<semaphore_mem>>
      %dma_start3A_2527 = tpu.memref_squeeze %dma_start3A_2526 : memref<1x!tpu.dma_semaphore, #tpu.memory_space<semaphore_mem>> -> memref<!tpu.dma_semaphore, #tpu.memory_space<semaphore_mem>>
      tpu.enqueue_indirect_dma source(%dma_start3A_2525 : memref<100000x128xf32, #tpu.memory_space<hbm>>) target(%dma_start3A_2520 : memref<32x128xf32, #tpu.memory_space<vmem>>) offsets(%dma_start3A_2522 : memref<32xi32, #tpu.memory_space<vmem>>) semaphore(%dma_start3A_2527 : memref<!tpu.dma_semaphore, #tpu.memory_space<semaphore_mem>>)
    }
    %scan3A_596 = arith.constant 99 : i32
    %dma_wait3A_597 = arith.constant 199 : i32
    %dma_wait3A_598 = arith.constant 4 : i32
    %dma_wait3A_599 = arith.constant 4 : i32
    %dma_wait3A_600 = arith.constant 0 : i32
    %dma_wait3A_601 = arith.constant 0 : i32
    %dma_wait3A_602 = tpu.memref_slice %arg6[%dma_wait3A_598, %dma_wait3A_600, %dma_wait3A_601] : memref<8x32x128xf32, #tpu.memory_space<vmem>> -> memref<1x32x128xf32, #tpu.memory_space<vmem>>
    %dma_wait3A_603 = tpu.memref_squeeze %dma_wait3A_602 : memref<1x32x128xf32, #tpu.memory_space<vmem>> -> memref<32x128xf32, #tpu.memory_space<vmem>>
    %dma_wait3A_604 = arith.constant 0 : i32
    %dma_wait3A_605 = tpu.memref_slice %arg5[%dma_wait3A_597, %dma_wait3A_604] : memref<200x128xi32, #tpu.memory_space<vmem>> -> memref<1x32xi32, #tpu.memory_space<vmem>>
    %dma_wait3A_606 = tpu.memref_squeeze %dma_wait3A_605 : memref<1x32xi32, #tpu.memory_space<vmem>> -> memref<32xi32, #tpu.memory_space<vmem>>
    %dma_wait3A_607 = arith.constant 0 : i32
    %dma_wait3A_608 = arith.constant 0 : i32
    %dma_wait3A_609 = tpu.memref_slice %arg3[%dma_wait3A_607, %dma_wait3A_608] : memref<100000x128xf32, #tpu.memory_space<hbm>> -> memref<100000x128xf32, #tpu.memory_space<hbm>>
    %dma_wait3A_610 = tpu.memref_slice %arg8[%dma_wait3A_599] : memref<8x!tpu.dma_semaphore, #tpu.memory_space<semaphore_mem>> -> memref<1x!tpu.dma_semaphore, #tpu.memory_space<semaphore_mem>>
    %dma_wait3A_611 = tpu.memref_squeeze %dma_wait3A_610 : memref<1x!tpu.dma_semaphore, #tpu.memory_space<semaphore_mem>> -> memref<!tpu.dma_semaphore, #tpu.memory_space<semaphore_mem>>
    tpu.wait_indirect_dma semaphore(%dma_wait3A_611 : memref<!tpu.dma_semaphore, #tpu.memory_space<semaphore_mem>>) src(%dma_wait3A_609 : memref<100000x128xf32, #tpu.memory_space<hbm>>) dst(%dma_wait3A_603 : memref<32x128xf32, #tpu.memory_space<vmem>>)
    %scan3A_612 = arith.constant 0 : i32
    %scan3A_613 = arith.constant 0 : i32
    %scan3A_614 = arith.constant 32 : i32
    %scan3A_615 = arith.addi %scan3A_613, %scan3A_614 : i32
    %scan3A_616 = arith.constant 1 : i32
    scf.for %scan3A_897 = %scan3A_613 to %scan3A_615 step %scan3A_616  : i32 {
      %get3A_898 = arith.constant 4 : i32
      %get3A_899 = arith.index_cast %get3A_898 : i32 to index
      %get3A_900 = arith.index_cast %scan3A_897 : i32 to index
      %get3A_901 = arith.constant 0 : index
      %get3A_902 = tpu.vector_load %arg6[%get3A_899, %get3A_900, %get3A_901] {strides = array<i32>} : memref<8x32x128xf32, #tpu.memory_space<vmem>>, vector<1x1x16xf32>,
      %get3A_903 = vector.shape_cast %get3A_902 : vector<1x1x16xf32> to vector<16xf32>
      %swap3A_904 = arith.constant 4 : i32
      %swap3A_905 = arith.index_cast %swap3A_904 : i32 to index
      %swap3A_906 = arith.index_cast %scan3A_897 : i32 to index
      %swap3A_907 = arith.constant 0 : index
      %swap3A_908 = tpu.vector_load %arg7[%swap3A_905, %swap3A_906, %swap3A_907] {strides = array<i32>} : memref<8x32x64xf32, #tpu.memory_space<vmem>>, vector<1x1x16xf32>,
      %swap3A_909 = vector.shape_cast %swap3A_908 : vector<1x1x16xf32> to vector<16xf32>
      %swap3A_910 = vector.shape_cast %get3A_903 : vector<16xf32> to vector<1x1x16xf32>
      tpu.vector_store %arg7[%swap3A_905, %swap3A_906, %swap3A_907], %swap3A_910 {strides = array<i32>} : memref<8x32x64xf32, #tpu.memory_space<vmem>>, vector<1x1x16xf32>,
      %get3A_911 = arith.constant 4 : i32
      %get3A_912 = arith.index_cast %get3A_911 : i32 to index
      %get3A_913 = arith.index_cast %scan3A_897 : i32 to index
      %get3A_914 = arith.constant 16 : index
      %get3A_915 = tpu.vector_load %arg6[%get3A_912, %get3A_913, %get3A_914] {strides = array<i32>} : memref<8x32x128xf32, #tpu.memory_space<vmem>>, vector<1x1x16xf32>,
      %get3A_916 = vector.shape_cast %get3A_915 : vector<1x1x16xf32> to vector<16xf32>
      %swap3A_917 = arith.constant 4 : i32
      %swap3A_918 = arith.index_cast %swap3A_917 : i32 to index
      %swap3A_919 = arith.index_cast %scan3A_897 : i32 to index
      %swap3A_920 = arith.constant 16 : index
      %swap3A_921 = tpu.vector_load %arg7[%swap3A_918, %swap3A_919, %swap3A_920] {strides = array<i32>} : memref<8x32x64xf32, #tpu.memory_space<vmem>>, vector<1x1x16xf32>,
      %swap3A_922 = vector.shape_cast %swap3A_921 : vector<1x1x16xf32> to vector<16xf32>
      %swap3A_923 = vector.shape_cast %get3A_916 : vector<16xf32> to vector<1x1x16xf32>
      tpu.vector_store %arg7[%swap3A_918, %swap3A_919, %swap3A_920], %swap3A_923 {strides = array<i32>} : memref<8x32x64xf32, #tpu.memory_space<vmem>>, vector<1x1x16xf32>,
      %get3A_924 = arith.constant 4 : i32
      %get3A_925 = arith.index_cast %get3A_924 : i32 to index
      %get3A_926 = arith.index_cast %scan3A_897 : i32 to index
      %get3A_927 = arith.constant 32 : index
      %get3A_928 = tpu.vector_load %arg6[%get3A_925, %get3A_926, %get3A_927] {strides = array<i32>} : memref<8x32x128xf32, #tpu.memory_space<vmem>>, vector<1x1x16xf32>,
      %get3A_929 = vector.shape_cast %get3A_928 : vector<1x1x16xf32> to vector<16xf32>
      %swap3A_930 = arith.constant 4 : i32
      %swap3A_931 = arith.index_cast %swap3A_930 : i32 to index
      %swap3A_932 = arith.index_cast %scan3A_897 : i32 to index
      %swap3A_933 = arith.constant 32 : index
      %swap3A_934 = tpu.vector_load %arg7[%swap3A_931, %swap3A_932, %swap3A_933] {strides = array<i32>} : memref<8x32x64xf32, #tpu.memory_space<vmem>>, vector<1x1x16xf32>,
      %swap3A_935 = vector.shape_cast %swap3A_934 : vector<1x1x16xf32> to vector<16xf32>
      %swap3A_936 = vector.shape_cast %get3A_929 : vector<16xf32> to vector<1x1x16xf32>
      tpu.vector_store %arg7[%swap3A_931, %swap3A_932, %swap3A_933], %swap3A_936 {strides = array<i32>} : memref<8x32x64xf32, #tpu.memory_space<vmem>>, vector<1x1x16xf32>,
      %get3A_937 = arith.constant 4 : i32
      %get3A_938 = arith.index_cast %get3A_937 : i32 to index
      %get3A_939 = arith.index_cast %scan3A_897 : i32 to index
      %get3A_940 = arith.constant 48 : index
      %get3A_941 = tpu.vector_load %arg6[%get3A_938, %get3A_939, %get3A_940] {strides = array<i32>} : memref<8x32x128xf32, #tpu.memory_space<vmem>>, vector<1x1x16xf32>,
      %get3A_942 = vector.shape_cast %get3A_941 : vector<1x1x16xf32> to vector<16xf32>
      %swap3A_943 = arith.constant 4 : i32
      %swap3A_944 = arith.index_cast %swap3A_943 : i32 to index
      %swap3A_945 = arith.index_cast %scan3A_897 : i32 to index
      %swap3A_946 = arith.constant 48 : index
      %swap3A_947 = tpu.vector_load %arg7[%swap3A_944, %swap3A_945, %swap3A_946] {strides = array<i32>} : memref<8x32x64xf32, #tpu.memory_space<vmem>>, vector<1x1x16xf32>,
      %swap3A_948 = vector.shape_cast %swap3A_947 : vector<1x1x16xf32> to vector<16xf32>
      %swap3A_949 = vector.shape_cast %get3A_942 : vector<16xf32> to vector<1x1x16xf32>
      tpu.vector_store %arg7[%swap3A_944, %swap3A_945, %swap3A_946], %swap3A_949 {strides = array<i32>} : memref<8x32x64xf32, #tpu.memory_space<vmem>>, vector<1x1x16xf32>,
    }
    %scan3A_617 = arith.constant 32 : i32
    %add3A_618 = arith.constant 25472 : i32
    %add3A_619 = arith.addi %mul3A_4, %add3A_618 : i32
    %dma_start3A_620 = arith.constant 4 : i32
    %dma_start3A_621 = arith.constant 4 : i32
    %dma_start3A_622 = arith.constant 0 : i32
    %dma_start3A_623 = arith.constant 0 : i32
    %dma_start3A_624 = tpu.memref_slice %arg7[%dma_start3A_620, %dma_start3A_622, %dma_start3A_623] : memref<8x32x64xf32, #tpu.memory_space<vmem>> -> memref<1x32x64xf32, #tpu.memory_space<vmem>>
    %dma_start3A_625 = tpu.memref_squeeze %dma_start3A_624 : memref<1x32x64xf32, #tpu.memory_space<vmem>> -> memref<32x64xf32, #tpu.memory_space<vmem>>
    %dma_start3A_626 = arith.constant 0 : i32
    %dma_start3A_627 = tpu.memref_slice %arg4[%add3A_619, %dma_start3A_626] : memref<819200x64xf32, #tpu.memory_space<hbm>> -> memref<32x64xf32, #tpu.memory_space<hbm>>
    %dma_start3A_628 = tpu.memref_slice %arg9[%dma_start3A_621] : memref<8x!tpu.dma_semaphore, #tpu.memory_space<semaphore_mem>> -> memref<1x!tpu.dma_semaphore, #tpu.memory_space<semaphore_mem>>
    %dma_start3A_629 = tpu.memref_squeeze %dma_start3A_628 : memref<1x!tpu.dma_semaphore, #tpu.memory_space<semaphore_mem>> -> memref<!tpu.dma_semaphore, #tpu.memory_space<semaphore_mem>>
    %dma_start3A_630 = arith.constant 0 : i32
    %dma_start3A_631 = tpu.memref_slice %arg4[%add3A_619, %dma_start3A_630] : memref<819200x64xf32, #tpu.memory_space<hbm>> -> memref<32x64xf32, #tpu.memory_space<hbm>>
    %dma_start3A_632 = arith.constant 0 : i32
    %dma_start3A_633 = arith.constant 0 : i32
    %dma_start3A_634 = tpu.memref_slice %arg7[%dma_start3A_620, %dma_start3A_632, %dma_start3A_633] : memref<8x32x64xf32, #tpu.memory_space<vmem>> -> memref<1x32x64xf32, #tpu.memory_space<vmem>>
    %dma_start3A_635 = tpu.memref_squeeze %dma_start3A_634 : memref<1x32x64xf32, #tpu.memory_space<vmem>> -> memref<32x64xf32, #tpu.memory_space<vmem>>
    tpu.enqueue_dma source(%dma_start3A_635 : memref<32x64xf32, #tpu.memory_space<vmem>>) target(%dma_start3A_631 : memref<32x64xf32, #tpu.memory_space<hbm>>) target_semaphore(%dma_start3A_629 : memref<!tpu.dma_semaphore, #tpu.memory_space<semaphore_mem>>)
    %dma_wait3A_636 = arith.constant 199 : i32
    %dma_wait3A_637 = arith.constant 5 : i32
    %dma_wait3A_638 = arith.constant 5 : i32
    %dma_wait3A_639 = arith.constant 0 : i32
    %dma_wait3A_640 = arith.constant 0 : i32
    %dma_wait3A_641 = tpu.memref_slice %arg6[%dma_wait3A_637, %dma_wait3A_639, %dma_wait3A_640] : memref<8x32x128xf32, #tpu.memory_space<vmem>> -> memref<1x32x128xf32, #tpu.memory_space<vmem>>
    %dma_wait3A_642 = tpu.memref_squeeze %dma_wait3A_641 : memref<1x32x128xf32, #tpu.memory_space<vmem>> -> memref<32x128xf32, #tpu.memory_space<vmem>>
    %dma_wait3A_643 = arith.constant 32 : i32
    %dma_wait3A_644 = tpu.memref_slice %arg5[%dma_wait3A_636, %dma_wait3A_643] : memref<200x128xi32, #tpu.memory_space<vmem>> -> memref<1x32xi32, #tpu.memory_space<vmem>>
    %dma_wait3A_645 = tpu.memref_squeeze %dma_wait3A_644 : memref<1x32xi32, #tpu.memory_space<vmem>> -> memref<32xi32, #tpu.memory_space<vmem>>
    %dma_wait3A_646 = arith.constant 0 : i32
    %dma_wait3A_647 = arith.constant 0 : i32
    %dma_wait3A_648 = tpu.memref_slice %arg3[%dma_wait3A_646, %dma_wait3A_647] : memref<100000x128xf32, #tpu.memory_space<hbm>> -> memref<100000x128xf32, #tpu.memory_space<hbm>>
    %dma_wait3A_649 = tpu.memref_slice %arg8[%dma_wait3A_638] : memref<8x!tpu.dma_semaphore, #tpu.memory_space<semaphore_mem>> -> memref<1x!tpu.dma_semaphore, #tpu.memory_space<semaphore_mem>>
    %dma_wait3A_650 = tpu.memref_squeeze %dma_wait3A_649 : memref<1x!tpu.dma_semaphore, #tpu.memory_space<semaphore_mem>> -> memref<!tpu.dma_semaphore, #tpu.memory_space<semaphore_mem>>
    tpu.wait_indirect_dma semaphore(%dma_wait3A_650 : memref<!tpu.dma_semaphore, #tpu.memory_space<semaphore_mem>>) src(%dma_wait3A_648 : memref<100000x128xf32, #tpu.memory_space<hbm>>) dst(%dma_wait3A_642 : memref<32x128xf32, #tpu.memory_space<vmem>>)
    %scan3A_651 = arith.constant 0 : i32
    %scan3A_652 = arith.constant 0 : i32
    %scan3A_653 = arith.constant 32 : i32
    %scan3A_654 = arith.addi %scan3A_652, %scan3A_653 : i32
    %scan3A_655 = arith.constant 1 : i32
    scf.for %scan3A_897 = %scan3A_652 to %scan3A_654 step %scan3A_655  : i32 {
      %get3A_898 = arith.constant 5 : i32
      %get3A_899 = arith.index_cast %get3A_898 : i32 to index
      %get3A_900 = arith.index_cast %scan3A_897 : i32 to index
      %get3A_901 = arith.constant 0 : index
      %get3A_902 = tpu.vector_load %arg6[%get3A_899, %get3A_900, %get3A_901] {strides = array<i32>} : memref<8x32x128xf32, #tpu.memory_space<vmem>>, vector<1x1x16xf32>,
      %get3A_903 = vector.shape_cast %get3A_902 : vector<1x1x16xf32> to vector<16xf32>
      %swap3A_904 = arith.constant 5 : i32
      %swap3A_905 = arith.index_cast %swap3A_904 : i32 to index
      %swap3A_906 = arith.index_cast %scan3A_897 : i32 to index
      %swap3A_907 = arith.constant 0 : index
      %swap3A_908 = tpu.vector_load %arg7[%swap3A_905, %swap3A_906, %swap3A_907] {strides = array<i32>} : memref<8x32x64xf32, #tpu.memory_space<vmem>>, vector<1x1x16xf32>,
      %swap3A_909 = vector.shape_cast %swap3A_908 : vector<1x1x16xf32> to vector<16xf32>
      %swap3A_910 = vector.shape_cast %get3A_903 : vector<16xf32> to vector<1x1x16xf32>
      tpu.vector_store %arg7[%swap3A_905, %swap3A_906, %swap3A_907], %swap3A_910 {strides = array<i32>} : memref<8x32x64xf32, #tpu.memory_space<vmem>>, vector<1x1x16xf32>,
      %get3A_911 = arith.constant 5 : i32
      %get3A_912 = arith.index_cast %get3A_911 : i32 to index
      %get3A_913 = arith.index_cast %scan3A_897 : i32 to index
      %get3A_914 = arith.constant 16 : index
      %get3A_915 = tpu.vector_load %arg6[%get3A_912, %get3A_913, %get3A_914] {strides = array<i32>} : memref<8x32x128xf32, #tpu.memory_space<vmem>>, vector<1x1x16xf32>,
      %get3A_916 = vector.shape_cast %get3A_915 : vector<1x1x16xf32> to vector<16xf32>
      %swap3A_917 = arith.constant 5 : i32
      %swap3A_918 = arith.index_cast %swap3A_917 : i32 to index
      %swap3A_919 = arith.index_cast %scan3A_897 : i32 to index
      %swap3A_920 = arith.constant 16 : index
      %swap3A_921 = tpu.vector_load %arg7[%swap3A_918, %swap3A_919, %swap3A_920] {strides = array<i32>} : memref<8x32x64xf32, #tpu.memory_space<vmem>>, vector<1x1x16xf32>,
      %swap3A_922 = vector.shape_cast %swap3A_921 : vector<1x1x16xf32> to vector<16xf32>
      %swap3A_923 = vector.shape_cast %get3A_916 : vector<16xf32> to vector<1x1x16xf32>
      tpu.vector_store %arg7[%swap3A_918, %swap3A_919, %swap3A_920], %swap3A_923 {strides = array<i32>} : memref<8x32x64xf32, #tpu.memory_space<vmem>>, vector<1x1x16xf32>,
      %get3A_924 = arith.constant 5 : i32
      %get3A_925 = arith.index_cast %get3A_924 : i32 to index
      %get3A_926 = arith.index_cast %scan3A_897 : i32 to index
      %get3A_927 = arith.constant 32 : index
      %get3A_928 = tpu.vector_load %arg6[%get3A_925, %get3A_926, %get3A_927] {strides = array<i32>} : memref<8x32x128xf32, #tpu.memory_space<vmem>>, vector<1x1x16xf32>,
      %get3A_929 = vector.shape_cast %get3A_928 : vector<1x1x16xf32> to vector<16xf32>
      %swap3A_930 = arith.constant 5 : i32
      %swap3A_931 = arith.index_cast %swap3A_930 : i32 to index
      %swap3A_932 = arith.index_cast %scan3A_897 : i32 to index
      %swap3A_933 = arith.constant 32 : index
      %swap3A_934 = tpu.vector_load %arg7[%swap3A_931, %swap3A_932, %swap3A_933] {strides = array<i32>} : memref<8x32x64xf32, #tpu.memory_space<vmem>>, vector<1x1x16xf32>,
      %swap3A_935 = vector.shape_cast %swap3A_934 : vector<1x1x16xf32> to vector<16xf32>
      %swap3A_936 = vector.shape_cast %get3A_929 : vector<16xf32> to vector<1x1x16xf32>
      tpu.vector_store %arg7[%swap3A_931, %swap3A_932, %swap3A_933], %swap3A_936 {strides = array<i32>} : memref<8x32x64xf32, #tpu.memory_space<vmem>>, vector<1x1x16xf32>,
      %get3A_937 = arith.constant 5 : i32
      %get3A_938 = arith.index_cast %get3A_937 : i32 to index
      %get3A_939 = arith.index_cast %scan3A_897 : i32 to index
      %get3A_940 = arith.constant 48 : index
      %get3A_941 = tpu.vector_load %arg6[%get3A_938, %get3A_939, %get3A_940] {strides = array<i32>} : memref<8x32x128xf32, #tpu.memory_space<vmem>>, vector<1x1x16xf32>,
      %get3A_942 = vector.shape_cast %get3A_941 : vector<1x1x16xf32> to vector<16xf32>
      %swap3A_943 = arith.constant 5 : i32
      %swap3A_944 = arith.index_cast %swap3A_943 : i32 to index
      %swap3A_945 = arith.index_cast %scan3A_897 : i32 to index
      %swap3A_946 = arith.constant 48 : index
      %swap3A_947 = tpu.vector_load %arg7[%swap3A_944, %swap3A_945, %swap3A_946] {strides = array<i32>} : memref<8x32x64xf32, #tpu.memory_space<vmem>>, vector<1x1x16xf32>,
      %swap3A_948 = vector.shape_cast %swap3A_947 : vector<1x1x16xf32> to vector<16xf32>
      %swap3A_949 = vector.shape_cast %get3A_942 : vector<16xf32> to vector<1x1x16xf32>
      tpu.vector_store %arg7[%swap3A_944, %swap3A_945, %swap3A_946], %swap3A_949 {strides = array<i32>} : memref<8x32x64xf32, #tpu.memory_space<vmem>>, vector<1x1x16xf32>,
    }
    %scan3A_656 = arith.constant 32 : i32
    %add3A_657 = arith.constant 25504 : i32
    %add3A_658 = arith.addi %mul3A_4, %add3A_657 : i32
    %dma_start3A_659 = arith.constant 5 : i32
    %dma_start3A_660 = arith.constant 5 : i32
    %dma_start3A_661 = arith.constant 0 : i32
    %dma_start3A_662 = arith.constant 0 : i32
    %dma_start3A_663 = tpu.memref_slice %arg7[%dma_start3A_659, %dma_start3A_661, %dma_start3A_662] : memref<8x32x64xf32, #tpu.memory_space<vmem>> -> memref<1x32x64xf32, #tpu.memory_space<vmem>>
    %dma_start3A_664 = tpu.memref_squeeze %dma_start3A_663 : memref<1x32x64xf32, #tpu.memory_space<vmem>> -> memref<32x64xf32, #tpu.memory_space<vmem>>
    %dma_start3A_665 = arith.constant 0 : i32
    %dma_start3A_666 = tpu.memref_slice %arg4[%add3A_658, %dma_start3A_665] : memref<819200x64xf32, #tpu.memory_space<hbm>> -> memref<32x64xf32, #tpu.memory_space<hbm>>
    %dma_start3A_667 = tpu.memref_slice %arg9[%dma_start3A_660] : memref<8x!tpu.dma_semaphore, #tpu.memory_space<semaphore_mem>> -> memref<1x!tpu.dma_semaphore, #tpu.memory_space<semaphore_mem>>
    %dma_start3A_668 = tpu.memref_squeeze %dma_start3A_667 : memref<1x!tpu.dma_semaphore, #tpu.memory_space<semaphore_mem>> -> memref<!tpu.dma_semaphore, #tpu.memory_space<semaphore_mem>>
    %dma_start3A_669 = arith.constant 0 : i32
    %dma_start3A_670 = tpu.memref_slice %arg4[%add3A_658, %dma_start3A_669] : memref<819200x64xf32, #tpu.memory_space<hbm>> -> memref<32x64xf32, #tpu.memory_space<hbm>>
    %dma_start3A_671 = arith.constant 0 : i32
    %dma_start3A_672 = arith.constant 0 : i32
    %dma_start3A_673 = tpu.memref_slice %arg7[%dma_start3A_659, %dma_start3A_671, %dma_start3A_672] : memref<8x32x64xf32, #tpu.memory_space<vmem>> -> memref<1x32x64xf32, #tpu.memory_space<vmem>>
    %dma_start3A_674 = tpu.memref_squeeze %dma_start3A_673 : memref<1x32x64xf32, #tpu.memory_space<vmem>> -> memref<32x64xf32, #tpu.memory_space<vmem>>
    tpu.enqueue_dma source(%dma_start3A_674 : memref<32x64xf32, #tpu.memory_space<vmem>>) target(%dma_start3A_670 : memref<32x64xf32, #tpu.memory_space<hbm>>) target_semaphore(%dma_start3A_668 : memref<!tpu.dma_semaphore, #tpu.memory_space<semaphore_mem>>)
    %dma_wait3A_675 = arith.constant 199 : i32
    %dma_wait3A_676 = arith.constant 6 : i32
    %dma_wait3A_677 = arith.constant 6 : i32
    %dma_wait3A_678 = arith.constant 0 : i32
    %dma_wait3A_679 = arith.constant 0 : i32
    %dma_wait3A_680 = tpu.memref_slice %arg6[%dma_wait3A_676, %dma_wait3A_678, %dma_wait3A_679] : memref<8x32x128xf32, #tpu.memory_space<vmem>> -> memref<1x32x128xf32, #tpu.memory_space<vmem>>
    %dma_wait3A_681 = tpu.memref_squeeze %dma_wait3A_680 : memref<1x32x128xf32, #tpu.memory_space<vmem>> -> memref<32x128xf32, #tpu.memory_space<vmem>>
    %dma_wait3A_682 = arith.constant 64 : i32
    %dma_wait3A_683 = tpu.memref_slice %arg5[%dma_wait3A_675, %dma_wait3A_682] : memref<200x128xi32, #tpu.memory_space<vmem>> -> memref<1x32xi32, #tpu.memory_space<vmem>>
    %dma_wait3A_684 = tpu.memref_squeeze %dma_wait3A_683 : memref<1x32xi32, #tpu.memory_space<vmem>> -> memref<32xi32, #tpu.memory_space<vmem>>
    %dma_wait3A_685 = arith.constant 0 : i32
    %dma_wait3A_686 = arith.constant 0 : i32
    %dma_wait3A_687 = tpu.memref_slice %arg3[%dma_wait3A_685, %dma_wait3A_686] : memref<100000x128xf32, #tpu.memory_space<hbm>> -> memref<100000x128xf32, #tpu.memory_space<hbm>>
    %dma_wait3A_688 = tpu.memref_slice %arg8[%dma_wait3A_677] : memref<8x!tpu.dma_semaphore, #tpu.memory_space<semaphore_mem>> -> memref<1x!tpu.dma_semaphore, #tpu.memory_space<semaphore_mem>>
    %dma_wait3A_689 = tpu.memref_squeeze %dma_wait3A_688 : memref<1x!tpu.dma_semaphore, #tpu.memory_space<semaphore_mem>> -> memref<!tpu.dma_semaphore, #tpu.memory_space<semaphore_mem>>
    tpu.wait_indirect_dma semaphore(%dma_wait3A_689 : memref<!tpu.dma_semaphore, #tpu.memory_space<semaphore_mem>>) src(%dma_wait3A_687 : memref<100000x128xf32, #tpu.memory_space<hbm>>) dst(%dma_wait3A_681 : memref<32x128xf32, #tpu.memory_space<vmem>>)
    %scan3A_690 = arith.constant 0 : i32
    %scan3A_691 = arith.constant 0 : i32
    %scan3A_692 = arith.constant 32 : i32
    %scan3A_693 = arith.addi %scan3A_691, %scan3A_692 : i32
    %scan3A_694 = arith.constant 1 : i32
    scf.for %scan3A_897 = %scan3A_691 to %scan3A_693 step %scan3A_694  : i32 {
      %get3A_898 = arith.constant 6 : i32
      %get3A_899 = arith.index_cast %get3A_898 : i32 to index
      %get3A_900 = arith.index_cast %scan3A_897 : i32 to index
      %get3A_901 = arith.constant 0 : index
      %get3A_902 = tpu.vector_load %arg6[%get3A_899, %get3A_900, %get3A_901] {strides = array<i32>} : memref<8x32x128xf32, #tpu.memory_space<vmem>>, vector<1x1x16xf32>,
      %get3A_903 = vector.shape_cast %get3A_902 : vector<1x1x16xf32> to vector<16xf32>
      %swap3A_904 = arith.constant 6 : i32
      %swap3A_905 = arith.index_cast %swap3A_904 : i32 to index
      %swap3A_906 = arith.index_cast %scan3A_897 : i32 to index
      %swap3A_907 = arith.constant 0 : index
      %swap3A_908 = tpu.vector_load %arg7[%swap3A_905, %swap3A_906, %swap3A_907] {strides = array<i32>} : memref<8x32x64xf32, #tpu.memory_space<vmem>>, vector<1x1x16xf32>,
      %swap3A_909 = vector.shape_cast %swap3A_908 : vector<1x1x16xf32> to vector<16xf32>
      %swap3A_910 = vector.shape_cast %get3A_903 : vector<16xf32> to vector<1x1x16xf32>
      tpu.vector_store %arg7[%swap3A_905, %swap3A_906, %swap3A_907], %swap3A_910 {strides = array<i32>} : memref<8x32x64xf32, #tpu.memory_space<vmem>>, vector<1x1x16xf32>,
      %get3A_911 = arith.constant 6 : i32
      %get3A_912 = arith.index_cast %get3A_911 : i32 to index
      %get3A_913 = arith.index_cast %scan3A_897 : i32 to index
      %get3A_914 = arith.constant 16 : index
      %get3A_915 = tpu.vector_load %arg6[%get3A_912, %get3A_913, %get3A_914] {strides = array<i32>} : memref<8x32x128xf32, #tpu.memory_space<vmem>>, vector<1x1x16xf32>,
      %get3A_916 = vector.shape_cast %get3A_915 : vector<1x1x16xf32> to vector<16xf32>
      %swap3A_917 = arith.constant 6 : i32
      %swap3A_918 = arith.index_cast %swap3A_917 : i32 to index
      %swap3A_919 = arith.index_cast %scan3A_897 : i32 to index
      %swap3A_920 = arith.constant 16 : index
      %swap3A_921 = tpu.vector_load %arg7[%swap3A_918, %swap3A_919, %swap3A_920] {strides = array<i32>} : memref<8x32x64xf32, #tpu.memory_space<vmem>>, vector<1x1x16xf32>,
      %swap3A_922 = vector.shape_cast %swap3A_921 : vector<1x1x16xf32> to vector<16xf32>
      %swap3A_923 = vector.shape_cast %get3A_916 : vector<16xf32> to vector<1x1x16xf32>
      tpu.vector_store %arg7[%swap3A_918, %swap3A_919, %swap3A_920], %swap3A_923 {strides = array<i32>} : memref<8x32x64xf32, #tpu.memory_space<vmem>>, vector<1x1x16xf32>,
      %get3A_924 = arith.constant 6 : i32
      %get3A_925 = arith.index_cast %get3A_924 : i32 to index
      %get3A_926 = arith.index_cast %scan3A_897 : i32 to index
      %get3A_927 = arith.constant 32 : index
      %get3A_928 = tpu.vector_load %arg6[%get3A_925, %get3A_926, %get3A_927] {strides = array<i32>} : memref<8x32x128xf32, #tpu.memory_space<vmem>>, vector<1x1x16xf32>,
      %get3A_929 = vector.shape_cast %get3A_928 : vector<1x1x16xf32> to vector<16xf32>
      %swap3A_930 = arith.constant 6 : i32
      %swap3A_931 = arith.index_cast %swap3A_930 : i32 to index
      %swap3A_932 = arith.index_cast %scan3A_897 : i32 to index
      %swap3A_933 = arith.constant 32 : index
      %swap3A_934 = tpu.vector_load %arg7[%swap3A_931, %swap3A_932, %swap3A_933] {strides = array<i32>} : memref<8x32x64xf32, #tpu.memory_space<vmem>>, vector<1x1x16xf32>,
      %swap3A_935 = vector.shape_cast %swap3A_934 : vector<1x1x16xf32> to vector<16xf32>
      %swap3A_936 = vector.shape_cast %get3A_929 : vector<16xf32> to vector<1x1x16xf32>
      tpu.vector_store %arg7[%swap3A_931, %swap3A_932, %swap3A_933], %swap3A_936 {strides = array<i32>} : memref<8x32x64xf32, #tpu.memory_space<vmem>>, vector<1x1x16xf32>,
      %get3A_937 = arith.constant 6 : i32
      %get3A_938 = arith.index_cast %get3A_937 : i32 to index
      %get3A_939 = arith.index_cast %scan3A_897 : i32 to index
      %get3A_940 = arith.constant 48 : index
      %get3A_941 = tpu.vector_load %arg6[%get3A_938, %get3A_939, %get3A_940] {strides = array<i32>} : memref<8x32x128xf32, #tpu.memory_space<vmem>>, vector<1x1x16xf32>,
      %get3A_942 = vector.shape_cast %get3A_941 : vector<1x1x16xf32> to vector<16xf32>
      %swap3A_943 = arith.constant 6 : i32
      %swap3A_944 = arith.index_cast %swap3A_943 : i32 to index
      %swap3A_945 = arith.index_cast %scan3A_897 : i32 to index
      %swap3A_946 = arith.constant 48 : index
      %swap3A_947 = tpu.vector_load %arg7[%swap3A_944, %swap3A_945, %swap3A_946] {strides = array<i32>} : memref<8x32x64xf32, #tpu.memory_space<vmem>>, vector<1x1x16xf32>,
      %swap3A_948 = vector.shape_cast %swap3A_947 : vector<1x1x16xf32> to vector<16xf32>
      %swap3A_949 = vector.shape_cast %get3A_942 : vector<16xf32> to vector<1x1x16xf32>
      tpu.vector_store %arg7[%swap3A_944, %swap3A_945, %swap3A_946], %swap3A_949 {strides = array<i32>} : memref<8x32x64xf32, #tpu.memory_space<vmem>>, vector<1x1x16xf32>,
    }
    %scan3A_695 = arith.constant 32 : i32
    %add3A_696 = arith.constant 25536 : i32
    %add3A_697 = arith.addi %mul3A_4, %add3A_696 : i32
    %dma_start3A_698 = arith.constant 6 : i32
    %dma_start3A_699 = arith.constant 6 : i32
    %dma_start3A_700 = arith.constant 0 : i32
    %dma_start3A_701 = arith.constant 0 : i32
    %dma_start3A_702 = tpu.memref_slice %arg7[%dma_start3A_698, %dma_start3A_700, %dma_start3A_701] : memref<8x32x64xf32, #tpu.memory_space<vmem>> -> memref<1x32x64xf32, #tpu.memory_space<vmem>>
    %dma_start3A_703 = tpu.memref_squeeze %dma_start3A_702 : memref<1x32x64xf32, #tpu.memory_space<vmem>> -> memref<32x64xf32, #tpu.memory_space<vmem>>
    %dma_start3A_704 = arith.constant 0 : i32
    %dma_start3A_705 = tpu.memref_slice %arg4[%add3A_697, %dma_start3A_704] : memref<819200x64xf32, #tpu.memory_space<hbm>> -> memref<32x64xf32, #tpu.memory_space<hbm>>
    %dma_start3A_706 = tpu.memref_slice %arg9[%dma_start3A_699] : memref<8x!tpu.dma_semaphore, #tpu.memory_space<semaphore_mem>> -> memref<1x!tpu.dma_semaphore, #tpu.memory_space<semaphore_mem>>
    %dma_start3A_707 = tpu.memref_squeeze %dma_start3A_706 : memref<1x!tpu.dma_semaphore, #tpu.memory_space<semaphore_mem>> -> memref<!tpu.dma_semaphore, #tpu.memory_space<semaphore_mem>>
    %dma_start3A_708 = arith.constant 0 : i32
    %dma_start3A_709 = tpu.memref_slice %arg4[%add3A_697, %dma_start3A_708] : memref<819200x64xf32, #tpu.memory_space<hbm>> -> memref<32x64xf32, #tpu.memory_space<hbm>>
    %dma_start3A_710 = arith.constant 0 : i32
    %dma_start3A_711 = arith.constant 0 : i32
    %dma_start3A_712 = tpu.memref_slice %arg7[%dma_start3A_698, %dma_start3A_710, %dma_start3A_711] : memref<8x32x64xf32, #tpu.memory_space<vmem>> -> memref<1x32x64xf32, #tpu.memory_space<vmem>>
    %dma_start3A_713 = tpu.memref_squeeze %dma_start3A_712 : memref<1x32x64xf32, #tpu.memory_space<vmem>> -> memref<32x64xf32, #tpu.memory_space<vmem>>
    tpu.enqueue_dma source(%dma_start3A_713 : memref<32x64xf32, #tpu.memory_space<vmem>>) target(%dma_start3A_709 : memref<32x64xf32, #tpu.memory_space<hbm>>) target_semaphore(%dma_start3A_707 : memref<!tpu.dma_semaphore, #tpu.memory_space<semaphore_mem>>)
    %dma_wait3A_714 = arith.constant 199 : i32
    %dma_wait3A_715 = arith.constant 7 : i32
    %dma_wait3A_716 = arith.constant 7 : i32
    %dma_wait3A_717 = arith.constant 0 : i32
    %dma_wait3A_718 = arith.constant 0 : i32
    %dma_wait3A_719 = tpu.memref_slice %arg6[%dma_wait3A_715, %dma_wait3A_717, %dma_wait3A_718] : memref<8x32x128xf32, #tpu.memory_space<vmem>> -> memref<1x32x128xf32, #tpu.memory_space<vmem>>
    %dma_wait3A_720 = tpu.memref_squeeze %dma_wait3A_719 : memref<1x32x128xf32, #tpu.memory_space<vmem>> -> memref<32x128xf32, #tpu.memory_space<vmem>>
    %dma_wait3A_721 = arith.constant 96 : i32
    %dma_wait3A_722 = tpu.memref_slice %arg5[%dma_wait3A_714, %dma_wait3A_721] : memref<200x128xi32, #tpu.memory_space<vmem>> -> memref<1x32xi32, #tpu.memory_space<vmem>>
    %dma_wait3A_723 = tpu.memref_squeeze %dma_wait3A_722 : memref<1x32xi32, #tpu.memory_space<vmem>> -> memref<32xi32, #tpu.memory_space<vmem>>
    %dma_wait3A_724 = arith.constant 0 : i32
    %dma_wait3A_725 = arith.constant 0 : i32
    %dma_wait3A_726 = tpu.memref_slice %arg3[%dma_wait3A_724, %dma_wait3A_725] : memref<100000x128xf32, #tpu.memory_space<hbm>> -> memref<100000x128xf32, #tpu.memory_space<hbm>>
    %dma_wait3A_727 = tpu.memref_slice %arg8[%dma_wait3A_716] : memref<8x!tpu.dma_semaphore, #tpu.memory_space<semaphore_mem>> -> memref<1x!tpu.dma_semaphore, #tpu.memory_space<semaphore_mem>>
    %dma_wait3A_728 = tpu.memref_squeeze %dma_wait3A_727 : memref<1x!tpu.dma_semaphore, #tpu.memory_space<semaphore_mem>> -> memref<!tpu.dma_semaphore, #tpu.memory_space<semaphore_mem>>
    tpu.wait_indirect_dma semaphore(%dma_wait3A_728 : memref<!tpu.dma_semaphore, #tpu.memory_space<semaphore_mem>>) src(%dma_wait3A_726 : memref<100000x128xf32, #tpu.memory_space<hbm>>) dst(%dma_wait3A_720 : memref<32x128xf32, #tpu.memory_space<vmem>>)
    %scan3A_729 = arith.constant 0 : i32
    %scan3A_730 = arith.constant 0 : i32
    %scan3A_731 = arith.constant 32 : i32
    %scan3A_732 = arith.addi %scan3A_730, %scan3A_731 : i32
    %scan3A_733 = arith.constant 1 : i32
    scf.for %scan3A_897 = %scan3A_730 to %scan3A_732 step %scan3A_733  : i32 {
      %get3A_898 = arith.constant 7 : i32
      %get3A_899 = arith.index_cast %get3A_898 : i32 to index
      %get3A_900 = arith.index_cast %scan3A_897 : i32 to index
      %get3A_901 = arith.constant 0 : index
      %get3A_902 = tpu.vector_load %arg6[%get3A_899, %get3A_900, %get3A_901] {strides = array<i32>} : memref<8x32x128xf32, #tpu.memory_space<vmem>>, vector<1x1x16xf32>,
      %get3A_903 = vector.shape_cast %get3A_902 : vector<1x1x16xf32> to vector<16xf32>
      %swap3A_904 = arith.constant 7 : i32
      %swap3A_905 = arith.index_cast %swap3A_904 : i32 to index
      %swap3A_906 = arith.index_cast %scan3A_897 : i32 to index
      %swap3A_907 = arith.constant 0 : index
      %swap3A_908 = tpu.vector_load %arg7[%swap3A_905, %swap3A_906, %swap3A_907] {strides = array<i32>} : memref<8x32x64xf32, #tpu.memory_space<vmem>>, vector<1x1x16xf32>,
      %swap3A_909 = vector.shape_cast %swap3A_908 : vector<1x1x16xf32> to vector<16xf32>
      %swap3A_910 = vector.shape_cast %get3A_903 : vector<16xf32> to vector<1x1x16xf32>
      tpu.vector_store %arg7[%swap3A_905, %swap3A_906, %swap3A_907], %swap3A_910 {strides = array<i32>} : memref<8x32x64xf32, #tpu.memory_space<vmem>>, vector<1x1x16xf32>,
      %get3A_911 = arith.constant 7 : i32
      %get3A_912 = arith.index_cast %get3A_911 : i32 to index
      %get3A_913 = arith.index_cast %scan3A_897 : i32 to index
      %get3A_914 = arith.constant 16 : index
      %get3A_915 = tpu.vector_load %arg6[%get3A_912, %get3A_913, %get3A_914] {strides = array<i32>} : memref<8x32x128xf32, #tpu.memory_space<vmem>>, vector<1x1x16xf32>,
      %get3A_916 = vector.shape_cast %get3A_915 : vector<1x1x16xf32> to vector<16xf32>
      %swap3A_917 = arith.constant 7 : i32
      %swap3A_918 = arith.index_cast %swap3A_917 : i32 to index
      %swap3A_919 = arith.index_cast %scan3A_897 : i32 to index
      %swap3A_920 = arith.constant 16 : index
      %swap3A_921 = tpu.vector_load %arg7[%swap3A_918, %swap3A_919, %swap3A_920] {strides = array<i32>} : memref<8x32x64xf32, #tpu.memory_space<vmem>>, vector<1x1x16xf32>,
      %swap3A_922 = vector.shape_cast %swap3A_921 : vector<1x1x16xf32> to vector<16xf32>
      %swap3A_923 = vector.shape_cast %get3A_916 : vector<16xf32> to vector<1x1x16xf32>
      tpu.vector_store %arg7[%swap3A_918, %swap3A_919, %swap3A_920], %swap3A_923 {strides = array<i32>} : memref<8x32x64xf32, #tpu.memory_space<vmem>>, vector<1x1x16xf32>,
      %get3A_924 = arith.constant 7 : i32
      %get3A_925 = arith.index_cast %get3A_924 : i32 to index
      %get3A_926 = arith.index_cast %scan3A_897 : i32 to index
      %get3A_927 = arith.constant 32 : index
      %get3A_928 = tpu.vector_load %arg6[%get3A_925, %get3A_926, %get3A_927] {strides = array<i32>} : memref<8x32x128xf32, #tpu.memory_space<vmem>>, vector<1x1x16xf32>,
      %get3A_929 = vector.shape_cast %get3A_928 : vector<1x1x16xf32> to vector<16xf32>
      %swap3A_930 = arith.constant 7 : i32
      %swap3A_931 = arith.index_cast %swap3A_930 : i32 to index
      %swap3A_932 = arith.index_cast %scan3A_897 : i32 to index
      %swap3A_933 = arith.constant 32 : index
      %swap3A_934 = tpu.vector_load %arg7[%swap3A_931, %swap3A_932, %swap3A_933] {strides = array<i32>} : memref<8x32x64xf32, #tpu.memory_space<vmem>>, vector<1x1x16xf32>,
      %swap3A_935 = vector.shape_cast %swap3A_934 : vector<1x1x16xf32> to vector<16xf32>
      %swap3A_936 = vector.shape_cast %get3A_929 : vector<16xf32> to vector<1x1x16xf32>
      tpu.vector_store %arg7[%swap3A_931, %swap3A_932, %swap3A_933], %swap3A_936 {strides = array<i32>} : memref<8x32x64xf32, #tpu.memory_space<vmem>>, vector<1x1x16xf32>,
      %get3A_937 = arith.constant 7 : i32
      %get3A_938 = arith.index_cast %get3A_937 : i32 to index
      %get3A_939 = arith.index_cast %scan3A_897 : i32 to index
      %get3A_940 = arith.constant 48 : index
      %get3A_941 = tpu.vector_load %arg6[%get3A_938, %get3A_939, %get3A_940] {strides = array<i32>} : memref<8x32x128xf32, #tpu.memory_space<vmem>>, vector<1x1x16xf32>,
      %get3A_942 = vector.shape_cast %get3A_941 : vector<1x1x16xf32> to vector<16xf32>
      %swap3A_943 = arith.constant 7 : i32
      %swap3A_944 = arith.index_cast %swap3A_943 : i32 to index
      %swap3A_945 = arith.index_cast %scan3A_897 : i32 to index
      %swap3A_946 = arith.constant 48 : index
      %swap3A_947 = tpu.vector_load %arg7[%swap3A_944, %swap3A_945, %swap3A_946] {strides = array<i32>} : memref<8x32x64xf32, #tpu.memory_space<vmem>>, vector<1x1x16xf32>,
      %swap3A_948 = vector.shape_cast %swap3A_947 : vector<1x1x16xf32> to vector<16xf32>
      %swap3A_949 = vector.shape_cast %get3A_942 : vector<16xf32> to vector<1x1x16xf32>
      tpu.vector_store %arg7[%swap3A_944, %swap3A_945, %swap3A_946], %swap3A_949 {strides = array<i32>} : memref<8x32x64xf32, #tpu.memory_space<vmem>>, vector<1x1x16xf32>,
    }
    %scan3A_734 = arith.constant 32 : i32
    %add3A_735 = arith.constant 25568 : i32
    %add3A_736 = arith.addi %mul3A_4, %add3A_735 : i32
    %dma_start3A_737 = arith.constant 7 : i32
    %dma_start3A_738 = arith.constant 7 : i32
    %dma_start3A_739 = arith.constant 0 : i32
    %dma_start3A_740 = arith.constant 0 : i32
    %dma_start3A_741 = tpu.memref_slice %arg7[%dma_start3A_737, %dma_start3A_739, %dma_start3A_740] : memref<8x32x64xf32, #tpu.memory_space<vmem>> -> memref<1x32x64xf32, #tpu.memory_space<vmem>>
    %dma_start3A_742 = tpu.memref_squeeze %dma_start3A_741 : memref<1x32x64xf32, #tpu.memory_space<vmem>> -> memref<32x64xf32, #tpu.memory_space<vmem>>
    %dma_start3A_743 = arith.constant 0 : i32
    %dma_start3A_744 = tpu.memref_slice %arg4[%add3A_736, %dma_start3A_743] : memref<819200x64xf32, #tpu.memory_space<hbm>> -> memref<32x64xf32, #tpu.memory_space<hbm>>
    %dma_start3A_745 = tpu.memref_slice %arg9[%dma_start3A_738] : memref<8x!tpu.dma_semaphore, #tpu.memory_space<semaphore_mem>> -> memref<1x!tpu.dma_semaphore, #tpu.memory_space<semaphore_mem>>
    %dma_start3A_746 = tpu.memref_squeeze %dma_start3A_745 : memref<1x!tpu.dma_semaphore, #tpu.memory_space<semaphore_mem>> -> memref<!tpu.dma_semaphore, #tpu.memory_space<semaphore_mem>>
    %dma_start3A_747 = arith.constant 0 : i32
    %dma_start3A_748 = tpu.memref_slice %arg4[%add3A_736, %dma_start3A_747] : memref<819200x64xf32, #tpu.memory_space<hbm>> -> memref<32x64xf32, #tpu.memory_space<hbm>>
    %dma_start3A_749 = arith.constant 0 : i32
    %dma_start3A_750 = arith.constant 0 : i32
    %dma_start3A_751 = tpu.memref_slice %arg7[%dma_start3A_737, %dma_start3A_749, %dma_start3A_750] : memref<8x32x64xf32, #tpu.memory_space<vmem>> -> memref<1x32x64xf32, #tpu.memory_space<vmem>>
    %dma_start3A_752 = tpu.memref_squeeze %dma_start3A_751 : memref<1x32x64xf32, #tpu.memory_space<vmem>> -> memref<32x64xf32, #tpu.memory_space<vmem>>
    tpu.enqueue_dma source(%dma_start3A_752 : memref<32x64xf32, #tpu.memory_space<vmem>>) target(%dma_start3A_748 : memref<32x64xf32, #tpu.memory_space<hbm>>) target_semaphore(%dma_start3A_746 : memref<!tpu.dma_semaphore, #tpu.memory_space<semaphore_mem>>)
    %add3A_753 = arith.constant 25344 : i32
    %add3A_754 = arith.addi %mul3A_4, %add3A_753 : i32
    %dma_wait3A_755 = arith.constant 0 : i32
    %dma_wait3A_756 = arith.constant 0 : i32
    %dma_wait3A_757 = arith.constant 0 : i32
    %dma_wait3A_758 = arith.constant 0 : i32
    %dma_wait3A_759 = tpu.memref_slice %arg7[%dma_wait3A_755, %dma_wait3A_757, %dma_wait3A_758] : memref<8x32x64xf32, #tpu.memory_space<vmem>> -> memref<1x32x64xf32, #tpu.memory_space<vmem>>
    %dma_wait3A_760 = tpu.memref_squeeze %dma_wait3A_759 : memref<1x32x64xf32, #tpu.memory_space<vmem>> -> memref<32x64xf32, #tpu.memory_space<vmem>>
    %dma_wait3A_761 = arith.constant 0 : i32
    %dma_wait3A_762 = tpu.memref_slice %arg4[%add3A_754, %dma_wait3A_761] : memref<819200x64xf32, #tpu.memory_space<hbm>> -> memref<32x64xf32, #tpu.memory_space<hbm>>
    %dma_wait3A_763 = tpu.memref_slice %arg9[%dma_wait3A_756] : memref<8x!tpu.dma_semaphore, #tpu.memory_space<semaphore_mem>> -> memref<1x!tpu.dma_semaphore, #tpu.memory_space<semaphore_mem>>
    %dma_wait3A_764 = tpu.memref_squeeze %dma_wait3A_763 : memref<1x!tpu.dma_semaphore, #tpu.memory_space<semaphore_mem>> -> memref<!tpu.dma_semaphore, #tpu.memory_space<semaphore_mem>>
    %dma_wait3A_765 = arith.constant 0 : i32
    %dma_wait3A_766 = tpu.memref_slice %arg4[%add3A_754, %dma_wait3A_765] : memref<819200x64xf32, #tpu.memory_space<hbm>> -> memref<32x64xf32, #tpu.memory_space<hbm>>
    %dma_wait3A_767 = arith.constant 0 : i32
    %dma_wait3A_768 = arith.constant 0 : i32
    %dma_wait3A_769 = tpu.memref_slice %arg7[%dma_wait3A_755, %dma_wait3A_767, %dma_wait3A_768] : memref<8x32x64xf32, #tpu.memory_space<vmem>> -> memref<1x32x64xf32, #tpu.memory_space<vmem>>
    %dma_wait3A_770 = tpu.memref_squeeze %dma_wait3A_769 : memref<1x32x64xf32, #tpu.memory_space<vmem>> -> memref<32x64xf32, #tpu.memory_space<vmem>>
    tpu.wait_dma2 semaphore(%dma_wait3A_764 : memref<!tpu.dma_semaphore, #tpu.memory_space<semaphore_mem>>) src(%dma_wait3A_770 : memref<32x64xf32, #tpu.memory_space<vmem>>) dst(%dma_wait3A_766 : memref<32x64xf32, #tpu.memory_space<hbm>>)
    %add3A_771 = arith.constant 25376 : i32
    %add3A_772 = arith.addi %mul3A_4, %add3A_771 : i32
    %dma_wait3A_773 = arith.constant 1 : i32
    %dma_wait3A_774 = arith.constant 1 : i32
    %dma_wait3A_775 = arith.constant 0 : i32
    %dma_wait3A_776 = arith.constant 0 : i32
    %dma_wait3A_777 = tpu.memref_slice %arg7[%dma_wait3A_773, %dma_wait3A_775, %dma_wait3A_776] : memref<8x32x64xf32, #tpu.memory_space<vmem>> -> memref<1x32x64xf32, #tpu.memory_space<vmem>>
    %dma_wait3A_778 = tpu.memref_squeeze %dma_wait3A_777 : memref<1x32x64xf32, #tpu.memory_space<vmem>> -> memref<32x64xf32, #tpu.memory_space<vmem>>
    %dma_wait3A_779 = arith.constant 0 : i32
    %dma_wait3A_780 = tpu.memref_slice %arg4[%add3A_772, %dma_wait3A_779] : memref<819200x64xf32, #tpu.memory_space<hbm>> -> memref<32x64xf32, #tpu.memory_space<hbm>>
    %dma_wait3A_781 = tpu.memref_slice %arg9[%dma_wait3A_774] : memref<8x!tpu.dma_semaphore, #tpu.memory_space<semaphore_mem>> -> memref<1x!tpu.dma_semaphore, #tpu.memory_space<semaphore_mem>>
    %dma_wait3A_782 = tpu.memref_squeeze %dma_wait3A_781 : memref<1x!tpu.dma_semaphore, #tpu.memory_space<semaphore_mem>> -> memref<!tpu.dma_semaphore, #tpu.memory_space<semaphore_mem>>
    %dma_wait3A_783 = arith.constant 0 : i32
    %dma_wait3A_784 = tpu.memref_slice %arg4[%add3A_772, %dma_wait3A_783] : memref<819200x64xf32, #tpu.memory_space<hbm>> -> memref<32x64xf32, #tpu.memory_space<hbm>>
    %dma_wait3A_785 = arith.constant 0 : i32
    %dma_wait3A_786 = arith.constant 0 : i32
    %dma_wait3A_787 = tpu.memref_slice %arg7[%dma_wait3A_773, %dma_wait3A_785, %dma_wait3A_786] : memref<8x32x64xf32, #tpu.memory_space<vmem>> -> memref<1x32x64xf32, #tpu.memory_space<vmem>>
    %dma_wait3A_788 = tpu.memref_squeeze %dma_wait3A_787 : memref<1x32x64xf32, #tpu.memory_space<vmem>> -> memref<32x64xf32, #tpu.memory_space<vmem>>
    tpu.wait_dma2 semaphore(%dma_wait3A_782 : memref<!tpu.dma_semaphore, #tpu.memory_space<semaphore_mem>>) src(%dma_wait3A_788 : memref<32x64xf32, #tpu.memory_space<vmem>>) dst(%dma_wait3A_784 : memref<32x64xf32, #tpu.memory_space<hbm>>)
    %add3A_789 = arith.constant 25408 : i32
    %add3A_790 = arith.addi %mul3A_4, %add3A_789 : i32
    %dma_wait3A_791 = arith.constant 2 : i32
    %dma_wait3A_792 = arith.constant 2 : i32
    %dma_wait3A_793 = arith.constant 0 : i32
    %dma_wait3A_794 = arith.constant 0 : i32
    %dma_wait3A_795 = tpu.memref_slice %arg7[%dma_wait3A_791, %dma_wait3A_793, %dma_wait3A_794] : memref<8x32x64xf32, #tpu.memory_space<vmem>> -> memref<1x32x64xf32, #tpu.memory_space<vmem>>
    %dma_wait3A_796 = tpu.memref_squeeze %dma_wait3A_795 : memref<1x32x64xf32, #tpu.memory_space<vmem>> -> memref<32x64xf32, #tpu.memory_space<vmem>>
    %dma_wait3A_797 = arith.constant 0 : i32
    %dma_wait3A_798 = tpu.memref_slice %arg4[%add3A_790, %dma_wait3A_797] : memref<819200x64xf32, #tpu.memory_space<hbm>> -> memref<32x64xf32, #tpu.memory_space<hbm>>
    %dma_wait3A_799 = tpu.memref_slice %arg9[%dma_wait3A_792] : memref<8x!tpu.dma_semaphore, #tpu.memory_space<semaphore_mem>> -> memref<1x!tpu.dma_semaphore, #tpu.memory_space<semaphore_mem>>
    %dma_wait3A_800 = tpu.memref_squeeze %dma_wait3A_799 : memref<1x!tpu.dma_semaphore, #tpu.memory_space<semaphore_mem>> -> memref<!tpu.dma_semaphore, #tpu.memory_space<semaphore_mem>>
    %dma_wait3A_801 = arith.constant 0 : i32
    %dma_wait3A_802 = tpu.memref_slice %arg4[%add3A_790, %dma_wait3A_801] : memref<819200x64xf32, #tpu.memory_space<hbm>> -> memref<32x64xf32, #tpu.memory_space<hbm>>
    %dma_wait3A_803 = arith.constant 0 : i32
    %dma_wait3A_804 = arith.constant 0 : i32
    %dma_wait3A_805 = tpu.memref_slice %arg7[%dma_wait3A_791, %dma_wait3A_803, %dma_wait3A_804] : memref<8x32x64xf32, #tpu.memory_space<vmem>> -> memref<1x32x64xf32, #tpu.memory_space<vmem>>
    %dma_wait3A_806 = tpu.memref_squeeze %dma_wait3A_805 : memref<1x32x64xf32, #tpu.memory_space<vmem>> -> memref<32x64xf32, #tpu.memory_space<vmem>>
    tpu.wait_dma2 semaphore(%dma_wait3A_800 : memref<!tpu.dma_semaphore, #tpu.memory_space<semaphore_mem>>) src(%dma_wait3A_806 : memref<32x64xf32, #tpu.memory_space<vmem>>) dst(%dma_wait3A_802 : memref<32x64xf32, #tpu.memory_space<hbm>>)
    %add3A_807 = arith.constant 25440 : i32
    %add3A_808 = arith.addi %mul3A_4, %add3A_807 : i32
    %dma_wait3A_809 = arith.constant 3 : i32
    %dma_wait3A_810 = arith.constant 3 : i32
    %dma_wait3A_811 = arith.constant 0 : i32
    %dma_wait3A_812 = arith.constant 0 : i32
    %dma_wait3A_813 = tpu.memref_slice %arg7[%dma_wait3A_809, %dma_wait3A_811, %dma_wait3A_812] : memref<8x32x64xf32, #tpu.memory_space<vmem>> -> memref<1x32x64xf32, #tpu.memory_space<vmem>>
    %dma_wait3A_814 = tpu.memref_squeeze %dma_wait3A_813 : memref<1x32x64xf32, #tpu.memory_space<vmem>> -> memref<32x64xf32, #tpu.memory_space<vmem>>
    %dma_wait3A_815 = arith.constant 0 : i32
    %dma_wait3A_816 = tpu.memref_slice %arg4[%add3A_808, %dma_wait3A_815] : memref<819200x64xf32, #tpu.memory_space<hbm>> -> memref<32x64xf32, #tpu.memory_space<hbm>>
    %dma_wait3A_817 = tpu.memref_slice %arg9[%dma_wait3A_810] : memref<8x!tpu.dma_semaphore, #tpu.memory_space<semaphore_mem>> -> memref<1x!tpu.dma_semaphore, #tpu.memory_space<semaphore_mem>>
    %dma_wait3A_818 = tpu.memref_squeeze %dma_wait3A_817 : memref<1x!tpu.dma_semaphore, #tpu.memory_space<semaphore_mem>> -> memref<!tpu.dma_semaphore, #tpu.memory_space<semaphore_mem>>
    %dma_wait3A_819 = arith.constant 0 : i32
    %dma_wait3A_820 = tpu.memref_slice %arg4[%add3A_808, %dma_wait3A_819] : memref<819200x64xf32, #tpu.memory_space<hbm>> -> memref<32x64xf32, #tpu.memory_space<hbm>>
    %dma_wait3A_821 = arith.constant 0 : i32
    %dma_wait3A_822 = arith.constant 0 : i32
    %dma_wait3A_823 = tpu.memref_slice %arg7[%dma_wait3A_809, %dma_wait3A_821, %dma_wait3A_822] : memref<8x32x64xf32, #tpu.memory_space<vmem>> -> memref<1x32x64xf32, #tpu.memory_space<vmem>>
    %dma_wait3A_824 = tpu.memref_squeeze %dma_wait3A_823 : memref<1x32x64xf32, #tpu.memory_space<vmem>> -> memref<32x64xf32, #tpu.memory_space<vmem>>
    tpu.wait_dma2 semaphore(%dma_wait3A_818 : memref<!tpu.dma_semaphore, #tpu.memory_space<semaphore_mem>>) src(%dma_wait3A_824 : memref<32x64xf32, #tpu.memory_space<vmem>>) dst(%dma_wait3A_820 : memref<32x64xf32, #tpu.memory_space<hbm>>)
    %add3A_825 = arith.constant 25472 : i32
    %add3A_826 = arith.addi %mul3A_4, %add3A_825 : i32
    %dma_wait3A_827 = arith.constant 4 : i32
    %dma_wait3A_828 = arith.constant 4 : i32
    %dma_wait3A_829 = arith.constant 0 : i32
    %dma_wait3A_830 = arith.constant 0 : i32
    %dma_wait3A_831 = tpu.memref_slice %arg7[%dma_wait3A_827, %dma_wait3A_829, %dma_wait3A_830] : memref<8x32x64xf32, #tpu.memory_space<vmem>> -> memref<1x32x64xf32, #tpu.memory_space<vmem>>
    %dma_wait3A_832 = tpu.memref_squeeze %dma_wait3A_831 : memref<1x32x64xf32, #tpu.memory_space<vmem>> -> memref<32x64xf32, #tpu.memory_space<vmem>>
    %dma_wait3A_833 = arith.constant 0 : i32
    %dma_wait3A_834 = tpu.memref_slice %arg4[%add3A_826, %dma_wait3A_833] : memref<819200x64xf32, #tpu.memory_space<hbm>> -> memref<32x64xf32, #tpu.memory_space<hbm>>
    %dma_wait3A_835 = tpu.memref_slice %arg9[%dma_wait3A_828] : memref<8x!tpu.dma_semaphore, #tpu.memory_space<semaphore_mem>> -> memref<1x!tpu.dma_semaphore, #tpu.memory_space<semaphore_mem>>
    %dma_wait3A_836 = tpu.memref_squeeze %dma_wait3A_835 : memref<1x!tpu.dma_semaphore, #tpu.memory_space<semaphore_mem>> -> memref<!tpu.dma_semaphore, #tpu.memory_space<semaphore_mem>>
    %dma_wait3A_837 = arith.constant 0 : i32
    %dma_wait3A_838 = tpu.memref_slice %arg4[%add3A_826, %dma_wait3A_837] : memref<819200x64xf32, #tpu.memory_space<hbm>> -> memref<32x64xf32, #tpu.memory_space<hbm>>
    %dma_wait3A_839 = arith.constant 0 : i32
    %dma_wait3A_840 = arith.constant 0 : i32
    %dma_wait3A_841 = tpu.memref_slice %arg7[%dma_wait3A_827, %dma_wait3A_839, %dma_wait3A_840] : memref<8x32x64xf32, #tpu.memory_space<vmem>> -> memref<1x32x64xf32, #tpu.memory_space<vmem>>
    %dma_wait3A_842 = tpu.memref_squeeze %dma_wait3A_841 : memref<1x32x64xf32, #tpu.memory_space<vmem>> -> memref<32x64xf32, #tpu.memory_space<vmem>>
    tpu.wait_dma2 semaphore(%dma_wait3A_836 : memref<!tpu.dma_semaphore, #tpu.memory_space<semaphore_mem>>) src(%dma_wait3A_842 : memref<32x64xf32, #tpu.memory_space<vmem>>) dst(%dma_wait3A_838 : memref<32x64xf32, #tpu.memory_space<hbm>>)
    %add3A_843 = arith.constant 25504 : i32
    %add3A_844 = arith.addi %mul3A_4, %add3A_843 : i32
    %dma_wait3A_845 = arith.constant 5 : i32
    %dma_wait3A_846 = arith.constant 5 : i32
    %dma_wait3A_847 = arith.constant 0 : i32
    %dma_wait3A_848 = arith.constant 0 : i32
    %dma_wait3A_849 = tpu.memref_slice %arg7[%dma_wait3A_845, %dma_wait3A_847, %dma_wait3A_848] : memref<8x32x64xf32, #tpu.memory_space<vmem>> -> memref<1x32x64xf32, #tpu.memory_space<vmem>>
    %dma_wait3A_850 = tpu.memref_squeeze %dma_wait3A_849 : memref<1x32x64xf32, #tpu.memory_space<vmem>> -> memref<32x64xf32, #tpu.memory_space<vmem>>
    %dma_wait3A_851 = arith.constant 0 : i32
    %dma_wait3A_852 = tpu.memref_slice %arg4[%add3A_844, %dma_wait3A_851] : memref<819200x64xf32, #tpu.memory_space<hbm>> -> memref<32x64xf32, #tpu.memory_space<hbm>>
    %dma_wait3A_853 = tpu.memref_slice %arg9[%dma_wait3A_846] : memref<8x!tpu.dma_semaphore, #tpu.memory_space<semaphore_mem>> -> memref<1x!tpu.dma_semaphore, #tpu.memory_space<semaphore_mem>>
    %dma_wait3A_854 = tpu.memref_squeeze %dma_wait3A_853 : memref<1x!tpu.dma_semaphore, #tpu.memory_space<semaphore_mem>> -> memref<!tpu.dma_semaphore, #tpu.memory_space<semaphore_mem>>
    %dma_wait3A_855 = arith.constant 0 : i32
    %dma_wait3A_856 = tpu.memref_slice %arg4[%add3A_844, %dma_wait3A_855] : memref<819200x64xf32, #tpu.memory_space<hbm>> -> memref<32x64xf32, #tpu.memory_space<hbm>>
    %dma_wait3A_857 = arith.constant 0 : i32
    %dma_wait3A_858 = arith.constant 0 : i32
    %dma_wait3A_859 = tpu.memref_slice %arg7[%dma_wait3A_845, %dma_wait3A_857, %dma_wait3A_858] : memref<8x32x64xf32, #tpu.memory_space<vmem>> -> memref<1x32x64xf32, #tpu.memory_space<vmem>>
    %dma_wait3A_860 = tpu.memref_squeeze %dma_wait3A_859 : memref<1x32x64xf32, #tpu.memory_space<vmem>> -> memref<32x64xf32, #tpu.memory_space<vmem>>
    tpu.wait_dma2 semaphore(%dma_wait3A_854 : memref<!tpu.dma_semaphore, #tpu.memory_space<semaphore_mem>>) src(%dma_wait3A_860 : memref<32x64xf32, #tpu.memory_space<vmem>>) dst(%dma_wait3A_856 : memref<32x64xf32, #tpu.memory_space<hbm>>)
    %add3A_861 = arith.constant 25536 : i32
    %add3A_862 = arith.addi %mul3A_4, %add3A_861 : i32
    %dma_wait3A_863 = arith.constant 6 : i32
    %dma_wait3A_864 = arith.constant 6 : i32
    %dma_wait3A_865 = arith.constant 0 : i32
    %dma_wait3A_866 = arith.constant 0 : i32
    %dma_wait3A_867 = tpu.memref_slice %arg7[%dma_wait3A_863, %dma_wait3A_865, %dma_wait3A_866] : memref<8x32x64xf32, #tpu.memory_space<vmem>> -> memref<1x32x64xf32, #tpu.memory_space<vmem>>
    %dma_wait3A_868 = tpu.memref_squeeze %dma_wait3A_867 : memref<1x32x64xf32, #tpu.memory_space<vmem>> -> memref<32x64xf32, #tpu.memory_space<vmem>>
    %dma_wait3A_869 = arith.constant 0 : i32
    %dma_wait3A_870 = tpu.memref_slice %arg4[%add3A_862, %dma_wait3A_869] : memref<819200x64xf32, #tpu.memory_space<hbm>> -> memref<32x64xf32, #tpu.memory_space<hbm>>
    %dma_wait3A_871 = tpu.memref_slice %arg9[%dma_wait3A_864] : memref<8x!tpu.dma_semaphore, #tpu.memory_space<semaphore_mem>> -> memref<1x!tpu.dma_semaphore, #tpu.memory_space<semaphore_mem>>
    %dma_wait3A_872 = tpu.memref_squeeze %dma_wait3A_871 : memref<1x!tpu.dma_semaphore, #tpu.memory_space<semaphore_mem>> -> memref<!tpu.dma_semaphore, #tpu.memory_space<semaphore_mem>>
    %dma_wait3A_873 = arith.constant 0 : i32
    %dma_wait3A_874 = tpu.memref_slice %arg4[%add3A_862, %dma_wait3A_873] : memref<819200x64xf32, #tpu.memory_space<hbm>> -> memref<32x64xf32, #tpu.memory_space<hbm>>
    %dma_wait3A_875 = arith.constant 0 : i32
    %dma_wait3A_876 = arith.constant 0 : i32
    %dma_wait3A_877 = tpu.memref_slice %arg7[%dma_wait3A_863, %dma_wait3A_875, %dma_wait3A_876] : memref<8x32x64xf32, #tpu.memory_space<vmem>> -> memref<1x32x64xf32, #tpu.memory_space<vmem>>
    %dma_wait3A_878 = tpu.memref_squeeze %dma_wait3A_877 : memref<1x32x64xf32, #tpu.memory_space<vmem>> -> memref<32x64xf32, #tpu.memory_space<vmem>>
    tpu.wait_dma2 semaphore(%dma_wait3A_872 : memref<!tpu.dma_semaphore, #tpu.memory_space<semaphore_mem>>) src(%dma_wait3A_878 : memref<32x64xf32, #tpu.memory_space<vmem>>) dst(%dma_wait3A_874 : memref<32x64xf32, #tpu.memory_space<hbm>>)
    %add3A_879 = arith.constant 25568 : i32
    %add3A_880 = arith.addi %mul3A_4, %add3A_879 : i32
    %dma_wait3A_881 = arith.constant 7 : i32
    %dma_wait3A_882 = arith.constant 7 : i32
    %dma_wait3A_883 = arith.constant 0 : i32
    %dma_wait3A_884 = arith.constant 0 : i32
    %dma_wait3A_885 = tpu.memref_slice %arg7[%dma_wait3A_881, %dma_wait3A_883, %dma_wait3A_884] : memref<8x32x64xf32, #tpu.memory_space<vmem>> -> memref<1x32x64xf32, #tpu.memory_space<vmem>>
    %dma_wait3A_886 = tpu.memref_squeeze %dma_wait3A_885 : memref<1x32x64xf32, #tpu.memory_space<vmem>> -> memref<32x64xf32, #tpu.memory_space<vmem>>
    %dma_wait3A_887 = arith.constant 0 : i32
    %dma_wait3A_888 = tpu.memref_slice %arg4[%add3A_880, %dma_wait3A_887] : memref<819200x64xf32, #tpu.memory_space<hbm>> -> memref<32x64xf32, #tpu.memory_space<hbm>>
    %dma_wait3A_889 = tpu.memref_slice %arg9[%dma_wait3A_882] : memref<8x!tpu.dma_semaphore, #tpu.memory_space<semaphore_mem>> -> memref<1x!tpu.dma_semaphore, #tpu.memory_space<semaphore_mem>>
    %dma_wait3A_890 = tpu.memref_squeeze %dma_wait3A_889 : memref<1x!tpu.dma_semaphore, #tpu.memory_space<semaphore_mem>> -> memref<!tpu.dma_semaphore, #tpu.memory_space<semaphore_mem>>
    %dma_wait3A_891 = arith.constant 0 : i32
    %dma_wait3A_892 = tpu.memref_slice %arg4[%add3A_880, %dma_wait3A_891] : memref<819200x64xf32, #tpu.memory_space<hbm>> -> memref<32x64xf32, #tpu.memory_space<hbm>>
    %dma_wait3A_893 = arith.constant 0 : i32
    %dma_wait3A_894 = arith.constant 0 : i32
    %dma_wait3A_895 = tpu.memref_slice %arg7[%dma_wait3A_881, %dma_wait3A_893, %dma_wait3A_894] : memref<8x32x64xf32, #tpu.memory_space<vmem>> -> memref<1x32x64xf32, #tpu.memory_space<vmem>>
    %dma_wait3A_896 = tpu.memref_squeeze %dma_wait3A_895 : memref<1x32x64xf32, #tpu.memory_space<vmem>> -> memref<32x64xf32, #tpu.memory_space<vmem>>
    tpu.wait_dma2 semaphore(%dma_wait3A_890 : memref<!tpu.dma_semaphore, #tpu.memory_space<semaphore_mem>>) src(%dma_wait3A_896 : memref<32x64xf32, #tpu.memory_space<vmem>>) dst(%dma_wait3A_892 : memref<32x64xf32, #tpu.memory_space<hbm>>)
    return
  }
}

</mosaic_0001>

<sc_bundles>
// kernel: kernel.3.cloned.1.call-start
scs
__scs_entry_jumppad:
0x0: {  	(pc) =	sbr.rel $0x88, $3  }
0x1: {  	(tag) =	ssettag $0x0;
	lr =	simm.s32 $0x1  }
0x2: {  	[smem:$0x3F9F] =	sst lr;
	_ =	strace $0xD0000000  }
0x3: {  	_ = 	snop  }
0x4: {  	_ = 	snop  }
0x5: {  	_ = 	snop  }
0x6: {  	_ = 	snop  }
0x7: {  	_ = 	snop  }
__scs_overlays_trampoline_lowered:
0x8: {  	[smem:$0x3FAE] =	sst s0  }
0x9: {  	[smem:$0x3FAF] =	sst s1  }
0xa: {  	[smem:$0x3FB0] =	sst s2  }
0xb: {  	[smem:$0x3FB1] =	sst s3  }
0xc: {  	[smem:$0x3FB2] =	sst s4  }
0xd: {  	[smem:$0x3FB3] =	sst s5  }
0xe: {  	[smem:$0x3FB4] =	sst s6  }
0xf: {  	[smem:$0x3FB5] =	sst s7  }
0x10: {  	[smem:$0x3FB6] =	sst s8  }
0x11: {  	[smem:$0x3FB7] =	sst s9;
	s0 =	simm.s32 @!p0 $0x0  }
0x12: {  	s1 =	sld [smem:$0x3F9D];
	s0 =	simm.s32 @p0 $0x1  }
0x13: {  	[smem:$0x3FB8] =	sst s0;
	s0 =	simm.s32 @!p1 $0x0  }
0x14: {  	s2 =	sld [smem:$0x3F9C];
	s0 =	simm.s32 @p1 $0x1  }
0x15: {  	[smem:$0x3FB9] =	sst s0;
	s0 =	simm.s32 @!p2 $0x0  }
0x16: {  	s3 =	sld [smem:$0x3FDB];
	s0 =	simm.s32 @p2 $0x1  }
0x17: {  	s4 =	simm.s32 $0x1BF5;
	[smem:$0x3FBB] =	sst s0  }
0x18: {  	s0 =	sld [smem:$0x3F9E];
	_ =	swait.ge [sflag:s4], $0x0  }
0x19: {  	s7 =	sld [smem:$0x3F9F]  }
0x1a: {  	s8 =	sadd.s32 $0xFFFFE003, lr  }
0x1b: {  	s9 =	sadd.s32 $0xFFFFFEF7, lr;
	s5 =	simm.s32 $0xFFFFFFFF;
	p2 =	slt.u32 s8, $0xFFFFF086  }
0x1c: {  	p1 =	slt.u32 s9, $0xF7A;
	s5 =	simm.s32 @!p2 $0x0  }
0x1d: {  	s5 =	simm.s32 @p1 $0x1;
	p0 =	seq.s32 s7, s2  }
0x1e: {  	s7 =	smul.u32 @!p0 $0xF7A, s2;
	p2 =	seq.s32 @!p0 s5, $0x0  }
0x1f: {  	s9 =	smul.u32 $0xF7A, s1;
	s8 =	simm.s32 @!p0 $0x1BF5;
	p2 =	por !p2, p0  }
0x20: {  	[sflag:s8] =	ssyncset.s32 @!p0 $0xFFFFF086;
	s6 =	sadd.s32 @!p0 s3, s7;
	s7 =	simm.s32 @!p0 $0x108  }
0x21: {  	s3 =	sadd.s32 s3, s9;
	s6 =	sadd.s32 @!p0 $0x88, s6;
	s7 =	simm.s32 @p2 $0x1082  }
0x22: {  	[simem:s7], [sflag:s8] =	dma.local @!p0 [hbm:s6], $0xF7A  }
0x23: {  	s9 =	sor.u32 $0xD0000000, s2;
	s6 =	simm.s32 $0x108;
	_ =	swait.ge @!p0 [sflag:s8], $0x0  }
0x24: {  	s3 =	sadd.s32 $0x88, s3;
	s6 =	simm.s32 @!p1 $0x1082;
	[sflag:s4] =	ssyncset.s32 $0xFFFFF086  }
0x25: {  	[simem:s6], [sflag:s4] =	dma.local [hbm:s3], $0xF7A  }
0x26: {  	[smem:$0x3F9F] =	sst s1;
	(tag) =	ssettag s2;
	_ =	strace s9  }
0x27: {  	s1 =	sld [smem:$0x3FAF]  }
0x28: {  	s2 =	sld [smem:$0x3FB0]  }
0x29: {  	s4 =	sld [smem:$0x3FB2]  }
0x2a: {  	p0 =	seq.s32 s5, $0x0;
	s5 =	sld [smem:$0x3FB3]  }
0x2b: {  	s6 =	sld [smem:$0x3FB4]  }
0x2c: {  	s7 =	sld [smem:$0x3FB5]  }
0x2d: {  	s3 =	simm.s32 $0x108;
	s8 =	sld [smem:$0x3FB6]  }
0x2e: {  	s3 =	simm.s32 @!p0 $0x1082;
	s9 =	sld [smem:$0x3FB7]  }
0x2f: {  	lr =	sadd.s32 s0, s3;
	s0 =	sld [smem:$0x3FAE]  }
0x30: {  	s3 =	sld [smem:$0x3FB1]  }
0x31: {  	[smem:$0x3FBA] =	sst s10  }
0x32: {  	s10 =	sld [smem:$0x3FB8];
	_ =	sdelay $0x3  }
0x33: {  	p0 =	seq.s32 s10, $0x1;
	s10 =	sld [smem:$0x3FBA];
	_ =	sdelay $0x3  }
0x34: {  	[smem:$0x3FBA] =	sst s10  }
0x35: {  	s10 =	sld [smem:$0x3FB9];
	_ =	sdelay $0x3  }
0x36: {  	p1 =	seq.s32 s10, $0x1;
	s10 =	sld [smem:$0x3FBA];
	_ =	sdelay $0x3  }
0x37: {  	[smem:$0x3FBA] =	sst s10  }
0x38: {  	s10 =	sld [smem:$0x3FBB]  }
0x39: {  	_ = 	snop;
	(pc) =	sbr.ind lr, $3  }
0x3a: {  	_ = 	snop  }
0x3b: {  	_ = 	snop  }
0x3c: {  	p2 =	seq.s32 s10, $0x1;
	s10 =	sld [smem:$0x3FBA]  }
0x3d: {  	_ =	shalt  }
0x3e: {  	_ =	shalt  }
0x3f: {  	_ =	shalt  }
0x40: {  	_ =	shalt  }
0x41: {  	_ =	shalt  }
0x42: {  	_ =	shalt  }
0x43: {  	_ =	shalt  }
0x44: {  	_ =	shalt  }
0x45: {  	_ =	shalt  }
0x46: {  	_ =	shalt  }
0x47: {  	_ =	shalt  }
0x48: {  	_ =	shalt  }
0x49: {  	_ =	shalt  }
0x4a: {  	_ =	shalt  }
0x4b: {  	_ =	shalt  }
0x4c: {  	_ =	shalt  }
0x4d: {  	_ =	shalt  }
0x4e: {  	_ =	shalt  }
0x4f: {  	_ =	shalt  }
0x50: {  	_ =	shalt  }
0x51: {  	_ =	shalt  }
0x52: {  	_ =	shalt  }
0x53: {  	_ =	shalt  }
0x54: {  	_ =	shalt  }
0x55: {  	_ =	shalt  }
0x56: {  	_ =	shalt  }
0x57: {  	_ =	shalt  }
0x58: {  	_ =	shalt  }
0x59: {  	_ =	shalt  }
0x5a: {  	_ =	shalt  }
0x5b: {  	_ =	shalt  }
0x5c: {  	_ =	shalt  }
0x5d: {  	_ =	shalt  }
0x5e: {  	_ =	shalt  }
0x5f: {  	_ =	shalt  }
0x60: {  	_ =	shalt  }
0x61: {  	_ =	shalt  }
0x62: {  	_ =	shalt  }
0x63: {  	_ =	shalt  }
0x64: {  	_ =	shalt  }
0x65: {  	_ =	shalt  }
0x66: {  	_ =	shalt  }
0x67: {  	_ =	shalt  }
0x68: {  	_ =	shalt  }
0x69: {  	_ =	shalt  }
0x6a: {  	_ =	shalt  }
0x6b: {  	_ =	shalt  }
0x6c: {  	_ =	shalt  }
0x6d: {  	_ =	shalt  }
0x6e: {  	_ =	shalt  }
0x6f: {  	_ =	shalt  }
0x70: {  	_ =	shalt  }
0x71: {  	_ =	shalt  }
0x72: {  	_ =	shalt  }
0x73: {  	_ =	shalt  }
0x74: {  	_ =	shalt  }
0x75: {  	_ =	shalt  }
0x76: {  	_ =	shalt  }
0x77: {  	_ =	shalt  }
0x78: {  	_ =	shalt  }
0x79: {  	_ =	shalt  }
0x7a: {  	_ =	shalt  }
0x7b: {  	_ =	shalt  }
0x7c: {  	_ =	shalt  }
0x7d: {  	_ =	shalt  }
0x7e: {  	_ =	shalt  }
0x7f: {  	_ =	shalt  }
0x80: {  	_ =	shalt  }
0x81: {  	_ =	shalt  }
0x82: {  	_ =	shalt  }
0x83: {  	_ =	shalt  }
0x84: {  	_ =	shalt  }
0x85: {  	_ =	shalt  }
0x86: {  	_ =	shalt  }
0x87: {  	_ =	shalt  }
.Lfunc_end0:
.L_simem_size_0:
called_computation.1_lowered:
.L_overlay_start_0:
0x88: {  	s2 =	sld [smem:$0x3FD9]  }
0x89: {  	s3 =	sld [smem:$0x3FFE];
	_ =	sdelay $0x1  }
0x8a: {  	s1 =	srdreg.scid  }
0x8b: {  	s0 =	sand.u32 $0x1, s1  }
0x8c: {  	s16 =	sshll.u32 s0, $0xA;
	s2 =	sadd.s32 s3, s2  }
0x8d: {  	s2 =	sadd.s32 s2, s16  }
0x8e: {  	[smem:$0x3FC6] =	sst s2  }
0x8f: {  	_ = 	snop  }
0x90: {  	(tm) =	ssettm $0x1  }
0x91: {  	s17 =	sld [smem:$0x3FFB];
	_ =	sdelay $0x3  }
0x92: {  	_ =	strace s17  }
0x93: {  	s2 =	sld [smem:$0x3FFC];
	_ =	sdelay $0x3  }
0x94: {  	_ =	strace s2  }
0x95: {  	s2 =	sld [smem:$0x3FFD];
	_ =	sdelay $0x3  }
0x96: {  	_ =	strace s2  }
0x97: {  	_ =	strace $0x8FFFFFFF  }
0x98: {  	s18 =	sld [smem:$0x3FDB];
	_ =	sdelay $0x1  }
0x99: {  	s19 =	simm.s32 $_scs_section_size  }
0x9a: {  	s4 =	simm.s32 $_size__tile_overlayer_lowered;
	s5 =	simm.s32 $_tile_overlayer_lowered  }
0x9b: {  	s22 =	simm.s32 $0x1BFF;
	s21 =	sshll.u32 s5, $0x1;
	s2 =	sadd.s32 s19, s18  }
0x9c: {  	s6 =	simm.s32 $0x0;
	s20 =	sshll.u32 s4, $0x1;
	s4 =	sadd.s32 s21, s2  }
0x9d: {  	[timem:s6], [sflag:s22] =	dma.local [hbm:s4], s20  }
0x9e: {  	_ =	swait.ge [sflag:s22], s20  }
0x9f: {  	s3 =	ssub.s32 $0x0, s20;
	[sflag:s22] =	ssyncset.done $0x0  }
0xa0: {  	[sflag:s22] =	ssyncadd.s32 s3;
	_ =	sdelay $0x1  }
0xa1: {  	s23 =	simm.s32 $0x1B8B  }
0xa2: {  	_ =	swait.ge [sflag:s23], $0x1  }
0xa3: {  	[sflag:s23] =	ssyncset.done $0x0  }
0xa4: {  	s25 =	simm.s32 $0x1B8E;
	s24 =	sld [smem:$0x3FFE];
	[sflag:s23] =	ssyncadd.s32 $0xFFFFFFFF  }
0xa5: {  	s26 =	simm.s32 $execute0_lowered;
	[smem:$0x3FD2] =	sst s25  }
0xa6: {  	s4 =	sshll.u32 s26, $0x1;
	_ =	strace $0x80000046;
	[dreg:$0x1] =	wrdreg $0xFFFFFFFF  }
0xa7: {  	s28 =	simm.s32 $_size_execute0_lowered;
	s2 =	sadd.s32 s2, s4;
	[dreg:$0x0] =	wrdreg $0x0  }
0xa8: {  	s4 =	sshll.u32 s28, $0x1;
	[dreg:$0x2] =	wrdreg s2  }
0xa9: {  	[dreg:$0x3] =	wrdreg s4  }
0xaa: {  	[dreg:$0x4] =	wrdreg $0xC0  }
0xab: {  	_ =	task [dreg:s6], $0x5FFFF  }
0xac: {  	[dreg:$0x1] =	wrdreg $0xFFFFFFFF  }
0xad: {  	[dreg:$0x0] =	wrdreg $0x60  }
0xae: {  	[dreg:$0x2] =	wrdreg s24  }
0xaf: {  	[dreg:$0x3] =	wrdreg $0x9  }
0xb0: {  	_ =	task.clear_ibuf [dreg:s6], $0x4FFFF;
	_ =	strace $0x90000046  }
0xb1: {  	s29 =	simm.s32 $0x9;
	_ =	strace $0x80000048  }
0xb2: {  	_ =	swait.ge [sflag:s29], $0x1  }
0xb3: {  	[sflag:s29] =	ssyncadd.s32 $0xFFFFFFFF  }
0xb4: {  	_ =	strace $0x90000048  }
0xb5: {  	_ =	sfence  }
0xb6: {  	s30 =	sld [smem:$0x0];
	_ =	sdelay $0x2  }
0xb7: {  	s31 =	sshll.u32 s1, $0xD;
	s1 =	sshrl.u32 s1, $0x2  }
0xb8: {  	s3 =	sand.u32 $0x4000, s31;
	s1 =	sadd.s32 s1, s30  }
0xb9: {  	s0 =	sor.u32 s3, s0;
	s1 =	sshll.u32 s1, $0x11  }
0xba: {  	s0 =	sor.u32 s1, s0  }
0xbb: {  	s0 =	sadd.s32 $0x8F2B, s0  }
0xbc: {  	[sflag:s0] =	ssyncadd.remote.s32 $0x1  }
0xbd: {  	_ =	sfence.sel $0xFFFF  }
0xbe: {  	[dreg:$0x0] =	wrdreg $0xFFFFFFFF;
	(pc) =	sbr.abs _section_cstart, $3  }
0xbf: {  	[dreg:$0x1] =	wrdreg $0xFFFFFFFF  }
0xc0: {  	_ =	task.clear_ibuf [dreg:s6], $0x2FFFF;
	_ =	strace $0x9FFFFFFF  }
0xc1: {  	(tm) =	ssettm $0x7FFFFFFF  }
tec
execute0_lowered:
.L_overlay_start_1:
0x0: {  	(tag) =	ssettag $0x1  }
0x1: {  	s0 =	srdreg.scid;
	s2 =	stileid.u32  }
0x2: {  	s1 =	rddreg [dreg:$0x0];
	s11 =	simm.s32 $0x0;
	s29 =	simm.s32 $0x1  }
0x3: {  	s9 =	simm.s32 $0x4;
	s0 =	sand.u32 $0x1, s0;
	s2 =	sshll.u32 s2, $0x1  }
0x4: {  	s28 =	simm.s32 $0x8;
	s31 =	simm.s32 $0xE;
	s2 =	sor.u32 s0, s2  }
0x5: {  	s8 =	simm.s32 $0x10;
	[smem:$0x7FF] =	sst s11;
	s3 =	smul.u32 $0xC80, s2  }
0x6: {  	s4 =	sadd.s32 $0x1A0200, s1;
	s0 =	ssub.s32 $0x2, s0;
	s6 =	smul.u32 $0x64000, s2  }
0x7: {  	_ =	strace $0x80000047;
	s15 =	sshrl.u32 s0, $0x1;
	s16 =	smul.u32 $0x6400, s2  }
0x8: {  	s0 =	ssub.s32 s0, s15;
	s5 =	sadd.s32 s3, s1;
	s3 =	sadd.s32 $0x19800, s1  }
0x9: {  	s7 =	sadd.s32 s4, s6;
	s6 =	smul.u32 $0x320000, s2;
	s22 =	sor.u32 $0x80, s16  }
0xa: {  	s23 =	sor.u32 $0xA0, s16;
	s13 =	sor.u32 $0xC0, s16;
	[dreg:$0x2] =	wrdreg s7  }
0xb: {  	s14 =	sor.u32 $0xE0, s16;
	s0 =	smax.u32 s0, $0x1;
	[dreg:$0x7] =	wrdreg s22  }
0xc: {  	s16 =	simm.s32 $0x5;
	s1 =	simm.s32 $0xC;
	[dreg:$0x8] =	wrdreg s23  }
0xd: {  	s17 =	sadd.s32 $0x800, s5;
	s18 =	sadd.s32 $0x200, s7;
	[dreg:$0xd] =	wrdreg s0  }
0xe: {  	s19 =	sadd.s32 $0x400, s7;
	s20 =	sadd.s32 $0x600, s7;
	[dreg:$0x3] =	wrdreg s17  }
0xf: {  	s0 =	simm.s32 $0x2;
	[dreg:$0x4] =	wrdreg s18;
	s21 =	sshrl.u32 s6, $0x3  }
0x10: {  	s22 =	simm.s32 $0x7;
	[dreg:$0x5] =	wrdreg s19;
	s2 =	sadd.s32 s4, s21  }
0x11: {  	s7 =	simm.s32 $0xF;
	[dreg:$0x6] =	wrdreg s20;
	s24 =	sadd.s32 $0x63800, s2  }
0x12: {  	s5 =	simm.s32 $0x0;
	s25 =	sadd.s32 $0x63A00, s2;
	[dreg:$0x9] =	wrdreg s24  }
0x13: {  	s18 =	simm.s32 $0x9;
	s26 =	sadd.s32 $0x63C00, s2;
	[dreg:$0xa] =	wrdreg s25  }
0x14: {  	s19 =	simm.s32 $0x6;
	s30 =	sadd.s32 $0x63E00, s2;
	[dreg:$0xb] =	wrdreg s26  }
0x15: {  	s20 =	simm.s32 $0xA;
	s21 =	simm.s32 $0x20;
	[dreg:$0xc] =	wrdreg s30  }
0x16: {  	s26 =	simm.s32 $0x3;
	s25 =	simm.s32 $0xB;
	s24 =	simm.s32 $0xD  }
.LBB2_1:
0x17: {  	[dreg:$0xe] =	wrdreg s5  }
0x18: {  	s2 =	rddreg [dreg:$0x3];
	s5 =	simm.s32 $0x11  }
0x19: {  	[tilespmem:s11], [sflag:$0x11] =	stream.linear.gather [hbm4b:s2+s11], $0x6400, $0x38;
	[tilespmem:$0x16400] =	vst v63  }
0x1a: {  	_ =	swait.ge [sflag:s5], $0x6400  }
0x1b: {  	[sflag:s5] =	ssyncset.done $0x0  }
0x1c: {  	[sflag:s5] =	ssyncadd.s32 $0xFFFF9C00  }
0x1d: {  	v0 =	vld [tilespmem:$0x0]  }
0x1e: {  	v1 =	vld [tilespmem:$0x10];
	_ =	sdelay $0x3  }
0x1f: {  	vm0 =	veq.s32 v0, $0x0;
	v0 =	vadd.s32 $0xFFFFFFFF, v0  }
0x20: {  	vm9 =	veq.s32 v1, $0x0;
	v1 =	vadd.s32 $0xFFFFFFFF, v1;
	v0 =	vsel vm0, $0x1869F, v0  }
0x21: {  	[tilespmem:$0x0] =	vst v0;
	v0 =	vsel vm9, $0x1869F, v1  }
0x22: {  	s10 =	simm.s32 $0x6400;
	[tilespmem:$0x10] =	vst v0  }
0x23: {  	[tilespmem:s10], [sflag:$0x1] =	stream.indirect.gather [hbm4b:s3+s21], $0x80, s11, s21, $0xb8;
	[tilespmem:$0x16400] =	vst v63  }
0x24: {  	v0 =	vld [tilespmem:$0x20]  }
0x25: {  	v1 =	vld [tilespmem:$0x30];
	_ =	sdelay $0x3  }
0x26: {  	vm10 =	veq.s32 v0, $0x0;
	v0 =	vadd.s32 $0xFFFFFFFF, v0  }
0x27: {  	vm11 =	veq.s32 v1, $0x0;
	v1 =	vadd.s32 $0xFFFFFFFF, v1;
	v0 =	vsel vm10, $0x1869F, v0  }
0x28: {  	[tilespmem:$0x20] =	vst v0;
	v0 =	vsel vm11, $0x1869F, v1  }
0x29: {  	s12 =	simm.s32 $0x7400;
	[tilespmem:$0x30] =	vst v0  }
0x2a: {  	[tilespmem:s12], [sflag:$0x2] =	stream.indirect.gather [hbm4b:s3+s21], $0x80, s21, s21, $0xb8;
	[tilespmem:$0x16400] =	vst v63  }
0x2b: {  	v0 =	vld [tilespmem:$0x40]  }
0x2c: {  	v1 =	vld [tilespmem:$0x50];
	_ =	sdelay $0x3  }
0x2d: {  	vm12 =	veq.s32 v0, $0x0;
	v0 =	vadd.s32 $0xFFFFFFFF, v0  }
0x2e: {  	vm13 =	veq.s32 v1, $0x0;
	v1 =	vadd.s32 $0xFFFFFFFF, v1;
	v0 =	vsel vm12, $0x1869F, v0  }
0x2f: {  	[tilespmem:$0x40] =	vst v0;
	v0 =	vsel vm13, $0x1869F, v1  }
0x30: {  	s15 =	simm.s32 $0x40;
	s17 =	simm.s32 $0x8400;
	[tilespmem:$0x50] =	vst v0  }
0x31: {  	[tilespmem:s17], [sflag:$0x3] =	stream.indirect.gather [hbm4b:s3+s21], $0x80, s15, s21, $0xb8;
	[tilespmem:$0x16400] =	vst v63  }
0x32: {  	v0 =	vld [tilespmem:$0x60]  }
0x33: {  	v1 =	vld [tilespmem:$0x70];
	_ =	sdelay $0x3  }
0x34: {  	vm14 =	veq.s32 v0, $0x0;
	v0 =	vadd.s32 $0xFFFFFFFF, v0  }
0x35: {  	vm15 =	veq.s32 v1, $0x0;
	v1 =	vadd.s32 $0xFFFFFFFF, v1;
	v0 =	vsel vm14, $0x1869F, v0  }
0x36: {  	[tilespmem:$0x60] =	vst v0;
	v0 =	vsel vm15, $0x1869F, v1  }
0x37: {  	s23 =	simm.s32 $0x60;
	s30 =	simm.s32 $0x9400;
	[tilespmem:$0x70] =	vst v0  }
0x38: {  	[tilespmem:s30], [sflag:$0x4] =	stream.indirect.gather [hbm4b:s3+s21], $0x80, s23, s21, $0xb8;
	[tilespmem:$0x16400] =	vst v63  }
0x39: {  	_ =	swait.ge [sflag:s29], $0x1000  }
0x3a: {  	[sflag:s29] =	ssyncset.done $0x0  }
0x3b: {  	s2 =	simm.s32 $0x0;
	[sflag:s29] =	ssyncadd.s32 $0xFFFFF000  }
0x3c: {  	v0 =	vld [tilespmem:s2+$0x6430]  }
0x3d: {  	v1 =	vld [tilespmem:s2+$0x6400]  }
0x3e: {  	v2 =	vld [tilespmem:s2+$0x6410]  }
0x3f: {  	s5 =	simm.s32 $0x200;
	v3 =	vld [tilespmem:s2+$0x6420]  }
.LBB2_2:
0x40: {  	p0 =	sne.s32 s5, $0x3E00  }
.Ltmp0:
0x41: {  	s10 =	sshra.s32 s5, $0x2;
	s5 =	sadd.s32 $0x200, s5;
	[tilespmem:s2+$0xE430] =	vst v0;
	(pc) =	sbr.rel @p0 .LBB2_2-.Ltmp0, $4  }
0x42: {  	v0 =	vld [tilespmem:s10+$0x6430];
	[tilespmem:s2+$0xE400] =	vst v1  }
0x43: {  	v1 =	vld [tilespmem:s10+$0x6400];
	[tilespmem:s2+$0xE410] =	vst v2  }
0x44: {  	v2 =	vld [tilespmem:s10+$0x6410];
	[tilespmem:s2+$0xE420] =	vst v3;
	s2 =	smov.u32 s10  }
0x45: {  	v3 =	vld [tilespmem:s2+$0x6420]  }
0x46: {  	_ = 	snop  }
0x47: {  	[tilespmem:s2+$0xE430] =	vst v0  }
0x48: {  	[tilespmem:s2+$0xE400] =	vst v1  }
0x49: {  	[tilespmem:s2+$0xE410] =	vst v2  }
0x4a: {  	s17 =	simm.s32 $0x0;
	s5 =	rddreg [dreg:$0x2];
	s10 =	simm.s32 $0xE400;
	[tilespmem:s2+$0xE420] =	vst v3  }
0x4b: {  	[hbm4b:s5+s17] =	stream.linear.scatter [tilespmem:s10], [sflag:$0x9], $0x1000, $0x38;
	[tilespmem:$0x16400] =	vst v63  }
0x4c: {  	v0 =	vld [tilespmem:$0x80]  }
0x4d: {  	v1 =	vld [tilespmem:$0x90];
	_ =	sdelay $0x3  }
0x4e: {  	vm0 =	veq.s32 v0, $0x0;
	v0 =	vadd.s32 $0xFFFFFFFF, v0  }
0x4f: {  	vm15 =	veq.s32 v1, $0x0;
	v1 =	vadd.s32 $0xFFFFFFFF, v1;
	v0 =	vsel vm0, $0x1869F, v0  }
0x50: {  	[tilespmem:$0x80] =	vst v0;
	v0 =	vsel vm15, $0x1869F, v1  }
0x51: {  	s23 =	simm.s32 $0x80;
	s30 =	simm.s32 $0xA400;
	[tilespmem:$0x90] =	vst v0  }
0x52: {  	[tilespmem:s30], [sflag:$0x5] =	stream.indirect.gather [hbm4b:s3+s21], $0x80, s23, s21, $0xb8;
	[tilespmem:$0x16400] =	vst v63  }
0x53: {  	_ =	swait.ge [sflag:s0], $0x1000  }
0x54: {  	[sflag:s0] =	ssyncset.done $0x0  }
0x55: {  	s2 =	simm.s32 $0x0;
	[sflag:s0] =	ssyncadd.s32 $0xFFFFF000  }
0x56: {  	v0 =	vld [tilespmem:s2+$0x7430]  }
0x57: {  	v1 =	vld [tilespmem:s2+$0x7400]  }
0x58: {  	v2 =	vld [tilespmem:s2+$0x7410]  }
0x59: {  	s5 =	simm.s32 $0x200;
	v3 =	vld [tilespmem:s2+$0x7420]  }
.LBB2_4:
0x5a: {  	p0 =	sne.s32 s5, $0x3E00  }
.Ltmp1:
0x5b: {  	s10 =	sshra.s32 s5, $0x2;
	s5 =	sadd.s32 $0x200, s5;
	[tilespmem:s2+$0xF430] =	vst v0;
	(pc) =	sbr.rel @p0 .LBB2_4-.Ltmp1, $4  }
0x5c: {  	v0 =	vld [tilespmem:s10+$0x7430];
	[tilespmem:s2+$0xF400] =	vst v1  }
0x5d: {  	v1 =	vld [tilespmem:s10+$0x7400];
	[tilespmem:s2+$0xF410] =	vst v2  }
0x5e: {  	v2 =	vld [tilespmem:s10+$0x7410];
	[tilespmem:s2+$0xF420] =	vst v3;
	s2 =	smov.u32 s10  }
0x5f: {  	v3 =	vld [tilespmem:s2+$0x7420]  }
0x60: {  	_ = 	snop  }
0x61: {  	[tilespmem:s2+$0xF430] =	vst v0  }
0x62: {  	[tilespmem:s2+$0xF400] =	vst v1  }
0x63: {  	[tilespmem:s2+$0xF410] =	vst v2  }
0x64: {  	s17 =	simm.s32 $0x0;
	s5 =	rddreg [dreg:$0x4];
	s10 =	simm.s32 $0xF400;
	[tilespmem:s2+$0xF420] =	vst v3  }
0x65: {  	[hbm4b:s5+s17] =	stream.linear.scatter [tilespmem:s10], [sflag:$0xA], $0x1000, $0x38;
	[tilespmem:$0x16400] =	vst v63  }
0x66: {  	v0 =	vld [tilespmem:$0xA0]  }
0x67: {  	v1 =	vld [tilespmem:$0xB0];
	_ =	sdelay $0x3  }
0x68: {  	vm0 =	veq.s32 v0, $0x0;
	v0 =	vadd.s32 $0xFFFFFFFF, v0  }
0x69: {  	vm15 =	veq.s32 v1, $0x0;
	v1 =	vadd.s32 $0xFFFFFFFF, v1;
	v0 =	vsel vm0, $0x1869F, v0  }
0x6a: {  	[tilespmem:$0xA0] =	vst v0;
	v0 =	vsel vm15, $0x1869F, v1  }
0x6b: {  	s23 =	simm.s32 $0xA0;
	s30 =	simm.s32 $0xB400;
	[tilespmem:$0xB0] =	vst v0  }
0x6c: {  	[tilespmem:s30], [sflag:$0x6] =	stream.indirect.gather [hbm4b:s3+s21], $0x80, s23, s21, $0xb8;
	[tilespmem:$0x16400] =	vst v63  }
0x6d: {  	_ =	swait.ge [sflag:s26], $0x1000  }
0x6e: {  	[sflag:s26] =	ssyncset.done $0x0  }
0x6f: {  	s2 =	simm.s32 $0x0;
	[sflag:s26] =	ssyncadd.s32 $0xFFFFF000  }
0x70: {  	v0 =	vld [tilespmem:s2+$0x8430]  }
0x71: {  	v1 =	vld [tilespmem:s2+$0x8400]  }
0x72: {  	v2 =	vld [tilespmem:s2+$0x8410]  }
0x73: {  	s5 =	simm.s32 $0x200;
	v3 =	vld [tilespmem:s2+$0x8420]  }
.LBB2_6:
0x74: {  	p0 =	sne.s32 s5, $0x3E00  }
.Ltmp2:
0x75: {  	s10 =	sshra.s32 s5, $0x2;
	s5 =	sadd.s32 $0x200, s5;
	[tilespmem:s2+$0x10430] =	vst v0;
	(pc) =	sbr.rel @p0 .LBB2_6-.Ltmp2, $4  }
0x76: {  	v0 =	vld [tilespmem:s10+$0x8430];
	[tilespmem:s2+$0x10400] =	vst v1  }
0x77: {  	v1 =	vld [tilespmem:s10+$0x8400];
	[tilespmem:s2+$0x10410] =	vst v2  }
0x78: {  	v2 =	vld [tilespmem:s10+$0x8410];
	[tilespmem:s2+$0x10420] =	vst v3;
	s2 =	smov.u32 s10  }
0x79: {  	v3 =	vld [tilespmem:s2+$0x8420]  }
0x7a: {  	_ = 	snop  }
0x7b: {  	[tilespmem:s2+$0x10430] =	vst v0  }
0x7c: {  	[tilespmem:s2+$0x10400] =	vst v1  }
0x7d: {  	[tilespmem:s2+$0x10410] =	vst v2  }
0x7e: {  	s17 =	simm.s32 $0x0;
	s5 =	rddreg [dreg:$0x5];
	s10 =	simm.s32 $0x10400;
	[tilespmem:s2+$0x10420] =	vst v3  }
0x7f: {  	[hbm4b:s5+s17] =	stream.linear.scatter [tilespmem:s10], [sflag:$0xB], $0x1000, $0x38;
	[tilespmem:$0x16400] =	vst v63  }
0x80: {  	v0 =	vld [tilespmem:$0xC0]  }
0x81: {  	v1 =	vld [tilespmem:$0xD0];
	_ =	sdelay $0x3  }
0x82: {  	vm0 =	veq.s32 v0, $0x0;
	v0 =	vadd.s32 $0xFFFFFFFF, v0  }
0x83: {  	vm15 =	veq.s32 v1, $0x0;
	v1 =	vadd.s32 $0xFFFFFFFF, v1;
	v0 =	vsel vm0, $0x1869F, v0  }
0x84: {  	[tilespmem:$0xC0] =	vst v0;
	v0 =	vsel vm15, $0x1869F, v1  }
0x85: {  	s23 =	simm.s32 $0xC0;
	s30 =	simm.s32 $0xC400;
	[tilespmem:$0xD0] =	vst v0  }
0x86: {  	[tilespmem:s30], [sflag:$0x7] =	stream.indirect.gather [hbm4b:s3+s21], $0x80, s23, s21, $0xb8;
	[tilespmem:$0x16400] =	vst v63  }
0x87: {  	_ =	swait.ge [sflag:s9], $0x1000  }
0x88: {  	[sflag:s9] =	ssyncset.done $0x0  }
0x89: {  	s2 =	simm.s32 $0x0;
	[sflag:s9] =	ssyncadd.s32 $0xFFFFF000  }
0x8a: {  	v0 =	vld [tilespmem:s2+$0x9430]  }
0x8b: {  	v1 =	vld [tilespmem:s2+$0x9400]  }
0x8c: {  	v2 =	vld [tilespmem:s2+$0x9410]  }
0x8d: {  	s5 =	simm.s32 $0x200;
	v3 =	vld [tilespmem:s2+$0x9420]  }
.LBB2_8:
0x8e: {  	p0 =	sne.s32 s5, $0x3E00  }
.Ltmp3:
0x8f: {  	s10 =	sshra.s32 s5, $0x2;
	s5 =	sadd.s32 $0x200, s5;
	[tilespmem:s2+$0x11430] =	vst v0;
	(pc) =	sbr.rel @p0 .LBB2_8-.Ltmp3, $4  }
0x90: {  	v0 =	vld [tilespmem:s10+$0x9430];
	[tilespmem:s2+$0x11400] =	vst v1  }
0x91: {  	v1 =	vld [tilespmem:s10+$0x9400];
	[tilespmem:s2+$0x11410] =	vst v2  }
0x92: {  	v2 =	vld [tilespmem:s10+$0x9410];
	[tilespmem:s2+$0x11420] =	vst v3;
	s2 =	smov.u32 s10  }
0x93: {  	v3 =	vld [tilespmem:s2+$0x9420]  }
0x94: {  	_ = 	snop  }
0x95: {  	[tilespmem:s2+$0x11430] =	vst v0  }
0x96: {  	[tilespmem:s2+$0x11400] =	vst v1  }
0x97: {  	[tilespmem:s2+$0x11410] =	vst v2  }
0x98: {  	s10 =	simm.s32 $0x0;
	s17 =	rddreg [dreg:$0x6];
	s5 =	simm.s32 $0x11400;
	[tilespmem:s2+$0x11420] =	vst v3  }
0x99: {  	[hbm4b:s17+s10] =	stream.linear.scatter [tilespmem:s5], [sflag:$0xC], $0x1000, $0x38;
	[tilespmem:$0x16400] =	vst v63  }
0x9a: {  	v0 =	vld [tilespmem:$0xE0]  }
0x9b: {  	v1 =	vld [tilespmem:$0xF0];
	_ =	sdelay $0x3  }
0x9c: {  	vm0 =	veq.s32 v0, $0x0;
	v0 =	vadd.s32 $0xFFFFFFFF, v0  }
0x9d: {  	vm15 =	veq.s32 v1, $0x0;
	v1 =	vadd.s32 $0xFFFFFFFF, v1;
	v0 =	vsel vm0, $0x1869F, v0  }
0x9e: {  	v63 =	vsel vm15, $0x1869F, v1;
	[tilespmem:$0xE0] =	vst v0  }
0x9f: {  	s23 =	simm.s32 $0xE0;
	s30 =	simm.s32 $0xD400;
	[tilespmem:$0xF0] =	vst v63  }
0xa0: {  	[tilespmem:s30], [sflag:$0x8] =	stream.indirect.gather [hbm4b:s3+s21], $0x80, s23, s21, $0xb8;
	[tilespmem:$0x16400] =	vst v63  }
.LBB2_10:
0xa1: {  	_ =	swait.ge [sflag:s16], $0x1000  }
0xa2: {  	[sflag:s16] =	ssyncset.done $0x0  }
0xa3: {  	s2 =	simm.s32 $0x0;
	[sflag:s16] =	ssyncadd.s32 $0xFFFFF000  }
0xa4: {  	v3 =	vld [tilespmem:s2+$0xA430]  }
0xa5: {  	v1 =	vld [tilespmem:s2+$0xA400]  }
0xa6: {  	v0 =	vld [tilespmem:s2+$0xA410]  }
0xa7: {  	s5 =	simm.s32 $0x200;
	v2 =	vld [tilespmem:s2+$0xA420]  }
.LBB2_11:
0xa8: {  	p0 =	sne.s32 s5, $0x3E00  }
.Ltmp4:
0xa9: {  	s11 =	sshra.s32 s5, $0x2;
	s5 =	sadd.s32 $0x200, s5;
	[tilespmem:s2+$0x12430] =	vst v3;
	(pc) =	sbr.rel @p0 .LBB2_11-.Ltmp4, $4  }
0xaa: {  	v3 =	vld [tilespmem:s11+$0xA430];
	[tilespmem:s2+$0x12400] =	vst v1  }
0xab: {  	v1 =	vld [tilespmem:s11+$0xA400];
	[tilespmem:s2+$0x12410] =	vst v0  }
0xac: {  	v0 =	vld [tilespmem:s11+$0xA410];
	[tilespmem:s2+$0x12420] =	vst v2;
	s2 =	smov.u32 s11  }
0xad: {  	v2 =	vld [tilespmem:s2+$0xA420]  }
0xae: {  	_ = 	snop  }
0xaf: {  	s15 =	sshll.u32 s10, $0x8;
	s5 =	rddreg [dreg:$0x7];
	[tilespmem:s2+$0x12430] =	vst v3  }
0xb0: {  	s5 =	sadd.s32 s15, s5;
	[tilespmem:s2+$0x12400] =	vst v1  }
0xb1: {  	s23 =	sshll.u32 s10, $0x3;
	s5 =	sshll.u32 s5, $0x4;
	[tilespmem:s2+$0x12410] =	vst v0  }
0xb2: {  	s30 =	simm.s32 $0x0;
	s11 =	simm.s32 $0x12400;
	s17 =	sadd.s32 s4, s5;
	[tilespmem:s2+$0x12420] =	vst v2  }
0xb3: {  	[hbm4b:s17+s30] =	stream.linear.scatter [tilespmem:s11], [sflag:$0xD], $0x1000, $0x38;
	[tilespmem:$0x16400] =	vst v63  }
0xb4: {  	s17 =	sadd.s32 $0x8, s23;
	_ =	swait.ge [sflag:s18], $0x1000  }
0xb5: {  	s12 =	sshll.u32 s17, $0x5;
	[sflag:s18] =	ssyncset.done $0x0  }
0xb6: {  	s2 =	sand.u32 $0x3FFFFF00, s12;
	[sflag:s18] =	ssyncadd.s32 $0xFFFFF000  }
0xb7: {  	v0 =	vld [tilespmem:s2+$0x0]  }
0xb8: {  	v1 =	vld [tilespmem:s2+$0x10];
	_ =	sdelay $0x3  }
0xb9: {  	vm0 =	veq.s32 v0, $0x0;
	v0 =	vadd.s32 $0xFFFFFFFF, v0  }
0xba: {  	vm15 =	veq.s32 v1, $0x0;
	v1 =	vadd.s32 $0xFFFFFFFF, v1;
	v0 =	vsel vm0, $0x1869F, v0  }
0xbb: {  	[tilespmem:s2+$0x0] =	vst v0;
	v0 =	vsel vm15, $0x1869F, v1  }
0xbc: {  	s30 =	simm.s32 $0x6400;
	[tilespmem:s2+$0x10] =	vst v0  }
0xbd: {  	[tilespmem:s30], [sflag:$0x1] =	stream.indirect.gather [hbm4b:s3+s21], $0x80, s2, s21, $0xb8;
	[tilespmem:$0x16400] =	vst v63  }
0xbe: {  	_ =	swait.ge [sflag:s19], $0x1000  }
0xbf: {  	[sflag:s19] =	ssyncset.done $0x0  }
0xc0: {  	s2 =	simm.s32 $0x0;
	[sflag:s19] =	ssyncadd.s32 $0xFFFFF000  }
0xc1: {  	v1 =	vld [tilespmem:s2+$0xB430]  }
0xc2: {  	v2 =	vld [tilespmem:s2+$0xB400]  }
0xc3: {  	v0 =	vld [tilespmem:s2+$0xB410]  }
0xc4: {  	s5 =	simm.s32 $0x200;
	v3 =	vld [tilespmem:s2+$0xB420]  }
.LBB2_13:
0xc5: {  	p0 =	sne.s32 s5, $0x3E00  }
.Ltmp5:
0xc6: {  	s11 =	sshra.s32 s5, $0x2;
	s5 =	sadd.s32 $0x200, s5;
	[tilespmem:s2+$0x13430] =	vst v1;
	(pc) =	sbr.rel @p0 .LBB2_13-.Ltmp5, $4  }
0xc7: {  	v1 =	vld [tilespmem:s11+$0xB430];
	[tilespmem:s2+$0x13400] =	vst v2  }
0xc8: {  	v2 =	vld [tilespmem:s11+$0xB400];
	[tilespmem:s2+$0x13410] =	vst v0  }
0xc9: {  	v0 =	vld [tilespmem:s11+$0xB410];
	[tilespmem:s2+$0x13420] =	vst v3;
	s2 =	smov.u32 s11  }
0xca: {  	v3 =	vld [tilespmem:s2+$0xB420]  }
0xcb: {  	_ = 	snop  }
0xcc: {  	s5 =	rddreg [dreg:$0x8];
	[tilespmem:s2+$0x13430] =	vst v1  }
0xcd: {  	s5 =	sadd.s32 s15, s5;
	[tilespmem:s2+$0x13400] =	vst v2  }
0xce: {  	s5 =	sshll.u32 s5, $0x4;
	[tilespmem:s2+$0x13410] =	vst v0  }
0xcf: {  	s12 =	simm.s32 $0x0;
	s11 =	simm.s32 $0x13400;
	s5 =	sadd.s32 s4, s5;
	[tilespmem:s2+$0x13420] =	vst v3  }
0xd0: {  	[hbm4b:s5+s12] =	stream.linear.scatter [tilespmem:s11], [sflag:$0xE], $0x1000, $0x38;
	[tilespmem:$0x16400] =	vst v63  }
0xd1: {  	s2 =	sadd.s32 $0x9, s23;
	_ =	swait.ge [sflag:s20], $0x1000  }
0xd2: {  	s11 =	sshll.u32 s2, $0x5;
	[sflag:s20] =	ssyncset.done $0x0  }
0xd3: {  	s5 =	sand.u32 $0xFF00, s11;
	[sflag:s20] =	ssyncadd.s32 $0xFFFFF000  }
0xd4: {  	v0 =	vld [tilespmem:s5+$0x20]  }
0xd5: {  	v1 =	vld [tilespmem:s5+$0x30];
	_ =	sdelay $0x3  }
0xd6: {  	vm0 =	veq.s32 v0, $0x0;
	v0 =	vadd.s32 $0xFFFFFFFF, v0  }
0xd7: {  	vm15 =	veq.s32 v1, $0x0;
	v1 =	vadd.s32 $0xFFFFFFFF, v1;
	v0 =	vsel vm0, $0x1869F, v0  }
0xd8: {  	[tilespmem:s5+$0x20] =	vst v0;
	v0 =	vsel vm15, $0x1869F, v1  }
0xd9: {  	s12 =	simm.s32 $0x7400;
	s11 =	sor.u32 $0x20, s5;
	[tilespmem:s5+$0x30] =	vst v0  }
0xda: {  	[tilespmem:s12], [sflag:$0x2] =	stream.indirect.gather [hbm4b:s3+s21], $0x80, s11, s21, $0xb8;
	[tilespmem:$0x16400] =	vst v63  }
0xdb: {  	_ =	swait.ge [sflag:s22], $0x1000  }
0xdc: {  	[sflag:s22] =	ssyncset.done $0x0  }
0xdd: {  	s5 =	simm.s32 $0x0;
	[sflag:s22] =	ssyncadd.s32 $0xFFFFF000  }
0xde: {  	v1 =	vld [tilespmem:s5+$0xC430]  }
0xdf: {  	v2 =	vld [tilespmem:s5+$0xC400]  }
0xe0: {  	v0 =	vld [tilespmem:s5+$0xC410]  }
0xe1: {  	s30 =	simm.s32 $0x200;
	v3 =	vld [tilespmem:s5+$0xC420]  }
.LBB2_15:
0xe2: {  	p0 =	sne.s32 s30, $0x3E00  }
.Ltmp6:
0xe3: {  	s11 =	sshra.s32 s30, $0x2;
	s30 =	sadd.s32 $0x200, s30;
	[tilespmem:s5+$0x14430] =	vst v1;
	(pc) =	sbr.rel @p0 .LBB2_15-.Ltmp6, $4  }
0xe4: {  	v1 =	vld [tilespmem:s11+$0xC430];
	[tilespmem:s5+$0x14400] =	vst v2  }
0xe5: {  	v2 =	vld [tilespmem:s11+$0xC400];
	[tilespmem:s5+$0x14410] =	vst v0  }
0xe6: {  	v0 =	vld [tilespmem:s11+$0xC410];
	[tilespmem:s5+$0x14420] =	vst v3;
	s5 =	smov.u32 s11  }
0xe7: {  	v3 =	vld [tilespmem:s5+$0xC420]  }
0xe8: {  	_ = 	snop  }
0xe9: {  	[tilespmem:s5+$0x14430] =	vst v1  }
0xea: {  	s11 =	sadd.s32 s15, s13;
	[tilespmem:s5+$0x14400] =	vst v2  }
0xeb: {  	s11 =	sshll.u32 s11, $0x4;
	[tilespmem:s5+$0x14410] =	vst v0  }
0xec: {  	s12 =	simm.s32 $0x14400;
	[tilespmem:s5+$0x14420] =	vst v3;
	s5 =	sadd.s32 s4, s11;
	s11 =	simm.s32 $0x0  }
0xed: {  	[hbm4b:s5+s11] =	stream.linear.scatter [tilespmem:s12], [sflag:$0xF], $0x1000, $0x38;
	[tilespmem:$0x16400] =	vst v63  }
0xee: {  	s5 =	sadd.s32 $0xA, s23;
	_ =	swait.ge [sflag:s25], $0x1000  }
0xef: {  	s12 =	sshll.u32 s5, $0x5;
	[sflag:s25] =	ssyncset.done $0x0  }
0xf0: {  	s11 =	sand.u32 $0xFF00, s12;
	[sflag:s25] =	ssyncadd.s32 $0xFFFFF000  }
0xf1: {  	v0 =	vld [tilespmem:s11+$0x40]  }
0xf2: {  	v1 =	vld [tilespmem:s11+$0x50];
	_ =	sdelay $0x3  }
0xf3: {  	vm0 =	veq.s32 v0, $0x0;
	v0 =	vadd.s32 $0xFFFFFFFF, v0  }
0xf4: {  	vm15 =	veq.s32 v1, $0x0;
	v1 =	vadd.s32 $0xFFFFFFFF, v1;
	v0 =	vsel vm0, $0x1869F, v0  }
0xf5: {  	[tilespmem:s11+$0x40] =	vst v0;
	v0 =	vsel vm15, $0x1869F, v1  }
0xf6: {  	s12 =	simm.s32 $0x8400;
	s30 =	sor.u32 $0x40, s11;
	[tilespmem:s11+$0x50] =	vst v0  }
0xf7: {  	[tilespmem:s12], [sflag:$0x3] =	stream.indirect.gather [hbm4b:s3+s21], $0x80, s30, s21, $0xb8;
	[tilespmem:$0x16400] =	vst v63  }
0xf8: {  	_ =	swait.ge [sflag:s28], $0x1000  }
0xf9: {  	[sflag:s28] =	ssyncset.done $0x0  }
0xfa: {  	s30 =	simm.s32 $0x0;
	[sflag:s28] =	ssyncadd.s32 $0xFFFFF000  }
0xfb: {  	v1 =	vld [tilespmem:s30+$0xD430]  }
0xfc: {  	v2 =	vld [tilespmem:s30+$0xD400]  }
0xfd: {  	v0 =	vld [tilespmem:s30+$0xD410]  }
0xfe: {  	s11 =	simm.s32 $0x200;
	v3 =	vld [tilespmem:s30+$0xD420]  }
.LBB2_17:
0xff: {  	p0 =	sne.s32 s11, $0x3E00  }
.Ltmp7:
0x100: {  	s12 =	sshra.s32 s11, $0x2;
	s11 =	sadd.s32 $0x200, s11;
	[tilespmem:s30+$0x15430] =	vst v1;
	(pc) =	sbr.rel @p0 .LBB2_17-.Ltmp7, $4  }
0x101: {  	v1 =	vld [tilespmem:s12+$0xD430];
	[tilespmem:s30+$0x15400] =	vst v2  }
0x102: {  	v2 =	vld [tilespmem:s12+$0xD400];
	[tilespmem:s30+$0x15410] =	vst v0  }
0x103: {  	v0 =	vld [tilespmem:s12+$0xD410];
	[tilespmem:s30+$0x15420] =	vst v3;
	s30 =	smov.u32 s12  }
0x104: {  	v3 =	vld [tilespmem:s30+$0xD420]  }
0x105: {  	_ = 	snop  }
0x106: {  	[tilespmem:s30+$0x15430] =	vst v1  }
0x107: {  	s11 =	sadd.s32 s15, s14;
	[tilespmem:s30+$0x15400] =	vst v2  }
0x108: {  	s11 =	sshll.u32 s11, $0x4;
	[tilespmem:s30+$0x15410] =	vst v0  }
0x109: {  	s12 =	simm.s32 $0x0;
	s11 =	sadd.s32 s4, s11;
	[tilespmem:s30+$0x15420] =	vst v3;
	s30 =	simm.s32 $0x15400  }
0x10a: {  	[hbm4b:s11+s12] =	stream.linear.scatter [tilespmem:s30], [sflag:$0x10], $0x1000, $0x38;
	[tilespmem:$0x16400] =	vst v63  }
0x10b: {  	s23 =	sadd.s32 $0xB, s23;
	_ =	swait.ge [sflag:s1], $0x1000  }
0x10c: {  	s12 =	sshll.u32 s23, $0x5;
	[sflag:s1] =	ssyncset.done $0x0  }
0x10d: {  	s11 =	sand.u32 $0xFF00, s12;
	[sflag:s1] =	ssyncadd.s32 $0xFFFFF000  }
0x10e: {  	v0 =	vld [tilespmem:s11+$0x60]  }
0x10f: {  	v1 =	vld [tilespmem:s11+$0x70];
	_ =	sdelay $0x3  }
0x110: {  	vm0 =	veq.s32 v0, $0x0;
	v0 =	vadd.s32 $0xFFFFFFFF, v0  }
0x111: {  	vm15 =	veq.s32 v1, $0x0;
	v1 =	vadd.s32 $0xFFFFFFFF, v1;
	v0 =	vsel vm0, $0x1869F, v0  }
0x112: {  	[tilespmem:s11+$0x60] =	vst v0;
	v0 =	vsel vm15, $0x1869F, v1  }
0x113: {  	s12 =	sor.u32 $0x60, s11;
	[tilespmem:s11+$0x70] =	vst v0;
	s11 =	simm.s32 $0x9400  }
0x114: {  	[tilespmem:s11], [sflag:$0x4] =	stream.indirect.gather [hbm4b:s3+s21], $0x80, s12, s21, $0xb8;
	[tilespmem:$0x16400] =	vst v63  }
0x115: {  	_ =	swait.ge [sflag:s29], $0x1000  }
0x116: {  	[sflag:s29] =	ssyncset.done $0x0  }
0x117: {  	s30 =	simm.s32 $0x0;
	[sflag:s29] =	ssyncadd.s32 $0xFFFFF000  }
0x118: {  	v3 =	vld [tilespmem:s30+$0x6430]  }
0x119: {  	v1 =	vld [tilespmem:s30+$0x6400]  }
0x11a: {  	v0 =	vld [tilespmem:s30+$0x6410]  }
0x11b: {  	s11 =	simm.s32 $0x200;
	v2 =	vld [tilespmem:s30+$0x6420]  }
.LBB2_19:
0x11c: {  	p0 =	sne.s32 s11, $0x3E00  }
.Ltmp8:
0x11d: {  	s12 =	sshra.s32 s11, $0x2;
	s11 =	sadd.s32 $0x200, s11;
	[tilespmem:s30+$0xE430] =	vst v3;
	(pc) =	sbr.rel @p0 .LBB2_19-.Ltmp8, $4  }
0x11e: {  	v3 =	vld [tilespmem:s12+$0x6430];
	[tilespmem:s30+$0xE400] =	vst v1  }
0x11f: {  	v1 =	vld [tilespmem:s12+$0x6400];
	[tilespmem:s30+$0xE410] =	vst v0  }
0x120: {  	v0 =	vld [tilespmem:s12+$0x6410];
	[tilespmem:s30+$0xE420] =	vst v2;
	s30 =	smov.u32 s12  }
0x121: {  	v2 =	vld [tilespmem:s30+$0x6420]  }
0x122: {  	_ = 	snop  }
0x123: {  	s11 =	sshll.u32 s17, $0xC;
	[tilespmem:s30+$0xE430] =	vst v3  }
0x124: {  	s11 =	sadd.s32 s6, s11;
	[tilespmem:s30+$0xE400] =	vst v1  }
0x125: {  	s11 =	sshrl.u32 s11, $0x3;
	[tilespmem:s30+$0xE410] =	vst v0  }
0x126: {  	s12 =	simm.s32 $0x0;
	s11 =	sadd.s32 s4, s11;
	[tilespmem:s30+$0xE420] =	vst v2;
	s30 =	simm.s32 $0xE400  }
0x127: {  	[hbm4b:s11+s12] =	stream.linear.scatter [tilespmem:s30], [sflag:$0x9], $0x1000, $0x38;
	[tilespmem:$0x16400] =	vst v63  }
0x128: {  	_ =	swait.ge [sflag:s24], $0x1000  }
0x129: {  	[sflag:s24] =	ssyncset.done $0x0  }
0x12a: {  	[sflag:s24] =	ssyncadd.s32 $0xFFFFF000  }
0x12b: {  	v0 =	vld [tilespmem:s15+$0x180]  }
0x12c: {  	v1 =	vld [tilespmem:s15+$0x190];
	_ =	sdelay $0x3  }
0x12d: {  	vm0 =	veq.s32 v0, $0x0;
	v0 =	vadd.s32 $0xFFFFFFFF, v0  }
0x12e: {  	vm15 =	veq.s32 v1, $0x0;
	v1 =	vadd.s32 $0xFFFFFFFF, v1;
	v0 =	vsel vm0, $0x1869F, v0  }
0x12f: {  	[tilespmem:s15+$0x180] =	vst v0;
	v0 =	vsel vm15, $0x1869F, v1  }
0x130: {  	s17 =	sadd.s32 $0x180, s15;
	s30 =	simm.s32 $0xA400;
	[tilespmem:s15+$0x190] =	vst v0  }
0x131: {  	[tilespmem:s30], [sflag:$0x5] =	stream.indirect.gather [hbm4b:s3+s21], $0x80, s17, s21, $0xb8;
	[tilespmem:$0x16400] =	vst v63  }
0x132: {  	_ =	swait.ge [sflag:s0], $0x1000  }
0x133: {  	[sflag:s0] =	ssyncset.done $0x0  }
0x134: {  	s17 =	simm.s32 $0x0;
	[sflag:s0] =	ssyncadd.s32 $0xFFFFF000  }
0x135: {  	v3 =	vld [tilespmem:s17+$0x7430]  }
0x136: {  	v1 =	vld [tilespmem:s17+$0x7400]  }
0x137: {  	v0 =	vld [tilespmem:s17+$0x7410]  }
0x138: {  	s11 =	simm.s32 $0x200;
	v2 =	vld [tilespmem:s17+$0x7420]  }
.LBB2_21:
0x139: {  	p0 =	sne.s32 s11, $0x3E00  }
.Ltmp9:
0x13a: {  	s12 =	sshra.s32 s11, $0x2;
	s11 =	sadd.s32 $0x200, s11;
	[tilespmem:s17+$0xF430] =	vst v3;
	(pc) =	sbr.rel @p0 .LBB2_21-.Ltmp9, $4  }
0x13b: {  	v3 =	vld [tilespmem:s12+$0x7430];
	[tilespmem:s17+$0xF400] =	vst v1  }
0x13c: {  	v1 =	vld [tilespmem:s12+$0x7400];
	[tilespmem:s17+$0xF410] =	vst v0  }
0x13d: {  	v0 =	vld [tilespmem:s12+$0x7410];
	[tilespmem:s17+$0xF420] =	vst v2;
	s17 =	smov.u32 s12  }
0x13e: {  	v2 =	vld [tilespmem:s17+$0x7420]  }
0x13f: {  	_ = 	snop  }
0x140: {  	s2 =	sshll.u32 s2, $0xC;
	[tilespmem:s17+$0xF430] =	vst v3  }
0x141: {  	s2 =	sadd.s32 s6, s2;
	[tilespmem:s17+$0xF400] =	vst v1  }
0x142: {  	s2 =	sshrl.u32 s2, $0x3;
	[tilespmem:s17+$0xF410] =	vst v0  }
0x143: {  	s11 =	simm.s32 $0x0;
	s12 =	simm.s32 $0xF400;
	s2 =	sadd.s32 s4, s2;
	[tilespmem:s17+$0xF420] =	vst v2  }
0x144: {  	[hbm4b:s2+s11] =	stream.linear.scatter [tilespmem:s12], [sflag:$0xA], $0x1000, $0x38;
	[tilespmem:$0x16400] =	vst v63  }
0x145: {  	_ =	swait.ge [sflag:s31], $0x1000  }
0x146: {  	[sflag:s31] =	ssyncset.done $0x0  }
0x147: {  	[sflag:s31] =	ssyncadd.s32 $0xFFFFF000  }
0x148: {  	v0 =	vld [tilespmem:s15+$0x1A0]  }
0x149: {  	v1 =	vld [tilespmem:s15+$0x1B0];
	_ =	sdelay $0x3  }
0x14a: {  	vm0 =	veq.s32 v0, $0x0;
	v0 =	vadd.s32 $0xFFFFFFFF, v0  }
0x14b: {  	vm15 =	veq.s32 v1, $0x0;
	v1 =	vadd.s32 $0xFFFFFFFF, v1;
	v0 =	vsel vm0, $0x1869F, v0  }
0x14c: {  	[tilespmem:s15+$0x1A0] =	vst v0;
	v0 =	vsel vm15, $0x1869F, v1  }
0x14d: {  	s30 =	simm.s32 $0xB400;
	s17 =	sadd.s32 $0x1A0, s15;
	[tilespmem:s15+$0x1B0] =	vst v0  }
0x14e: {  	[tilespmem:s30], [sflag:$0x6] =	stream.indirect.gather [hbm4b:s3+s21], $0x80, s17, s21, $0xb8;
	[tilespmem:$0x16400] =	vst v63  }
0x14f: {  	_ =	swait.ge [sflag:s26], $0x1000  }
0x150: {  	[sflag:s26] =	ssyncset.done $0x0  }
0x151: {  	s2 =	simm.s32 $0x0;
	[sflag:s26] =	ssyncadd.s32 $0xFFFFF000  }
0x152: {  	v3 =	vld [tilespmem:s2+$0x8430]  }
0x153: {  	v1 =	vld [tilespmem:s2+$0x8400]  }
0x154: {  	v0 =	vld [tilespmem:s2+$0x8410]  }
0x155: {  	s11 =	simm.s32 $0x200;
	v2 =	vld [tilespmem:s2+$0x8420]  }
.LBB2_23:
0x156: {  	p0 =	sne.s32 s11, $0x3E00  }
.Ltmp10:
0x157: {  	s12 =	sshra.s32 s11, $0x2;
	s11 =	sadd.s32 $0x200, s11;
	[tilespmem:s2+$0x10430] =	vst v3;
	(pc) =	sbr.rel @p0 .LBB2_23-.Ltmp10, $4  }
0x158: {  	v3 =	vld [tilespmem:s12+$0x8430];
	[tilespmem:s2+$0x10400] =	vst v1  }
0x159: {  	v1 =	vld [tilespmem:s12+$0x8400];
	[tilespmem:s2+$0x10410] =	vst v0  }
0x15a: {  	v0 =	vld [tilespmem:s12+$0x8410];
	[tilespmem:s2+$0x10420] =	vst v2;
	s2 =	smov.u32 s12  }
0x15b: {  	v2 =	vld [tilespmem:s2+$0x8420]  }
0x15c: {  	_ = 	snop  }
0x15d: {  	s5 =	sshll.u32 s5, $0xC;
	[tilespmem:s2+$0x10430] =	vst v3  }
0x15e: {  	s5 =	sadd.s32 s6, s5;
	[tilespmem:s2+$0x10400] =	vst v1  }
0x15f: {  	s5 =	sshrl.u32 s5, $0x3;
	[tilespmem:s2+$0x10410] =	vst v0  }
0x160: {  	s12 =	simm.s32 $0x0;
	s11 =	simm.s32 $0x10400;
	s5 =	sadd.s32 s4, s5;
	[tilespmem:s2+$0x10420] =	vst v2  }
0x161: {  	[hbm4b:s5+s12] =	stream.linear.scatter [tilespmem:s11], [sflag:$0xB], $0x1000, $0x38;
	[tilespmem:$0x16400] =	vst v63  }
0x162: {  	_ =	swait.ge [sflag:s7], $0x1000  }
0x163: {  	[sflag:s7] =	ssyncset.done $0x0  }
0x164: {  	[sflag:s7] =	ssyncadd.s32 $0xFFFFF000  }
0x165: {  	v0 =	vld [tilespmem:s15+$0x1C0]  }
0x166: {  	v1 =	vld [tilespmem:s15+$0x1D0];
	_ =	sdelay $0x3  }
0x167: {  	vm0 =	veq.s32 v0, $0x0;
	v0 =	vadd.s32 $0xFFFFFFFF, v0  }
0x168: {  	vm15 =	veq.s32 v1, $0x0;
	v1 =	vadd.s32 $0xFFFFFFFF, v1;
	v0 =	vsel vm0, $0x1869F, v0  }
0x169: {  	[tilespmem:s15+$0x1C0] =	vst v0;
	v0 =	vsel vm15, $0x1869F, v1  }
0x16a: {  	s17 =	sadd.s32 $0x1C0, s15;
	s30 =	simm.s32 $0xC400;
	[tilespmem:s15+$0x1D0] =	vst v0  }
0x16b: {  	[tilespmem:s30], [sflag:$0x7] =	stream.indirect.gather [hbm4b:s3+s21], $0x80, s17, s21, $0xb8;
	[tilespmem:$0x16400] =	vst v63  }
0x16c: {  	_ =	swait.ge [sflag:s9], $0x1000  }
0x16d: {  	[sflag:s9] =	ssyncset.done $0x0  }
0x16e: {  	s2 =	simm.s32 $0x0;
	[sflag:s9] =	ssyncadd.s32 $0xFFFFF000  }
0x16f: {  	v3 =	vld [tilespmem:s2+$0x9430]  }
0x170: {  	v1 =	vld [tilespmem:s2+$0x9400]  }
0x171: {  	v0 =	vld [tilespmem:s2+$0x9410]  }
0x172: {  	s5 =	simm.s32 $0x200;
	v2 =	vld [tilespmem:s2+$0x9420]  }
.LBB2_25:
0x173: {  	p0 =	sne.s32 s5, $0x3E00  }
.Ltmp11:
0x174: {  	s11 =	sshra.s32 s5, $0x2;
	s5 =	sadd.s32 $0x200, s5;
	[tilespmem:s2+$0x11430] =	vst v3;
	(pc) =	sbr.rel @p0 .LBB2_25-.Ltmp11, $4  }
0x175: {  	v3 =	vld [tilespmem:s11+$0x9430];
	[tilespmem:s2+$0x11400] =	vst v1  }
0x176: {  	v1 =	vld [tilespmem:s11+$0x9400];
	[tilespmem:s2+$0x11410] =	vst v0  }
0x177: {  	v0 =	vld [tilespmem:s11+$0x9410];
	[tilespmem:s2+$0x11420] =	vst v2;
	s2 =	smov.u32 s11  }
0x178: {  	v2 =	vld [tilespmem:s2+$0x9420]  }
0x179: {  	_ = 	snop  }
0x17a: {  	s5 =	sshll.u32 s23, $0xC;
	[tilespmem:s2+$0x11430] =	vst v3  }
0x17b: {  	s5 =	sadd.s32 s6, s5;
	[tilespmem:s2+$0x11400] =	vst v1  }
0x17c: {  	s5 =	sshrl.u32 s5, $0x3;
	[tilespmem:s2+$0x11410] =	vst v0  }
0x17d: {  	s11 =	simm.s32 $0x0;
	s17 =	simm.s32 $0x11400;
	s12 =	sadd.s32 s4, s5;
	[tilespmem:s2+$0x11420] =	vst v2  }
0x17e: {  	[hbm4b:s12+s11] =	stream.linear.scatter [tilespmem:s17], [sflag:$0xC], $0x1000, $0x38;
	[tilespmem:$0x16400] =	vst v63  }
0x17f: {  	_ =	swait.ge [sflag:s8], $0x1000  }
0x180: {  	[sflag:s8] =	ssyncset.done $0x0  }
0x181: {  	[sflag:s8] =	ssyncadd.s32 $0xFFFFF000  }
0x182: {  	v61 =	vld [tilespmem:s15+$0x1E0]  }
0x183: {  	v62 =	vld [tilespmem:s15+$0x1F0];
	_ =	sdelay $0x1  }
0x184: {  	s10 =	sadd.s32 $0x1, s10  }
0x185: {  	p0 =	sne.s32 s10, $0x63  }
.Ltmp12:
0x186: {  	vm0 =	veq.s32 v61, $0x0;
	v0 =	vadd.s32 $0xFFFFFFFF, v61;
	(pc) =	sbr.rel @p0 .LBB2_10-.Ltmp12, $4  }
0x187: {  	vm15 =	veq.s32 v62, $0x0;
	v1 =	vadd.s32 $0xFFFFFFFF, v62;
	v0 =	vsel vm0, $0x1869F, v0  }
0x188: {  	v63 =	vsel vm15, $0x1869F, v1;
	[tilespmem:s15+$0x1E0] =	vst v0  }
0x189: {  	s23 =	sadd.s32 $0x1E0, s15;
	s30 =	simm.s32 $0xD400;
	[tilespmem:s15+$0x1F0] =	vst v63  }
0x18a: {  	[tilespmem:s30], [sflag:$0x8] =	stream.indirect.gather [hbm4b:s3+s21], $0x80, s23, s21, $0xb8;
	[tilespmem:$0x16400] =	vst v63  }
0x18b: {  	_ =	swait.ge [sflag:s16], $0x1000  }
0x18c: {  	[sflag:s16] =	ssyncset.done $0x0  }
0x18d: {  	s2 =	simm.s32 $0x0;
	[sflag:s16] =	ssyncadd.s32 $0xFFFFF000  }
0x18e: {  	v0 =	vld [tilespmem:s2+$0xA430]  }
0x18f: {  	v1 =	vld [tilespmem:s2+$0xA400]  }
0x190: {  	v2 =	vld [tilespmem:s2+$0xA410]  }
0x191: {  	s5 =	simm.s32 $0x200;
	v3 =	vld [tilespmem:s2+$0xA420]  }
.LBB2_28:
0x192: {  	p0 =	sne.s32 s5, $0x3E00  }
.Ltmp13:
0x193: {  	s10 =	sshra.s32 s5, $0x2;
	s5 =	sadd.s32 $0x200, s5;
	[tilespmem:s2+$0x12430] =	vst v0;
	(pc) =	sbr.rel @p0 .LBB2_28-.Ltmp13, $4  }
0x194: {  	v0 =	vld [tilespmem:s10+$0xA430];
	[tilespmem:s2+$0x12400] =	vst v1  }
0x195: {  	v1 =	vld [tilespmem:s10+$0xA400];
	[tilespmem:s2+$0x12410] =	vst v2  }
0x196: {  	v2 =	vld [tilespmem:s10+$0xA410];
	[tilespmem:s2+$0x12420] =	vst v3;
	s2 =	smov.u32 s10  }
0x197: {  	v3 =	vld [tilespmem:s2+$0xA420]  }
0x198: {  	_ = 	snop  }
0x199: {  	[tilespmem:s2+$0x12430] =	vst v0  }
0x19a: {  	[tilespmem:s2+$0x12400] =	vst v1  }
0x19b: {  	[tilespmem:s2+$0x12410] =	vst v2  }
0x19c: {  	s30 =	simm.s32 $0x0;
	s5 =	rddreg [dreg:$0x9];
	s10 =	simm.s32 $0x12400;
	[tilespmem:s2+$0x12420] =	vst v3  }
0x19d: {  	[hbm4b:s5+s30] =	stream.linear.scatter [tilespmem:s10], [sflag:$0xD], $0x1000, $0x38;
	[tilespmem:$0x16400] =	vst v63  }
0x19e: {  	_ =	swait.ge [sflag:s19], $0x1000  }
0x19f: {  	[sflag:s19] =	ssyncset.done $0x0  }
0x1a0: {  	s2 =	simm.s32 $0x0;
	[sflag:s19] =	ssyncadd.s32 $0xFFFFF000  }
0x1a1: {  	v0 =	vld [tilespmem:s2+$0xB430]  }
0x1a2: {  	v1 =	vld [tilespmem:s2+$0xB400]  }
0x1a3: {  	v2 =	vld [tilespmem:s2+$0xB410]  }
0x1a4: {  	s5 =	simm.s32 $0x200;
	v3 =	vld [tilespmem:s2+$0xB420]  }
.LBB2_30:
0x1a5: {  	p0 =	sne.s32 s5, $0x3E00  }
.Ltmp14:
0x1a6: {  	s10 =	sshra.s32 s5, $0x2;
	s5 =	sadd.s32 $0x200, s5;
	[tilespmem:s2+$0x13430] =	vst v0;
	(pc) =	sbr.rel @p0 .LBB2_30-.Ltmp14, $4  }
0x1a7: {  	v0 =	vld [tilespmem:s10+$0xB430];
	[tilespmem:s2+$0x13400] =	vst v1  }
0x1a8: {  	v1 =	vld [tilespmem:s10+$0xB400];
	[tilespmem:s2+$0x13410] =	vst v2  }
0x1a9: {  	v2 =	vld [tilespmem:s10+$0xB410];
	[tilespmem:s2+$0x13420] =	vst v3;
	s2 =	smov.u32 s10  }
0x1aa: {  	v3 =	vld [tilespmem:s2+$0xB420]  }
0x1ab: {  	_ = 	snop  }
0x1ac: {  	[tilespmem:s2+$0x13430] =	vst v0  }
0x1ad: {  	[tilespmem:s2+$0x13400] =	vst v1  }
0x1ae: {  	[tilespmem:s2+$0x13410] =	vst v2  }
0x1af: {  	s30 =	simm.s32 $0x0;
	s5 =	rddreg [dreg:$0xa];
	s10 =	simm.s32 $0x13400;
	[tilespmem:s2+$0x13420] =	vst v3  }
0x1b0: {  	[hbm4b:s5+s30] =	stream.linear.scatter [tilespmem:s10], [sflag:$0xE], $0x1000, $0x38;
	[tilespmem:$0x16400] =	vst v63  }
0x1b1: {  	_ =	swait.ge [sflag:s22], $0x1000  }
0x1b2: {  	[sflag:s22] =	ssyncset.done $0x0  }
0x1b3: {  	s2 =	simm.s32 $0x0;
	[sflag:s22] =	ssyncadd.s32 $0xFFFFF000  }
0x1b4: {  	v0 =	vld [tilespmem:s2+$0xC430]  }
0x1b5: {  	v1 =	vld [tilespmem:s2+$0xC400]  }
0x1b6: {  	v2 =	vld [tilespmem:s2+$0xC410]  }
0x1b7: {  	s5 =	simm.s32 $0x200;
	v3 =	vld [tilespmem:s2+$0xC420]  }
.LBB2_32:
0x1b8: {  	p0 =	sne.s32 s5, $0x3E00  }
.Ltmp15:
0x1b9: {  	s10 =	sshra.s32 s5, $0x2;
	s5 =	sadd.s32 $0x200, s5;
	[tilespmem:s2+$0x14430] =	vst v0;
	(pc) =	sbr.rel @p0 .LBB2_32-.Ltmp15, $4  }
0x1ba: {  	v0 =	vld [tilespmem:s10+$0xC430];
	[tilespmem:s2+$0x14400] =	vst v1  }
0x1bb: {  	v1 =	vld [tilespmem:s10+$0xC400];
	[tilespmem:s2+$0x14410] =	vst v2  }
0x1bc: {  	v2 =	vld [tilespmem:s10+$0xC410];
	[tilespmem:s2+$0x14420] =	vst v3;
	s2 =	smov.u32 s10  }
0x1bd: {  	v3 =	vld [tilespmem:s2+$0xC420]  }
0x1be: {  	_ = 	snop  }
0x1bf: {  	[tilespmem:s2+$0x14430] =	vst v0  }
0x1c0: {  	[tilespmem:s2+$0x14400] =	vst v1  }
0x1c1: {  	[tilespmem:s2+$0x14410] =	vst v2  }
0x1c2: {  	s30 =	simm.s32 $0x0;
	s5 =	rddreg [dreg:$0xb];
	s10 =	simm.s32 $0x14400;
	[tilespmem:s2+$0x14420] =	vst v3  }
0x1c3: {  	[hbm4b:s5+s30] =	stream.linear.scatter [tilespmem:s10], [sflag:$0xF], $0x1000, $0x38;
	[tilespmem:$0x16400] =	vst v63  }
0x1c4: {  	_ =	swait.ge [sflag:s28], $0x1000  }
0x1c5: {  	[sflag:s28] =	ssyncset.done $0x0  }
0x1c6: {  	s2 =	simm.s32 $0x0;
	[sflag:s28] =	ssyncadd.s32 $0xFFFFF000  }
0x1c7: {  	v0 =	vld [tilespmem:s2+$0xD430]  }
0x1c8: {  	v1 =	vld [tilespmem:s2+$0xD400]  }
0x1c9: {  	v2 =	vld [tilespmem:s2+$0xD410]  }
0x1ca: {  	s5 =	simm.s32 $0x200;
	v3 =	vld [tilespmem:s2+$0xD420]  }
.LBB2_34:
0x1cb: {  	p0 =	sne.s32 s5, $0x3E00  }
.Ltmp16:
0x1cc: {  	s10 =	sshra.s32 s5, $0x2;
	s5 =	sadd.s32 $0x200, s5;
	[tilespmem:s2+$0x15430] =	vst v0;
	(pc) =	sbr.rel @p0 .LBB2_34-.Ltmp16, $4  }
0x1cd: {  	v0 =	vld [tilespmem:s10+$0xD430];
	[tilespmem:s2+$0x15400] =	vst v1  }
0x1ce: {  	v1 =	vld [tilespmem:s10+$0xD400];
	[tilespmem:s2+$0x15410] =	vst v2  }
0x1cf: {  	v2 =	vld [tilespmem:s10+$0xD410];
	[tilespmem:s2+$0x15420] =	vst v3;
	s2 =	smov.u32 s10  }
0x1d0: {  	v3 =	vld [tilespmem:s2+$0xD420]  }
0x1d1: {  	_ = 	snop  }
0x1d2: {  	[tilespmem:s2+$0x15430] =	vst v0  }
0x1d3: {  	[tilespmem:s2+$0x15400] =	vst v1  }
0x1d4: {  	[tilespmem:s2+$0x15410] =	vst v2  }
0x1d5: {  	s17 =	rddreg [dreg:$0xc];
	s5 =	simm.s32 $0x15400;
	[tilespmem:s2+$0x15420] =	vst v3  }
0x1d6: {  	[hbm4b:s17+s11] =	stream.linear.scatter [tilespmem:s5], [sflag:$0x10], $0x1000, $0x38;
	[tilespmem:$0x16400] =	vst v63  }
0x1d7: {  	_ =	swait.ge [sflag:s18], $0x1000  }
0x1d8: {  	[sflag:s18] =	ssyncset.done $0x0  }
0x1d9: {  	[sflag:s18] =	ssyncadd.s32 $0xFFFFF000  }
0x1da: {  	_ =	swait.ge [sflag:s20], $0x1000  }
0x1db: {  	[sflag:s20] =	ssyncset.done $0x0  }
0x1dc: {  	[sflag:s20] =	ssyncadd.s32 $0xFFFFF000  }
0x1dd: {  	_ =	swait.ge [sflag:s25], $0x1000  }
0x1de: {  	[sflag:s25] =	ssyncset.done $0x0  }
0x1df: {  	[sflag:s25] =	ssyncadd.s32 $0xFFFFF000  }
0x1e0: {  	_ =	swait.ge [sflag:s1], $0x1000  }
0x1e1: {  	[sflag:s1] =	ssyncset.done $0x0  }
0x1e2: {  	[sflag:s1] =	ssyncadd.s32 $0xFFFFF000  }
0x1e3: {  	_ =	swait.ge [sflag:s24], $0x1000  }
0x1e4: {  	[sflag:s24] =	ssyncset.done $0x0  }
0x1e5: {  	[sflag:s24] =	ssyncadd.s32 $0xFFFFF000  }
0x1e6: {  	_ =	swait.ge [sflag:s31], $0x1000  }
0x1e7: {  	[sflag:s31] =	ssyncset.done $0x0  }
0x1e8: {  	[sflag:s31] =	ssyncadd.s32 $0xFFFFF000  }
0x1e9: {  	_ =	swait.ge [sflag:s7], $0x1000  }
0x1ea: {  	[sflag:s7] =	ssyncset.done $0x0  }
0x1eb: {  	[sflag:s7] =	ssyncadd.s32 $0xFFFFF000  }
0x1ec: {  	_ =	swait.ge [sflag:s8], $0x1000  }
0x1ed: {  	s23 =	rddreg [dreg:$0xe]  }
0x1ee: {  	s30 =	rddreg [dreg:$0xd];
	s5 =	sadd.s32 $0x1, s23  }
0x1ef: {  	p0 =	sne.s32 s5, s30  }
.Ltmp17:
0x1f0: {  	_ = 	snop;
	(pc) =	sbr.rel @p0 .LBB2_1-.Ltmp17, $3  }
0x1f1: {  	_ =	sdelay $0x1  }
0x1f2: {  	[sflag:s8] =	ssyncset.done $0x0  }
0x1f3: {  	[sflag:s8] =	ssyncadd.s32 $0xFFFFF000  }
0x1f4: {  	_ =	sfence.sel $0x180000  }
0x1f5: {  	[bflag:$0x0] =	sbarrier.arrive $0xFFFF  }
0x1f6: {  	_ =	strace $0x90000047  }
0x1f7: {  	s0 =	stileid.u32;
	[bflag:$0x2] =	sbarrier.arrive $0xFFFF  }
0x1f8: {  	p0 =	sne.s32 s0, $0x0;
	s0 =	rddreg [dreg:$0x1]  }
0x1f9: {  	s0 =	sadd.s32 @!p0 $0x100000, s0  }
0x1fa: {  	[sflag:s0] =	ssyncadd.tile.s32 @!p0 $0x1;
	_ =	shalt  }
.Lfunc_end2:
_tile_overlayer_lowered:
.L_overlay_start_2:
0x1fb: {  	(tag) =	ssettag $0x2  }
0x1fc: {  	s0 =	rddreg [dreg:$0x0];
	s2 =	stileid.u32  }
0x1fd: {  	s1 =	rddreg [dreg:$0x1];
	p0 =	sne.s32 s2, $0x0  }
0x1fe: {  	s3 =	rddreg [dreg:$0x2];
	[bflag:$0x3] =	sbarrier.arrive $0xFFFF;
	s2 =	simm.s32 @!p0 $0x1C11  }
0x1ff: {  	[timem:s3], [sflag:s2] =	dma.local @!p0 [hbm:s0], s1  }
0x200: {  	s0 =	simm.s32 @!p0 $0x11  }
0x201: {  	_ =	swait.ge @!p0 [sflag:s0], s1  }
0x202: {  	s1 =	ssub.s32 @!p0 $0x0, s1;
	[sflag:s0] =	ssyncset.done @!p0 $0x0  }
0x203: {  	[sflag:s0] =	ssyncadd.s32 @!p0 s1  }
0x204: {  	[bflag:$0x3] =	sbarrier.arrive $0xFFFF  }
0x205: {  	_ =	shalt  }

// kernel: sparse-core-data-format-call.cloned.1.call-start
scs
called_computation_lowered:
.L_overlay_start_0:
0x0: {  	s2 =	sld [smem:$0x3FD9]  }
0x1: {  	s3 =	sld [smem:$0x3FFE];
	_ =	sdelay $0x1  }
0x2: {  	s1 =	srdreg.scid  }
0x3: {  	s0 =	sand.u32 $0x1, s1  }
0x4: {  	s18 =	sshll.u32 s0, $0xA;
	s2 =	sadd.s32 s3, s2  }
0x5: {  	s2 =	sadd.s32 s2, s18  }
0x6: {  	[smem:$0x3FC6] =	sst s2  }
0x7: {  	_ = 	snop  }
0x8: {  	s2 =	sld [smem:$0x3FD0];
	(tm) =	ssettm $0x1  }
0x9: {  	s19 =	sld [smem:$0x3FFB];
	_ =	sdelay $0x3  }
0xa: {  	_ =	strace s19  }
0xb: {  	s3 =	sld [smem:$0x3FFC];
	_ =	sdelay $0x3  }
0xc: {  	_ =	strace s3  }
0xd: {  	s3 =	sld [smem:$0x3FFD];
	_ =	sdelay $0x3  }
0xe: {  	_ =	strace s3  }
0xf: {  	_ =	strace $0x8FFFFFFF  }
0x10: {  	s20 =	sld [smem:$0x3FDB];
	_ =	sdelay $0x1  }
0x11: {  	s4 =	simm.s32 $_scs_section_size  }
0x12: {  	s5 =	simm.s32 $_size__tile_overlayer_lowered;
	s6 =	simm.s32 $_tile_overlayer_lowered  }
0x13: {  	s23 =	simm.s32 $0x1BFF;
	s22 =	sshll.u32 s6, $0x1;
	s3 =	sadd.s32 s4, s20  }
0x14: {  	s7 =	simm.s32 $0x0;
	s21 =	sshll.u32 s5, $0x1;
	s5 =	sadd.s32 s22, s3  }
0x15: {  	[timem:s7], [sflag:s23] =	dma.local [hbm:s5], s21  }
0x16: {  	_ =	swait.ge [sflag:s23], s21  }
0x17: {  	s4 =	ssub.s32 $0x0, s21;
	[sflag:s23] =	ssyncset.done $0x0  }
0x18: {  	[sflag:s23] =	ssyncadd.s32 s4;
	_ =	sdelay $0x1  }
0x19: {  	s24 =	simm.s32 $0x1B8B  }
0x1a: {  	_ =	swait.ge [sflag:s24], $0x1  }
0x1b: {  	[sflag:s24] =	ssyncset.done $0x0  }
0x1c: {  	s26 =	simm.s32 $0x1B8E;
	s25 =	sld [smem:$0x3FFE];
	[sflag:s24] =	ssyncadd.s32 $0xFFFFFFFF  }
0x1d: {  	s27 =	simm.s32 $execute0_lowered;
	[smem:$0x3FD2] =	sst s26  }
0x1e: {  	s5 =	sshll.u32 s27, $0x1;
	_ =	strace $0x80000049;
	[dreg:$0x1] =	wrdreg $0xFFFFFFFF  }
0x1f: {  	s28 =	simm.s32 $_size_execute0_lowered;
	s3 =	sadd.s32 s3, s5;
	[dreg:$0x0] =	wrdreg $0x0  }
0x20: {  	s5 =	sshll.u32 s28, $0x1;
	[dreg:$0x2] =	wrdreg s3  }
0x21: {  	[dreg:$0x3] =	wrdreg s5  }
0x22: {  	[dreg:$0x4] =	wrdreg $0xC0  }
0x23: {  	_ =	task [dreg:s7], $0x5FFFF  }
0x24: {  	[dreg:$0x1] =	wrdreg $0xFFFFFFFF  }
0x25: {  	[dreg:$0x0] =	wrdreg $0x60  }
0x26: {  	[dreg:$0x2] =	wrdreg s25  }
0x27: {  	[dreg:$0x3] =	wrdreg s2  }
0x28: {  	[dreg:$0x4] =	wrdreg $0x9  }
0x29: {  	_ =	task.clear_ibuf [dreg:s7], $0x5FFFF;
	_ =	strace $0x90000049  }
0x2a: {  	s29 =	simm.s32 $0x9;
	_ =	strace $0x8000004B  }
0x2b: {  	_ =	swait.ge [sflag:s29], $0x1  }
0x2c: {  	[sflag:s29] =	ssyncadd.s32 $0xFFFFFFFF  }
0x2d: {  	_ =	strace $0x9000004B  }
0x2e: {  	_ =	sfence  }
0x2f: {  	s30 =	sld [smem:$0x0];
	_ =	sdelay $0x2  }
0x30: {  	s31 =	sshll.u32 s1, $0xD;
	s1 =	sshrl.u32 s1, $0x2  }
0x31: {  	s3 =	sand.u32 $0x4000, s31;
	s1 =	sadd.s32 s1, s30  }
0x32: {  	s0 =	sor.u32 s3, s0;
	s1 =	sshll.u32 s1, $0x11  }
0x33: {  	s0 =	sor.u32 s1, s0  }
0x34: {  	s0 =	sadd.s32 $0x8F2B, s0  }
0x35: {  	[sflag:s0] =	ssyncadd.remote.s32 $0x1  }
0x36: {  	_ =	sfence.sel $0xFFFF  }
0x37: {  	[dreg:$0x0] =	wrdreg $0xFFFFFFFF;
	(pc) =	sbr.abs _section_cstart, $3  }
0x38: {  	[dreg:$0x1] =	wrdreg $0xFFFFFFFF  }
0x39: {  	_ =	task.clear_ibuf [dreg:s7], $0x2FFFF;
	_ =	strace $0x9FFFFFFF  }
0x3a: {  	(tm) =	ssettm $0x7FFFFFFF  }
0x3b: {  	_ =	shalt  }
tec
execute0_lowered:
.L_overlay_start_1:
0x0: {  	(tag) =	ssettag $0x1  }
0x1: {  	s0 =	srdreg.scid  }
0x2: {  	s1 =	sshll.u32 s0, $0x4  }
0x3: {  	s0 =	stileid.u32;
	s1 =	sand.u32 $0x10, s1  }
0x4: {  	s1 =	sor.u32 s0, s1  }
0x5: {  	s6 =	rddreg [dreg:$0x0];
	s4 =	simm.s32 $0x1;
	s2 =	sshll.u32 s1, $0x7  }
0x6: {  	s7 =	simm.s32 $0x2;
	s12 =	simm.s32 $0x0;
	s1 =	ssub.s32 $0x1000, s2  }
0x7: {  	s8 =	simm.s32 $0x8000;
	s13 =	simm.s32 $0x0;
	s3 =	sand.u32 $0xF80, s1  }
0x8: {  	s9 =	simm.s32 $0x0;
	s5 =	sshrl.u32 s1, $0xC;
	p0 =	sne.s32 s3, $0x0  }
.Ltmp0:
0x9: {  	s1 =	rddreg [dreg:$0x2];
	s4 =	simm.s32 @!p0 $0x0;
	(pc) =	sbr.rel .LBB1_1-.Ltmp0, $4  }
0xa: {  	s11 =	simm.s32 $0x0;
	s3 =	rddreg [dreg:$0x1];
	s5 =	sadd.s32 s4, s5  }
0xb: {  	_ =	strace $0x8000004A;
	s4 =	simm.s32 $0x1;
	s5 =	smul.u32 $0xC8, s5  }
0xc: {  	s6 =	sadd.s32 $0x1A0200, s6;
	s10 =	smov.u32 s2;
	[sflag:s4] =	ssyncpa.u1 $0x0  }
0xd: {  	p0 =	por $0x0, $0x0;
	[sflag:s7] =	ssyncpa.u1 $0x0;
	s7 =	sor.u32 $0x1, s5  }
.LBB1_4:
0xe: {  	s16 =	sshll.u32 s13, $0x3;
	s17 =	sand.u32 $0x78, s13  }
0xf: {  	s30 =	sand.u32 $0x7E00, s13;
	s12 =	sshll.u32 s12, $0xF;
	s16 =	sand.u32 $0xC00, s16  }
0x10: {  	[tilespmem:s15+$0x810 ss:$0x81] =	vst.msk $0xffff, v2;
	s31 =	sand.u32 $0x7, s13;
	s16 =	sor.u32 s17, s16;
	s17 =	sadd.s32 s3, s30  }
0x11: {  	[tilespmem:s15+$0x1020 ss:$0x81] =	vst.msk $0xffff, v0;
	s13 =	sshll.u32 s31, $0x12;
	s12 =	sadd.s32 s12, s17;
	s16 =	sshrl.u32 s16, $0x3  }
0x12: {  	[tilespmem:s15+$0x0 ss:$0x81] =	vst.msk $0xffff, v1;
	s13 =	sor.u32 $0x400, s13;
	s12 =	sadd.s32 s16, s12  }
0x13: {  	[hbm4b:s12+s13] =	stream.strided.scatter [tilespmem:s14], [sflag:$0x2], $0x2000, s8, s13, $0x20;
	[tilespmem:$0x8080] =	vst v63  }
.LBB1_5:
0x14: {  	s14 =	sadd.s32 $0x1, s9  }
0x15: {  	s12 =	sadd.s32 $0x1000, s10;
	s16 =	smov.u32 s10;
	p2 =	sgt.s32 s14, $0xC7  }
0x16: {  	s16 =	smov.u32 @p2 s12  }
0x17: {  	s14 =	simm.s32 @p2 $0x0;
	p2 =	sgt.s32 s16, $0xFFF  }
0x18: {  	s16 =	smov.u32 @p2 s2;
	p2 =	sne.s32 s11, s7  }
.Ltmp1:
0x19: {  	p1 =	slt.u32 s11, $0x2;
	(pc) =	sbr.rel @!p2 .LBB1_6-.Ltmp1, $4  }
0x1a: {  	s15 =	simm.s32 @!p1 $0x2  }
0x1b: {  	s13 =	smov.u32 s10;
	p0 =	por !p0, !p0;
	_ =	swait.ge @!p1 [sflag:s15], $0x2000  }
0x1c: {  	s12 =	smov.u32 s9;
	[sflag:s15] =	ssyncset.done @!p1 $0x0;
	s9 =	smov.u32 s14  }
0x1d: {  	s11 =	sadd.s32 $0x1, s11;
	[sflag:s15] =	ssyncadd.s32 @!p1 $0xFFFFE000;
	s10 =	smov.u32 s16  }
.LBB1_1:
0x1e: {  	p1 =	sge.u32 s11, s5  }
0x1f: {  	s14 =	sand.u32 @!p1 $0x1FFFFFF, s9  }
0x20: {  	s15 =	smulhi.u32 @!p1 $0x147AE15, s14;
	_ =	sdelay $0x1  }
0x21: {  	s15 =	smul.u32 @!p1 $0xC8, s15  }
0x22: {  	s16 =	sxor.u32 @!p1 $0xFFFFFFFF, s11;
	s17 =	smul.u32 @!p1 $0xC80, s10  }
0x23: {  	s31 =	sadd.s32 $0xFFFFFFFF, s11;
	s16 =	sshll.u32 @!p1 s16, $0xD;
	s14 =	ssub.s32 @!p1 s14, s15  }
0x24: {  	s15 =	sand.u32 @!p1 $0x2000, s16;
	s16 =	sadd.s32 @!p1 s6, s17;
	s14 =	sshll.u32 @!p1 s14, $0x4  }
0x25: {  	s17 =	simm.s32 @!p1 $0x6400;
	s14 =	sadd.s32 @!p1 s14, s16;
	s16 =	simm.s32 @!p1 $0x40  }
0x26: {  	[tilespmem:s15], [sflag:$0x1] =	stream.strided.gather @!p1 [hbm4b:s14+s16], $0x2000, s17, s16, $0x38;
	[tilespmem:$0x8080] =	vst v63  }
0x27: {  	p1 =	sge.u32 s31, s5  }
.Ltmp2:
0x28: {  	_ = 	snop;
	(pc) =	sbr.rel @p1 .LBB1_5-.Ltmp2, $1  }
0x29: {  	_ =	sdelay $0x3  }
0x2a: {  	s14 =	simm.s32 $0x1  }
0x2b: {  	_ =	swait.ge [sflag:s4], $0x2000;
	s14 =	simm.s32 @!p0 $0x0  }
0x2c: {  	[sflag:s4] =	ssyncset.done $0x0;
	s15 =	sshll.u32 s14, $0xD  }
0x2d: {  	[sflag:s4] =	ssyncadd.s32 $0xFFFFE000;
	s18 =	sor.u32 $0x20, s15  }
0x2e: {  	s14 =	smul.u32 $0x8100, s14;
	v3 =	vld [tilespmem:s18+$0x10]  }
0x2f: {  	s30 =	sand.u32 $0x1, s11;
	v2 =	vld [tilespmem:s18+$0xFFFFFFF0]  }
0x30: {  	s15 =	smul.u32 $0x8100, s30;
	s14 =	sshrl.u32 s14, $0x2;
	v0 =	vld [tilespmem:s18+$0x0]  }
0x31: {  	v1 =	vld [tilespmem:s18+$0xFFFFFFE0];
	s16 =	sor.u32 $0x4000, s14  }
0x32: {  	s31 =	sshrl.u32 s15, $0x2;
	s15 =	sadd.s32 $0x0, s16  }
0x33: {  	s17 =	simm.s32 $0x4;
	s18 =	sadd.s32 $0x40, s18;
	s14 =	sor.u32 $0x4000, s31;
	[tilespmem:s15+$0x1830 ss:$0x81] =	vst.msk $0xffff, v3  }
.LBB1_3:
0x34: {  	v3 =	vld [tilespmem:s18+$0x10];
	p1 =	sne.s32 s17, $0x1FC;
	[tilespmem:s15+$0x810 ss:$0x81] =	vst.msk $0xffff, v2;
	s19 =	smov.u32 s17;
	s17 =	sadd.s32 $0x4, s17  }
.Ltmp3:
0x35: {  	v2 =	vld [tilespmem:s18+$0xFFFFFFF0];
	[tilespmem:s15+$0x1020 ss:$0x81] =	vst.msk $0xffff, v0;
	(pc) =	sbr.rel @p1 .LBB1_3-.Ltmp3, $4  }
0x36: {  	v0 =	vld [tilespmem:s18+$0x0];
	[tilespmem:s15+$0x0 ss:$0x81] =	vst.msk $0xffff, v1  }
0x37: {  	s15 =	sshra.s32 s19, $0x2;
	v1 =	vld [tilespmem:s18+$0xFFFFFFE0]  }
0x38: {  	s15 =	sadd.s32 s15, s16  }
0x39: {  	s18 =	sadd.s32 $0x40, s18;
	[tilespmem:s15+$0x1830 ss:$0x81] =	vst.msk $0xffff, v3  }
.Ltmp4:
0x3a: {  	_ = 	snop;
	(pc) =	sbr.rel .LBB1_4-.Ltmp4, $1  }
0x3b: {  	_ =	sdelay $0x3  }
.LBB1_6:
0x3c: {  	_ =	sfence.sel $0x180000  }
0x3d: {  	s2 =	simm.s32 $0x1;
	[bflag:$0x0] =	sbarrier.arrive $0xFFFF  }
0x3e: {  	s31 =	simm.s32 $0x2;
	[sflag:s2] =	ssyncpa.u1 $0x1  }
0x3f: {  	[sflag:s31] =	ssyncpa.u1 $0x1  }
0x40: {  	p0 =	sne.s32 s0, $0x0;
	_ =	strace $0x9000004A  }
0x41: {  	s0 =	sadd.s32 @!p0 $0x100000, s1;
	[bflag:$0x2] =	sbarrier.arrive $0xFFFF  }
0x42: {  	[sflag:s0] =	ssyncadd.tile.s32 @!p0 $0x1;
	_ =	shalt  }
.Lfunc_end1:
_tile_overlayer_lowered:
.L_overlay_start_2:
0x43: {  	(tag) =	ssettag $0x2  }
0x44: {  	s0 =	rddreg [dreg:$0x0];
	s2 =	stileid.u32  }
0x45: {  	s1 =	rddreg [dreg:$0x1];
	p0 =	sne.s32 s2, $0x0  }
0x46: {  	s3 =	rddreg [dreg:$0x2];
	[bflag:$0x3] =	sbarrier.arrive $0xFFFF;
	s2 =	simm.s32 @!p0 $0x1C01  }
0x47: {  	[timem:s3], [sflag:s2] =	dma.local @!p0 [hbm:s0], s1  }
0x48: {  	s0 =	simm.s32 @!p0 $0x1  }
0x49: {  	_ =	swait.ge @!p0 [sflag:s0], s1  }
0x4a: {  	s1 =	ssub.s32 @!p0 $0x0, s1;
	[sflag:s0] =	ssyncset.done @!p0 $0x0  }
0x4b: {  	[sflag:s0] =	ssyncadd.s32 @!p0 s1  }
0x4c: {  	[bflag:$0x3] =	sbarrier.arrive $0xFFFF  }
0x4d: {  	_ =	shalt  }

</sc_bundles>
